<compile_context>
chip_gen: v7x
topology: tpu7x:2x2x1
jax: 0.10.2.dev20260603
libtpu: 0.0.44.dev20260713+nightly
codegen_flags: <defaults>
</compile_context>

<pallas_src>
import functools

import jax
import jax.numpy as jnp
from jax import lax
from jax.experimental import pallas as pl
from jax.experimental.pallas import tpu as pltpu
from jax.experimental.pallas import tpu_sc as plsc

B, L, S, D, W = 16, 13, 512, 768, 256
SB = 256
VL = 16

NBS = 4
NBT = B - NBS
NPB = 6
DHP = D // NPB
NJ = DHP // VL
CH = 128
NCH = S // CH
NACT = NBS * NPB


def _mix_softmax(w_ref):
    wv = w_ref[0, :]
    wv = wv - jnp.max(wv)
    ev = jnp.exp(wv)
    return ev / jnp.sum(ev)


def _combined_body(w_ref, ids_ref, x_ref, out_ref, att_ref):
    b = pl.program_id(0)
    sb = pl.program_id(1)
    wn = _mix_softmax(w_ref)

    att = x_ref[0, 0] * wn[0]
    for l in range(1, L):
        att = att + x_ref[0, l] * wn[l]

    @pl.when(b < NBS)
    def _():
        for p in range(NPB):
            att_ref[p, 0] = att[:, p * DHP:(p + 1) * DHP]

    @pl.when(b >= NBS)
    def _():
        ids = ids_ref[0, 0, :]
        onehot = (ids[:, None] == lax.broadcasted_iota(jnp.int32, (SB, W), 1)
                  ).astype(jnp.float32)
        contrib = lax.dot_general(
            onehot, att, (((0,), (0,)), ((), ())),
            preferred_element_type=jnp.float32,
            precision=lax.Precision.HIGHEST)

        @pl.when(sb == 0)
        def _():
            out_ref[0] = jnp.zeros_like(out_ref[0])

        out_ref[0] += contrib


def _tc_combined(w2, ids3, bpe):
    return pl.pallas_call(
        _combined_body,
        grid=(B, S // SB),
        in_specs=[
            pl.BlockSpec((1, L), lambda b, s: (0, 0)),
            pl.BlockSpec((1, 1, SB), lambda b, s: (b, 0, s)),
            pl.BlockSpec((1, L, SB, D), lambda b, s: (b, 0, s, 0)),
        ],
        out_specs=[
            pl.BlockSpec((1, W, D),
                         lambda b, s: (jnp.where(b < NBS, 0, b), 0, 0)),
            pl.BlockSpec((NPB, 1, SB, DHP),
                         lambda b, s: (0, jnp.minimum(b, NBS), s, 0)),
        ],
        out_shape=[
            jax.ShapeDtypeStruct((B, W, D), jnp.float32),
            jax.ShapeDtypeStruct((NPB, NBS + 1, S, DHP), jnp.float32),
        ],
        compiler_params=pltpu.CompilerParams(
            dimension_semantics=("parallel", "arbitrary")),
    )(w2, ids3, bpe)


@functools.partial(
    pl.kernel,
    out_type=jax.ShapeDtypeStruct((NBS * W, D), jnp.float32),
    mesh=plsc.VectorSubcoreMesh(core_axis_name="c", subcore_axis_name="s"),
    scratch_types=[
        pltpu.VMEM((CH, DHP), jnp.float32),
        pltpu.VMEM((CH, DHP), jnp.float32),
        pltpu.VMEM((W, DHP), jnp.float32),
        pltpu.VMEM((S,), jnp.int32),
        pltpu.SemaphoreType.DMA,
        pltpu.SemaphoreType.DMA,
    ],
)
def _sc_segsum(att_hbm, ids_hbm, out_hbm, row0_v, row1_v, acc_v, ids_v,
               sem0, sem1):
    t = lax.axis_index("s") * 2 + lax.axis_index("c")
    b = t // NPB
    p = t % NPB

    @pl.when(t < NACT)
    def _body():
        abase = (p * (NBS + 1) + b) * S

        pltpu.sync_copy(ids_hbm.at[pl.ds(b * S, S)], ids_v)

        zv = jnp.zeros((VL,), jnp.float32)

        def zero_row(w, _):
            for j in range(NJ):
                acc_v[w, pl.ds(j * VL, VL)] = zv
            return 0

        lax.fori_loop(0, W, zero_row, 0, unroll=False)

        bufs = (row0_v, row1_v)
        sems = (sem0, sem1)

        def fetch(ch, buf, sem):
            return pltpu.async_copy(att_hbm.at[pl.ds(abase + ch * CH, CH)],
                                    buf, sem)

        def drain(ch, buf, sem):
            pltpu.make_async_copy(att_hbm.at[pl.ds(abase + ch * CH, CH)],
                                  buf, sem).wait()

        def accum_chunk(ch, buf, carry):
            def group(g, carry):
                w_prev, acc = carry
                wvec = ids_v[pl.ds(ch * CH + g * VL, VL)]
                for r16 in range(VL):
                    w = wvec[r16]
                    r = g * VL + r16
                    new_seg = w != w_prev
                    acc = tuple(
                        jnp.where(new_seg, buf[r, pl.ds(j * VL, VL)],
                                  acc[j] + buf[r, pl.ds(j * VL, VL)])
                        for j in range(NJ))
                    for j in range(NJ):
                        acc_v[w, pl.ds(j * VL, VL)] = acc[j]
                    w_prev = w
                return w_prev, acc

            return lax.fori_loop(0, CH // VL, group, carry, unroll=False)

        fetch(0, bufs[0], sems[0])
        fetch(1, bufs[1], sems[1])

        carry0 = (jnp.int32(-1), tuple(zv for _ in range(NJ)))

        def ring(ch2, carry):
            for k in range(2):
                ch = ch2 * 2 + k
                drain(ch, bufs[k], sems[k])
                carry = accum_chunk(ch, bufs[k], carry)
                nxt = ch + 2

                @pl.when(nxt < NCH)
                def _():
                    fetch(nxt, bufs[k], sems[k])
            return carry

        lax.fori_loop(0, NCH // 2, ring, carry0, unroll=False)

        pltpu.sync_copy(acc_v,
                        out_hbm.at[pl.ds(b * W, W), pl.ds(p * DHP, DHP)])


def kernel(bpe_features, word_ids, layer_w):
    w2 = layer_w.reshape(1, L)
    ids3 = word_ids.reshape(B, 1, S)
    out_tc, att = _tc_combined(w2, ids3, bpe_features)
    att = att.reshape(NPB * (NBS + 1) * S, DHP)
    out_sc = _sc_segsum(att, word_ids[:NBS].reshape(NBS * S))
    return lax.dynamic_update_slice(out_tc, out_sc.reshape(NBS, W, D),
                                    (0, 0, 0))

# --- scband reference (transcript-rebuilt; emitter-appended) ---
"""Pipeline reference for scband-morphological-tagger-13657996001460 (READ-ONLY COPY).

The authoritative reference and input builder live on the scoring server;
editing this copy changes nothing except your own understanding.
"""

import jax, jax.numpy as jnp
import numpy as np

B, L, S, D, W = 16, 13, 512, 768, 256

def setup_inputs(seed: int = 0) -> dict:
    key = jax.random.key(seed)
    k1, k2, k3 = jax.random.split(key, 3)
    bpe_features = jax.random.normal(k1, (B, L, S, D), dtype=jnp.float32)
    word_ids = jnp.sort(jax.random.randint(k2, (B, S), 0, W), axis=-1).astype(jnp.int32)
    layer_w = jax.random.normal(k3, (L,), dtype=jnp.float32)
    return {"bpe_features": bpe_features, "word_ids": word_ids, "layer_w": layer_w}

def reference(bpe_features, word_ids, layer_w):
    # layer_attention: softmax over layer weights, weighted sum across the L axis
    # (eval mode: layer_dropout_p = 0 so the dropout mask is all ones)
    w = jax.nn.softmax(layer_w, axis=-1)
    layer_att = jnp.einsum('blsd,l->bsd', bpe_features, w)  # [B, S, D]
    # bpe_sum (mode=1): ragged sum of BPE features into word slots.
    # alignment is encoded as per-position word ids (sorted, contiguous spans),
    # so summing bpe_features[i, tok0:tokN+1] per word == batched segment scatter-add.
    Bn = layer_att.shape[0]
    batch_idx = jnp.broadcast_to(jnp.arange(Bn)[:, None], word_ids.shape)
    batch_features = jnp.zeros((Bn, W, layer_att.shape[-1]), dtype=layer_att.dtype)
    batch_features = batch_features.at[batch_idx, word_ids].add(layer_att)
    return batch_features

if __name__ == "__main__":
    import jax
    _d = setup_inputs()
    print(jax.jit(kernel)(*tuple(_d.values())))

</pallas_src>

<mosaic_0001>
#map = affine_map<(d0, d1) -> (0, 0)>
#map1 = affine_map<(d0, d1) -> (0)>
module attributes {stable_mosaic.version = 14 : i64} {
  func.func @_sc_segsum(%arg0: i32, %arg1: i32, %arg2: memref<15360x128xf32, #tpu.memory_space<hbm>>, %arg3: memref<2048xi32, #tpu.memory_space<hbm>>, %arg4: memref<1024x768xf32, #tpu.memory_space<hbm>>, %arg5: memref<128x128xf32, #tpu.memory_space<vmem>>, %arg6: memref<128x128xf32, #tpu.memory_space<vmem>>, %arg7: memref<256x128xf32, #tpu.memory_space<vmem>>, %arg8: memref<512xi32, #tpu.memory_space<vmem>>, %arg9: memref<!tpu.dma_semaphore, #tpu.memory_space<semaphore_mem>>, %arg10: memref<!tpu.dma_semaphore, #tpu.memory_space<semaphore_mem>>) attributes {dimension_semantics = [#tpu.dimension_semantics<core_parallel>, #tpu.dimension_semantics<subcore_parallel>], iteration_bounds = array<i64: 2, 16>, scalar_prefetch = 0 : i64, scratch_operands = 6 : i64, tpu.core_type = #tpu.core_type<sc_vector_subcore>, window_params = [{transform_indices = #map}, {transform_indices = #map1}, {transform_indices = #map}]} {
    %mul3A = arith.constant 2 : i32
    %mul3A_0 = arith.muli %arg1, %mul3A : i32
    %add3A = arith.addi %mul3A_0, %arg0 : i32
    %jit3A = arith.constant 6 : i32
    %div3A = arith.divsi %add3A, %jit3A : i32
    %sign3A = arith.constant 0 : i32
    %sign3A_1 = arith.cmpi sgt, %add3A, %sign3A : i32
    %sign3A_2 = arith.extui %sign3A_1 : i1 to i32
    %sign3A_3 = arith.constant 0 : i32
    %sign3A_4 = arith.cmpi slt, %add3A, %sign3A_3 : i32
    %sign3A_5 = arith.extui %sign3A_4 : i1 to i32
    %sign3A_6 = arith.subi %sign3A_2, %sign3A_5 : i32
    %sign3A_7 = arith.constant 0 : i32
    %sign3A_8 = arith.cmpi sgt, %jit3A, %sign3A_7 : i32
    %sign3A_9 = arith.extui %sign3A_8 : i1 to i32
    %sign3A_10 = arith.constant 0 : i32
    %sign3A_11 = arith.cmpi slt, %jit3A, %sign3A_10 : i32
    %sign3A_12 = arith.extui %sign3A_11 : i1 to i32
    %sign3A_13 = arith.subi %sign3A_9, %sign3A_12 : i32
    %ne3A = arith.cmpi ne, %sign3A_6, %sign3A_13 : i32
    %rem3A = arith.remsi %add3A, %jit3A : i32
    %ne3A_14 = arith.constant 0 : i32
    %ne3A_15 = arith.cmpi ne, %rem3A, %ne3A_14 : i32
    %and3A = arith.andi %ne3A, %ne3A_15 : i1
    %sub3A = arith.constant 1 : i32
    %sub3A_16 = arith.subi %div3A, %sub3A : i32
    %select_n3A = arith.select %and3A, %sub3A_16, %div3A : i32
    %jit3A_17 = arith.constant 6 : i32
    %eq3A = arith.constant 0 : i32
    %eq3A_18 = arith.cmpi eq, %jit3A_17, %eq3A : i32
    %jit3A_19 = arith.constant 1 : i32
    %select_n3A_20 = arith.select %eq3A_18, %jit3A_19, %jit3A_17 : i32
    %rem3A_21 = arith.remsi %add3A, %select_n3A_20 : i32
    %ne3A_22 = arith.constant 0 : i32
    %ne3A_23 = arith.cmpi ne, %rem3A_21, %ne3A_22 : i32
    %lt3A = arith.constant 0 : i32
    %lt3A_24 = arith.cmpi slt, %rem3A_21, %lt3A : i32
    %lt3A_25 = arith.constant 0 : i32
    %lt3A_26 = arith.cmpi slt, %select_n3A_20, %lt3A_25 : i32
    %ne3A_27 = arith.xori %lt3A_24, %lt3A_26 : i1
    %and3A_28 = arith.andi %ne3A_27, %ne3A_23 : i1
    %add3A_29 = arith.addi %rem3A_21, %select_n3A_20 : i32
    %select_n3A_30 = arith.select %and3A_28, %add3A_29, %rem3A_21 : i32
    %lt3A_31 = arith.constant 24 : i32
    %lt3A_32 = arith.cmpi slt, %add3A, %lt3A_31 : i32
    %convert_element_type3A = arith.extui %lt3A_32 : i1 to i32
    %cond3A = arith.constant 0 : i32
    %cond3A_33 = arith.cmpi ne, %convert_element_type3A, %cond3A : i32
    scf.if %cond3A_33 {
      %mul3A_34 = arith.constant 5 : i32
      %mul3A_35 = arith.muli %select_n3A_30, %mul3A_34 : i32
      %add3A_36 = arith.addi %mul3A_35, %select_n3A : i32
      %mul3A_37 = arith.constant 512 : i32
      %mul3A_38 = arith.muli %add3A_36, %mul3A_37 : i32
      %mul3A_39 = arith.constant 512 : i32
      %mul3A_40 = arith.muli %select_n3A, %mul3A_39 : i32
      "tpu.region"() ({
        %run_scoped3A = tpu.sem_alloc : memref<!tpu.dma_semaphore, #tpu.memory_space<semaphore_mem>>
        %dma_start3A_70 = tpu.memref_slice %arg3[%mul3A_40] : memref<2048xi32, #tpu.memory_space<hbm>> -> memref<512xi32, #tpu.memory_space<hbm>>
        %dma_start3A_71 = tpu.memref_slice %arg3[%mul3A_40] : memref<2048xi32, #tpu.memory_space<hbm>> -> memref<512xi32, #tpu.memory_space<hbm>>
        tpu.enqueue_dma source(%dma_start3A_71 : memref<512xi32, #tpu.memory_space<hbm>>) target(%arg8 : memref<512xi32, #tpu.memory_space<vmem>>) target_semaphore(%run_scoped3A : memref<!tpu.dma_semaphore, #tpu.memory_space<semaphore_mem>>)
        %dma_wait3A = tpu.memref_slice %arg3[%mul3A_40] : memref<2048xi32, #tpu.memory_space<hbm>> -> memref<512xi32, #tpu.memory_space<hbm>>
        %dma_wait3A_72 = tpu.memref_slice %arg3[%mul3A_40] : memref<2048xi32, #tpu.memory_space<hbm>> -> memref<512xi32, #tpu.memory_space<hbm>>
        tpu.wait_dma2 semaphore(%run_scoped3A : memref<!tpu.dma_semaphore, #tpu.memory_space<semaphore_mem>>) src(%dma_wait3A_72 : memref<512xi32, #tpu.memory_space<hbm>>) dst(%arg8 : memref<512xi32, #tpu.memory_space<vmem>>)
        tpu.yield
      }) : () -> ()
      %broadcast_in_dim3A = arith.constant 0.000000e+00 : f32
      %broadcast_in_dim3A_41 = vector.broadcast %broadcast_in_dim3A : f32 to vector<16xf32>
      %scan3A = arith.constant 0 : i32
      %scan3A_42 = arith.constant 0 : i32
      %scan3A_43 = arith.constant 256 : i32
      %scan3A_44 = arith.addi %scan3A_42, %scan3A_43 : i32
      %scan3A_45 = arith.constant 1 : i32
      %scan3A_46 = scf.for %scan3A_70 = %scan3A_42 to %scan3A_44 step %scan3A_45 iter_args(%scan3A_71 = %scan3A) -> (i32)  : i32 {
        %swap3A = arith.index_cast %scan3A_70 : i32 to index
        %swap3A_72 = arith.constant 0 : index
        %swap3A_73 = tpu.vector_load %arg7[%swap3A, %swap3A_72] {strides = array<i32>} : memref<256x128xf32, #tpu.memory_space<vmem>>, vector<1x16xf32>,
        %swap3A_74 = vector.shape_cast %swap3A_73 : vector<1x16xf32> to vector<16xf32>
        %swap3A_75 = vector.shape_cast %broadcast_in_dim3A_41 : vector<16xf32> to vector<1x16xf32>
        tpu.vector_store %arg7[%swap3A, %swap3A_72], %swap3A_75 {strides = array<i32>} : memref<256x128xf32, #tpu.memory_space<vmem>>, vector<1x16xf32>,
        %swap3A_76 = arith.index_cast %scan3A_70 : i32 to index
        %swap3A_77 = arith.constant 16 : index
        %swap3A_78 = tpu.vector_load %arg7[%swap3A_76, %swap3A_77] {strides = array<i32>} : memref<256x128xf32, #tpu.memory_space<vmem>>, vector<1x16xf32>,
        %swap3A_79 = vector.shape_cast %swap3A_78 : vector<1x16xf32> to vector<16xf32>
        %swap3A_80 = vector.shape_cast %broadcast_in_dim3A_41 : vector<16xf32> to vector<1x16xf32>
        tpu.vector_store %arg7[%swap3A_76, %swap3A_77], %swap3A_80 {strides = array<i32>} : memref<256x128xf32, #tpu.memory_space<vmem>>, vector<1x16xf32>,
        %swap3A_81 = arith.index_cast %scan3A_70 : i32 to index
        %swap3A_82 = arith.constant 32 : index
        %swap3A_83 = tpu.vector_load %arg7[%swap3A_81, %swap3A_82] {strides = array<i32>} : memref<256x128xf32, #tpu.memory_space<vmem>>, vector<1x16xf32>,
        %swap3A_84 = vector.shape_cast %swap3A_83 : vector<1x16xf32> to vector<16xf32>
        %swap3A_85 = vector.shape_cast %broadcast_in_dim3A_41 : vector<16xf32> to vector<1x16xf32>
        tpu.vector_store %arg7[%swap3A_81, %swap3A_82], %swap3A_85 {strides = array<i32>} : memref<256x128xf32, #tpu.memory_space<vmem>>, vector<1x16xf32>,
        %swap3A_86 = arith.index_cast %scan3A_70 : i32 to index
        %swap3A_87 = arith.constant 48 : index
        %swap3A_88 = tpu.vector_load %arg7[%swap3A_86, %swap3A_87] {strides = array<i32>} : memref<256x128xf32, #tpu.memory_space<vmem>>, vector<1x16xf32>,
        %swap3A_89 = vector.shape_cast %swap3A_88 : vector<1x16xf32> to vector<16xf32>
        %swap3A_90 = vector.shape_cast %broadcast_in_dim3A_41 : vector<16xf32> to vector<1x16xf32>
        tpu.vector_store %arg7[%swap3A_86, %swap3A_87], %swap3A_90 {strides = array<i32>} : memref<256x128xf32, #tpu.memory_space<vmem>>, vector<1x16xf32>,
        %swap3A_91 = arith.index_cast %scan3A_70 : i32 to index
        %swap3A_92 = arith.constant 64 : index
        %swap3A_93 = tpu.vector_load %arg7[%swap3A_91, %swap3A_92] {strides = array<i32>} : memref<256x128xf32, #tpu.memory_space<vmem>>, vector<1x16xf32>,
        %swap3A_94 = vector.shape_cast %swap3A_93 : vector<1x16xf32> to vector<16xf32>
        %swap3A_95 = vector.shape_cast %broadcast_in_dim3A_41 : vector<16xf32> to vector<1x16xf32>
        tpu.vector_store %arg7[%swap3A_91, %swap3A_92], %swap3A_95 {strides = array<i32>} : memref<256x128xf32, #tpu.memory_space<vmem>>, vector<1x16xf32>,
        %swap3A_96 = arith.index_cast %scan3A_70 : i32 to index
        %swap3A_97 = arith.constant 80 : index
        %swap3A_98 = tpu.vector_load %arg7[%swap3A_96, %swap3A_97] {strides = array<i32>} : memref<256x128xf32, #tpu.memory_space<vmem>>, vector<1x16xf32>,
        %swap3A_99 = vector.shape_cast %swap3A_98 : vector<1x16xf32> to vector<16xf32>
        %swap3A_100 = vector.shape_cast %broadcast_in_dim3A_41 : vector<16xf32> to vector<1x16xf32>
        tpu.vector_store %arg7[%swap3A_96, %swap3A_97], %swap3A_100 {strides = array<i32>} : memref<256x128xf32, #tpu.memory_space<vmem>>, vector<1x16xf32>,
        %swap3A_101 = arith.index_cast %scan3A_70 : i32 to index
        %swap3A_102 = arith.constant 96 : index
        %swap3A_103 = tpu.vector_load %arg7[%swap3A_101, %swap3A_102] {strides = array<i32>} : memref<256x128xf32, #tpu.memory_space<vmem>>, vector<1x16xf32>,
        %swap3A_104 = vector.shape_cast %swap3A_103 : vector<1x16xf32> to vector<16xf32>
        %swap3A_105 = vector.shape_cast %broadcast_in_dim3A_41 : vector<16xf32> to vector<1x16xf32>
        tpu.vector_store %arg7[%swap3A_101, %swap3A_102], %swap3A_105 {strides = array<i32>} : memref<256x128xf32, #tpu.memory_space<vmem>>, vector<1x16xf32>,
        %swap3A_106 = arith.index_cast %scan3A_70 : i32 to index
        %swap3A_107 = arith.constant 112 : index
        %swap3A_108 = tpu.vector_load %arg7[%swap3A_106, %swap3A_107] {strides = array<i32>} : memref<256x128xf32, #tpu.memory_space<vmem>>, vector<1x16xf32>,
        %swap3A_109 = vector.shape_cast %swap3A_108 : vector<1x16xf32> to vector<16xf32>
        %swap3A_110 = vector.shape_cast %broadcast_in_dim3A_41 : vector<16xf32> to vector<1x16xf32>
        tpu.vector_store %arg7[%swap3A_106, %swap3A_107], %swap3A_110 {strides = array<i32>} : memref<256x128xf32, #tpu.memory_space<vmem>>, vector<1x16xf32>,
        %scan3A_111 = arith.constant 0 : i32
        scf.yield %scan3A_111 : i32
      }
      %scan3A_47 = arith.constant 256 : i32
      %add3A_48 = arith.constant 0 : i32
      %add3A_49 = arith.addi %mul3A_38, %add3A_48 : i32
      %dma_start3A = arith.constant 0 : i32
      %dma_start3A_50 = tpu.memref_slice %arg2[%add3A_49, %dma_start3A] : memref<15360x128xf32, #tpu.memory_space<hbm>> -> memref<128x128xf32, #tpu.memory_space<hbm>>
      %dma_start3A_51 = arith.constant 0 : i32
      %dma_start3A_52 = tpu.memref_slice %arg2[%add3A_49, %dma_start3A_51] : memref<15360x128xf32, #tpu.memory_space<hbm>> -> memref<128x128xf32, #tpu.memory_space<hbm>>
      tpu.enqueue_dma source(%dma_start3A_52 : memref<128x128xf32, #tpu.memory_space<hbm>>) target(%arg5 : memref<128x128xf32, #tpu.memory_space<vmem>>) target_semaphore(%arg9 : memref<!tpu.dma_semaphore, #tpu.memory_space<semaphore_mem>>)
      %add3A_53 = arith.constant 128 : i32
      %add3A_54 = arith.addi %mul3A_38, %add3A_53 : i32
      %dma_start3A_55 = arith.constant 0 : i32
      %dma_start3A_56 = tpu.memref_slice %arg2[%add3A_54, %dma_start3A_55] : memref<15360x128xf32, #tpu.memory_space<hbm>> -> memref<128x128xf32, #tpu.memory_space<hbm>>
      %dma_start3A_57 = arith.constant 0 : i32
      %dma_start3A_58 = tpu.memref_slice %arg2[%add3A_54, %dma_start3A_57] : memref<15360x128xf32, #tpu.memory_space<hbm>> -> memref<128x128xf32, #tpu.memory_space<hbm>>
      tpu.enqueue_dma source(%dma_start3A_58 : memref<128x128xf32, #tpu.memory_space<hbm>>) target(%arg6 : memref<128x128xf32, #tpu.memory_space<vmem>>) target_semaphore(%arg10 : memref<!tpu.dma_semaphore, #tpu.memory_space<semaphore_mem>>)
      %scan3A_59 = arith.constant -1 : i32
      %scan3A_60 = arith.constant 0 : i32
      %scan3A_61 = arith.constant 2 : i32
      %scan3A_62 = arith.addi %scan3A_60, %scan3A_61 : i32
      %scan3A_63 = arith.constant 1 : i32
      %scan3A_64:9 = scf.for %scan3A_70 = %scan3A_60 to %scan3A_62 step %scan3A_63 iter_args(%scan3A_71 = %scan3A_59, %scan3A_72 = %broadcast_in_dim3A_41, %scan3A_73 = %broadcast_in_dim3A_41, %scan3A_74 = %broadcast_in_dim3A_41, %scan3A_75 = %broadcast_in_dim3A_41, %scan3A_76 = %broadcast_in_dim3A_41, %scan3A_77 = %broadcast_in_dim3A_41, %scan3A_78 = %broadcast_in_dim3A_41, %scan3A_79 = %broadcast_in_dim3A_41) -> (i32, vector<16xf32>, vector<16xf32>, vector<16xf32>, vector<16xf32>, vector<16xf32>, vector<16xf32>, vector<16xf32>, vector<16xf32>)  : i32 {
        %mul3A_80 = arith.constant 2 : i32
        %mul3A_81 = arith.muli %scan3A_70, %mul3A_80 : i32
        %add3A_82 = arith.constant 0 : i32
        %add3A_83 = arith.addi %mul3A_81, %add3A_82 : i32
        %mul3A_84 = arith.constant 128 : i32
        %mul3A_85 = arith.muli %add3A_83, %mul3A_84 : i32
        %add3A_86 = arith.addi %mul3A_38, %mul3A_85 : i32
        %dma_wait3A = arith.constant 0 : i32
        %dma_wait3A_87 = tpu.memref_slice %arg2[%add3A_86, %dma_wait3A] : memref<15360x128xf32, #tpu.memory_space<hbm>> -> memref<128x128xf32, #tpu.memory_space<hbm>>
        %dma_wait3A_88 = arith.constant 0 : i32
        %dma_wait3A_89 = tpu.memref_slice %arg2[%add3A_86, %dma_wait3A_88] : memref<15360x128xf32, #tpu.memory_space<hbm>> -> memref<128x128xf32, #tpu.memory_space<hbm>>
        tpu.wait_dma2 semaphore(%arg9 : memref<!tpu.dma_semaphore, #tpu.memory_space<semaphore_mem>>) src(%dma_wait3A_89 : memref<128x128xf32, #tpu.memory_space<hbm>>) dst(%arg5 : memref<128x128xf32, #tpu.memory_space<vmem>>)
        %scan3A_90 = arith.constant 0 : i32
        %scan3A_91 = arith.constant 8 : i32
        %scan3A_92 = arith.addi %scan3A_90, %scan3A_91 : i32
        %scan3A_93 = arith.constant 1 : i32
        %scan3A_94:9 = scf.for %scan3A_127 = %scan3A_90 to %scan3A_92 step %scan3A_93 iter_args(%scan3A_128 = %scan3A_71, %scan3A_129 = %scan3A_72, %scan3A_130 = %scan3A_73, %scan3A_131 = %scan3A_74, %scan3A_132 = %scan3A_75, %scan3A_133 = %scan3A_76, %scan3A_134 = %scan3A_77, %scan3A_135 = %scan3A_78, %scan3A_136 = %scan3A_79) -> (i32, vector<16xf32>, vector<16xf32>, vector<16xf32>, vector<16xf32>, vector<16xf32>, vector<16xf32>, vector<16xf32>, vector<16xf32>)  : i32 {
          %mul3A_137 = arith.constant 128 : i32
          %mul3A_138 = arith.muli %add3A_83, %mul3A_137 : i32
          %mul3A_139 = arith.constant 16 : i32
          %mul3A_140 = arith.muli %scan3A_127, %mul3A_139 : i32
          %add3A_141 = arith.addi %mul3A_138, %mul3A_140 : i32
          %get3A = arith.index_cast %add3A_141 : i32 to index
          %get3A_142 = tpu.vector_load %arg8[%get3A] {strides = array<i32>} : memref<512xi32, #tpu.memory_space<vmem>>, vector<16xi32>,
          %get3A_143 = vector.shape_cast %get3A_142 : vector<16xi32> to vector<16xi32>
          %slice3A = vector.extract_strided_slice %get3A_143 {offsets = [0], sizes = [1], strides = [1]} : vector<16xi32> to vector<1xi32>
          %squeeze3A = vector.extract %slice3A[0] : i32 from vector<1xi32>
          %mul3A_144 = arith.constant 16 : i32
          %mul3A_145 = arith.muli %scan3A_127, %mul3A_144 : i32
          %add3A_146 = arith.constant 0 : i32
          %add3A_147 = arith.addi %mul3A_145, %add3A_146 : i32
          %ne3A_148 = arith.cmpi ne, %squeeze3A, %scan3A_128 : i32
          %get3A_149 = arith.index_cast %add3A_147 : i32 to index
          %get3A_150 = arith.constant 0 : index
          %get3A_151 = tpu.vector_load %arg5[%get3A_149, %get3A_150] {strides = array<i32>} : memref<128x128xf32, #tpu.memory_space<vmem>>, vector<1x16xf32>,
          %get3A_152 = vector.shape_cast %get3A_151 : vector<1x16xf32> to vector<16xf32>
          %get3A_153 = arith.index_cast %add3A_147 : i32 to index
          %get3A_154 = arith.constant 0 : index
          %get3A_155 = tpu.vector_load %arg5[%get3A_153, %get3A_154] {strides = array<i32>} : memref<128x128xf32, #tpu.memory_space<vmem>>, vector<1x16xf32>,
          %get3A_156 = vector.shape_cast %get3A_155 : vector<1x16xf32> to vector<16xf32>
          %add3A_157 = arith.addf %scan3A_129, %get3A_156 : vector<16xf32>
          %select_n3A_158 = arith.select %ne3A_148, %get3A_152, %add3A_157 : vector<16xf32>
          %get3A_159 = arith.index_cast %add3A_147 : i32 to index
          %get3A_160 = arith.constant 16 : index
          %get3A_161 = tpu.vector_load %arg5[%get3A_159, %get3A_160] {strides = array<i32>} : memref<128x128xf32, #tpu.memory_space<vmem>>, vector<1x16xf32>,
          %get3A_162 = vector.shape_cast %get3A_161 : vector<1x16xf32> to vector<16xf32>
          %get3A_163 = arith.index_cast %add3A_147 : i32 to index
          %get3A_164 = arith.constant 16 : index
          %get3A_165 = tpu.vector_load %arg5[%get3A_163, %get3A_164] {strides = array<i32>} : memref<128x128xf32, #tpu.memory_space<vmem>>, vector<1x16xf32>,
          %get3A_166 = vector.shape_cast %get3A_165 : vector<1x16xf32> to vector<16xf32>
          %add3A_167 = arith.addf %scan3A_130, %get3A_166 : vector<16xf32>
          %select_n3A_168 = arith.select %ne3A_148, %get3A_162, %add3A_167 : vector<16xf32>
          %get3A_169 = arith.index_cast %add3A_147 : i32 to index
          %get3A_170 = arith.constant 32 : index
          %get3A_171 = tpu.vector_load %arg5[%get3A_169, %get3A_170] {strides = array<i32>} : memref<128x128xf32, #tpu.memory_space<vmem>>, vector<1x16xf32>,
          %get3A_172 = vector.shape_cast %get3A_171 : vector<1x16xf32> to vector<16xf32>
          %get3A_173 = arith.index_cast %add3A_147 : i32 to index
          %get3A_174 = arith.constant 32 : index
          %get3A_175 = tpu.vector_load %arg5[%get3A_173, %get3A_174] {strides = array<i32>} : memref<128x128xf32, #tpu.memory_space<vmem>>, vector<1x16xf32>,
          %get3A_176 = vector.shape_cast %get3A_175 : vector<1x16xf32> to vector<16xf32>
          %add3A_177 = arith.addf %scan3A_131, %get3A_176 : vector<16xf32>
          %select_n3A_178 = arith.select %ne3A_148, %get3A_172, %add3A_177 : vector<16xf32>
          %get3A_179 = arith.index_cast %add3A_147 : i32 to index
          %get3A_180 = arith.constant 48 : index
          %get3A_181 = tpu.vector_load %arg5[%get3A_179, %get3A_180] {strides = array<i32>} : memref<128x128xf32, #tpu.memory_space<vmem>>, vector<1x16xf32>,
          %get3A_182 = vector.shape_cast %get3A_181 : vector<1x16xf32> to vector<16xf32>
          %get3A_183 = arith.index_cast %add3A_147 : i32 to index
          %get3A_184 = arith.constant 48 : index
          %get3A_185 = tpu.vector_load %arg5[%get3A_183, %get3A_184] {strides = array<i32>} : memref<128x128xf32, #tpu.memory_space<vmem>>, vector<1x16xf32>,
          %get3A_186 = vector.shape_cast %get3A_185 : vector<1x16xf32> to vector<16xf32>
          %add3A_187 = arith.addf %scan3A_132, %get3A_186 : vector<16xf32>
          %select_n3A_188 = arith.select %ne3A_148, %get3A_182, %add3A_187 : vector<16xf32>
          %get3A_189 = arith.index_cast %add3A_147 : i32 to index
          %get3A_190 = arith.constant 64 : index
          %get3A_191 = tpu.vector_load %arg5[%get3A_189, %get3A_190] {strides = array<i32>} : memref<128x128xf32, #tpu.memory_space<vmem>>, vector<1x16xf32>,
          %get3A_192 = vector.shape_cast %get3A_191 : vector<1x16xf32> to vector<16xf32>
          %get3A_193 = arith.index_cast %add3A_147 : i32 to index
          %get3A_194 = arith.constant 64 : index
          %get3A_195 = tpu.vector_load %arg5[%get3A_193, %get3A_194] {strides = array<i32>} : memref<128x128xf32, #tpu.memory_space<vmem>>, vector<1x16xf32>,
          %get3A_196 = vector.shape_cast %get3A_195 : vector<1x16xf32> to vector<16xf32>
          %add3A_197 = arith.addf %scan3A_133, %get3A_196 : vector<16xf32>
          %select_n3A_198 = arith.select %ne3A_148, %get3A_192, %add3A_197 : vector<16xf32>
          %get3A_199 = arith.index_cast %add3A_147 : i32 to index
          %get3A_200 = arith.constant 80 : index
          %get3A_201 = tpu.vector_load %arg5[%get3A_199, %get3A_200] {strides = array<i32>} : memref<128x128xf32, #tpu.memory_space<vmem>>, vector<1x16xf32>,
          %get3A_202 = vector.shape_cast %get3A_201 : vector<1x16xf32> to vector<16xf32>
          %get3A_203 = arith.index_cast %add3A_147 : i32 to index
          %get3A_204 = arith.constant 80 : index
          %get3A_205 = tpu.vector_load %arg5[%get3A_203, %get3A_204] {strides = array<i32>} : memref<128x128xf32, #tpu.memory_space<vmem>>, vector<1x16xf32>,
          %get3A_206 = vector.shape_cast %get3A_205 : vector<1x16xf32> to vector<16xf32>
          %add3A_207 = arith.addf %scan3A_134, %get3A_206 : vector<16xf32>
          %select_n3A_208 = arith.select %ne3A_148, %get3A_202, %add3A_207 : vector<16xf32>
          %get3A_209 = arith.index_cast %add3A_147 : i32 to index
          %get3A_210 = arith.constant 96 : index
          %get3A_211 = tpu.vector_load %arg5[%get3A_209, %get3A_210] {strides = array<i32>} : memref<128x128xf32, #tpu.memory_space<vmem>>, vector<1x16xf32>,
          %get3A_212 = vector.shape_cast %get3A_211 : vector<1x16xf32> to vector<16xf32>
          %get3A_213 = arith.index_cast %add3A_147 : i32 to index
          %get3A_214 = arith.constant 96 : index
          %get3A_215 = tpu.vector_load %arg5[%get3A_213, %get3A_214] {strides = array<i32>} : memref<128x128xf32, #tpu.memory_space<vmem>>, vector<1x16xf32>,
          %get3A_216 = vector.shape_cast %get3A_215 : vector<1x16xf32> to vector<16xf32>
          %add3A_217 = arith.addf %scan3A_135, %get3A_216 : vector<16xf32>
          %select_n3A_218 = arith.select %ne3A_148, %get3A_212, %add3A_217 : vector<16xf32>
          %get3A_219 = arith.index_cast %add3A_147 : i32 to index
          %get3A_220 = arith.constant 112 : index
          %get3A_221 = tpu.vector_load %arg5[%get3A_219, %get3A_220] {strides = array<i32>} : memref<128x128xf32, #tpu.memory_space<vmem>>, vector<1x16xf32>,
          %get3A_222 = vector.shape_cast %get3A_221 : vector<1x16xf32> to vector<16xf32>
          %get3A_223 = arith.index_cast %add3A_147 : i32 to index
          %get3A_224 = arith.constant 112 : index
          %get3A_225 = tpu.vector_load %arg5[%get3A_223, %get3A_224] {strides = array<i32>} : memref<128x128xf32, #tpu.memory_space<vmem>>, vector<1x16xf32>,
          %get3A_226 = vector.shape_cast %get3A_225 : vector<1x16xf32> to vector<16xf32>
          %add3A_227 = arith.addf %scan3A_136, %get3A_226 : vector<16xf32>
          %select_n3A_228 = arith.select %ne3A_148, %get3A_222, %add3A_227 : vector<16xf32>
          %swap3A = arith.index_cast %squeeze3A : i32 to index
          %swap3A_229 = arith.constant 0 : index
          %swap3A_230 = tpu.vector_load %arg7[%swap3A, %swap3A_229] {strides = array<i32>} : memref<256x128xf32, #tpu.memory_space<vmem>>, vector<1x16xf32>,
          %swap3A_231 = vector.shape_cast %swap3A_230 : vector<1x16xf32> to vector<16xf32>
          %swap3A_232 = vector.shape_cast %select_n3A_158 : vector<16xf32> to vector<1x16xf32>
          tpu.vector_store %arg7[%swap3A, %swap3A_229], %swap3A_232 {strides = array<i32>} : memref<256x128xf32, #tpu.memory_space<vmem>>, vector<1x16xf32>,
          %swap3A_233 = arith.index_cast %squeeze3A : i32 to index
          %swap3A_234 = arith.constant 16 : index
          %swap3A_235 = tpu.vector_load %arg7[%swap3A_233, %swap3A_234] {strides = array<i32>} : memref<256x128xf32, #tpu.memory_space<vmem>>, vector<1x16xf32>,
          %swap3A_236 = vector.shape_cast %swap3A_235 : vector<1x16xf32> to vector<16xf32>
          %swap3A_237 = vector.shape_cast %select_n3A_168 : vector<16xf32> to vector<1x16xf32>
          tpu.vector_store %arg7[%swap3A_233, %swap3A_234], %swap3A_237 {strides = array<i32>} : memref<256x128xf32, #tpu.memory_space<vmem>>, vector<1x16xf32>,
          %swap3A_238 = arith.index_cast %squeeze3A : i32 to index
          %swap3A_239 = arith.constant 32 : index
          %swap3A_240 = tpu.vector_load %arg7[%swap3A_238, %swap3A_239] {strides = array<i32>} : memref<256x128xf32, #tpu.memory_space<vmem>>, vector<1x16xf32>,
          %swap3A_241 = vector.shape_cast %swap3A_240 : vector<1x16xf32> to vector<16xf32>
          %swap3A_242 = vector.shape_cast %select_n3A_178 : vector<16xf32> to vector<1x16xf32>
          tpu.vector_store %arg7[%swap3A_238, %swap3A_239], %swap3A_242 {strides = array<i32>} : memref<256x128xf32, #tpu.memory_space<vmem>>, vector<1x16xf32>,
          %swap3A_243 = arith.index_cast %squeeze3A : i32 to index
          %swap3A_244 = arith.constant 48 : index
          %swap3A_245 = tpu.vector_load %arg7[%swap3A_243, %swap3A_244] {strides = array<i32>} : memref<256x128xf32, #tpu.memory_space<vmem>>, vector<1x16xf32>,
          %swap3A_246 = vector.shape_cast %swap3A_245 : vector<1x16xf32> to vector<16xf32>
          %swap3A_247 = vector.shape_cast %select_n3A_188 : vector<16xf32> to vector<1x16xf32>
          tpu.vector_store %arg7[%swap3A_243, %swap3A_244], %swap3A_247 {strides = array<i32>} : memref<256x128xf32, #tpu.memory_space<vmem>>, vector<1x16xf32>,
          %swap3A_248 = arith.index_cast %squeeze3A : i32 to index
          %swap3A_249 = arith.constant 64 : index
          %swap3A_250 = tpu.vector_load %arg7[%swap3A_248, %swap3A_249] {strides = array<i32>} : memref<256x128xf32, #tpu.memory_space<vmem>>, vector<1x16xf32>,
          %swap3A_251 = vector.shape_cast %swap3A_250 : vector<1x16xf32> to vector<16xf32>
          %swap3A_252 = vector.shape_cast %select_n3A_198 : vector<16xf32> to vector<1x16xf32>
          tpu.vector_store %arg7[%swap3A_248, %swap3A_249], %swap3A_252 {strides = array<i32>} : memref<256x128xf32, #tpu.memory_space<vmem>>, vector<1x16xf32>,
          %swap3A_253 = arith.index_cast %squeeze3A : i32 to index
          %swap3A_254 = arith.constant 80 : index
          %swap3A_255 = tpu.vector_load %arg7[%swap3A_253, %swap3A_254] {strides = array<i32>} : memref<256x128xf32, #tpu.memory_space<vmem>>, vector<1x16xf32>,
          %swap3A_256 = vector.shape_cast %swap3A_255 : vector<1x16xf32> to vector<16xf32>
          %swap3A_257 = vector.shape_cast %select_n3A_208 : vector<16xf32> to vector<1x16xf32>
          tpu.vector_store %arg7[%swap3A_253, %swap3A_254], %swap3A_257 {strides = array<i32>} : memref<256x128xf32, #tpu.memory_space<vmem>>, vector<1x16xf32>,
          %swap3A_258 = arith.index_cast %squeeze3A : i32 to index
          %swap3A_259 = arith.constant 96 : index
          %swap3A_260 = tpu.vector_load %arg7[%swap3A_258, %swap3A_259] {strides = array<i32>} : memref<256x128xf32, #tpu.memory_space<vmem>>, vector<1x16xf32>,
          %swap3A_261 = vector.shape_cast %swap3A_260 : vector<1x16xf32> to vector<16xf32>
          %swap3A_262 = vector.shape_cast %select_n3A_218 : vector<16xf32> to vector<1x16xf32>
          tpu.vector_store %arg7[%swap3A_258, %swap3A_259], %swap3A_262 {strides = array<i32>} : memref<256x128xf32, #tpu.memory_space<vmem>>, vector<1x16xf32>,
          %swap3A_263 = arith.index_cast %squeeze3A : i32 to index
          %swap3A_264 = arith.constant 112 : index
          %swap3A_265 = tpu.vector_load %arg7[%swap3A_263, %swap3A_264] {strides = array<i32>} : memref<256x128xf32, #tpu.memory_space<vmem>>, vector<1x16xf32>,
          %swap3A_266 = vector.shape_cast %swap3A_265 : vector<1x16xf32> to vector<16xf32>
          %swap3A_267 = vector.shape_cast %select_n3A_228 : vector<16xf32> to vector<1x16xf32>
          tpu.vector_store %arg7[%swap3A_263, %swap3A_264], %swap3A_267 {strides = array<i32>} : memref<256x128xf32, #tpu.memory_space<vmem>>, vector<1x16xf32>,
          %slice3A_268 = vector.extract_strided_slice %get3A_143 {offsets = [1], sizes = [1], strides = [1]} : vector<16xi32> to vector<1xi32>
          %squeeze3A_269 = vector.extract %slice3A_268[0] : i32 from vector<1xi32>
          %mul3A_270 = arith.constant 16 : i32
          %mul3A_271 = arith.muli %scan3A_127, %mul3A_270 : i32
          %add3A_272 = arith.constant 1 : i32
          %add3A_273 = arith.addi %mul3A_271, %add3A_272 : i32
          %ne3A_274 = arith.cmpi ne, %squeeze3A_269, %squeeze3A : i32
          %get3A_275 = arith.index_cast %add3A_273 : i32 to index
          %get3A_276 = arith.constant 0 : index
          %get3A_277 = tpu.vector_load %arg5[%get3A_275, %get3A_276] {strides = array<i32>} : memref<128x128xf32, #tpu.memory_space<vmem>>, vector<1x16xf32>,
          %get3A_278 = vector.shape_cast %get3A_277 : vector<1x16xf32> to vector<16xf32>
          %get3A_279 = arith.index_cast %add3A_273 : i32 to index
          %get3A_280 = arith.constant 0 : index
          %get3A_281 = tpu.vector_load %arg5[%get3A_279, %get3A_280] {strides = array<i32>} : memref<128x128xf32, #tpu.memory_space<vmem>>, vector<1x16xf32>,
          %get3A_282 = vector.shape_cast %get3A_281 : vector<1x16xf32> to vector<16xf32>
          %add3A_283 = arith.addf %select_n3A_158, %get3A_282 : vector<16xf32>
          %select_n3A_284 = arith.select %ne3A_274, %get3A_278, %add3A_283 : vector<16xf32>
          %get3A_285 = arith.index_cast %add3A_273 : i32 to index
          %get3A_286 = arith.constant 16 : index
          %get3A_287 = tpu.vector_load %arg5[%get3A_285, %get3A_286] {strides = array<i32>} : memref<128x128xf32, #tpu.memory_space<vmem>>, vector<1x16xf32>,
          %get3A_288 = vector.shape_cast %get3A_287 : vector<1x16xf32> to vector<16xf32>
          %get3A_289 = arith.index_cast %add3A_273 : i32 to index
          %get3A_290 = arith.constant 16 : index
          %get3A_291 = tpu.vector_load %arg5[%get3A_289, %get3A_290] {strides = array<i32>} : memref<128x128xf32, #tpu.memory_space<vmem>>, vector<1x16xf32>,
          %get3A_292 = vector.shape_cast %get3A_291 : vector<1x16xf32> to vector<16xf32>
          %add3A_293 = arith.addf %select_n3A_168, %get3A_292 : vector<16xf32>
          %select_n3A_294 = arith.select %ne3A_274, %get3A_288, %add3A_293 : vector<16xf32>
          %get3A_295 = arith.index_cast %add3A_273 : i32 to index
          %get3A_296 = arith.constant 32 : index
          %get3A_297 = tpu.vector_load %arg5[%get3A_295, %get3A_296] {strides = array<i32>} : memref<128x128xf32, #tpu.memory_space<vmem>>, vector<1x16xf32>,
          %get3A_298 = vector.shape_cast %get3A_297 : vector<1x16xf32> to vector<16xf32>
          %get3A_299 = arith.index_cast %add3A_273 : i32 to index
          %get3A_300 = arith.constant 32 : index
          %get3A_301 = tpu.vector_load %arg5[%get3A_299, %get3A_300] {strides = array<i32>} : memref<128x128xf32, #tpu.memory_space<vmem>>, vector<1x16xf32>,
          %get3A_302 = vector.shape_cast %get3A_301 : vector<1x16xf32> to vector<16xf32>
          %add3A_303 = arith.addf %select_n3A_178, %get3A_302 : vector<16xf32>
          %select_n3A_304 = arith.select %ne3A_274, %get3A_298, %add3A_303 : vector<16xf32>
          %get3A_305 = arith.index_cast %add3A_273 : i32 to index
          %get3A_306 = arith.constant 48 : index
          %get3A_307 = tpu.vector_load %arg5[%get3A_305, %get3A_306] {strides = array<i32>} : memref<128x128xf32, #tpu.memory_space<vmem>>, vector<1x16xf32>,
          %get3A_308 = vector.shape_cast %get3A_307 : vector<1x16xf32> to vector<16xf32>
          %get3A_309 = arith.index_cast %add3A_273 : i32 to index
          %get3A_310 = arith.constant 48 : index
          %get3A_311 = tpu.vector_load %arg5[%get3A_309, %get3A_310] {strides = array<i32>} : memref<128x128xf32, #tpu.memory_space<vmem>>, vector<1x16xf32>,
          %get3A_312 = vector.shape_cast %get3A_311 : vector<1x16xf32> to vector<16xf32>
          %add3A_313 = arith.addf %select_n3A_188, %get3A_312 : vector<16xf32>
          %select_n3A_314 = arith.select %ne3A_274, %get3A_308, %add3A_313 : vector<16xf32>
          %get3A_315 = arith.index_cast %add3A_273 : i32 to index
          %get3A_316 = arith.constant 64 : index
          %get3A_317 = tpu.vector_load %arg5[%get3A_315, %get3A_316] {strides = array<i32>} : memref<128x128xf32, #tpu.memory_space<vmem>>, vector<1x16xf32>,
          %get3A_318 = vector.shape_cast %get3A_317 : vector<1x16xf32> to vector<16xf32>
          %get3A_319 = arith.index_cast %add3A_273 : i32 to index
          %get3A_320 = arith.constant 64 : index
          %get3A_321 = tpu.vector_load %arg5[%get3A_319, %get3A_320] {strides = array<i32>} : memref<128x128xf32, #tpu.memory_space<vmem>>, vector<1x16xf32>,
          %get3A_322 = vector.shape_cast %get3A_321 : vector<1x16xf32> to vector<16xf32>
          %add3A_323 = arith.addf %select_n3A_198, %get3A_322 : vector<16xf32>
          %select_n3A_324 = arith.select %ne3A_274, %get3A_318, %add3A_323 : vector<16xf32>
          %get3A_325 = arith.index_cast %add3A_273 : i32 to index
          %get3A_326 = arith.constant 80 : index
          %get3A_327 = tpu.vector_load %arg5[%get3A_325, %get3A_326] {strides = array<i32>} : memref<128x128xf32, #tpu.memory_space<vmem>>, vector<1x16xf32>,
          %get3A_328 = vector.shape_cast %get3A_327 : vector<1x16xf32> to vector<16xf32>
          %get3A_329 = arith.index_cast %add3A_273 : i32 to index
          %get3A_330 = arith.constant 80 : index
          %get3A_331 = tpu.vector_load %arg5[%get3A_329, %get3A_330] {strides = array<i32>} : memref<128x128xf32, #tpu.memory_space<vmem>>, vector<1x16xf32>,
          %get3A_332 = vector.shape_cast %get3A_331 : vector<1x16xf32> to vector<16xf32>
          %add3A_333 = arith.addf %select_n3A_208, %get3A_332 : vector<16xf32>
          %select_n3A_334 = arith.select %ne3A_274, %get3A_328, %add3A_333 : vector<16xf32>
          %get3A_335 = arith.index_cast %add3A_273 : i32 to index
          %get3A_336 = arith.constant 96 : index
          %get3A_337 = tpu.vector_load %arg5[%get3A_335, %get3A_336] {strides = array<i32>} : memref<128x128xf32, #tpu.memory_space<vmem>>, vector<1x16xf32>,
          %get3A_338 = vector.shape_cast %get3A_337 : vector<1x16xf32> to vector<16xf32>
          %get3A_339 = arith.index_cast %add3A_273 : i32 to index
          %get3A_340 = arith.constant 96 : index
          %get3A_341 = tpu.vector_load %arg5[%get3A_339, %get3A_340] {strides = array<i32>} : memref<128x128xf32, #tpu.memory_space<vmem>>, vector<1x16xf32>,
          %get3A_342 = vector.shape_cast %get3A_341 : vector<1x16xf32> to vector<16xf32>
          %add3A_343 = arith.addf %select_n3A_218, %get3A_342 : vector<16xf32>
          %select_n3A_344 = arith.select %ne3A_274, %get3A_338, %add3A_343 : vector<16xf32>
          %get3A_345 = arith.index_cast %add3A_273 : i32 to index
          %get3A_346 = arith.constant 112 : index
          %get3A_347 = tpu.vector_load %arg5[%get3A_345, %get3A_346] {strides = array<i32>} : memref<128x128xf32, #tpu.memory_space<vmem>>, vector<1x16xf32>,
          %get3A_348 = vector.shape_cast %get3A_347 : vector<1x16xf32> to vector<16xf32>
          %get3A_349 = arith.index_cast %add3A_273 : i32 to index
          %get3A_350 = arith.constant 112 : index
          %get3A_351 = tpu.vector_load %arg5[%get3A_349, %get3A_350] {strides = array<i32>} : memref<128x128xf32, #tpu.memory_space<vmem>>, vector<1x16xf32>,
          %get3A_352 = vector.shape_cast %get3A_351 : vector<1x16xf32> to vector<16xf32>
          %add3A_353 = arith.addf %select_n3A_228, %get3A_352 : vector<16xf32>
          %select_n3A_354 = arith.select %ne3A_274, %get3A_348, %add3A_353 : vector<16xf32>
          %swap3A_355 = arith.index_cast %squeeze3A_269 : i32 to index
          %swap3A_356 = arith.constant 0 : index
          %swap3A_357 = tpu.vector_load %arg7[%swap3A_355, %swap3A_356] {strides = array<i32>} : memref<256x128xf32, #tpu.memory_space<vmem>>, vector<1x16xf32>,
          %swap3A_358 = vector.shape_cast %swap3A_357 : vector<1x16xf32> to vector<16xf32>
          %swap3A_359 = vector.shape_cast %select_n3A_284 : vector<16xf32> to vector<1x16xf32>
          tpu.vector_store %arg7[%swap3A_355, %swap3A_356], %swap3A_359 {strides = array<i32>} : memref<256x128xf32, #tpu.memory_space<vmem>>, vector<1x16xf32>,
          %swap3A_360 = arith.index_cast %squeeze3A_269 : i32 to index
          %swap3A_361 = arith.constant 16 : index
          %swap3A_362 = tpu.vector_load %arg7[%swap3A_360, %swap3A_361] {strides = array<i32>} : memref<256x128xf32, #tpu.memory_space<vmem>>, vector<1x16xf32>,
          %swap3A_363 = vector.shape_cast %swap3A_362 : vector<1x16xf32> to vector<16xf32>
          %swap3A_364 = vector.shape_cast %select_n3A_294 : vector<16xf32> to vector<1x16xf32>
          tpu.vector_store %arg7[%swap3A_360, %swap3A_361], %swap3A_364 {strides = array<i32>} : memref<256x128xf32, #tpu.memory_space<vmem>>, vector<1x16xf32>,
          %swap3A_365 = arith.index_cast %squeeze3A_269 : i32 to index
          %swap3A_366 = arith.constant 32 : index
          %swap3A_367 = tpu.vector_load %arg7[%swap3A_365, %swap3A_366] {strides = array<i32>} : memref<256x128xf32, #tpu.memory_space<vmem>>, vector<1x16xf32>,
          %swap3A_368 = vector.shape_cast %swap3A_367 : vector<1x16xf32> to vector<16xf32>
          %swap3A_369 = vector.shape_cast %select_n3A_304 : vector<16xf32> to vector<1x16xf32>
          tpu.vector_store %arg7[%swap3A_365, %swap3A_366], %swap3A_369 {strides = array<i32>} : memref<256x128xf32, #tpu.memory_space<vmem>>, vector<1x16xf32>,
          %swap3A_370 = arith.index_cast %squeeze3A_269 : i32 to index
          %swap3A_371 = arith.constant 48 : index
          %swap3A_372 = tpu.vector_load %arg7[%swap3A_370, %swap3A_371] {strides = array<i32>} : memref<256x128xf32, #tpu.memory_space<vmem>>, vector<1x16xf32>,
          %swap3A_373 = vector.shape_cast %swap3A_372 : vector<1x16xf32> to vector<16xf32>
          %swap3A_374 = vector.shape_cast %select_n3A_314 : vector<16xf32> to vector<1x16xf32>
          tpu.vector_store %arg7[%swap3A_370, %swap3A_371], %swap3A_374 {strides = array<i32>} : memref<256x128xf32, #tpu.memory_space<vmem>>, vector<1x16xf32>,
          %swap3A_375 = arith.index_cast %squeeze3A_269 : i32 to index
          %swap3A_376 = arith.constant 64 : index
          %swap3A_377 = tpu.vector_load %arg7[%swap3A_375, %swap3A_376] {strides = array<i32>} : memref<256x128xf32, #tpu.memory_space<vmem>>, vector<1x16xf32>,
          %swap3A_378 = vector.shape_cast %swap3A_377 : vector<1x16xf32> to vector<16xf32>
          %swap3A_379 = vector.shape_cast %select_n3A_324 : vector<16xf32> to vector<1x16xf32>
          tpu.vector_store %arg7[%swap3A_375, %swap3A_376], %swap3A_379 {strides = array<i32>} : memref<256x128xf32, #tpu.memory_space<vmem>>, vector<1x16xf32>,
          %swap3A_380 = arith.index_cast %squeeze3A_269 : i32 to index
          %swap3A_381 = arith.constant 80 : index
          %swap3A_382 = tpu.vector_load %arg7[%swap3A_380, %swap3A_381] {strides = array<i32>} : memref<256x128xf32, #tpu.memory_space<vmem>>, vector<1x16xf32>,
          %swap3A_383 = vector.shape_cast %swap3A_382 : vector<1x16xf32> to vector<16xf32>
          %swap3A_384 = vector.shape_cast %select_n3A_334 : vector<16xf32> to vector<1x16xf32>
          tpu.vector_store %arg7[%swap3A_380, %swap3A_381], %swap3A_384 {strides = array<i32>} : memref<256x128xf32, #tpu.memory_space<vmem>>, vector<1x16xf32>,
          %swap3A_385 = arith.index_cast %squeeze3A_269 : i32 to index
          %swap3A_386 = arith.constant 96 : index
          %swap3A_387 = tpu.vector_load %arg7[%swap3A_385, %swap3A_386] {strides = array<i32>} : memref<256x128xf32, #tpu.memory_space<vmem>>, vector<1x16xf32>,
          %swap3A_388 = vector.shape_cast %swap3A_387 : vector<1x16xf32> to vector<16xf32>
          %swap3A_389 = vector.shape_cast %select_n3A_344 : vector<16xf32> to vector<1x16xf32>
          tpu.vector_store %arg7[%swap3A_385, %swap3A_386], %swap3A_389 {strides = array<i32>} : memref<256x128xf32, #tpu.memory_space<vmem>>, vector<1x16xf32>,
          %swap3A_390 = arith.index_cast %squeeze3A_269 : i32 to index
          %swap3A_391 = arith.constant 112 : index
          %swap3A_392 = tpu.vector_load %arg7[%swap3A_390, %swap3A_391] {strides = array<i32>} : memref<256x128xf32, #tpu.memory_space<vmem>>, vector<1x16xf32>,
          %swap3A_393 = vector.shape_cast %swap3A_392 : vector<1x16xf32> to vector<16xf32>
          %swap3A_394 = vector.shape_cast %select_n3A_354 : vector<16xf32> to vector<1x16xf32>
          tpu.vector_store %arg7[%swap3A_390, %swap3A_391], %swap3A_394 {strides = array<i32>} : memref<256x128xf32, #tpu.memory_space<vmem>>, vector<1x16xf32>,
          %slice3A_395 = vector.extract_strided_slice %get3A_143 {offsets = [2], sizes = [1], strides = [1]} : vector<16xi32> to vector<1xi32>
          %squeeze3A_396 = vector.extract %slice3A_395[0] : i32 from vector<1xi32>
          %mul3A_397 = arith.constant 16 : i32
          %mul3A_398 = arith.muli %scan3A_127, %mul3A_397 : i32
          %add3A_399 = arith.constant 2 : i32
          %add3A_400 = arith.addi %mul3A_398, %add3A_399 : i32
          %ne3A_401 = arith.cmpi ne, %squeeze3A_396, %squeeze3A_269 : i32
          %get3A_402 = arith.index_cast %add3A_400 : i32 to index
          %get3A_403 = arith.constant 0 : index
          %get3A_404 = tpu.vector_load %arg5[%get3A_402, %get3A_403] {strides = array<i32>} : memref<128x128xf32, #tpu.memory_space<vmem>>, vector<1x16xf32>,
          %get3A_405 = vector.shape_cast %get3A_404 : vector<1x16xf32> to vector<16xf32>
          %get3A_406 = arith.index_cast %add3A_400 : i32 to index
          %get3A_407 = arith.constant 0 : index
          %get3A_408 = tpu.vector_load %arg5[%get3A_406, %get3A_407] {strides = array<i32>} : memref<128x128xf32, #tpu.memory_space<vmem>>, vector<1x16xf32>,
          %get3A_409 = vector.shape_cast %get3A_408 : vector<1x16xf32> to vector<16xf32>
          %add3A_410 = arith.addf %select_n3A_284, %get3A_409 : vector<16xf32>
          %select_n3A_411 = arith.select %ne3A_401, %get3A_405, %add3A_410 : vector<16xf32>
          %get3A_412 = arith.index_cast %add3A_400 : i32 to index
          %get3A_413 = arith.constant 16 : index
          %get3A_414 = tpu.vector_load %arg5[%get3A_412, %get3A_413] {strides = array<i32>} : memref<128x128xf32, #tpu.memory_space<vmem>>, vector<1x16xf32>,
          %get3A_415 = vector.shape_cast %get3A_414 : vector<1x16xf32> to vector<16xf32>
          %get3A_416 = arith.index_cast %add3A_400 : i32 to index
          %get3A_417 = arith.constant 16 : index
          %get3A_418 = tpu.vector_load %arg5[%get3A_416, %get3A_417] {strides = array<i32>} : memref<128x128xf32, #tpu.memory_space<vmem>>, vector<1x16xf32>,
          %get3A_419 = vector.shape_cast %get3A_418 : vector<1x16xf32> to vector<16xf32>
          %add3A_420 = arith.addf %select_n3A_294, %get3A_419 : vector<16xf32>
          %select_n3A_421 = arith.select %ne3A_401, %get3A_415, %add3A_420 : vector<16xf32>
          %get3A_422 = arith.index_cast %add3A_400 : i32 to index
          %get3A_423 = arith.constant 32 : index
          %get3A_424 = tpu.vector_load %arg5[%get3A_422, %get3A_423] {strides = array<i32>} : memref<128x128xf32, #tpu.memory_space<vmem>>, vector<1x16xf32>,
          %get3A_425 = vector.shape_cast %get3A_424 : vector<1x16xf32> to vector<16xf32>
          %get3A_426 = arith.index_cast %add3A_400 : i32 to index
          %get3A_427 = arith.constant 32 : index
          %get3A_428 = tpu.vector_load %arg5[%get3A_426, %get3A_427] {strides = array<i32>} : memref<128x128xf32, #tpu.memory_space<vmem>>, vector<1x16xf32>,
          %get3A_429 = vector.shape_cast %get3A_428 : vector<1x16xf32> to vector<16xf32>
          %add3A_430 = arith.addf %select_n3A_304, %get3A_429 : vector<16xf32>
          %select_n3A_431 = arith.select %ne3A_401, %get3A_425, %add3A_430 : vector<16xf32>
          %get3A_432 = arith.index_cast %add3A_400 : i32 to index
          %get3A_433 = arith.constant 48 : index
          %get3A_434 = tpu.vector_load %arg5[%get3A_432, %get3A_433] {strides = array<i32>} : memref<128x128xf32, #tpu.memory_space<vmem>>, vector<1x16xf32>,
          %get3A_435 = vector.shape_cast %get3A_434 : vector<1x16xf32> to vector<16xf32>
          %get3A_436 = arith.index_cast %add3A_400 : i32 to index
          %get3A_437 = arith.constant 48 : index
          %get3A_438 = tpu.vector_load %arg5[%get3A_436, %get3A_437] {strides = array<i32>} : memref<128x128xf32, #tpu.memory_space<vmem>>, vector<1x16xf32>,
          %get3A_439 = vector.shape_cast %get3A_438 : vector<1x16xf32> to vector<16xf32>
          %add3A_440 = arith.addf %select_n3A_314, %get3A_439 : vector<16xf32>
          %select_n3A_441 = arith.select %ne3A_401, %get3A_435, %add3A_440 : vector<16xf32>
          %get3A_442 = arith.index_cast %add3A_400 : i32 to index
          %get3A_443 = arith.constant 64 : index
          %get3A_444 = tpu.vector_load %arg5[%get3A_442, %get3A_443] {strides = array<i32>} : memref<128x128xf32, #tpu.memory_space<vmem>>, vector<1x16xf32>,
          %get3A_445 = vector.shape_cast %get3A_444 : vector<1x16xf32> to vector<16xf32>
          %get3A_446 = arith.index_cast %add3A_400 : i32 to index
          %get3A_447 = arith.constant 64 : index
          %get3A_448 = tpu.vector_load %arg5[%get3A_446, %get3A_447] {strides = array<i32>} : memref<128x128xf32, #tpu.memory_space<vmem>>, vector<1x16xf32>,
          %get3A_449 = vector.shape_cast %get3A_448 : vector<1x16xf32> to vector<16xf32>
          %add3A_450 = arith.addf %select_n3A_324, %get3A_449 : vector<16xf32>
          %select_n3A_451 = arith.select %ne3A_401, %get3A_445, %add3A_450 : vector<16xf32>
          %get3A_452 = arith.index_cast %add3A_400 : i32 to index
          %get3A_453 = arith.constant 80 : index
          %get3A_454 = tpu.vector_load %arg5[%get3A_452, %get3A_453] {strides = array<i32>} : memref<128x128xf32, #tpu.memory_space<vmem>>, vector<1x16xf32>,
          %get3A_455 = vector.shape_cast %get3A_454 : vector<1x16xf32> to vector<16xf32>
          %get3A_456 = arith.index_cast %add3A_400 : i32 to index
          %get3A_457 = arith.constant 80 : index
          %get3A_458 = tpu.vector_load %arg5[%get3A_456, %get3A_457] {strides = array<i32>} : memref<128x128xf32, #tpu.memory_space<vmem>>, vector<1x16xf32>,
          %get3A_459 = vector.shape_cast %get3A_458 : vector<1x16xf32> to vector<16xf32>
          %add3A_460 = arith.addf %select_n3A_334, %get3A_459 : vector<16xf32>
          %select_n3A_461 = arith.select %ne3A_401, %get3A_455, %add3A_460 : vector<16xf32>
          %get3A_462 = arith.index_cast %add3A_400 : i32 to index
          %get3A_463 = arith.constant 96 : index
          %get3A_464 = tpu.vector_load %arg5[%get3A_462, %get3A_463] {strides = array<i32>} : memref<128x128xf32, #tpu.memory_space<vmem>>, vector<1x16xf32>,
          %get3A_465 = vector.shape_cast %get3A_464 : vector<1x16xf32> to vector<16xf32>
          %get3A_466 = arith.index_cast %add3A_400 : i32 to index
          %get3A_467 = arith.constant 96 : index
          %get3A_468 = tpu.vector_load %arg5[%get3A_466, %get3A_467] {strides = array<i32>} : memref<128x128xf32, #tpu.memory_space<vmem>>, vector<1x16xf32>,
          %get3A_469 = vector.shape_cast %get3A_468 : vector<1x16xf32> to vector<16xf32>
          %add3A_470 = arith.addf %select_n3A_344, %get3A_469 : vector<16xf32>
          %select_n3A_471 = arith.select %ne3A_401, %get3A_465, %add3A_470 : vector<16xf32>
          %get3A_472 = arith.index_cast %add3A_400 : i32 to index
          %get3A_473 = arith.constant 112 : index
          %get3A_474 = tpu.vector_load %arg5[%get3A_472, %get3A_473] {strides = array<i32>} : memref<128x128xf32, #tpu.memory_space<vmem>>, vector<1x16xf32>,
          %get3A_475 = vector.shape_cast %get3A_474 : vector<1x16xf32> to vector<16xf32>
          %get3A_476 = arith.index_cast %add3A_400 : i32 to index
          %get3A_477 = arith.constant 112 : index
          %get3A_478 = tpu.vector_load %arg5[%get3A_476, %get3A_477] {strides = array<i32>} : memref<128x128xf32, #tpu.memory_space<vmem>>, vector<1x16xf32>,
          %get3A_479 = vector.shape_cast %get3A_478 : vector<1x16xf32> to vector<16xf32>
          %add3A_480 = arith.addf %select_n3A_354, %get3A_479 : vector<16xf32>
          %select_n3A_481 = arith.select %ne3A_401, %get3A_475, %add3A_480 : vector<16xf32>
          %swap3A_482 = arith.index_cast %squeeze3A_396 : i32 to index
          %swap3A_483 = arith.constant 0 : index
          %swap3A_484 = tpu.vector_load %arg7[%swap3A_482, %swap3A_483] {strides = array<i32>} : memref<256x128xf32, #tpu.memory_space<vmem>>, vector<1x16xf32>,
          %swap3A_485 = vector.shape_cast %swap3A_484 : vector<1x16xf32> to vector<16xf32>
          %swap3A_486 = vector.shape_cast %select_n3A_411 : vector<16xf32> to vector<1x16xf32>
          tpu.vector_store %arg7[%swap3A_482, %swap3A_483], %swap3A_486 {strides = array<i32>} : memref<256x128xf32, #tpu.memory_space<vmem>>, vector<1x16xf32>,
          %swap3A_487 = arith.index_cast %squeeze3A_396 : i32 to index
          %swap3A_488 = arith.constant 16 : index
          %swap3A_489 = tpu.vector_load %arg7[%swap3A_487, %swap3A_488] {strides = array<i32>} : memref<256x128xf32, #tpu.memory_space<vmem>>, vector<1x16xf32>,
          %swap3A_490 = vector.shape_cast %swap3A_489 : vector<1x16xf32> to vector<16xf32>
          %swap3A_491 = vector.shape_cast %select_n3A_421 : vector<16xf32> to vector<1x16xf32>
          tpu.vector_store %arg7[%swap3A_487, %swap3A_488], %swap3A_491 {strides = array<i32>} : memref<256x128xf32, #tpu.memory_space<vmem>>, vector<1x16xf32>,
          %swap3A_492 = arith.index_cast %squeeze3A_396 : i32 to index
          %swap3A_493 = arith.constant 32 : index
          %swap3A_494 = tpu.vector_load %arg7[%swap3A_492, %swap3A_493] {strides = array<i32>} : memref<256x128xf32, #tpu.memory_space<vmem>>, vector<1x16xf32>,
          %swap3A_495 = vector.shape_cast %swap3A_494 : vector<1x16xf32> to vector<16xf32>
          %swap3A_496 = vector.shape_cast %select_n3A_431 : vector<16xf32> to vector<1x16xf32>
          tpu.vector_store %arg7[%swap3A_492, %swap3A_493], %swap3A_496 {strides = array<i32>} : memref<256x128xf32, #tpu.memory_space<vmem>>, vector<1x16xf32>,
          %swap3A_497 = arith.index_cast %squeeze3A_396 : i32 to index
          %swap3A_498 = arith.constant 48 : index
          %swap3A_499 = tpu.vector_load %arg7[%swap3A_497, %swap3A_498] {strides = array<i32>} : memref<256x128xf32, #tpu.memory_space<vmem>>, vector<1x16xf32>,
          %swap3A_500 = vector.shape_cast %swap3A_499 : vector<1x16xf32> to vector<16xf32>
          %swap3A_501 = vector.shape_cast %select_n3A_441 : vector<16xf32> to vector<1x16xf32>
          tpu.vector_store %arg7[%swap3A_497, %swap3A_498], %swap3A_501 {strides = array<i32>} : memref<256x128xf32, #tpu.memory_space<vmem>>, vector<1x16xf32>,
          %swap3A_502 = arith.index_cast %squeeze3A_396 : i32 to index
          %swap3A_503 = arith.constant 64 : index
          %swap3A_504 = tpu.vector_load %arg7[%swap3A_502, %swap3A_503] {strides = array<i32>} : memref<256x128xf32, #tpu.memory_space<vmem>>, vector<1x16xf32>,
          %swap3A_505 = vector.shape_cast %swap3A_504 : vector<1x16xf32> to vector<16xf32>
          %swap3A_506 = vector.shape_cast %select_n3A_451 : vector<16xf32> to vector<1x16xf32>
          tpu.vector_store %arg7[%swap3A_502, %swap3A_503], %swap3A_506 {strides = array<i32>} : memref<256x128xf32, #tpu.memory_space<vmem>>, vector<1x16xf32>,
          %swap3A_507 = arith.index_cast %squeeze3A_396 : i32 to index
          %swap3A_508 = arith.constant 80 : index
          %swap3A_509 = tpu.vector_load %arg7[%swap3A_507, %swap3A_508] {strides = array<i32>} : memref<256x128xf32, #tpu.memory_space<vmem>>, vector<1x16xf32>,
          %swap3A_510 = vector.shape_cast %swap3A_509 : vector<1x16xf32> to vector<16xf32>
          %swap3A_511 = vector.shape_cast %select_n3A_461 : vector<16xf32> to vector<1x16xf32>
          tpu.vector_store %arg7[%swap3A_507, %swap3A_508], %swap3A_511 {strides = array<i32>} : memref<256x128xf32, #tpu.memory_space<vmem>>, vector<1x16xf32>,
          %swap3A_512 = arith.index_cast %squeeze3A_396 : i32 to index
          %swap3A_513 = arith.constant 96 : index
          %swap3A_514 = tpu.vector_load %arg7[%swap3A_512, %swap3A_513] {strides = array<i32>} : memref<256x128xf32, #tpu.memory_space<vmem>>, vector<1x16xf32>,
          %swap3A_515 = vector.shape_cast %swap3A_514 : vector<1x16xf32> to vector<16xf32>
          %swap3A_516 = vector.shape_cast %select_n3A_471 : vector<16xf32> to vector<1x16xf32>
          tpu.vector_store %arg7[%swap3A_512, %swap3A_513], %swap3A_516 {strides = array<i32>} : memref<256x128xf32, #tpu.memory_space<vmem>>, vector<1x16xf32>,
          %swap3A_517 = arith.index_cast %squeeze3A_396 : i32 to index
          %swap3A_518 = arith.constant 112 : index
          %swap3A_519 = tpu.vector_load %arg7[%swap3A_517, %swap3A_518] {strides = array<i32>} : memref<256x128xf32, #tpu.memory_space<vmem>>, vector<1x16xf32>,
          %swap3A_520 = vector.shape_cast %swap3A_519 : vector<1x16xf32> to vector<16xf32>
          %swap3A_521 = vector.shape_cast %select_n3A_481 : vector<16xf32> to vector<1x16xf32>
          tpu.vector_store %arg7[%swap3A_517, %swap3A_518], %swap3A_521 {strides = array<i32>} : memref<256x128xf32, #tpu.memory_space<vmem>>, vector<1x16xf32>,
          %slice3A_522 = vector.extract_strided_slice %get3A_143 {offsets = [3], sizes = [1], strides = [1]} : vector<16xi32> to vector<1xi32>
          %squeeze3A_523 = vector.extract %slice3A_522[0] : i32 from vector<1xi32>
          %mul3A_524 = arith.constant 16 : i32
          %mul3A_525 = arith.muli %scan3A_127, %mul3A_524 : i32
          %add3A_526 = arith.constant 3 : i32
          %add3A_527 = arith.addi %mul3A_525, %add3A_526 : i32
          %ne3A_528 = arith.cmpi ne, %squeeze3A_523, %squeeze3A_396 : i32
          %get3A_529 = arith.index_cast %add3A_527 : i32 to index
          %get3A_530 = arith.constant 0 : index
          %get3A_531 = tpu.vector_load %arg5[%get3A_529, %get3A_530] {strides = array<i32>} : memref<128x128xf32, #tpu.memory_space<vmem>>, vector<1x16xf32>,
          %get3A_532 = vector.shape_cast %get3A_531 : vector<1x16xf32> to vector<16xf32>
          %get3A_533 = arith.index_cast %add3A_527 : i32 to index
          %get3A_534 = arith.constant 0 : index
          %get3A_535 = tpu.vector_load %arg5[%get3A_533, %get3A_534] {strides = array<i32>} : memref<128x128xf32, #tpu.memory_space<vmem>>, vector<1x16xf32>,
          %get3A_536 = vector.shape_cast %get3A_535 : vector<1x16xf32> to vector<16xf32>
          %add3A_537 = arith.addf %select_n3A_411, %get3A_536 : vector<16xf32>
          %select_n3A_538 = arith.select %ne3A_528, %get3A_532, %add3A_537 : vector<16xf32>
          %get3A_539 = arith.index_cast %add3A_527 : i32 to index
          %get3A_540 = arith.constant 16 : index
          %get3A_541 = tpu.vector_load %arg5[%get3A_539, %get3A_540] {strides = array<i32>} : memref<128x128xf32, #tpu.memory_space<vmem>>, vector<1x16xf32>,
          %get3A_542 = vector.shape_cast %get3A_541 : vector<1x16xf32> to vector<16xf32>
          %get3A_543 = arith.index_cast %add3A_527 : i32 to index
          %get3A_544 = arith.constant 16 : index
          %get3A_545 = tpu.vector_load %arg5[%get3A_543, %get3A_544] {strides = array<i32>} : memref<128x128xf32, #tpu.memory_space<vmem>>, vector<1x16xf32>,
          %get3A_546 = vector.shape_cast %get3A_545 : vector<1x16xf32> to vector<16xf32>
          %add3A_547 = arith.addf %select_n3A_421, %get3A_546 : vector<16xf32>
          %select_n3A_548 = arith.select %ne3A_528, %get3A_542, %add3A_547 : vector<16xf32>
          %get3A_549 = arith.index_cast %add3A_527 : i32 to index
          %get3A_550 = arith.constant 32 : index
          %get3A_551 = tpu.vector_load %arg5[%get3A_549, %get3A_550] {strides = array<i32>} : memref<128x128xf32, #tpu.memory_space<vmem>>, vector<1x16xf32>,
          %get3A_552 = vector.shape_cast %get3A_551 : vector<1x16xf32> to vector<16xf32>
          %get3A_553 = arith.index_cast %add3A_527 : i32 to index
          %get3A_554 = arith.constant 32 : index
          %get3A_555 = tpu.vector_load %arg5[%get3A_553, %get3A_554] {strides = array<i32>} : memref<128x128xf32, #tpu.memory_space<vmem>>, vector<1x16xf32>,
          %get3A_556 = vector.shape_cast %get3A_555 : vector<1x16xf32> to vector<16xf32>
          %add3A_557 = arith.addf %select_n3A_431, %get3A_556 : vector<16xf32>
          %select_n3A_558 = arith.select %ne3A_528, %get3A_552, %add3A_557 : vector<16xf32>
          %get3A_559 = arith.index_cast %add3A_527 : i32 to index
          %get3A_560 = arith.constant 48 : index
          %get3A_561 = tpu.vector_load %arg5[%get3A_559, %get3A_560] {strides = array<i32>} : memref<128x128xf32, #tpu.memory_space<vmem>>, vector<1x16xf32>,
          %get3A_562 = vector.shape_cast %get3A_561 : vector<1x16xf32> to vector<16xf32>
          %get3A_563 = arith.index_cast %add3A_527 : i32 to index
          %get3A_564 = arith.constant 48 : index
          %get3A_565 = tpu.vector_load %arg5[%get3A_563, %get3A_564] {strides = array<i32>} : memref<128x128xf32, #tpu.memory_space<vmem>>, vector<1x16xf32>,
          %get3A_566 = vector.shape_cast %get3A_565 : vector<1x16xf32> to vector<16xf32>
          %add3A_567 = arith.addf %select_n3A_441, %get3A_566 : vector<16xf32>
          %select_n3A_568 = arith.select %ne3A_528, %get3A_562, %add3A_567 : vector<16xf32>
          %get3A_569 = arith.index_cast %add3A_527 : i32 to index
          %get3A_570 = arith.constant 64 : index
          %get3A_571 = tpu.vector_load %arg5[%get3A_569, %get3A_570] {strides = array<i32>} : memref<128x128xf32, #tpu.memory_space<vmem>>, vector<1x16xf32>,
          %get3A_572 = vector.shape_cast %get3A_571 : vector<1x16xf32> to vector<16xf32>
          %get3A_573 = arith.index_cast %add3A_527 : i32 to index
          %get3A_574 = arith.constant 64 : index
          %get3A_575 = tpu.vector_load %arg5[%get3A_573, %get3A_574] {strides = array<i32>} : memref<128x128xf32, #tpu.memory_space<vmem>>, vector<1x16xf32>,
          %get3A_576 = vector.shape_cast %get3A_575 : vector<1x16xf32> to vector<16xf32>
          %add3A_577 = arith.addf %select_n3A_451, %get3A_576 : vector<16xf32>
          %select_n3A_578 = arith.select %ne3A_528, %get3A_572, %add3A_577 : vector<16xf32>
          %get3A_579 = arith.index_cast %add3A_527 : i32 to index
          %get3A_580 = arith.constant 80 : index
          %get3A_581 = tpu.vector_load %arg5[%get3A_579, %get3A_580] {strides = array<i32>} : memref<128x128xf32, #tpu.memory_space<vmem>>, vector<1x16xf32>,
          %get3A_582 = vector.shape_cast %get3A_581 : vector<1x16xf32> to vector<16xf32>
          %get3A_583 = arith.index_cast %add3A_527 : i32 to index
          %get3A_584 = arith.constant 80 : index
          %get3A_585 = tpu.vector_load %arg5[%get3A_583, %get3A_584] {strides = array<i32>} : memref<128x128xf32, #tpu.memory_space<vmem>>, vector<1x16xf32>,
          %get3A_586 = vector.shape_cast %get3A_585 : vector<1x16xf32> to vector<16xf32>
          %add3A_587 = arith.addf %select_n3A_461, %get3A_586 : vector<16xf32>
          %select_n3A_588 = arith.select %ne3A_528, %get3A_582, %add3A_587 : vector<16xf32>
          %get3A_589 = arith.index_cast %add3A_527 : i32 to index
          %get3A_590 = arith.constant 96 : index
          %get3A_591 = tpu.vector_load %arg5[%get3A_589, %get3A_590] {strides = array<i32>} : memref<128x128xf32, #tpu.memory_space<vmem>>, vector<1x16xf32>,
          %get3A_592 = vector.shape_cast %get3A_591 : vector<1x16xf32> to vector<16xf32>
          %get3A_593 = arith.index_cast %add3A_527 : i32 to index
          %get3A_594 = arith.constant 96 : index
          %get3A_595 = tpu.vector_load %arg5[%get3A_593, %get3A_594] {strides = array<i32>} : memref<128x128xf32, #tpu.memory_space<vmem>>, vector<1x16xf32>,
          %get3A_596 = vector.shape_cast %get3A_595 : vector<1x16xf32> to vector<16xf32>
          %add3A_597 = arith.addf %select_n3A_471, %get3A_596 : vector<16xf32>
          %select_n3A_598 = arith.select %ne3A_528, %get3A_592, %add3A_597 : vector<16xf32>
          %get3A_599 = arith.index_cast %add3A_527 : i32 to index
          %get3A_600 = arith.constant 112 : index
          %get3A_601 = tpu.vector_load %arg5[%get3A_599, %get3A_600] {strides = array<i32>} : memref<128x128xf32, #tpu.memory_space<vmem>>, vector<1x16xf32>,
          %get3A_602 = vector.shape_cast %get3A_601 : vector<1x16xf32> to vector<16xf32>
          %get3A_603 = arith.index_cast %add3A_527 : i32 to index
          %get3A_604 = arith.constant 112 : index
          %get3A_605 = tpu.vector_load %arg5[%get3A_603, %get3A_604] {strides = array<i32>} : memref<128x128xf32, #tpu.memory_space<vmem>>, vector<1x16xf32>,
          %get3A_606 = vector.shape_cast %get3A_605 : vector<1x16xf32> to vector<16xf32>
          %add3A_607 = arith.addf %select_n3A_481, %get3A_606 : vector<16xf32>
          %select_n3A_608 = arith.select %ne3A_528, %get3A_602, %add3A_607 : vector<16xf32>
          %swap3A_609 = arith.index_cast %squeeze3A_523 : i32 to index
          %swap3A_610 = arith.constant 0 : index
          %swap3A_611 = tpu.vector_load %arg7[%swap3A_609, %swap3A_610] {strides = array<i32>} : memref<256x128xf32, #tpu.memory_space<vmem>>, vector<1x16xf32>,
          %swap3A_612 = vector.shape_cast %swap3A_611 : vector<1x16xf32> to vector<16xf32>
          %swap3A_613 = vector.shape_cast %select_n3A_538 : vector<16xf32> to vector<1x16xf32>
          tpu.vector_store %arg7[%swap3A_609, %swap3A_610], %swap3A_613 {strides = array<i32>} : memref<256x128xf32, #tpu.memory_space<vmem>>, vector<1x16xf32>,
          %swap3A_614 = arith.index_cast %squeeze3A_523 : i32 to index
          %swap3A_615 = arith.constant 16 : index
          %swap3A_616 = tpu.vector_load %arg7[%swap3A_614, %swap3A_615] {strides = array<i32>} : memref<256x128xf32, #tpu.memory_space<vmem>>, vector<1x16xf32>,
          %swap3A_617 = vector.shape_cast %swap3A_616 : vector<1x16xf32> to vector<16xf32>
          %swap3A_618 = vector.shape_cast %select_n3A_548 : vector<16xf32> to vector<1x16xf32>
          tpu.vector_store %arg7[%swap3A_614, %swap3A_615], %swap3A_618 {strides = array<i32>} : memref<256x128xf32, #tpu.memory_space<vmem>>, vector<1x16xf32>,
          %swap3A_619 = arith.index_cast %squeeze3A_523 : i32 to index
          %swap3A_620 = arith.constant 32 : index
          %swap3A_621 = tpu.vector_load %arg7[%swap3A_619, %swap3A_620] {strides = array<i32>} : memref<256x128xf32, #tpu.memory_space<vmem>>, vector<1x16xf32>,
          %swap3A_622 = vector.shape_cast %swap3A_621 : vector<1x16xf32> to vector<16xf32>
          %swap3A_623 = vector.shape_cast %select_n3A_558 : vector<16xf32> to vector<1x16xf32>
          tpu.vector_store %arg7[%swap3A_619, %swap3A_620], %swap3A_623 {strides = array<i32>} : memref<256x128xf32, #tpu.memory_space<vmem>>, vector<1x16xf32>,
          %swap3A_624 = arith.index_cast %squeeze3A_523 : i32 to index
          %swap3A_625 = arith.constant 48 : index
          %swap3A_626 = tpu.vector_load %arg7[%swap3A_624, %swap3A_625] {strides = array<i32>} : memref<256x128xf32, #tpu.memory_space<vmem>>, vector<1x16xf32>,
          %swap3A_627 = vector.shape_cast %swap3A_626 : vector<1x16xf32> to vector<16xf32>
          %swap3A_628 = vector.shape_cast %select_n3A_568 : vector<16xf32> to vector<1x16xf32>
          tpu.vector_store %arg7[%swap3A_624, %swap3A_625], %swap3A_628 {strides = array<i32>} : memref<256x128xf32, #tpu.memory_space<vmem>>, vector<1x16xf32>,
          %swap3A_629 = arith.index_cast %squeeze3A_523 : i32 to index
          %swap3A_630 = arith.constant 64 : index
          %swap3A_631 = tpu.vector_load %arg7[%swap3A_629, %swap3A_630] {strides = array<i32>} : memref<256x128xf32, #tpu.memory_space<vmem>>, vector<1x16xf32>,
          %swap3A_632 = vector.shape_cast %swap3A_631 : vector<1x16xf32> to vector<16xf32>
          %swap3A_633 = vector.shape_cast %select_n3A_578 : vector<16xf32> to vector<1x16xf32>
          tpu.vector_store %arg7[%swap3A_629, %swap3A_630], %swap3A_633 {strides = array<i32>} : memref<256x128xf32, #tpu.memory_space<vmem>>, vector<1x16xf32>,
          %swap3A_634 = arith.index_cast %squeeze3A_523 : i32 to index
          %swap3A_635 = arith.constant 80 : index
          %swap3A_636 = tpu.vector_load %arg7[%swap3A_634, %swap3A_635] {strides = array<i32>} : memref<256x128xf32, #tpu.memory_space<vmem>>, vector<1x16xf32>,
          %swap3A_637 = vector.shape_cast %swap3A_636 : vector<1x16xf32> to vector<16xf32>
          %swap3A_638 = vector.shape_cast %select_n3A_588 : vector<16xf32> to vector<1x16xf32>
          tpu.vector_store %arg7[%swap3A_634, %swap3A_635], %swap3A_638 {strides = array<i32>} : memref<256x128xf32, #tpu.memory_space<vmem>>, vector<1x16xf32>,
          %swap3A_639 = arith.index_cast %squeeze3A_523 : i32 to index
          %swap3A_640 = arith.constant 96 : index
          %swap3A_641 = tpu.vector_load %arg7[%swap3A_639, %swap3A_640] {strides = array<i32>} : memref<256x128xf32, #tpu.memory_space<vmem>>, vector<1x16xf32>,
          %swap3A_642 = vector.shape_cast %swap3A_641 : vector<1x16xf32> to vector<16xf32>
          %swap3A_643 = vector.shape_cast %select_n3A_598 : vector<16xf32> to vector<1x16xf32>
          tpu.vector_store %arg7[%swap3A_639, %swap3A_640], %swap3A_643 {strides = array<i32>} : memref<256x128xf32, #tpu.memory_space<vmem>>, vector<1x16xf32>,
          %swap3A_644 = arith.index_cast %squeeze3A_523 : i32 to index
          %swap3A_645 = arith.constant 112 : index
          %swap3A_646 = tpu.vector_load %arg7[%swap3A_644, %swap3A_645] {strides = array<i32>} : memref<256x128xf32, #tpu.memory_space<vmem>>, vector<1x16xf32>,
          %swap3A_647 = vector.shape_cast %swap3A_646 : vector<1x16xf32> to vector<16xf32>
          %swap3A_648 = vector.shape_cast %select_n3A_608 : vector<16xf32> to vector<1x16xf32>
          tpu.vector_store %arg7[%swap3A_644, %swap3A_645], %swap3A_648 {strides = array<i32>} : memref<256x128xf32, #tpu.memory_space<vmem>>, vector<1x16xf32>,
          %slice3A_649 = vector.extract_strided_slice %get3A_143 {offsets = [4], sizes = [1], strides = [1]} : vector<16xi32> to vector<1xi32>
          %squeeze3A_650 = vector.extract %slice3A_649[0] : i32 from vector<1xi32>
          %mul3A_651 = arith.constant 16 : i32
          %mul3A_652 = arith.muli %scan3A_127, %mul3A_651 : i32
          %add3A_653 = arith.constant 4 : i32
          %add3A_654 = arith.addi %mul3A_652, %add3A_653 : i32
          %ne3A_655 = arith.cmpi ne, %squeeze3A_650, %squeeze3A_523 : i32
          %get3A_656 = arith.index_cast %add3A_654 : i32 to index
          %get3A_657 = arith.constant 0 : index
          %get3A_658 = tpu.vector_load %arg5[%get3A_656, %get3A_657] {strides = array<i32>} : memref<128x128xf32, #tpu.memory_space<vmem>>, vector<1x16xf32>,
          %get3A_659 = vector.shape_cast %get3A_658 : vector<1x16xf32> to vector<16xf32>
          %get3A_660 = arith.index_cast %add3A_654 : i32 to index
          %get3A_661 = arith.constant 0 : index
          %get3A_662 = tpu.vector_load %arg5[%get3A_660, %get3A_661] {strides = array<i32>} : memref<128x128xf32, #tpu.memory_space<vmem>>, vector<1x16xf32>,
          %get3A_663 = vector.shape_cast %get3A_662 : vector<1x16xf32> to vector<16xf32>
          %add3A_664 = arith.addf %select_n3A_538, %get3A_663 : vector<16xf32>
          %select_n3A_665 = arith.select %ne3A_655, %get3A_659, %add3A_664 : vector<16xf32>
          %get3A_666 = arith.index_cast %add3A_654 : i32 to index
          %get3A_667 = arith.constant 16 : index
          %get3A_668 = tpu.vector_load %arg5[%get3A_666, %get3A_667] {strides = array<i32>} : memref<128x128xf32, #tpu.memory_space<vmem>>, vector<1x16xf32>,
          %get3A_669 = vector.shape_cast %get3A_668 : vector<1x16xf32> to vector<16xf32>
          %get3A_670 = arith.index_cast %add3A_654 : i32 to index
          %get3A_671 = arith.constant 16 : index
          %get3A_672 = tpu.vector_load %arg5[%get3A_670, %get3A_671] {strides = array<i32>} : memref<128x128xf32, #tpu.memory_space<vmem>>, vector<1x16xf32>,
          %get3A_673 = vector.shape_cast %get3A_672 : vector<1x16xf32> to vector<16xf32>
          %add3A_674 = arith.addf %select_n3A_548, %get3A_673 : vector<16xf32>
          %select_n3A_675 = arith.select %ne3A_655, %get3A_669, %add3A_674 : vector<16xf32>
          %get3A_676 = arith.index_cast %add3A_654 : i32 to index
          %get3A_677 = arith.constant 32 : index
          %get3A_678 = tpu.vector_load %arg5[%get3A_676, %get3A_677] {strides = array<i32>} : memref<128x128xf32, #tpu.memory_space<vmem>>, vector<1x16xf32>,
          %get3A_679 = vector.shape_cast %get3A_678 : vector<1x16xf32> to vector<16xf32>
          %get3A_680 = arith.index_cast %add3A_654 : i32 to index
          %get3A_681 = arith.constant 32 : index
          %get3A_682 = tpu.vector_load %arg5[%get3A_680, %get3A_681] {strides = array<i32>} : memref<128x128xf32, #tpu.memory_space<vmem>>, vector<1x16xf32>,
          %get3A_683 = vector.shape_cast %get3A_682 : vector<1x16xf32> to vector<16xf32>
          %add3A_684 = arith.addf %select_n3A_558, %get3A_683 : vector<16xf32>
          %select_n3A_685 = arith.select %ne3A_655, %get3A_679, %add3A_684 : vector<16xf32>
          %get3A_686 = arith.index_cast %add3A_654 : i32 to index
          %get3A_687 = arith.constant 48 : index
          %get3A_688 = tpu.vector_load %arg5[%get3A_686, %get3A_687] {strides = array<i32>} : memref<128x128xf32, #tpu.memory_space<vmem>>, vector<1x16xf32>,
          %get3A_689 = vector.shape_cast %get3A_688 : vector<1x16xf32> to vector<16xf32>
          %get3A_690 = arith.index_cast %add3A_654 : i32 to index
          %get3A_691 = arith.constant 48 : index
          %get3A_692 = tpu.vector_load %arg5[%get3A_690, %get3A_691] {strides = array<i32>} : memref<128x128xf32, #tpu.memory_space<vmem>>, vector<1x16xf32>,
          %get3A_693 = vector.shape_cast %get3A_692 : vector<1x16xf32> to vector<16xf32>
          %add3A_694 = arith.addf %select_n3A_568, %get3A_693 : vector<16xf32>
          %select_n3A_695 = arith.select %ne3A_655, %get3A_689, %add3A_694 : vector<16xf32>
          %get3A_696 = arith.index_cast %add3A_654 : i32 to index
          %get3A_697 = arith.constant 64 : index
          %get3A_698 = tpu.vector_load %arg5[%get3A_696, %get3A_697] {strides = array<i32>} : memref<128x128xf32, #tpu.memory_space<vmem>>, vector<1x16xf32>,
          %get3A_699 = vector.shape_cast %get3A_698 : vector<1x16xf32> to vector<16xf32>
          %get3A_700 = arith.index_cast %add3A_654 : i32 to index
          %get3A_701 = arith.constant 64 : index
          %get3A_702 = tpu.vector_load %arg5[%get3A_700, %get3A_701] {strides = array<i32>} : memref<128x128xf32, #tpu.memory_space<vmem>>, vector<1x16xf32>,
          %get3A_703 = vector.shape_cast %get3A_702 : vector<1x16xf32> to vector<16xf32>
          %add3A_704 = arith.addf %select_n3A_578, %get3A_703 : vector<16xf32>
          %select_n3A_705 = arith.select %ne3A_655, %get3A_699, %add3A_704 : vector<16xf32>
          %get3A_706 = arith.index_cast %add3A_654 : i32 to index
          %get3A_707 = arith.constant 80 : index
          %get3A_708 = tpu.vector_load %arg5[%get3A_706, %get3A_707] {strides = array<i32>} : memref<128x128xf32, #tpu.memory_space<vmem>>, vector<1x16xf32>,
          %get3A_709 = vector.shape_cast %get3A_708 : vector<1x16xf32> to vector<16xf32>
          %get3A_710 = arith.index_cast %add3A_654 : i32 to index
          %get3A_711 = arith.constant 80 : index
          %get3A_712 = tpu.vector_load %arg5[%get3A_710, %get3A_711] {strides = array<i32>} : memref<128x128xf32, #tpu.memory_space<vmem>>, vector<1x16xf32>,
          %get3A_713 = vector.shape_cast %get3A_712 : vector<1x16xf32> to vector<16xf32>
          %add3A_714 = arith.addf %select_n3A_588, %get3A_713 : vector<16xf32>
          %select_n3A_715 = arith.select %ne3A_655, %get3A_709, %add3A_714 : vector<16xf32>
          %get3A_716 = arith.index_cast %add3A_654 : i32 to index
          %get3A_717 = arith.constant 96 : index
          %get3A_718 = tpu.vector_load %arg5[%get3A_716, %get3A_717] {strides = array<i32>} : memref<128x128xf32, #tpu.memory_space<vmem>>, vector<1x16xf32>,
          %get3A_719 = vector.shape_cast %get3A_718 : vector<1x16xf32> to vector<16xf32>
          %get3A_720 = arith.index_cast %add3A_654 : i32 to index
          %get3A_721 = arith.constant 96 : index
          %get3A_722 = tpu.vector_load %arg5[%get3A_720, %get3A_721] {strides = array<i32>} : memref<128x128xf32, #tpu.memory_space<vmem>>, vector<1x16xf32>,
          %get3A_723 = vector.shape_cast %get3A_722 : vector<1x16xf32> to vector<16xf32>
          %add3A_724 = arith.addf %select_n3A_598, %get3A_723 : vector<16xf32>
          %select_n3A_725 = arith.select %ne3A_655, %get3A_719, %add3A_724 : vector<16xf32>
          %get3A_726 = arith.index_cast %add3A_654 : i32 to index
          %get3A_727 = arith.constant 112 : index
          %get3A_728 = tpu.vector_load %arg5[%get3A_726, %get3A_727] {strides = array<i32>} : memref<128x128xf32, #tpu.memory_space<vmem>>, vector<1x16xf32>,
          %get3A_729 = vector.shape_cast %get3A_728 : vector<1x16xf32> to vector<16xf32>
          %get3A_730 = arith.index_cast %add3A_654 : i32 to index
          %get3A_731 = arith.constant 112 : index
          %get3A_732 = tpu.vector_load %arg5[%get3A_730, %get3A_731] {strides = array<i32>} : memref<128x128xf32, #tpu.memory_space<vmem>>, vector<1x16xf32>,
          %get3A_733 = vector.shape_cast %get3A_732 : vector<1x16xf32> to vector<16xf32>
          %add3A_734 = arith.addf %select_n3A_608, %get3A_733 : vector<16xf32>
          %select_n3A_735 = arith.select %ne3A_655, %get3A_729, %add3A_734 : vector<16xf32>
          %swap3A_736 = arith.index_cast %squeeze3A_650 : i32 to index
          %swap3A_737 = arith.constant 0 : index
          %swap3A_738 = tpu.vector_load %arg7[%swap3A_736, %swap3A_737] {strides = array<i32>} : memref<256x128xf32, #tpu.memory_space<vmem>>, vector<1x16xf32>,
          %swap3A_739 = vector.shape_cast %swap3A_738 : vector<1x16xf32> to vector<16xf32>
          %swap3A_740 = vector.shape_cast %select_n3A_665 : vector<16xf32> to vector<1x16xf32>
          tpu.vector_store %arg7[%swap3A_736, %swap3A_737], %swap3A_740 {strides = array<i32>} : memref<256x128xf32, #tpu.memory_space<vmem>>, vector<1x16xf32>,
          %swap3A_741 = arith.index_cast %squeeze3A_650 : i32 to index
          %swap3A_742 = arith.constant 16 : index
          %swap3A_743 = tpu.vector_load %arg7[%swap3A_741, %swap3A_742] {strides = array<i32>} : memref<256x128xf32, #tpu.memory_space<vmem>>, vector<1x16xf32>,
          %swap3A_744 = vector.shape_cast %swap3A_743 : vector<1x16xf32> to vector<16xf32>
          %swap3A_745 = vector.shape_cast %select_n3A_675 : vector<16xf32> to vector<1x16xf32>
          tpu.vector_store %arg7[%swap3A_741, %swap3A_742], %swap3A_745 {strides = array<i32>} : memref<256x128xf32, #tpu.memory_space<vmem>>, vector<1x16xf32>,
          %swap3A_746 = arith.index_cast %squeeze3A_650 : i32 to index
          %swap3A_747 = arith.constant 32 : index
          %swap3A_748 = tpu.vector_load %arg7[%swap3A_746, %swap3A_747] {strides = array<i32>} : memref<256x128xf32, #tpu.memory_space<vmem>>, vector<1x16xf32>,
          %swap3A_749 = vector.shape_cast %swap3A_748 : vector<1x16xf32> to vector<16xf32>
          %swap3A_750 = vector.shape_cast %select_n3A_685 : vector<16xf32> to vector<1x16xf32>
          tpu.vector_store %arg7[%swap3A_746, %swap3A_747], %swap3A_750 {strides = array<i32>} : memref<256x128xf32, #tpu.memory_space<vmem>>, vector<1x16xf32>,
          %swap3A_751 = arith.index_cast %squeeze3A_650 : i32 to index
          %swap3A_752 = arith.constant 48 : index
          %swap3A_753 = tpu.vector_load %arg7[%swap3A_751, %swap3A_752] {strides = array<i32>} : memref<256x128xf32, #tpu.memory_space<vmem>>, vector<1x16xf32>,
          %swap3A_754 = vector.shape_cast %swap3A_753 : vector<1x16xf32> to vector<16xf32>
          %swap3A_755 = vector.shape_cast %select_n3A_695 : vector<16xf32> to vector<1x16xf32>
          tpu.vector_store %arg7[%swap3A_751, %swap3A_752], %swap3A_755 {strides = array<i32>} : memref<256x128xf32, #tpu.memory_space<vmem>>, vector<1x16xf32>,
          %swap3A_756 = arith.index_cast %squeeze3A_650 : i32 to index
          %swap3A_757 = arith.constant 64 : index
          %swap3A_758 = tpu.vector_load %arg7[%swap3A_756, %swap3A_757] {strides = array<i32>} : memref<256x128xf32, #tpu.memory_space<vmem>>, vector<1x16xf32>,
          %swap3A_759 = vector.shape_cast %swap3A_758 : vector<1x16xf32> to vector<16xf32>
          %swap3A_760 = vector.shape_cast %select_n3A_705 : vector<16xf32> to vector<1x16xf32>
          tpu.vector_store %arg7[%swap3A_756, %swap3A_757], %swap3A_760 {strides = array<i32>} : memref<256x128xf32, #tpu.memory_space<vmem>>, vector<1x16xf32>,
          %swap3A_761 = arith.index_cast %squeeze3A_650 : i32 to index
          %swap3A_762 = arith.constant 80 : index
          %swap3A_763 = tpu.vector_load %arg7[%swap3A_761, %swap3A_762] {strides = array<i32>} : memref<256x128xf32, #tpu.memory_space<vmem>>, vector<1x16xf32>,
          %swap3A_764 = vector.shape_cast %swap3A_763 : vector<1x16xf32> to vector<16xf32>
          %swap3A_765 = vector.shape_cast %select_n3A_715 : vector<16xf32> to vector<1x16xf32>
          tpu.vector_store %arg7[%swap3A_761, %swap3A_762], %swap3A_765 {strides = array<i32>} : memref<256x128xf32, #tpu.memory_space<vmem>>, vector<1x16xf32>,
          %swap3A_766 = arith.index_cast %squeeze3A_650 : i32 to index
          %swap3A_767 = arith.constant 96 : index
          %swap3A_768 = tpu.vector_load %arg7[%swap3A_766, %swap3A_767] {strides = array<i32>} : memref<256x128xf32, #tpu.memory_space<vmem>>, vector<1x16xf32>,
          %swap3A_769 = vector.shape_cast %swap3A_768 : vector<1x16xf32> to vector<16xf32>
          %swap3A_770 = vector.shape_cast %select_n3A_725 : vector<16xf32> to vector<1x16xf32>
          tpu.vector_store %arg7[%swap3A_766, %swap3A_767], %swap3A_770 {strides = array<i32>} : memref<256x128xf32, #tpu.memory_space<vmem>>, vector<1x16xf32>,
          %swap3A_771 = arith.index_cast %squeeze3A_650 : i32 to index
          %swap3A_772 = arith.constant 112 : index
          %swap3A_773 = tpu.vector_load %arg7[%swap3A_771, %swap3A_772] {strides = array<i32>} : memref<256x128xf32, #tpu.memory_space<vmem>>, vector<1x16xf32>,
          %swap3A_774 = vector.shape_cast %swap3A_773 : vector<1x16xf32> to vector<16xf32>
          %swap3A_775 = vector.shape_cast %select_n3A_735 : vector<16xf32> to vector<1x16xf32>
          tpu.vector_store %arg7[%swap3A_771, %swap3A_772], %swap3A_775 {strides = array<i32>} : memref<256x128xf32, #tpu.memory_space<vmem>>, vector<1x16xf32>,
          %slice3A_776 = vector.extract_strided_slice %get3A_143 {offsets = [5], sizes = [1], strides = [1]} : vector<16xi32> to vector<1xi32>
          %squeeze3A_777 = vector.extract %slice3A_776[0] : i32 from vector<1xi32>
          %mul3A_778 = arith.constant 16 : i32
          %mul3A_779 = arith.muli %scan3A_127, %mul3A_778 : i32
          %add3A_780 = arith.constant 5 : i32
          %add3A_781 = arith.addi %mul3A_779, %add3A_780 : i32
          %ne3A_782 = arith.cmpi ne, %squeeze3A_777, %squeeze3A_650 : i32
          %get3A_783 = arith.index_cast %add3A_781 : i32 to index
          %get3A_784 = arith.constant 0 : index
          %get3A_785 = tpu.vector_load %arg5[%get3A_783, %get3A_784] {strides = array<i32>} : memref<128x128xf32, #tpu.memory_space<vmem>>, vector<1x16xf32>,
          %get3A_786 = vector.shape_cast %get3A_785 : vector<1x16xf32> to vector<16xf32>
          %get3A_787 = arith.index_cast %add3A_781 : i32 to index
          %get3A_788 = arith.constant 0 : index
          %get3A_789 = tpu.vector_load %arg5[%get3A_787, %get3A_788] {strides = array<i32>} : memref<128x128xf32, #tpu.memory_space<vmem>>, vector<1x16xf32>,
          %get3A_790 = vector.shape_cast %get3A_789 : vector<1x16xf32> to vector<16xf32>
          %add3A_791 = arith.addf %select_n3A_665, %get3A_790 : vector<16xf32>
          %select_n3A_792 = arith.select %ne3A_782, %get3A_786, %add3A_791 : vector<16xf32>
          %get3A_793 = arith.index_cast %add3A_781 : i32 to index
          %get3A_794 = arith.constant 16 : index
          %get3A_795 = tpu.vector_load %arg5[%get3A_793, %get3A_794] {strides = array<i32>} : memref<128x128xf32, #tpu.memory_space<vmem>>, vector<1x16xf32>,
          %get3A_796 = vector.shape_cast %get3A_795 : vector<1x16xf32> to vector<16xf32>
          %get3A_797 = arith.index_cast %add3A_781 : i32 to index
          %get3A_798 = arith.constant 16 : index
          %get3A_799 = tpu.vector_load %arg5[%get3A_797, %get3A_798] {strides = array<i32>} : memref<128x128xf32, #tpu.memory_space<vmem>>, vector<1x16xf32>,
          %get3A_800 = vector.shape_cast %get3A_799 : vector<1x16xf32> to vector<16xf32>
          %add3A_801 = arith.addf %select_n3A_675, %get3A_800 : vector<16xf32>
          %select_n3A_802 = arith.select %ne3A_782, %get3A_796, %add3A_801 : vector<16xf32>
          %get3A_803 = arith.index_cast %add3A_781 : i32 to index
          %get3A_804 = arith.constant 32 : index
          %get3A_805 = tpu.vector_load %arg5[%get3A_803, %get3A_804] {strides = array<i32>} : memref<128x128xf32, #tpu.memory_space<vmem>>, vector<1x16xf32>,
          %get3A_806 = vector.shape_cast %get3A_805 : vector<1x16xf32> to vector<16xf32>
          %get3A_807 = arith.index_cast %add3A_781 : i32 to index
          %get3A_808 = arith.constant 32 : index
          %get3A_809 = tpu.vector_load %arg5[%get3A_807, %get3A_808] {strides = array<i32>} : memref<128x128xf32, #tpu.memory_space<vmem>>, vector<1x16xf32>,
          %get3A_810 = vector.shape_cast %get3A_809 : vector<1x16xf32> to vector<16xf32>
          %add3A_811 = arith.addf %select_n3A_685, %get3A_810 : vector<16xf32>
          %select_n3A_812 = arith.select %ne3A_782, %get3A_806, %add3A_811 : vector<16xf32>
          %get3A_813 = arith.index_cast %add3A_781 : i32 to index
          %get3A_814 = arith.constant 48 : index
          %get3A_815 = tpu.vector_load %arg5[%get3A_813, %get3A_814] {strides = array<i32>} : memref<128x128xf32, #tpu.memory_space<vmem>>, vector<1x16xf32>,
          %get3A_816 = vector.shape_cast %get3A_815 : vector<1x16xf32> to vector<16xf32>
          %get3A_817 = arith.index_cast %add3A_781 : i32 to index
          %get3A_818 = arith.constant 48 : index
          %get3A_819 = tpu.vector_load %arg5[%get3A_817, %get3A_818] {strides = array<i32>} : memref<128x128xf32, #tpu.memory_space<vmem>>, vector<1x16xf32>,
          %get3A_820 = vector.shape_cast %get3A_819 : vector<1x16xf32> to vector<16xf32>
          %add3A_821 = arith.addf %select_n3A_695, %get3A_820 : vector<16xf32>
          %select_n3A_822 = arith.select %ne3A_782, %get3A_816, %add3A_821 : vector<16xf32>
          %get3A_823 = arith.index_cast %add3A_781 : i32 to index
          %get3A_824 = arith.constant 64 : index
          %get3A_825 = tpu.vector_load %arg5[%get3A_823, %get3A_824] {strides = array<i32>} : memref<128x128xf32, #tpu.memory_space<vmem>>, vector<1x16xf32>,
          %get3A_826 = vector.shape_cast %get3A_825 : vector<1x16xf32> to vector<16xf32>
          %get3A_827 = arith.index_cast %add3A_781 : i32 to index
          %get3A_828 = arith.constant 64 : index
          %get3A_829 = tpu.vector_load %arg5[%get3A_827, %get3A_828] {strides = array<i32>} : memref<128x128xf32, #tpu.memory_space<vmem>>, vector<1x16xf32>,
          %get3A_830 = vector.shape_cast %get3A_829 : vector<1x16xf32> to vector<16xf32>
          %add3A_831 = arith.addf %select_n3A_705, %get3A_830 : vector<16xf32>
          %select_n3A_832 = arith.select %ne3A_782, %get3A_826, %add3A_831 : vector<16xf32>
          %get3A_833 = arith.index_cast %add3A_781 : i32 to index
          %get3A_834 = arith.constant 80 : index
          %get3A_835 = tpu.vector_load %arg5[%get3A_833, %get3A_834] {strides = array<i32>} : memref<128x128xf32, #tpu.memory_space<vmem>>, vector<1x16xf32>,
          %get3A_836 = vector.shape_cast %get3A_835 : vector<1x16xf32> to vector<16xf32>
          %get3A_837 = arith.index_cast %add3A_781 : i32 to index
          %get3A_838 = arith.constant 80 : index
          %get3A_839 = tpu.vector_load %arg5[%get3A_837, %get3A_838] {strides = array<i32>} : memref<128x128xf32, #tpu.memory_space<vmem>>, vector<1x16xf32>,
          %get3A_840 = vector.shape_cast %get3A_839 : vector<1x16xf32> to vector<16xf32>
          %add3A_841 = arith.addf %select_n3A_715, %get3A_840 : vector<16xf32>
          %select_n3A_842 = arith.select %ne3A_782, %get3A_836, %add3A_841 : vector<16xf32>
          %get3A_843 = arith.index_cast %add3A_781 : i32 to index
          %get3A_844 = arith.constant 96 : index
          %get3A_845 = tpu.vector_load %arg5[%get3A_843, %get3A_844] {strides = array<i32>} : memref<128x128xf32, #tpu.memory_space<vmem>>, vector<1x16xf32>,
          %get3A_846 = vector.shape_cast %get3A_845 : vector<1x16xf32> to vector<16xf32>
          %get3A_847 = arith.index_cast %add3A_781 : i32 to index
          %get3A_848 = arith.constant 96 : index
          %get3A_849 = tpu.vector_load %arg5[%get3A_847, %get3A_848] {strides = array<i32>} : memref<128x128xf32, #tpu.memory_space<vmem>>, vector<1x16xf32>,
          %get3A_850 = vector.shape_cast %get3A_849 : vector<1x16xf32> to vector<16xf32>
          %add3A_851 = arith.addf %select_n3A_725, %get3A_850 : vector<16xf32>
          %select_n3A_852 = arith.select %ne3A_782, %get3A_846, %add3A_851 : vector<16xf32>
          %get3A_853 = arith.index_cast %add3A_781 : i32 to index
          %get3A_854 = arith.constant 112 : index
          %get3A_855 = tpu.vector_load %arg5[%get3A_853, %get3A_854] {strides = array<i32>} : memref<128x128xf32, #tpu.memory_space<vmem>>, vector<1x16xf32>,
          %get3A_856 = vector.shape_cast %get3A_855 : vector<1x16xf32> to vector<16xf32>
          %get3A_857 = arith.index_cast %add3A_781 : i32 to index
          %get3A_858 = arith.constant 112 : index
          %get3A_859 = tpu.vector_load %arg5[%get3A_857, %get3A_858] {strides = array<i32>} : memref<128x128xf32, #tpu.memory_space<vmem>>, vector<1x16xf32>,
          %get3A_860 = vector.shape_cast %get3A_859 : vector<1x16xf32> to vector<16xf32>
          %add3A_861 = arith.addf %select_n3A_735, %get3A_860 : vector<16xf32>
          %select_n3A_862 = arith.select %ne3A_782, %get3A_856, %add3A_861 : vector<16xf32>
          %swap3A_863 = arith.index_cast %squeeze3A_777 : i32 to index
          %swap3A_864 = arith.constant 0 : index
          %swap3A_865 = tpu.vector_load %arg7[%swap3A_863, %swap3A_864] {strides = array<i32>} : memref<256x128xf32, #tpu.memory_space<vmem>>, vector<1x16xf32>,
          %swap3A_866 = vector.shape_cast %swap3A_865 : vector<1x16xf32> to vector<16xf32>
          %swap3A_867 = vector.shape_cast %select_n3A_792 : vector<16xf32> to vector<1x16xf32>
          tpu.vector_store %arg7[%swap3A_863, %swap3A_864], %swap3A_867 {strides = array<i32>} : memref<256x128xf32, #tpu.memory_space<vmem>>, vector<1x16xf32>,
          %swap3A_868 = arith.index_cast %squeeze3A_777 : i32 to index
          %swap3A_869 = arith.constant 16 : index
          %swap3A_870 = tpu.vector_load %arg7[%swap3A_868, %swap3A_869] {strides = array<i32>} : memref<256x128xf32, #tpu.memory_space<vmem>>, vector<1x16xf32>,
          %swap3A_871 = vector.shape_cast %swap3A_870 : vector<1x16xf32> to vector<16xf32>
          %swap3A_872 = vector.shape_cast %select_n3A_802 : vector<16xf32> to vector<1x16xf32>
          tpu.vector_store %arg7[%swap3A_868, %swap3A_869], %swap3A_872 {strides = array<i32>} : memref<256x128xf32, #tpu.memory_space<vmem>>, vector<1x16xf32>,
          %swap3A_873 = arith.index_cast %squeeze3A_777 : i32 to index
          %swap3A_874 = arith.constant 32 : index
          %swap3A_875 = tpu.vector_load %arg7[%swap3A_873, %swap3A_874] {strides = array<i32>} : memref<256x128xf32, #tpu.memory_space<vmem>>, vector<1x16xf32>,
          %swap3A_876 = vector.shape_cast %swap3A_875 : vector<1x16xf32> to vector<16xf32>
          %swap3A_877 = vector.shape_cast %select_n3A_812 : vector<16xf32> to vector<1x16xf32>
          tpu.vector_store %arg7[%swap3A_873, %swap3A_874], %swap3A_877 {strides = array<i32>} : memref<256x128xf32, #tpu.memory_space<vmem>>, vector<1x16xf32>,
          %swap3A_878 = arith.index_cast %squeeze3A_777 : i32 to index
          %swap3A_879 = arith.constant 48 : index
          %swap3A_880 = tpu.vector_load %arg7[%swap3A_878, %swap3A_879] {strides = array<i32>} : memref<256x128xf32, #tpu.memory_space<vmem>>, vector<1x16xf32>,
          %swap3A_881 = vector.shape_cast %swap3A_880 : vector<1x16xf32> to vector<16xf32>
          %swap3A_882 = vector.shape_cast %select_n3A_822 : vector<16xf32> to vector<1x16xf32>
          tpu.vector_store %arg7[%swap3A_878, %swap3A_879], %swap3A_882 {strides = array<i32>} : memref<256x128xf32, #tpu.memory_space<vmem>>, vector<1x16xf32>,
          %swap3A_883 = arith.index_cast %squeeze3A_777 : i32 to index
          %swap3A_884 = arith.constant 64 : index
          %swap3A_885 = tpu.vector_load %arg7[%swap3A_883, %swap3A_884] {strides = array<i32>} : memref<256x128xf32, #tpu.memory_space<vmem>>, vector<1x16xf32>,
          %swap3A_886 = vector.shape_cast %swap3A_885 : vector<1x16xf32> to vector<16xf32>
          %swap3A_887 = vector.shape_cast %select_n3A_832 : vector<16xf32> to vector<1x16xf32>
          tpu.vector_store %arg7[%swap3A_883, %swap3A_884], %swap3A_887 {strides = array<i32>} : memref<256x128xf32, #tpu.memory_space<vmem>>, vector<1x16xf32>,
          %swap3A_888 = arith.index_cast %squeeze3A_777 : i32 to index
          %swap3A_889 = arith.constant 80 : index
          %swap3A_890 = tpu.vector_load %arg7[%swap3A_888, %swap3A_889] {strides = array<i32>} : memref<256x128xf32, #tpu.memory_space<vmem>>, vector<1x16xf32>,
          %swap3A_891 = vector.shape_cast %swap3A_890 : vector<1x16xf32> to vector<16xf32>
          %swap3A_892 = vector.shape_cast %select_n3A_842 : vector<16xf32> to vector<1x16xf32>
          tpu.vector_store %arg7[%swap3A_888, %swap3A_889], %swap3A_892 {strides = array<i32>} : memref<256x128xf32, #tpu.memory_space<vmem>>, vector<1x16xf32>,
          %swap3A_893 = arith.index_cast %squeeze3A_777 : i32 to index
          %swap3A_894 = arith.constant 96 : index
          %swap3A_895 = tpu.vector_load %arg7[%swap3A_893, %swap3A_894] {strides = array<i32>} : memref<256x128xf32, #tpu.memory_space<vmem>>, vector<1x16xf32>,
          %swap3A_896 = vector.shape_cast %swap3A_895 : vector<1x16xf32> to vector<16xf32>
          %swap3A_897 = vector.shape_cast %select_n3A_852 : vector<16xf32> to vector<1x16xf32>
          tpu.vector_store %arg7[%swap3A_893, %swap3A_894], %swap3A_897 {strides = array<i32>} : memref<256x128xf32, #tpu.memory_space<vmem>>, vector<1x16xf32>,
          %swap3A_898 = arith.index_cast %squeeze3A_777 : i32 to index
          %swap3A_899 = arith.constant 112 : index
          %swap3A_900 = tpu.vector_load %arg7[%swap3A_898, %swap3A_899] {strides = array<i32>} : memref<256x128xf32, #tpu.memory_space<vmem>>, vector<1x16xf32>,
          %swap3A_901 = vector.shape_cast %swap3A_900 : vector<1x16xf32> to vector<16xf32>
          %swap3A_902 = vector.shape_cast %select_n3A_862 : vector<16xf32> to vector<1x16xf32>
          tpu.vector_store %arg7[%swap3A_898, %swap3A_899], %swap3A_902 {strides = array<i32>} : memref<256x128xf32, #tpu.memory_space<vmem>>, vector<1x16xf32>,
          %slice3A_903 = vector.extract_strided_slice %get3A_143 {offsets = [6], sizes = [1], strides = [1]} : vector<16xi32> to vector<1xi32>
          %squeeze3A_904 = vector.extract %slice3A_903[0] : i32 from vector<1xi32>
          %mul3A_905 = arith.constant 16 : i32
          %mul3A_906 = arith.muli %scan3A_127, %mul3A_905 : i32
          %add3A_907 = arith.constant 6 : i32
          %add3A_908 = arith.addi %mul3A_906, %add3A_907 : i32
          %ne3A_909 = arith.cmpi ne, %squeeze3A_904, %squeeze3A_777 : i32
          %get3A_910 = arith.index_cast %add3A_908 : i32 to index
          %get3A_911 = arith.constant 0 : index
          %get3A_912 = tpu.vector_load %arg5[%get3A_910, %get3A_911] {strides = array<i32>} : memref<128x128xf32, #tpu.memory_space<vmem>>, vector<1x16xf32>,
          %get3A_913 = vector.shape_cast %get3A_912 : vector<1x16xf32> to vector<16xf32>
          %get3A_914 = arith.index_cast %add3A_908 : i32 to index
          %get3A_915 = arith.constant 0 : index
          %get3A_916 = tpu.vector_load %arg5[%get3A_914, %get3A_915] {strides = array<i32>} : memref<128x128xf32, #tpu.memory_space<vmem>>, vector<1x16xf32>,
          %get3A_917 = vector.shape_cast %get3A_916 : vector<1x16xf32> to vector<16xf32>
          %add3A_918 = arith.addf %select_n3A_792, %get3A_917 : vector<16xf32>
          %select_n3A_919 = arith.select %ne3A_909, %get3A_913, %add3A_918 : vector<16xf32>
          %get3A_920 = arith.index_cast %add3A_908 : i32 to index
          %get3A_921 = arith.constant 16 : index
          %get3A_922 = tpu.vector_load %arg5[%get3A_920, %get3A_921] {strides = array<i32>} : memref<128x128xf32, #tpu.memory_space<vmem>>, vector<1x16xf32>,
          %get3A_923 = vector.shape_cast %get3A_922 : vector<1x16xf32> to vector<16xf32>
          %get3A_924 = arith.index_cast %add3A_908 : i32 to index
          %get3A_925 = arith.constant 16 : index
          %get3A_926 = tpu.vector_load %arg5[%get3A_924, %get3A_925] {strides = array<i32>} : memref<128x128xf32, #tpu.memory_space<vmem>>, vector<1x16xf32>,
          %get3A_927 = vector.shape_cast %get3A_926 : vector<1x16xf32> to vector<16xf32>
          %add3A_928 = arith.addf %select_n3A_802, %get3A_927 : vector<16xf32>
          %select_n3A_929 = arith.select %ne3A_909, %get3A_923, %add3A_928 : vector<16xf32>
          %get3A_930 = arith.index_cast %add3A_908 : i32 to index
          %get3A_931 = arith.constant 32 : index
          %get3A_932 = tpu.vector_load %arg5[%get3A_930, %get3A_931] {strides = array<i32>} : memref<128x128xf32, #tpu.memory_space<vmem>>, vector<1x16xf32>,
          %get3A_933 = vector.shape_cast %get3A_932 : vector<1x16xf32> to vector<16xf32>
          %get3A_934 = arith.index_cast %add3A_908 : i32 to index
          %get3A_935 = arith.constant 32 : index
          %get3A_936 = tpu.vector_load %arg5[%get3A_934, %get3A_935] {strides = array<i32>} : memref<128x128xf32, #tpu.memory_space<vmem>>, vector<1x16xf32>,
          %get3A_937 = vector.shape_cast %get3A_936 : vector<1x16xf32> to vector<16xf32>
          %add3A_938 = arith.addf %select_n3A_812, %get3A_937 : vector<16xf32>
          %select_n3A_939 = arith.select %ne3A_909, %get3A_933, %add3A_938 : vector<16xf32>
          %get3A_940 = arith.index_cast %add3A_908 : i32 to index
          %get3A_941 = arith.constant 48 : index
          %get3A_942 = tpu.vector_load %arg5[%get3A_940, %get3A_941] {strides = array<i32>} : memref<128x128xf32, #tpu.memory_space<vmem>>, vector<1x16xf32>,
          %get3A_943 = vector.shape_cast %get3A_942 : vector<1x16xf32> to vector<16xf32>
          %get3A_944 = arith.index_cast %add3A_908 : i32 to index
          %get3A_945 = arith.constant 48 : index
          %get3A_946 = tpu.vector_load %arg5[%get3A_944, %get3A_945] {strides = array<i32>} : memref<128x128xf32, #tpu.memory_space<vmem>>, vector<1x16xf32>,
          %get3A_947 = vector.shape_cast %get3A_946 : vector<1x16xf32> to vector<16xf32>
          %add3A_948 = arith.addf %select_n3A_822, %get3A_947 : vector<16xf32>
          %select_n3A_949 = arith.select %ne3A_909, %get3A_943, %add3A_948 : vector<16xf32>
          %get3A_950 = arith.index_cast %add3A_908 : i32 to index
          %get3A_951 = arith.constant 64 : index
          %get3A_952 = tpu.vector_load %arg5[%get3A_950, %get3A_951] {strides = array<i32>} : memref<128x128xf32, #tpu.memory_space<vmem>>, vector<1x16xf32>,
          %get3A_953 = vector.shape_cast %get3A_952 : vector<1x16xf32> to vector<16xf32>
          %get3A_954 = arith.index_cast %add3A_908 : i32 to index
          %get3A_955 = arith.constant 64 : index
          %get3A_956 = tpu.vector_load %arg5[%get3A_954, %get3A_955] {strides = array<i32>} : memref<128x128xf32, #tpu.memory_space<vmem>>, vector<1x16xf32>,
          %get3A_957 = vector.shape_cast %get3A_956 : vector<1x16xf32> to vector<16xf32>
          %add3A_958 = arith.addf %select_n3A_832, %get3A_957 : vector<16xf32>
          %select_n3A_959 = arith.select %ne3A_909, %get3A_953, %add3A_958 : vector<16xf32>
          %get3A_960 = arith.index_cast %add3A_908 : i32 to index
          %get3A_961 = arith.constant 80 : index
          %get3A_962 = tpu.vector_load %arg5[%get3A_960, %get3A_961] {strides = array<i32>} : memref<128x128xf32, #tpu.memory_space<vmem>>, vector<1x16xf32>,
          %get3A_963 = vector.shape_cast %get3A_962 : vector<1x16xf32> to vector<16xf32>
          %get3A_964 = arith.index_cast %add3A_908 : i32 to index
          %get3A_965 = arith.constant 80 : index
          %get3A_966 = tpu.vector_load %arg5[%get3A_964, %get3A_965] {strides = array<i32>} : memref<128x128xf32, #tpu.memory_space<vmem>>, vector<1x16xf32>,
          %get3A_967 = vector.shape_cast %get3A_966 : vector<1x16xf32> to vector<16xf32>
          %add3A_968 = arith.addf %select_n3A_842, %get3A_967 : vector<16xf32>
          %select_n3A_969 = arith.select %ne3A_909, %get3A_963, %add3A_968 : vector<16xf32>
          %get3A_970 = arith.index_cast %add3A_908 : i32 to index
          %get3A_971 = arith.constant 96 : index
          %get3A_972 = tpu.vector_load %arg5[%get3A_970, %get3A_971] {strides = array<i32>} : memref<128x128xf32, #tpu.memory_space<vmem>>, vector<1x16xf32>,
          %get3A_973 = vector.shape_cast %get3A_972 : vector<1x16xf32> to vector<16xf32>
          %get3A_974 = arith.index_cast %add3A_908 : i32 to index
          %get3A_975 = arith.constant 96 : index
          %get3A_976 = tpu.vector_load %arg5[%get3A_974, %get3A_975] {strides = array<i32>} : memref<128x128xf32, #tpu.memory_space<vmem>>, vector<1x16xf32>,
          %get3A_977 = vector.shape_cast %get3A_976 : vector<1x16xf32> to vector<16xf32>
          %add3A_978 = arith.addf %select_n3A_852, %get3A_977 : vector<16xf32>
          %select_n3A_979 = arith.select %ne3A_909, %get3A_973, %add3A_978 : vector<16xf32>
          %get3A_980 = arith.index_cast %add3A_908 : i32 to index
          %get3A_981 = arith.constant 112 : index
          %get3A_982 = tpu.vector_load %arg5[%get3A_980, %get3A_981] {strides = array<i32>} : memref<128x128xf32, #tpu.memory_space<vmem>>, vector<1x16xf32>,
          %get3A_983 = vector.shape_cast %get3A_982 : vector<1x16xf32> to vector<16xf32>
          %get3A_984 = arith.index_cast %add3A_908 : i32 to index
          %get3A_985 = arith.constant 112 : index
          %get3A_986 = tpu.vector_load %arg5[%get3A_984, %get3A_985] {strides = array<i32>} : memref<128x128xf32, #tpu.memory_space<vmem>>, vector<1x16xf32>,
          %get3A_987 = vector.shape_cast %get3A_986 : vector<1x16xf32> to vector<16xf32>
          %add3A_988 = arith.addf %select_n3A_862, %get3A_987 : vector<16xf32>
          %select_n3A_989 = arith.select %ne3A_909, %get3A_983, %add3A_988 : vector<16xf32>
          %swap3A_990 = arith.index_cast %squeeze3A_904 : i32 to index
          %swap3A_991 = arith.constant 0 : index
          %swap3A_992 = tpu.vector_load %arg7[%swap3A_990, %swap3A_991] {strides = array<i32>} : memref<256x128xf32, #tpu.memory_space<vmem>>, vector<1x16xf32>,
          %swap3A_993 = vector.shape_cast %swap3A_992 : vector<1x16xf32> to vector<16xf32>
          %swap3A_994 = vector.shape_cast %select_n3A_919 : vector<16xf32> to vector<1x16xf32>
          tpu.vector_store %arg7[%swap3A_990, %swap3A_991], %swap3A_994 {strides = array<i32>} : memref<256x128xf32, #tpu.memory_space<vmem>>, vector<1x16xf32>,
          %swap3A_995 = arith.index_cast %squeeze3A_904 : i32 to index
          %swap3A_996 = arith.constant 16 : index
          %swap3A_997 = tpu.vector_load %arg7[%swap3A_995, %swap3A_996] {strides = array<i32>} : memref<256x128xf32, #tpu.memory_space<vmem>>, vector<1x16xf32>,
          %swap3A_998 = vector.shape_cast %swap3A_997 : vector<1x16xf32> to vector<16xf32>
          %swap3A_999 = vector.shape_cast %select_n3A_929 : vector<16xf32> to vector<1x16xf32>
          tpu.vector_store %arg7[%swap3A_995, %swap3A_996], %swap3A_999 {strides = array<i32>} : memref<256x128xf32, #tpu.memory_space<vmem>>, vector<1x16xf32>,
          %swap3A_1000 = arith.index_cast %squeeze3A_904 : i32 to index
          %swap3A_1001 = arith.constant 32 : index
          %swap3A_1002 = tpu.vector_load %arg7[%swap3A_1000, %swap3A_1001] {strides = array<i32>} : memref<256x128xf32, #tpu.memory_space<vmem>>, vector<1x16xf32>,
          %swap3A_1003 = vector.shape_cast %swap3A_1002 : vector<1x16xf32> to vector<16xf32>
          %swap3A_1004 = vector.shape_cast %select_n3A_939 : vector<16xf32> to vector<1x16xf32>
          tpu.vector_store %arg7[%swap3A_1000, %swap3A_1001], %swap3A_1004 {strides = array<i32>} : memref<256x128xf32, #tpu.memory_space<vmem>>, vector<1x16xf32>,
          %swap3A_1005 = arith.index_cast %squeeze3A_904 : i32 to index
          %swap3A_1006 = arith.constant 48 : index
          %swap3A_1007 = tpu.vector_load %arg7[%swap3A_1005, %swap3A_1006] {strides = array<i32>} : memref<256x128xf32, #tpu.memory_space<vmem>>, vector<1x16xf32>,
          %swap3A_1008 = vector.shape_cast %swap3A_1007 : vector<1x16xf32> to vector<16xf32>
          %swap3A_1009 = vector.shape_cast %select_n3A_949 : vector<16xf32> to vector<1x16xf32>
          tpu.vector_store %arg7[%swap3A_1005, %swap3A_1006], %swap3A_1009 {strides = array<i32>} : memref<256x128xf32, #tpu.memory_space<vmem>>, vector<1x16xf32>,
          %swap3A_1010 = arith.index_cast %squeeze3A_904 : i32 to index
          %swap3A_1011 = arith.constant 64 : index
          %swap3A_1012 = tpu.vector_load %arg7[%swap3A_1010, %swap3A_1011] {strides = array<i32>} : memref<256x128xf32, #tpu.memory_space<vmem>>, vector<1x16xf32>,
          %swap3A_1013 = vector.shape_cast %swap3A_1012 : vector<1x16xf32> to vector<16xf32>
          %swap3A_1014 = vector.shape_cast %select_n3A_959 : vector<16xf32> to vector<1x16xf32>
          tpu.vector_store %arg7[%swap3A_1010, %swap3A_1011], %swap3A_1014 {strides = array<i32>} : memref<256x128xf32, #tpu.memory_space<vmem>>, vector<1x16xf32>,
          %swap3A_1015 = arith.index_cast %squeeze3A_904 : i32 to index
          %swap3A_1016 = arith.constant 80 : index
          %swap3A_1017 = tpu.vector_load %arg7[%swap3A_1015, %swap3A_1016] {strides = array<i32>} : memref<256x128xf32, #tpu.memory_space<vmem>>, vector<1x16xf32>,
          %swap3A_1018 = vector.shape_cast %swap3A_1017 : vector<1x16xf32> to vector<16xf32>
          %swap3A_1019 = vector.shape_cast %select_n3A_969 : vector<16xf32> to vector<1x16xf32>
          tpu.vector_store %arg7[%swap3A_1015, %swap3A_1016], %swap3A_1019 {strides = array<i32>} : memref<256x128xf32, #tpu.memory_space<vmem>>, vector<1x16xf32>,
          %swap3A_1020 = arith.index_cast %squeeze3A_904 : i32 to index
          %swap3A_1021 = arith.constant 96 : index
          %swap3A_1022 = tpu.vector_load %arg7[%swap3A_1020, %swap3A_1021] {strides = array<i32>} : memref<256x128xf32, #tpu.memory_space<vmem>>, vector<1x16xf32>,
          %swap3A_1023 = vector.shape_cast %swap3A_1022 : vector<1x16xf32> to vector<16xf32>
          %swap3A_1024 = vector.shape_cast %select_n3A_979 : vector<16xf32> to vector<1x16xf32>
          tpu.vector_store %arg7[%swap3A_1020, %swap3A_1021], %swap3A_1024 {strides = array<i32>} : memref<256x128xf32, #tpu.memory_space<vmem>>, vector<1x16xf32>,
          %swap3A_1025 = arith.index_cast %squeeze3A_904 : i32 to index
          %swap3A_1026 = arith.constant 112 : index
          %swap3A_1027 = tpu.vector_load %arg7[%swap3A_1025, %swap3A_1026] {strides = array<i32>} : memref<256x128xf32, #tpu.memory_space<vmem>>, vector<1x16xf32>,
          %swap3A_1028 = vector.shape_cast %swap3A_1027 : vector<1x16xf32> to vector<16xf32>
          %swap3A_1029 = vector.shape_cast %select_n3A_989 : vector<16xf32> to vector<1x16xf32>
          tpu.vector_store %arg7[%swap3A_1025, %swap3A_1026], %swap3A_1029 {strides = array<i32>} : memref<256x128xf32, #tpu.memory_space<vmem>>, vector<1x16xf32>,
          %slice3A_1030 = vector.extract_strided_slice %get3A_143 {offsets = [7], sizes = [1], strides = [1]} : vector<16xi32> to vector<1xi32>
          %squeeze3A_1031 = vector.extract %slice3A_1030[0] : i32 from vector<1xi32>
          %mul3A_1032 = arith.constant 16 : i32
          %mul3A_1033 = arith.muli %scan3A_127, %mul3A_1032 : i32
          %add3A_1034 = arith.constant 7 : i32
          %add3A_1035 = arith.addi %mul3A_1033, %add3A_1034 : i32
          %ne3A_1036 = arith.cmpi ne, %squeeze3A_1031, %squeeze3A_904 : i32
          %get3A_1037 = arith.index_cast %add3A_1035 : i32 to index
          %get3A_1038 = arith.constant 0 : index
          %get3A_1039 = tpu.vector_load %arg5[%get3A_1037, %get3A_1038] {strides = array<i32>} : memref<128x128xf32, #tpu.memory_space<vmem>>, vector<1x16xf32>,
          %get3A_1040 = vector.shape_cast %get3A_1039 : vector<1x16xf32> to vector<16xf32>
          %get3A_1041 = arith.index_cast %add3A_1035 : i32 to index
          %get3A_1042 = arith.constant 0 : index
          %get3A_1043 = tpu.vector_load %arg5[%get3A_1041, %get3A_1042] {strides = array<i32>} : memref<128x128xf32, #tpu.memory_space<vmem>>, vector<1x16xf32>,
          %get3A_1044 = vector.shape_cast %get3A_1043 : vector<1x16xf32> to vector<16xf32>
          %add3A_1045 = arith.addf %select_n3A_919, %get3A_1044 : vector<16xf32>
          %select_n3A_1046 = arith.select %ne3A_1036, %get3A_1040, %add3A_1045 : vector<16xf32>
          %get3A_1047 = arith.index_cast %add3A_1035 : i32 to index
          %get3A_1048 = arith.constant 16 : index
          %get3A_1049 = tpu.vector_load %arg5[%get3A_1047, %get3A_1048] {strides = array<i32>} : memref<128x128xf32, #tpu.memory_space<vmem>>, vector<1x16xf32>,
          %get3A_1050 = vector.shape_cast %get3A_1049 : vector<1x16xf32> to vector<16xf32>
          %get3A_1051 = arith.index_cast %add3A_1035 : i32 to index
          %get3A_1052 = arith.constant 16 : index
          %get3A_1053 = tpu.vector_load %arg5[%get3A_1051, %get3A_1052] {strides = array<i32>} : memref<128x128xf32, #tpu.memory_space<vmem>>, vector<1x16xf32>,
          %get3A_1054 = vector.shape_cast %get3A_1053 : vector<1x16xf32> to vector<16xf32>
          %add3A_1055 = arith.addf %select_n3A_929, %get3A_1054 : vector<16xf32>
          %select_n3A_1056 = arith.select %ne3A_1036, %get3A_1050, %add3A_1055 : vector<16xf32>
          %get3A_1057 = arith.index_cast %add3A_1035 : i32 to index
          %get3A_1058 = arith.constant 32 : index
          %get3A_1059 = tpu.vector_load %arg5[%get3A_1057, %get3A_1058] {strides = array<i32>} : memref<128x128xf32, #tpu.memory_space<vmem>>, vector<1x16xf32>,
          %get3A_1060 = vector.shape_cast %get3A_1059 : vector<1x16xf32> to vector<16xf32>
          %get3A_1061 = arith.index_cast %add3A_1035 : i32 to index
          %get3A_1062 = arith.constant 32 : index
          %get3A_1063 = tpu.vector_load %arg5[%get3A_1061, %get3A_1062] {strides = array<i32>} : memref<128x128xf32, #tpu.memory_space<vmem>>, vector<1x16xf32>,
          %get3A_1064 = vector.shape_cast %get3A_1063 : vector<1x16xf32> to vector<16xf32>
          %add3A_1065 = arith.addf %select_n3A_939, %get3A_1064 : vector<16xf32>
          %select_n3A_1066 = arith.select %ne3A_1036, %get3A_1060, %add3A_1065 : vector<16xf32>
          %get3A_1067 = arith.index_cast %add3A_1035 : i32 to index
          %get3A_1068 = arith.constant 48 : index
          %get3A_1069 = tpu.vector_load %arg5[%get3A_1067, %get3A_1068] {strides = array<i32>} : memref<128x128xf32, #tpu.memory_space<vmem>>, vector<1x16xf32>,
          %get3A_1070 = vector.shape_cast %get3A_1069 : vector<1x16xf32> to vector<16xf32>
          %get3A_1071 = arith.index_cast %add3A_1035 : i32 to index
          %get3A_1072 = arith.constant 48 : index
          %get3A_1073 = tpu.vector_load %arg5[%get3A_1071, %get3A_1072] {strides = array<i32>} : memref<128x128xf32, #tpu.memory_space<vmem>>, vector<1x16xf32>,
          %get3A_1074 = vector.shape_cast %get3A_1073 : vector<1x16xf32> to vector<16xf32>
          %add3A_1075 = arith.addf %select_n3A_949, %get3A_1074 : vector<16xf32>
          %select_n3A_1076 = arith.select %ne3A_1036, %get3A_1070, %add3A_1075 : vector<16xf32>
          %get3A_1077 = arith.index_cast %add3A_1035 : i32 to index
          %get3A_1078 = arith.constant 64 : index
          %get3A_1079 = tpu.vector_load %arg5[%get3A_1077, %get3A_1078] {strides = array<i32>} : memref<128x128xf32, #tpu.memory_space<vmem>>, vector<1x16xf32>,
          %get3A_1080 = vector.shape_cast %get3A_1079 : vector<1x16xf32> to vector<16xf32>
          %get3A_1081 = arith.index_cast %add3A_1035 : i32 to index
          %get3A_1082 = arith.constant 64 : index
          %get3A_1083 = tpu.vector_load %arg5[%get3A_1081, %get3A_1082] {strides = array<i32>} : memref<128x128xf32, #tpu.memory_space<vmem>>, vector<1x16xf32>,
          %get3A_1084 = vector.shape_cast %get3A_1083 : vector<1x16xf32> to vector<16xf32>
          %add3A_1085 = arith.addf %select_n3A_959, %get3A_1084 : vector<16xf32>
          %select_n3A_1086 = arith.select %ne3A_1036, %get3A_1080, %add3A_1085 : vector<16xf32>
          %get3A_1087 = arith.index_cast %add3A_1035 : i32 to index
          %get3A_1088 = arith.constant 80 : index
          %get3A_1089 = tpu.vector_load %arg5[%get3A_1087, %get3A_1088] {strides = array<i32>} : memref<128x128xf32, #tpu.memory_space<vmem>>, vector<1x16xf32>,
          %get3A_1090 = vector.shape_cast %get3A_1089 : vector<1x16xf32> to vector<16xf32>
          %get3A_1091 = arith.index_cast %add3A_1035 : i32 to index
          %get3A_1092 = arith.constant 80 : index
          %get3A_1093 = tpu.vector_load %arg5[%get3A_1091, %get3A_1092] {strides = array<i32>} : memref<128x128xf32, #tpu.memory_space<vmem>>, vector<1x16xf32>,
          %get3A_1094 = vector.shape_cast %get3A_1093 : vector<1x16xf32> to vector<16xf32>
          %add3A_1095 = arith.addf %select_n3A_969, %get3A_1094 : vector<16xf32>
          %select_n3A_1096 = arith.select %ne3A_1036, %get3A_1090, %add3A_1095 : vector<16xf32>
          %get3A_1097 = arith.index_cast %add3A_1035 : i32 to index
          %get3A_1098 = arith.constant 96 : index
          %get3A_1099 = tpu.vector_load %arg5[%get3A_1097, %get3A_1098] {strides = array<i32>} : memref<128x128xf32, #tpu.memory_space<vmem>>, vector<1x16xf32>,
          %get3A_1100 = vector.shape_cast %get3A_1099 : vector<1x16xf32> to vector<16xf32>
          %get3A_1101 = arith.index_cast %add3A_1035 : i32 to index
          %get3A_1102 = arith.constant 96 : index
          %get3A_1103 = tpu.vector_load %arg5[%get3A_1101, %get3A_1102] {strides = array<i32>} : memref<128x128xf32, #tpu.memory_space<vmem>>, vector<1x16xf32>,
          %get3A_1104 = vector.shape_cast %get3A_1103 : vector<1x16xf32> to vector<16xf32>
          %add3A_1105 = arith.addf %select_n3A_979, %get3A_1104 : vector<16xf32>
          %select_n3A_1106 = arith.select %ne3A_1036, %get3A_1100, %add3A_1105 : vector<16xf32>
          %get3A_1107 = arith.index_cast %add3A_1035 : i32 to index
          %get3A_1108 = arith.constant 112 : index
          %get3A_1109 = tpu.vector_load %arg5[%get3A_1107, %get3A_1108] {strides = array<i32>} : memref<128x128xf32, #tpu.memory_space<vmem>>, vector<1x16xf32>,
          %get3A_1110 = vector.shape_cast %get3A_1109 : vector<1x16xf32> to vector<16xf32>
          %get3A_1111 = arith.index_cast %add3A_1035 : i32 to index
          %get3A_1112 = arith.constant 112 : index
          %get3A_1113 = tpu.vector_load %arg5[%get3A_1111, %get3A_1112] {strides = array<i32>} : memref<128x128xf32, #tpu.memory_space<vmem>>, vector<1x16xf32>,
          %get3A_1114 = vector.shape_cast %get3A_1113 : vector<1x16xf32> to vector<16xf32>
          %add3A_1115 = arith.addf %select_n3A_989, %get3A_1114 : vector<16xf32>
          %select_n3A_1116 = arith.select %ne3A_1036, %get3A_1110, %add3A_1115 : vector<16xf32>
          %swap3A_1117 = arith.index_cast %squeeze3A_1031 : i32 to index
          %swap3A_1118 = arith.constant 0 : index
          %swap3A_1119 = tpu.vector_load %arg7[%swap3A_1117, %swap3A_1118] {strides = array<i32>} : memref<256x128xf32, #tpu.memory_space<vmem>>, vector<1x16xf32>,
          %swap3A_1120 = vector.shape_cast %swap3A_1119 : vector<1x16xf32> to vector<16xf32>
          %swap3A_1121 = vector.shape_cast %select_n3A_1046 : vector<16xf32> to vector<1x16xf32>
          tpu.vector_store %arg7[%swap3A_1117, %swap3A_1118], %swap3A_1121 {strides = array<i32>} : memref<256x128xf32, #tpu.memory_space<vmem>>, vector<1x16xf32>,
          %swap3A_1122 = arith.index_cast %squeeze3A_1031 : i32 to index
          %swap3A_1123 = arith.constant 16 : index
          %swap3A_1124 = tpu.vector_load %arg7[%swap3A_1122, %swap3A_1123] {strides = array<i32>} : memref<256x128xf32, #tpu.memory_space<vmem>>, vector<1x16xf32>,
          %swap3A_1125 = vector.shape_cast %swap3A_1124 : vector<1x16xf32> to vector<16xf32>
          %swap3A_1126 = vector.shape_cast %select_n3A_1056 : vector<16xf32> to vector<1x16xf32>
          tpu.vector_store %arg7[%swap3A_1122, %swap3A_1123], %swap3A_1126 {strides = array<i32>} : memref<256x128xf32, #tpu.memory_space<vmem>>, vector<1x16xf32>,
          %swap3A_1127 = arith.index_cast %squeeze3A_1031 : i32 to index
          %swap3A_1128 = arith.constant 32 : index
          %swap3A_1129 = tpu.vector_load %arg7[%swap3A_1127, %swap3A_1128] {strides = array<i32>} : memref<256x128xf32, #tpu.memory_space<vmem>>, vector<1x16xf32>,
          %swap3A_1130 = vector.shape_cast %swap3A_1129 : vector<1x16xf32> to vector<16xf32>
          %swap3A_1131 = vector.shape_cast %select_n3A_1066 : vector<16xf32> to vector<1x16xf32>
          tpu.vector_store %arg7[%swap3A_1127, %swap3A_1128], %swap3A_1131 {strides = array<i32>} : memref<256x128xf32, #tpu.memory_space<vmem>>, vector<1x16xf32>,
          %swap3A_1132 = arith.index_cast %squeeze3A_1031 : i32 to index
          %swap3A_1133 = arith.constant 48 : index
          %swap3A_1134 = tpu.vector_load %arg7[%swap3A_1132, %swap3A_1133] {strides = array<i32>} : memref<256x128xf32, #tpu.memory_space<vmem>>, vector<1x16xf32>,
          %swap3A_1135 = vector.shape_cast %swap3A_1134 : vector<1x16xf32> to vector<16xf32>
          %swap3A_1136 = vector.shape_cast %select_n3A_1076 : vector<16xf32> to vector<1x16xf32>
          tpu.vector_store %arg7[%swap3A_1132, %swap3A_1133], %swap3A_1136 {strides = array<i32>} : memref<256x128xf32, #tpu.memory_space<vmem>>, vector<1x16xf32>,
          %swap3A_1137 = arith.index_cast %squeeze3A_1031 : i32 to index
          %swap3A_1138 = arith.constant 64 : index
          %swap3A_1139 = tpu.vector_load %arg7[%swap3A_1137, %swap3A_1138] {strides = array<i32>} : memref<256x128xf32, #tpu.memory_space<vmem>>, vector<1x16xf32>,
          %swap3A_1140 = vector.shape_cast %swap3A_1139 : vector<1x16xf32> to vector<16xf32>
          %swap3A_1141 = vector.shape_cast %select_n3A_1086 : vector<16xf32> to vector<1x16xf32>
          tpu.vector_store %arg7[%swap3A_1137, %swap3A_1138], %swap3A_1141 {strides = array<i32>} : memref<256x128xf32, #tpu.memory_space<vmem>>, vector<1x16xf32>,
          %swap3A_1142 = arith.index_cast %squeeze3A_1031 : i32 to index
          %swap3A_1143 = arith.constant 80 : index
          %swap3A_1144 = tpu.vector_load %arg7[%swap3A_1142, %swap3A_1143] {strides = array<i32>} : memref<256x128xf32, #tpu.memory_space<vmem>>, vector<1x16xf32>,
          %swap3A_1145 = vector.shape_cast %swap3A_1144 : vector<1x16xf32> to vector<16xf32>
          %swap3A_1146 = vector.shape_cast %select_n3A_1096 : vector<16xf32> to vector<1x16xf32>
          tpu.vector_store %arg7[%swap3A_1142, %swap3A_1143], %swap3A_1146 {strides = array<i32>} : memref<256x128xf32, #tpu.memory_space<vmem>>, vector<1x16xf32>,
          %swap3A_1147 = arith.index_cast %squeeze3A_1031 : i32 to index
          %swap3A_1148 = arith.constant 96 : index
          %swap3A_1149 = tpu.vector_load %arg7[%swap3A_1147, %swap3A_1148] {strides = array<i32>} : memref<256x128xf32, #tpu.memory_space<vmem>>, vector<1x16xf32>,
          %swap3A_1150 = vector.shape_cast %swap3A_1149 : vector<1x16xf32> to vector<16xf32>
          %swap3A_1151 = vector.shape_cast %select_n3A_1106 : vector<16xf32> to vector<1x16xf32>
          tpu.vector_store %arg7[%swap3A_1147, %swap3A_1148], %swap3A_1151 {strides = array<i32>} : memref<256x128xf32, #tpu.memory_space<vmem>>, vector<1x16xf32>,
          %swap3A_1152 = arith.index_cast %squeeze3A_1031 : i32 to index
          %swap3A_1153 = arith.constant 112 : index
          %swap3A_1154 = tpu.vector_load %arg7[%swap3A_1152, %swap3A_1153] {strides = array<i32>} : memref<256x128xf32, #tpu.memory_space<vmem>>, vector<1x16xf32>,
          %swap3A_1155 = vector.shape_cast %swap3A_1154 : vector<1x16xf32> to vector<16xf32>
          %swap3A_1156 = vector.shape_cast %select_n3A_1116 : vector<16xf32> to vector<1x16xf32>
          tpu.vector_store %arg7[%swap3A_1152, %swap3A_1153], %swap3A_1156 {strides = array<i32>} : memref<256x128xf32, #tpu.memory_space<vmem>>, vector<1x16xf32>,
          %slice3A_1157 = vector.extract_strided_slice %get3A_143 {offsets = [8], sizes = [1], strides = [1]} : vector<16xi32> to vector<1xi32>
          %squeeze3A_1158 = vector.extract %slice3A_1157[0] : i32 from vector<1xi32>
          %mul3A_1159 = arith.constant 16 : i32
          %mul3A_1160 = arith.muli %scan3A_127, %mul3A_1159 : i32
          %add3A_1161 = arith.constant 8 : i32
          %add3A_1162 = arith.addi %mul3A_1160, %add3A_1161 : i32
          %ne3A_1163 = arith.cmpi ne, %squeeze3A_1158, %squeeze3A_1031 : i32
          %get3A_1164 = arith.index_cast %add3A_1162 : i32 to index
          %get3A_1165 = arith.constant 0 : index
          %get3A_1166 = tpu.vector_load %arg5[%get3A_1164, %get3A_1165] {strides = array<i32>} : memref<128x128xf32, #tpu.memory_space<vmem>>, vector<1x16xf32>,
          %get3A_1167 = vector.shape_cast %get3A_1166 : vector<1x16xf32> to vector<16xf32>
          %get3A_1168 = arith.index_cast %add3A_1162 : i32 to index
          %get3A_1169 = arith.constant 0 : index
          %get3A_1170 = tpu.vector_load %arg5[%get3A_1168, %get3A_1169] {strides = array<i32>} : memref<128x128xf32, #tpu.memory_space<vmem>>, vector<1x16xf32>,
          %get3A_1171 = vector.shape_cast %get3A_1170 : vector<1x16xf32> to vector<16xf32>
          %add3A_1172 = arith.addf %select_n3A_1046, %get3A_1171 : vector<16xf32>
          %select_n3A_1173 = arith.select %ne3A_1163, %get3A_1167, %add3A_1172 : vector<16xf32>
          %get3A_1174 = arith.index_cast %add3A_1162 : i32 to index
          %get3A_1175 = arith.constant 16 : index
          %get3A_1176 = tpu.vector_load %arg5[%get3A_1174, %get3A_1175] {strides = array<i32>} : memref<128x128xf32, #tpu.memory_space<vmem>>, vector<1x16xf32>,
          %get3A_1177 = vector.shape_cast %get3A_1176 : vector<1x16xf32> to vector<16xf32>
          %get3A_1178 = arith.index_cast %add3A_1162 : i32 to index
          %get3A_1179 = arith.constant 16 : index
          %get3A_1180 = tpu.vector_load %arg5[%get3A_1178, %get3A_1179] {strides = array<i32>} : memref<128x128xf32, #tpu.memory_space<vmem>>, vector<1x16xf32>,
          %get3A_1181 = vector.shape_cast %get3A_1180 : vector<1x16xf32> to vector<16xf32>
          %add3A_1182 = arith.addf %select_n3A_1056, %get3A_1181 : vector<16xf32>
          %select_n3A_1183 = arith.select %ne3A_1163, %get3A_1177, %add3A_1182 : vector<16xf32>
          %get3A_1184 = arith.index_cast %add3A_1162 : i32 to index
          %get3A_1185 = arith.constant 32 : index
          %get3A_1186 = tpu.vector_load %arg5[%get3A_1184, %get3A_1185] {strides = array<i32>} : memref<128x128xf32, #tpu.memory_space<vmem>>, vector<1x16xf32>,
          %get3A_1187 = vector.shape_cast %get3A_1186 : vector<1x16xf32> to vector<16xf32>
          %get3A_1188 = arith.index_cast %add3A_1162 : i32 to index
          %get3A_1189 = arith.constant 32 : index
          %get3A_1190 = tpu.vector_load %arg5[%get3A_1188, %get3A_1189] {strides = array<i32>} : memref<128x128xf32, #tpu.memory_space<vmem>>, vector<1x16xf32>,
          %get3A_1191 = vector.shape_cast %get3A_1190 : vector<1x16xf32> to vector<16xf32>
          %add3A_1192 = arith.addf %select_n3A_1066, %get3A_1191 : vector<16xf32>
          %select_n3A_1193 = arith.select %ne3A_1163, %get3A_1187, %add3A_1192 : vector<16xf32>
          %get3A_1194 = arith.index_cast %add3A_1162 : i32 to index
          %get3A_1195 = arith.constant 48 : index
          %get3A_1196 = tpu.vector_load %arg5[%get3A_1194, %get3A_1195] {strides = array<i32>} : memref<128x128xf32, #tpu.memory_space<vmem>>, vector<1x16xf32>,
          %get3A_1197 = vector.shape_cast %get3A_1196 : vector<1x16xf32> to vector<16xf32>
          %get3A_1198 = arith.index_cast %add3A_1162 : i32 to index
          %get3A_1199 = arith.constant 48 : index
          %get3A_1200 = tpu.vector_load %arg5[%get3A_1198, %get3A_1199] {strides = array<i32>} : memref<128x128xf32, #tpu.memory_space<vmem>>, vector<1x16xf32>,
          %get3A_1201 = vector.shape_cast %get3A_1200 : vector<1x16xf32> to vector<16xf32>
          %add3A_1202 = arith.addf %select_n3A_1076, %get3A_1201 : vector<16xf32>
          %select_n3A_1203 = arith.select %ne3A_1163, %get3A_1197, %add3A_1202 : vector<16xf32>
          %get3A_1204 = arith.index_cast %add3A_1162 : i32 to index
          %get3A_1205 = arith.constant 64 : index
          %get3A_1206 = tpu.vector_load %arg5[%get3A_1204, %get3A_1205] {strides = array<i32>} : memref<128x128xf32, #tpu.memory_space<vmem>>, vector<1x16xf32>,
          %get3A_1207 = vector.shape_cast %get3A_1206 : vector<1x16xf32> to vector<16xf32>
          %get3A_1208 = arith.index_cast %add3A_1162 : i32 to index
          %get3A_1209 = arith.constant 64 : index
          %get3A_1210 = tpu.vector_load %arg5[%get3A_1208, %get3A_1209] {strides = array<i32>} : memref<128x128xf32, #tpu.memory_space<vmem>>, vector<1x16xf32>,
          %get3A_1211 = vector.shape_cast %get3A_1210 : vector<1x16xf32> to vector<16xf32>
          %add3A_1212 = arith.addf %select_n3A_1086, %get3A_1211 : vector<16xf32>
          %select_n3A_1213 = arith.select %ne3A_1163, %get3A_1207, %add3A_1212 : vector<16xf32>
          %get3A_1214 = arith.index_cast %add3A_1162 : i32 to index
          %get3A_1215 = arith.constant 80 : index
          %get3A_1216 = tpu.vector_load %arg5[%get3A_1214, %get3A_1215] {strides = array<i32>} : memref<128x128xf32, #tpu.memory_space<vmem>>, vector<1x16xf32>,
          %get3A_1217 = vector.shape_cast %get3A_1216 : vector<1x16xf32> to vector<16xf32>
          %get3A_1218 = arith.index_cast %add3A_1162 : i32 to index
          %get3A_1219 = arith.constant 80 : index
          %get3A_1220 = tpu.vector_load %arg5[%get3A_1218, %get3A_1219] {strides = array<i32>} : memref<128x128xf32, #tpu.memory_space<vmem>>, vector<1x16xf32>,
          %get3A_1221 = vector.shape_cast %get3A_1220 : vector<1x16xf32> to vector<16xf32>
          %add3A_1222 = arith.addf %select_n3A_1096, %get3A_1221 : vector<16xf32>
          %select_n3A_1223 = arith.select %ne3A_1163, %get3A_1217, %add3A_1222 : vector<16xf32>
          %get3A_1224 = arith.index_cast %add3A_1162 : i32 to index
          %get3A_1225 = arith.constant 96 : index
          %get3A_1226 = tpu.vector_load %arg5[%get3A_1224, %get3A_1225] {strides = array<i32>} : memref<128x128xf32, #tpu.memory_space<vmem>>, vector<1x16xf32>,
          %get3A_1227 = vector.shape_cast %get3A_1226 : vector<1x16xf32> to vector<16xf32>
          %get3A_1228 = arith.index_cast %add3A_1162 : i32 to index
          %get3A_1229 = arith.constant 96 : index
          %get3A_1230 = tpu.vector_load %arg5[%get3A_1228, %get3A_1229] {strides = array<i32>} : memref<128x128xf32, #tpu.memory_space<vmem>>, vector<1x16xf32>,
          %get3A_1231 = vector.shape_cast %get3A_1230 : vector<1x16xf32> to vector<16xf32>
          %add3A_1232 = arith.addf %select_n3A_1106, %get3A_1231 : vector<16xf32>
          %select_n3A_1233 = arith.select %ne3A_1163, %get3A_1227, %add3A_1232 : vector<16xf32>
          %get3A_1234 = arith.index_cast %add3A_1162 : i32 to index
          %get3A_1235 = arith.constant 112 : index
          %get3A_1236 = tpu.vector_load %arg5[%get3A_1234, %get3A_1235] {strides = array<i32>} : memref<128x128xf32, #tpu.memory_space<vmem>>, vector<1x16xf32>,
          %get3A_1237 = vector.shape_cast %get3A_1236 : vector<1x16xf32> to vector<16xf32>
          %get3A_1238 = arith.index_cast %add3A_1162 : i32 to index
          %get3A_1239 = arith.constant 112 : index
          %get3A_1240 = tpu.vector_load %arg5[%get3A_1238, %get3A_1239] {strides = array<i32>} : memref<128x128xf32, #tpu.memory_space<vmem>>, vector<1x16xf32>,
          %get3A_1241 = vector.shape_cast %get3A_1240 : vector<1x16xf32> to vector<16xf32>
          %add3A_1242 = arith.addf %select_n3A_1116, %get3A_1241 : vector<16xf32>
          %select_n3A_1243 = arith.select %ne3A_1163, %get3A_1237, %add3A_1242 : vector<16xf32>
          %swap3A_1244 = arith.index_cast %squeeze3A_1158 : i32 to index
          %swap3A_1245 = arith.constant 0 : index
          %swap3A_1246 = tpu.vector_load %arg7[%swap3A_1244, %swap3A_1245] {strides = array<i32>} : memref<256x128xf32, #tpu.memory_space<vmem>>, vector<1x16xf32>,
          %swap3A_1247 = vector.shape_cast %swap3A_1246 : vector<1x16xf32> to vector<16xf32>
          %swap3A_1248 = vector.shape_cast %select_n3A_1173 : vector<16xf32> to vector<1x16xf32>
          tpu.vector_store %arg7[%swap3A_1244, %swap3A_1245], %swap3A_1248 {strides = array<i32>} : memref<256x128xf32, #tpu.memory_space<vmem>>, vector<1x16xf32>,
          %swap3A_1249 = arith.index_cast %squeeze3A_1158 : i32 to index
          %swap3A_1250 = arith.constant 16 : index
          %swap3A_1251 = tpu.vector_load %arg7[%swap3A_1249, %swap3A_1250] {strides = array<i32>} : memref<256x128xf32, #tpu.memory_space<vmem>>, vector<1x16xf32>,
          %swap3A_1252 = vector.shape_cast %swap3A_1251 : vector<1x16xf32> to vector<16xf32>
          %swap3A_1253 = vector.shape_cast %select_n3A_1183 : vector<16xf32> to vector<1x16xf32>
          tpu.vector_store %arg7[%swap3A_1249, %swap3A_1250], %swap3A_1253 {strides = array<i32>} : memref<256x128xf32, #tpu.memory_space<vmem>>, vector<1x16xf32>,
          %swap3A_1254 = arith.index_cast %squeeze3A_1158 : i32 to index
          %swap3A_1255 = arith.constant 32 : index
          %swap3A_1256 = tpu.vector_load %arg7[%swap3A_1254, %swap3A_1255] {strides = array<i32>} : memref<256x128xf32, #tpu.memory_space<vmem>>, vector<1x16xf32>,
          %swap3A_1257 = vector.shape_cast %swap3A_1256 : vector<1x16xf32> to vector<16xf32>
          %swap3A_1258 = vector.shape_cast %select_n3A_1193 : vector<16xf32> to vector<1x16xf32>
          tpu.vector_store %arg7[%swap3A_1254, %swap3A_1255], %swap3A_1258 {strides = array<i32>} : memref<256x128xf32, #tpu.memory_space<vmem>>, vector<1x16xf32>,
          %swap3A_1259 = arith.index_cast %squeeze3A_1158 : i32 to index
          %swap3A_1260 = arith.constant 48 : index
          %swap3A_1261 = tpu.vector_load %arg7[%swap3A_1259, %swap3A_1260] {strides = array<i32>} : memref<256x128xf32, #tpu.memory_space<vmem>>, vector<1x16xf32>,
          %swap3A_1262 = vector.shape_cast %swap3A_1261 : vector<1x16xf32> to vector<16xf32>
          %swap3A_1263 = vector.shape_cast %select_n3A_1203 : vector<16xf32> to vector<1x16xf32>
          tpu.vector_store %arg7[%swap3A_1259, %swap3A_1260], %swap3A_1263 {strides = array<i32>} : memref<256x128xf32, #tpu.memory_space<vmem>>, vector<1x16xf32>,
          %swap3A_1264 = arith.index_cast %squeeze3A_1158 : i32 to index
          %swap3A_1265 = arith.constant 64 : index
          %swap3A_1266 = tpu.vector_load %arg7[%swap3A_1264, %swap3A_1265] {strides = array<i32>} : memref<256x128xf32, #tpu.memory_space<vmem>>, vector<1x16xf32>,
          %swap3A_1267 = vector.shape_cast %swap3A_1266 : vector<1x16xf32> to vector<16xf32>
          %swap3A_1268 = vector.shape_cast %select_n3A_1213 : vector<16xf32> to vector<1x16xf32>
          tpu.vector_store %arg7[%swap3A_1264, %swap3A_1265], %swap3A_1268 {strides = array<i32>} : memref<256x128xf32, #tpu.memory_space<vmem>>, vector<1x16xf32>,
          %swap3A_1269 = arith.index_cast %squeeze3A_1158 : i32 to index
          %swap3A_1270 = arith.constant 80 : index
          %swap3A_1271 = tpu.vector_load %arg7[%swap3A_1269, %swap3A_1270] {strides = array<i32>} : memref<256x128xf32, #tpu.memory_space<vmem>>, vector<1x16xf32>,
          %swap3A_1272 = vector.shape_cast %swap3A_1271 : vector<1x16xf32> to vector<16xf32>
          %swap3A_1273 = vector.shape_cast %select_n3A_1223 : vector<16xf32> to vector<1x16xf32>
          tpu.vector_store %arg7[%swap3A_1269, %swap3A_1270], %swap3A_1273 {strides = array<i32>} : memref<256x128xf32, #tpu.memory_space<vmem>>, vector<1x16xf32>,
          %swap3A_1274 = arith.index_cast %squeeze3A_1158 : i32 to index
          %swap3A_1275 = arith.constant 96 : index
          %swap3A_1276 = tpu.vector_load %arg7[%swap3A_1274, %swap3A_1275] {strides = array<i32>} : memref<256x128xf32, #tpu.memory_space<vmem>>, vector<1x16xf32>,
          %swap3A_1277 = vector.shape_cast %swap3A_1276 : vector<1x16xf32> to vector<16xf32>
          %swap3A_1278 = vector.shape_cast %select_n3A_1233 : vector<16xf32> to vector<1x16xf32>
          tpu.vector_store %arg7[%swap3A_1274, %swap3A_1275], %swap3A_1278 {strides = array<i32>} : memref<256x128xf32, #tpu.memory_space<vmem>>, vector<1x16xf32>,
          %swap3A_1279 = arith.index_cast %squeeze3A_1158 : i32 to index
          %swap3A_1280 = arith.constant 112 : index
          %swap3A_1281 = tpu.vector_load %arg7[%swap3A_1279, %swap3A_1280] {strides = array<i32>} : memref<256x128xf32, #tpu.memory_space<vmem>>, vector<1x16xf32>,
          %swap3A_1282 = vector.shape_cast %swap3A_1281 : vector<1x16xf32> to vector<16xf32>
          %swap3A_1283 = vector.shape_cast %select_n3A_1243 : vector<16xf32> to vector<1x16xf32>
          tpu.vector_store %arg7[%swap3A_1279, %swap3A_1280], %swap3A_1283 {strides = array<i32>} : memref<256x128xf32, #tpu.memory_space<vmem>>, vector<1x16xf32>,
          %slice3A_1284 = vector.extract_strided_slice %get3A_143 {offsets = [9], sizes = [1], strides = [1]} : vector<16xi32> to vector<1xi32>
          %squeeze3A_1285 = vector.extract %slice3A_1284[0] : i32 from vector<1xi32>
          %mul3A_1286 = arith.constant 16 : i32
          %mul3A_1287 = arith.muli %scan3A_127, %mul3A_1286 : i32
          %add3A_1288 = arith.constant 9 : i32
          %add3A_1289 = arith.addi %mul3A_1287, %add3A_1288 : i32
          %ne3A_1290 = arith.cmpi ne, %squeeze3A_1285, %squeeze3A_1158 : i32
          %get3A_1291 = arith.index_cast %add3A_1289 : i32 to index
          %get3A_1292 = arith.constant 0 : index
          %get3A_1293 = tpu.vector_load %arg5[%get3A_1291, %get3A_1292] {strides = array<i32>} : memref<128x128xf32, #tpu.memory_space<vmem>>, vector<1x16xf32>,
          %get3A_1294 = vector.shape_cast %get3A_1293 : vector<1x16xf32> to vector<16xf32>
          %get3A_1295 = arith.index_cast %add3A_1289 : i32 to index
          %get3A_1296 = arith.constant 0 : index
          %get3A_1297 = tpu.vector_load %arg5[%get3A_1295, %get3A_1296] {strides = array<i32>} : memref<128x128xf32, #tpu.memory_space<vmem>>, vector<1x16xf32>,
          %get3A_1298 = vector.shape_cast %get3A_1297 : vector<1x16xf32> to vector<16xf32>
          %add3A_1299 = arith.addf %select_n3A_1173, %get3A_1298 : vector<16xf32>
          %select_n3A_1300 = arith.select %ne3A_1290, %get3A_1294, %add3A_1299 : vector<16xf32>
          %get3A_1301 = arith.index_cast %add3A_1289 : i32 to index
          %get3A_1302 = arith.constant 16 : index
          %get3A_1303 = tpu.vector_load %arg5[%get3A_1301, %get3A_1302] {strides = array<i32>} : memref<128x128xf32, #tpu.memory_space<vmem>>, vector<1x16xf32>,
          %get3A_1304 = vector.shape_cast %get3A_1303 : vector<1x16xf32> to vector<16xf32>
          %get3A_1305 = arith.index_cast %add3A_1289 : i32 to index
          %get3A_1306 = arith.constant 16 : index
          %get3A_1307 = tpu.vector_load %arg5[%get3A_1305, %get3A_1306] {strides = array<i32>} : memref<128x128xf32, #tpu.memory_space<vmem>>, vector<1x16xf32>,
          %get3A_1308 = vector.shape_cast %get3A_1307 : vector<1x16xf32> to vector<16xf32>
          %add3A_1309 = arith.addf %select_n3A_1183, %get3A_1308 : vector<16xf32>
          %select_n3A_1310 = arith.select %ne3A_1290, %get3A_1304, %add3A_1309 : vector<16xf32>
          %get3A_1311 = arith.index_cast %add3A_1289 : i32 to index
          %get3A_1312 = arith.constant 32 : index
          %get3A_1313 = tpu.vector_load %arg5[%get3A_1311, %get3A_1312] {strides = array<i32>} : memref<128x128xf32, #tpu.memory_space<vmem>>, vector<1x16xf32>,
          %get3A_1314 = vector.shape_cast %get3A_1313 : vector<1x16xf32> to vector<16xf32>
          %get3A_1315 = arith.index_cast %add3A_1289 : i32 to index
          %get3A_1316 = arith.constant 32 : index
          %get3A_1317 = tpu.vector_load %arg5[%get3A_1315, %get3A_1316] {strides = array<i32>} : memref<128x128xf32, #tpu.memory_space<vmem>>, vector<1x16xf32>,
          %get3A_1318 = vector.shape_cast %get3A_1317 : vector<1x16xf32> to vector<16xf32>
          %add3A_1319 = arith.addf %select_n3A_1193, %get3A_1318 : vector<16xf32>
          %select_n3A_1320 = arith.select %ne3A_1290, %get3A_1314, %add3A_1319 : vector<16xf32>
          %get3A_1321 = arith.index_cast %add3A_1289 : i32 to index
          %get3A_1322 = arith.constant 48 : index
          %get3A_1323 = tpu.vector_load %arg5[%get3A_1321, %get3A_1322] {strides = array<i32>} : memref<128x128xf32, #tpu.memory_space<vmem>>, vector<1x16xf32>,
          %get3A_1324 = vector.shape_cast %get3A_1323 : vector<1x16xf32> to vector<16xf32>
          %get3A_1325 = arith.index_cast %add3A_1289 : i32 to index
          %get3A_1326 = arith.constant 48 : index
          %get3A_1327 = tpu.vector_load %arg5[%get3A_1325, %get3A_1326] {strides = array<i32>} : memref<128x128xf32, #tpu.memory_space<vmem>>, vector<1x16xf32>,
          %get3A_1328 = vector.shape_cast %get3A_1327 : vector<1x16xf32> to vector<16xf32>
          %add3A_1329 = arith.addf %select_n3A_1203, %get3A_1328 : vector<16xf32>
          %select_n3A_1330 = arith.select %ne3A_1290, %get3A_1324, %add3A_1329 : vector<16xf32>
          %get3A_1331 = arith.index_cast %add3A_1289 : i32 to index
          %get3A_1332 = arith.constant 64 : index
          %get3A_1333 = tpu.vector_load %arg5[%get3A_1331, %get3A_1332] {strides = array<i32>} : memref<128x128xf32, #tpu.memory_space<vmem>>, vector<1x16xf32>,
          %get3A_1334 = vector.shape_cast %get3A_1333 : vector<1x16xf32> to vector<16xf32>
          %get3A_1335 = arith.index_cast %add3A_1289 : i32 to index
          %get3A_1336 = arith.constant 64 : index
          %get3A_1337 = tpu.vector_load %arg5[%get3A_1335, %get3A_1336] {strides = array<i32>} : memref<128x128xf32, #tpu.memory_space<vmem>>, vector<1x16xf32>,
          %get3A_1338 = vector.shape_cast %get3A_1337 : vector<1x16xf32> to vector<16xf32>
          %add3A_1339 = arith.addf %select_n3A_1213, %get3A_1338 : vector<16xf32>
          %select_n3A_1340 = arith.select %ne3A_1290, %get3A_1334, %add3A_1339 : vector<16xf32>
          %get3A_1341 = arith.index_cast %add3A_1289 : i32 to index
          %get3A_1342 = arith.constant 80 : index
          %get3A_1343 = tpu.vector_load %arg5[%get3A_1341, %get3A_1342] {strides = array<i32>} : memref<128x128xf32, #tpu.memory_space<vmem>>, vector<1x16xf32>,
          %get3A_1344 = vector.shape_cast %get3A_1343 : vector<1x16xf32> to vector<16xf32>
          %get3A_1345 = arith.index_cast %add3A_1289 : i32 to index
          %get3A_1346 = arith.constant 80 : index
          %get3A_1347 = tpu.vector_load %arg5[%get3A_1345, %get3A_1346] {strides = array<i32>} : memref<128x128xf32, #tpu.memory_space<vmem>>, vector<1x16xf32>,
          %get3A_1348 = vector.shape_cast %get3A_1347 : vector<1x16xf32> to vector<16xf32>
          %add3A_1349 = arith.addf %select_n3A_1223, %get3A_1348 : vector<16xf32>
          %select_n3A_1350 = arith.select %ne3A_1290, %get3A_1344, %add3A_1349 : vector<16xf32>
          %get3A_1351 = arith.index_cast %add3A_1289 : i32 to index
          %get3A_1352 = arith.constant 96 : index
          %get3A_1353 = tpu.vector_load %arg5[%get3A_1351, %get3A_1352] {strides = array<i32>} : memref<128x128xf32, #tpu.memory_space<vmem>>, vector<1x16xf32>,
          %get3A_1354 = vector.shape_cast %get3A_1353 : vector<1x16xf32> to vector<16xf32>
          %get3A_1355 = arith.index_cast %add3A_1289 : i32 to index
          %get3A_1356 = arith.constant 96 : index
          %get3A_1357 = tpu.vector_load %arg5[%get3A_1355, %get3A_1356] {strides = array<i32>} : memref<128x128xf32, #tpu.memory_space<vmem>>, vector<1x16xf32>,
          %get3A_1358 = vector.shape_cast %get3A_1357 : vector<1x16xf32> to vector<16xf32>
          %add3A_1359 = arith.addf %select_n3A_1233, %get3A_1358 : vector<16xf32>
          %select_n3A_1360 = arith.select %ne3A_1290, %get3A_1354, %add3A_1359 : vector<16xf32>
          %get3A_1361 = arith.index_cast %add3A_1289 : i32 to index
          %get3A_1362 = arith.constant 112 : index
          %get3A_1363 = tpu.vector_load %arg5[%get3A_1361, %get3A_1362] {strides = array<i32>} : memref<128x128xf32, #tpu.memory_space<vmem>>, vector<1x16xf32>,
          %get3A_1364 = vector.shape_cast %get3A_1363 : vector<1x16xf32> to vector<16xf32>
          %get3A_1365 = arith.index_cast %add3A_1289 : i32 to index
          %get3A_1366 = arith.constant 112 : index
          %get3A_1367 = tpu.vector_load %arg5[%get3A_1365, %get3A_1366] {strides = array<i32>} : memref<128x128xf32, #tpu.memory_space<vmem>>, vector<1x16xf32>,
          %get3A_1368 = vector.shape_cast %get3A_1367 : vector<1x16xf32> to vector<16xf32>
          %add3A_1369 = arith.addf %select_n3A_1243, %get3A_1368 : vector<16xf32>
          %select_n3A_1370 = arith.select %ne3A_1290, %get3A_1364, %add3A_1369 : vector<16xf32>
          %swap3A_1371 = arith.index_cast %squeeze3A_1285 : i32 to index
          %swap3A_1372 = arith.constant 0 : index
          %swap3A_1373 = tpu.vector_load %arg7[%swap3A_1371, %swap3A_1372] {strides = array<i32>} : memref<256x128xf32, #tpu.memory_space<vmem>>, vector<1x16xf32>,
          %swap3A_1374 = vector.shape_cast %swap3A_1373 : vector<1x16xf32> to vector<16xf32>
          %swap3A_1375 = vector.shape_cast %select_n3A_1300 : vector<16xf32> to vector<1x16xf32>
          tpu.vector_store %arg7[%swap3A_1371, %swap3A_1372], %swap3A_1375 {strides = array<i32>} : memref<256x128xf32, #tpu.memory_space<vmem>>, vector<1x16xf32>,
          %swap3A_1376 = arith.index_cast %squeeze3A_1285 : i32 to index
          %swap3A_1377 = arith.constant 16 : index
          %swap3A_1378 = tpu.vector_load %arg7[%swap3A_1376, %swap3A_1377] {strides = array<i32>} : memref<256x128xf32, #tpu.memory_space<vmem>>, vector<1x16xf32>,
          %swap3A_1379 = vector.shape_cast %swap3A_1378 : vector<1x16xf32> to vector<16xf32>
          %swap3A_1380 = vector.shape_cast %select_n3A_1310 : vector<16xf32> to vector<1x16xf32>
          tpu.vector_store %arg7[%swap3A_1376, %swap3A_1377], %swap3A_1380 {strides = array<i32>} : memref<256x128xf32, #tpu.memory_space<vmem>>, vector<1x16xf32>,
          %swap3A_1381 = arith.index_cast %squeeze3A_1285 : i32 to index
          %swap3A_1382 = arith.constant 32 : index
          %swap3A_1383 = tpu.vector_load %arg7[%swap3A_1381, %swap3A_1382] {strides = array<i32>} : memref<256x128xf32, #tpu.memory_space<vmem>>, vector<1x16xf32>,
          %swap3A_1384 = vector.shape_cast %swap3A_1383 : vector<1x16xf32> to vector<16xf32>
          %swap3A_1385 = vector.shape_cast %select_n3A_1320 : vector<16xf32> to vector<1x16xf32>
          tpu.vector_store %arg7[%swap3A_1381, %swap3A_1382], %swap3A_1385 {strides = array<i32>} : memref<256x128xf32, #tpu.memory_space<vmem>>, vector<1x16xf32>,
          %swap3A_1386 = arith.index_cast %squeeze3A_1285 : i32 to index
          %swap3A_1387 = arith.constant 48 : index
          %swap3A_1388 = tpu.vector_load %arg7[%swap3A_1386, %swap3A_1387] {strides = array<i32>} : memref<256x128xf32, #tpu.memory_space<vmem>>, vector<1x16xf32>,
          %swap3A_1389 = vector.shape_cast %swap3A_1388 : vector<1x16xf32> to vector<16xf32>
          %swap3A_1390 = vector.shape_cast %select_n3A_1330 : vector<16xf32> to vector<1x16xf32>
          tpu.vector_store %arg7[%swap3A_1386, %swap3A_1387], %swap3A_1390 {strides = array<i32>} : memref<256x128xf32, #tpu.memory_space<vmem>>, vector<1x16xf32>,
          %swap3A_1391 = arith.index_cast %squeeze3A_1285 : i32 to index
          %swap3A_1392 = arith.constant 64 : index
          %swap3A_1393 = tpu.vector_load %arg7[%swap3A_1391, %swap3A_1392] {strides = array<i32>} : memref<256x128xf32, #tpu.memory_space<vmem>>, vector<1x16xf32>,
          %swap3A_1394 = vector.shape_cast %swap3A_1393 : vector<1x16xf32> to vector<16xf32>
          %swap3A_1395 = vector.shape_cast %select_n3A_1340 : vector<16xf32> to vector<1x16xf32>
          tpu.vector_store %arg7[%swap3A_1391, %swap3A_1392], %swap3A_1395 {strides = array<i32>} : memref<256x128xf32, #tpu.memory_space<vmem>>, vector<1x16xf32>,
          %swap3A_1396 = arith.index_cast %squeeze3A_1285 : i32 to index
          %swap3A_1397 = arith.constant 80 : index
          %swap3A_1398 = tpu.vector_load %arg7[%swap3A_1396, %swap3A_1397] {strides = array<i32>} : memref<256x128xf32, #tpu.memory_space<vmem>>, vector<1x16xf32>,
          %swap3A_1399 = vector.shape_cast %swap3A_1398 : vector<1x16xf32> to vector<16xf32>
          %swap3A_1400 = vector.shape_cast %select_n3A_1350 : vector<16xf32> to vector<1x16xf32>
          tpu.vector_store %arg7[%swap3A_1396, %swap3A_1397], %swap3A_1400 {strides = array<i32>} : memref<256x128xf32, #tpu.memory_space<vmem>>, vector<1x16xf32>,
          %swap3A_1401 = arith.index_cast %squeeze3A_1285 : i32 to index
          %swap3A_1402 = arith.constant 96 : index
          %swap3A_1403 = tpu.vector_load %arg7[%swap3A_1401, %swap3A_1402] {strides = array<i32>} : memref<256x128xf32, #tpu.memory_space<vmem>>, vector<1x16xf32>,
          %swap3A_1404 = vector.shape_cast %swap3A_1403 : vector<1x16xf32> to vector<16xf32>
          %swap3A_1405 = vector.shape_cast %select_n3A_1360 : vector<16xf32> to vector<1x16xf32>
          tpu.vector_store %arg7[%swap3A_1401, %swap3A_1402], %swap3A_1405 {strides = array<i32>} : memref<256x128xf32, #tpu.memory_space<vmem>>, vector<1x16xf32>,
          %swap3A_1406 = arith.index_cast %squeeze3A_1285 : i32 to index
          %swap3A_1407 = arith.constant 112 : index
          %swap3A_1408 = tpu.vector_load %arg7[%swap3A_1406, %swap3A_1407] {strides = array<i32>} : memref<256x128xf32, #tpu.memory_space<vmem>>, vector<1x16xf32>,
          %swap3A_1409 = vector.shape_cast %swap3A_1408 : vector<1x16xf32> to vector<16xf32>
          %swap3A_1410 = vector.shape_cast %select_n3A_1370 : vector<16xf32> to vector<1x16xf32>
          tpu.vector_store %arg7[%swap3A_1406, %swap3A_1407], %swap3A_1410 {strides = array<i32>} : memref<256x128xf32, #tpu.memory_space<vmem>>, vector<1x16xf32>,
          %slice3A_1411 = vector.extract_strided_slice %get3A_143 {offsets = [10], sizes = [1], strides = [1]} : vector<16xi32> to vector<1xi32>
          %squeeze3A_1412 = vector.extract %slice3A_1411[0] : i32 from vector<1xi32>
          %mul3A_1413 = arith.constant 16 : i32
          %mul3A_1414 = arith.muli %scan3A_127, %mul3A_1413 : i32
          %add3A_1415 = arith.constant 10 : i32
          %add3A_1416 = arith.addi %mul3A_1414, %add3A_1415 : i32
          %ne3A_1417 = arith.cmpi ne, %squeeze3A_1412, %squeeze3A_1285 : i32
          %get3A_1418 = arith.index_cast %add3A_1416 : i32 to index
          %get3A_1419 = arith.constant 0 : index
          %get3A_1420 = tpu.vector_load %arg5[%get3A_1418, %get3A_1419] {strides = array<i32>} : memref<128x128xf32, #tpu.memory_space<vmem>>, vector<1x16xf32>,
          %get3A_1421 = vector.shape_cast %get3A_1420 : vector<1x16xf32> to vector<16xf32>
          %get3A_1422 = arith.index_cast %add3A_1416 : i32 to index
          %get3A_1423 = arith.constant 0 : index
          %get3A_1424 = tpu.vector_load %arg5[%get3A_1422, %get3A_1423] {strides = array<i32>} : memref<128x128xf32, #tpu.memory_space<vmem>>, vector<1x16xf32>,
          %get3A_1425 = vector.shape_cast %get3A_1424 : vector<1x16xf32> to vector<16xf32>
          %add3A_1426 = arith.addf %select_n3A_1300, %get3A_1425 : vector<16xf32>
          %select_n3A_1427 = arith.select %ne3A_1417, %get3A_1421, %add3A_1426 : vector<16xf32>
          %get3A_1428 = arith.index_cast %add3A_1416 : i32 to index
          %get3A_1429 = arith.constant 16 : index
          %get3A_1430 = tpu.vector_load %arg5[%get3A_1428, %get3A_1429] {strides = array<i32>} : memref<128x128xf32, #tpu.memory_space<vmem>>, vector<1x16xf32>,
          %get3A_1431 = vector.shape_cast %get3A_1430 : vector<1x16xf32> to vector<16xf32>
          %get3A_1432 = arith.index_cast %add3A_1416 : i32 to index
          %get3A_1433 = arith.constant 16 : index
          %get3A_1434 = tpu.vector_load %arg5[%get3A_1432, %get3A_1433] {strides = array<i32>} : memref<128x128xf32, #tpu.memory_space<vmem>>, vector<1x16xf32>,
          %get3A_1435 = vector.shape_cast %get3A_1434 : vector<1x16xf32> to vector<16xf32>
          %add3A_1436 = arith.addf %select_n3A_1310, %get3A_1435 : vector<16xf32>
          %select_n3A_1437 = arith.select %ne3A_1417, %get3A_1431, %add3A_1436 : vector<16xf32>
          %get3A_1438 = arith.index_cast %add3A_1416 : i32 to index
          %get3A_1439 = arith.constant 32 : index
          %get3A_1440 = tpu.vector_load %arg5[%get3A_1438, %get3A_1439] {strides = array<i32>} : memref<128x128xf32, #tpu.memory_space<vmem>>, vector<1x16xf32>,
          %get3A_1441 = vector.shape_cast %get3A_1440 : vector<1x16xf32> to vector<16xf32>
          %get3A_1442 = arith.index_cast %add3A_1416 : i32 to index
          %get3A_1443 = arith.constant 32 : index
          %get3A_1444 = tpu.vector_load %arg5[%get3A_1442, %get3A_1443] {strides = array<i32>} : memref<128x128xf32, #tpu.memory_space<vmem>>, vector<1x16xf32>,
          %get3A_1445 = vector.shape_cast %get3A_1444 : vector<1x16xf32> to vector<16xf32>
          %add3A_1446 = arith.addf %select_n3A_1320, %get3A_1445 : vector<16xf32>
          %select_n3A_1447 = arith.select %ne3A_1417, %get3A_1441, %add3A_1446 : vector<16xf32>
          %get3A_1448 = arith.index_cast %add3A_1416 : i32 to index
          %get3A_1449 = arith.constant 48 : index
          %get3A_1450 = tpu.vector_load %arg5[%get3A_1448, %get3A_1449] {strides = array<i32>} : memref<128x128xf32, #tpu.memory_space<vmem>>, vector<1x16xf32>,
          %get3A_1451 = vector.shape_cast %get3A_1450 : vector<1x16xf32> to vector<16xf32>
          %get3A_1452 = arith.index_cast %add3A_1416 : i32 to index
          %get3A_1453 = arith.constant 48 : index
          %get3A_1454 = tpu.vector_load %arg5[%get3A_1452, %get3A_1453] {strides = array<i32>} : memref<128x128xf32, #tpu.memory_space<vmem>>, vector<1x16xf32>,
          %get3A_1455 = vector.shape_cast %get3A_1454 : vector<1x16xf32> to vector<16xf32>
          %add3A_1456 = arith.addf %select_n3A_1330, %get3A_1455 : vector<16xf32>
          %select_n3A_1457 = arith.select %ne3A_1417, %get3A_1451, %add3A_1456 : vector<16xf32>
          %get3A_1458 = arith.index_cast %add3A_1416 : i32 to index
          %get3A_1459 = arith.constant 64 : index
          %get3A_1460 = tpu.vector_load %arg5[%get3A_1458, %get3A_1459] {strides = array<i32>} : memref<128x128xf32, #tpu.memory_space<vmem>>, vector<1x16xf32>,
          %get3A_1461 = vector.shape_cast %get3A_1460 : vector<1x16xf32> to vector<16xf32>
          %get3A_1462 = arith.index_cast %add3A_1416 : i32 to index
          %get3A_1463 = arith.constant 64 : index
          %get3A_1464 = tpu.vector_load %arg5[%get3A_1462, %get3A_1463] {strides = array<i32>} : memref<128x128xf32, #tpu.memory_space<vmem>>, vector<1x16xf32>,
          %get3A_1465 = vector.shape_cast %get3A_1464 : vector<1x16xf32> to vector<16xf32>
          %add3A_1466 = arith.addf %select_n3A_1340, %get3A_1465 : vector<16xf32>
          %select_n3A_1467 = arith.select %ne3A_1417, %get3A_1461, %add3A_1466 : vector<16xf32>
          %get3A_1468 = arith.index_cast %add3A_1416 : i32 to index
          %get3A_1469 = arith.constant 80 : index
          %get3A_1470 = tpu.vector_load %arg5[%get3A_1468, %get3A_1469] {strides = array<i32>} : memref<128x128xf32, #tpu.memory_space<vmem>>, vector<1x16xf32>,
          %get3A_1471 = vector.shape_cast %get3A_1470 : vector<1x16xf32> to vector<16xf32>
          %get3A_1472 = arith.index_cast %add3A_1416 : i32 to index
          %get3A_1473 = arith.constant 80 : index
          %get3A_1474 = tpu.vector_load %arg5[%get3A_1472, %get3A_1473] {strides = array<i32>} : memref<128x128xf32, #tpu.memory_space<vmem>>, vector<1x16xf32>,
          %get3A_1475 = vector.shape_cast %get3A_1474 : vector<1x16xf32> to vector<16xf32>
          %add3A_1476 = arith.addf %select_n3A_1350, %get3A_1475 : vector<16xf32>
          %select_n3A_1477 = arith.select %ne3A_1417, %get3A_1471, %add3A_1476 : vector<16xf32>
          %get3A_1478 = arith.index_cast %add3A_1416 : i32 to index
          %get3A_1479 = arith.constant 96 : index
          %get3A_1480 = tpu.vector_load %arg5[%get3A_1478, %get3A_1479] {strides = array<i32>} : memref<128x128xf32, #tpu.memory_space<vmem>>, vector<1x16xf32>,
          %get3A_1481 = vector.shape_cast %get3A_1480 : vector<1x16xf32> to vector<16xf32>
          %get3A_1482 = arith.index_cast %add3A_1416 : i32 to index
          %get3A_1483 = arith.constant 96 : index
          %get3A_1484 = tpu.vector_load %arg5[%get3A_1482, %get3A_1483] {strides = array<i32>} : memref<128x128xf32, #tpu.memory_space<vmem>>, vector<1x16xf32>,
          %get3A_1485 = vector.shape_cast %get3A_1484 : vector<1x16xf32> to vector<16xf32>
          %add3A_1486 = arith.addf %select_n3A_1360, %get3A_1485 : vector<16xf32>
          %select_n3A_1487 = arith.select %ne3A_1417, %get3A_1481, %add3A_1486 : vector<16xf32>
          %get3A_1488 = arith.index_cast %add3A_1416 : i32 to index
          %get3A_1489 = arith.constant 112 : index
          %get3A_1490 = tpu.vector_load %arg5[%get3A_1488, %get3A_1489] {strides = array<i32>} : memref<128x128xf32, #tpu.memory_space<vmem>>, vector<1x16xf32>,
          %get3A_1491 = vector.shape_cast %get3A_1490 : vector<1x16xf32> to vector<16xf32>
          %get3A_1492 = arith.index_cast %add3A_1416 : i32 to index
          %get3A_1493 = arith.constant 112 : index
          %get3A_1494 = tpu.vector_load %arg5[%get3A_1492, %get3A_1493] {strides = array<i32>} : memref<128x128xf32, #tpu.memory_space<vmem>>, vector<1x16xf32>,
          %get3A_1495 = vector.shape_cast %get3A_1494 : vector<1x16xf32> to vector<16xf32>
          %add3A_1496 = arith.addf %select_n3A_1370, %get3A_1495 : vector<16xf32>
          %select_n3A_1497 = arith.select %ne3A_1417, %get3A_1491, %add3A_1496 : vector<16xf32>
          %swap3A_1498 = arith.index_cast %squeeze3A_1412 : i32 to index
          %swap3A_1499 = arith.constant 0 : index
          %swap3A_1500 = tpu.vector_load %arg7[%swap3A_1498, %swap3A_1499] {strides = array<i32>} : memref<256x128xf32, #tpu.memory_space<vmem>>, vector<1x16xf32>,
          %swap3A_1501 = vector.shape_cast %swap3A_1500 : vector<1x16xf32> to vector<16xf32>
          %swap3A_1502 = vector.shape_cast %select_n3A_1427 : vector<16xf32> to vector<1x16xf32>
          tpu.vector_store %arg7[%swap3A_1498, %swap3A_1499], %swap3A_1502 {strides = array<i32>} : memref<256x128xf32, #tpu.memory_space<vmem>>, vector<1x16xf32>,
          %swap3A_1503 = arith.index_cast %squeeze3A_1412 : i32 to index
          %swap3A_1504 = arith.constant 16 : index
          %swap3A_1505 = tpu.vector_load %arg7[%swap3A_1503, %swap3A_1504] {strides = array<i32>} : memref<256x128xf32, #tpu.memory_space<vmem>>, vector<1x16xf32>,
          %swap3A_1506 = vector.shape_cast %swap3A_1505 : vector<1x16xf32> to vector<16xf32>
          %swap3A_1507 = vector.shape_cast %select_n3A_1437 : vector<16xf32> to vector<1x16xf32>
          tpu.vector_store %arg7[%swap3A_1503, %swap3A_1504], %swap3A_1507 {strides = array<i32>} : memref<256x128xf32, #tpu.memory_space<vmem>>, vector<1x16xf32>,
          %swap3A_1508 = arith.index_cast %squeeze3A_1412 : i32 to index
          %swap3A_1509 = arith.constant 32 : index
          %swap3A_1510 = tpu.vector_load %arg7[%swap3A_1508, %swap3A_1509] {strides = array<i32>} : memref<256x128xf32, #tpu.memory_space<vmem>>, vector<1x16xf32>,
          %swap3A_1511 = vector.shape_cast %swap3A_1510 : vector<1x16xf32> to vector<16xf32>
          %swap3A_1512 = vector.shape_cast %select_n3A_1447 : vector<16xf32> to vector<1x16xf32>
          tpu.vector_store %arg7[%swap3A_1508, %swap3A_1509], %swap3A_1512 {strides = array<i32>} : memref<256x128xf32, #tpu.memory_space<vmem>>, vector<1x16xf32>,
          %swap3A_1513 = arith.index_cast %squeeze3A_1412 : i32 to index
          %swap3A_1514 = arith.constant 48 : index
          %swap3A_1515 = tpu.vector_load %arg7[%swap3A_1513, %swap3A_1514] {strides = array<i32>} : memref<256x128xf32, #tpu.memory_space<vmem>>, vector<1x16xf32>,
          %swap3A_1516 = vector.shape_cast %swap3A_1515 : vector<1x16xf32> to vector<16xf32>
          %swap3A_1517 = vector.shape_cast %select_n3A_1457 : vector<16xf32> to vector<1x16xf32>
          tpu.vector_store %arg7[%swap3A_1513, %swap3A_1514], %swap3A_1517 {strides = array<i32>} : memref<256x128xf32, #tpu.memory_space<vmem>>, vector<1x16xf32>,
          %swap3A_1518 = arith.index_cast %squeeze3A_1412 : i32 to index
          %swap3A_1519 = arith.constant 64 : index
          %swap3A_1520 = tpu.vector_load %arg7[%swap3A_1518, %swap3A_1519] {strides = array<i32>} : memref<256x128xf32, #tpu.memory_space<vmem>>, vector<1x16xf32>,
          %swap3A_1521 = vector.shape_cast %swap3A_1520 : vector<1x16xf32> to vector<16xf32>
          %swap3A_1522 = vector.shape_cast %select_n3A_1467 : vector<16xf32> to vector<1x16xf32>
          tpu.vector_store %arg7[%swap3A_1518, %swap3A_1519], %swap3A_1522 {strides = array<i32>} : memref<256x128xf32, #tpu.memory_space<vmem>>, vector<1x16xf32>,
          %swap3A_1523 = arith.index_cast %squeeze3A_1412 : i32 to index
          %swap3A_1524 = arith.constant 80 : index
          %swap3A_1525 = tpu.vector_load %arg7[%swap3A_1523, %swap3A_1524] {strides = array<i32>} : memref<256x128xf32, #tpu.memory_space<vmem>>, vector<1x16xf32>,
          %swap3A_1526 = vector.shape_cast %swap3A_1525 : vector<1x16xf32> to vector<16xf32>
          %swap3A_1527 = vector.shape_cast %select_n3A_1477 : vector<16xf32> to vector<1x16xf32>
          tpu.vector_store %arg7[%swap3A_1523, %swap3A_1524], %swap3A_1527 {strides = array<i32>} : memref<256x128xf32, #tpu.memory_space<vmem>>, vector<1x16xf32>,
          %swap3A_1528 = arith.index_cast %squeeze3A_1412 : i32 to index
          %swap3A_1529 = arith.constant 96 : index
          %swap3A_1530 = tpu.vector_load %arg7[%swap3A_1528, %swap3A_1529] {strides = array<i32>} : memref<256x128xf32, #tpu.memory_space<vmem>>, vector<1x16xf32>,
          %swap3A_1531 = vector.shape_cast %swap3A_1530 : vector<1x16xf32> to vector<16xf32>
          %swap3A_1532 = vector.shape_cast %select_n3A_1487 : vector<16xf32> to vector<1x16xf32>
          tpu.vector_store %arg7[%swap3A_1528, %swap3A_1529], %swap3A_1532 {strides = array<i32>} : memref<256x128xf32, #tpu.memory_space<vmem>>, vector<1x16xf32>,
          %swap3A_1533 = arith.index_cast %squeeze3A_1412 : i32 to index
          %swap3A_1534 = arith.constant 112 : index
          %swap3A_1535 = tpu.vector_load %arg7[%swap3A_1533, %swap3A_1534] {strides = array<i32>} : memref<256x128xf32, #tpu.memory_space<vmem>>, vector<1x16xf32>,
          %swap3A_1536 = vector.shape_cast %swap3A_1535 : vector<1x16xf32> to vector<16xf32>
          %swap3A_1537 = vector.shape_cast %select_n3A_1497 : vector<16xf32> to vector<1x16xf32>
          tpu.vector_store %arg7[%swap3A_1533, %swap3A_1534], %swap3A_1537 {strides = array<i32>} : memref<256x128xf32, #tpu.memory_space<vmem>>, vector<1x16xf32>,
          %slice3A_1538 = vector.extract_strided_slice %get3A_143 {offsets = [11], sizes = [1], strides = [1]} : vector<16xi32> to vector<1xi32>
          %squeeze3A_1539 = vector.extract %slice3A_1538[0] : i32 from vector<1xi32>
          %mul3A_1540 = arith.constant 16 : i32
          %mul3A_1541 = arith.muli %scan3A_127, %mul3A_1540 : i32
          %add3A_1542 = arith.constant 11 : i32
          %add3A_1543 = arith.addi %mul3A_1541, %add3A_1542 : i32
          %ne3A_1544 = arith.cmpi ne, %squeeze3A_1539, %squeeze3A_1412 : i32
          %get3A_1545 = arith.index_cast %add3A_1543 : i32 to index
          %get3A_1546 = arith.constant 0 : index
          %get3A_1547 = tpu.vector_load %arg5[%get3A_1545, %get3A_1546] {strides = array<i32>} : memref<128x128xf32, #tpu.memory_space<vmem>>, vector<1x16xf32>,
          %get3A_1548 = vector.shape_cast %get3A_1547 : vector<1x16xf32> to vector<16xf32>
          %get3A_1549 = arith.index_cast %add3A_1543 : i32 to index
          %get3A_1550 = arith.constant 0 : index
          %get3A_1551 = tpu.vector_load %arg5[%get3A_1549, %get3A_1550] {strides = array<i32>} : memref<128x128xf32, #tpu.memory_space<vmem>>, vector<1x16xf32>,
          %get3A_1552 = vector.shape_cast %get3A_1551 : vector<1x16xf32> to vector<16xf32>
          %add3A_1553 = arith.addf %select_n3A_1427, %get3A_1552 : vector<16xf32>
          %select_n3A_1554 = arith.select %ne3A_1544, %get3A_1548, %add3A_1553 : vector<16xf32>
          %get3A_1555 = arith.index_cast %add3A_1543 : i32 to index
          %get3A_1556 = arith.constant 16 : index
          %get3A_1557 = tpu.vector_load %arg5[%get3A_1555, %get3A_1556] {strides = array<i32>} : memref<128x128xf32, #tpu.memory_space<vmem>>, vector<1x16xf32>,
          %get3A_1558 = vector.shape_cast %get3A_1557 : vector<1x16xf32> to vector<16xf32>
          %get3A_1559 = arith.index_cast %add3A_1543 : i32 to index
          %get3A_1560 = arith.constant 16 : index
          %get3A_1561 = tpu.vector_load %arg5[%get3A_1559, %get3A_1560] {strides = array<i32>} : memref<128x128xf32, #tpu.memory_space<vmem>>, vector<1x16xf32>,
          %get3A_1562 = vector.shape_cast %get3A_1561 : vector<1x16xf32> to vector<16xf32>
          %add3A_1563 = arith.addf %select_n3A_1437, %get3A_1562 : vector<16xf32>
          %select_n3A_1564 = arith.select %ne3A_1544, %get3A_1558, %add3A_1563 : vector<16xf32>
          %get3A_1565 = arith.index_cast %add3A_1543 : i32 to index
          %get3A_1566 = arith.constant 32 : index
          %get3A_1567 = tpu.vector_load %arg5[%get3A_1565, %get3A_1566] {strides = array<i32>} : memref<128x128xf32, #tpu.memory_space<vmem>>, vector<1x16xf32>,
          %get3A_1568 = vector.shape_cast %get3A_1567 : vector<1x16xf32> to vector<16xf32>
          %get3A_1569 = arith.index_cast %add3A_1543 : i32 to index
          %get3A_1570 = arith.constant 32 : index
          %get3A_1571 = tpu.vector_load %arg5[%get3A_1569, %get3A_1570] {strides = array<i32>} : memref<128x128xf32, #tpu.memory_space<vmem>>, vector<1x16xf32>,
          %get3A_1572 = vector.shape_cast %get3A_1571 : vector<1x16xf32> to vector<16xf32>
          %add3A_1573 = arith.addf %select_n3A_1447, %get3A_1572 : vector<16xf32>
          %select_n3A_1574 = arith.select %ne3A_1544, %get3A_1568, %add3A_1573 : vector<16xf32>
          %get3A_1575 = arith.index_cast %add3A_1543 : i32 to index
          %get3A_1576 = arith.constant 48 : index
          %get3A_1577 = tpu.vector_load %arg5[%get3A_1575, %get3A_1576] {strides = array<i32>} : memref<128x128xf32, #tpu.memory_space<vmem>>, vector<1x16xf32>,
          %get3A_1578 = vector.shape_cast %get3A_1577 : vector<1x16xf32> to vector<16xf32>
          %get3A_1579 = arith.index_cast %add3A_1543 : i32 to index
          %get3A_1580 = arith.constant 48 : index
          %get3A_1581 = tpu.vector_load %arg5[%get3A_1579, %get3A_1580] {strides = array<i32>} : memref<128x128xf32, #tpu.memory_space<vmem>>, vector<1x16xf32>,
          %get3A_1582 = vector.shape_cast %get3A_1581 : vector<1x16xf32> to vector<16xf32>
          %add3A_1583 = arith.addf %select_n3A_1457, %get3A_1582 : vector<16xf32>
          %select_n3A_1584 = arith.select %ne3A_1544, %get3A_1578, %add3A_1583 : vector<16xf32>
          %get3A_1585 = arith.index_cast %add3A_1543 : i32 to index
          %get3A_1586 = arith.constant 64 : index
          %get3A_1587 = tpu.vector_load %arg5[%get3A_1585, %get3A_1586] {strides = array<i32>} : memref<128x128xf32, #tpu.memory_space<vmem>>, vector<1x16xf32>,
          %get3A_1588 = vector.shape_cast %get3A_1587 : vector<1x16xf32> to vector<16xf32>
          %get3A_1589 = arith.index_cast %add3A_1543 : i32 to index
          %get3A_1590 = arith.constant 64 : index
          %get3A_1591 = tpu.vector_load %arg5[%get3A_1589, %get3A_1590] {strides = array<i32>} : memref<128x128xf32, #tpu.memory_space<vmem>>, vector<1x16xf32>,
          %get3A_1592 = vector.shape_cast %get3A_1591 : vector<1x16xf32> to vector<16xf32>
          %add3A_1593 = arith.addf %select_n3A_1467, %get3A_1592 : vector<16xf32>
          %select_n3A_1594 = arith.select %ne3A_1544, %get3A_1588, %add3A_1593 : vector<16xf32>
          %get3A_1595 = arith.index_cast %add3A_1543 : i32 to index
          %get3A_1596 = arith.constant 80 : index
          %get3A_1597 = tpu.vector_load %arg5[%get3A_1595, %get3A_1596] {strides = array<i32>} : memref<128x128xf32, #tpu.memory_space<vmem>>, vector<1x16xf32>,
          %get3A_1598 = vector.shape_cast %get3A_1597 : vector<1x16xf32> to vector<16xf32>
          %get3A_1599 = arith.index_cast %add3A_1543 : i32 to index
          %get3A_1600 = arith.constant 80 : index
          %get3A_1601 = tpu.vector_load %arg5[%get3A_1599, %get3A_1600] {strides = array<i32>} : memref<128x128xf32, #tpu.memory_space<vmem>>, vector<1x16xf32>,
          %get3A_1602 = vector.shape_cast %get3A_1601 : vector<1x16xf32> to vector<16xf32>
          %add3A_1603 = arith.addf %select_n3A_1477, %get3A_1602 : vector<16xf32>
          %select_n3A_1604 = arith.select %ne3A_1544, %get3A_1598, %add3A_1603 : vector<16xf32>
          %get3A_1605 = arith.index_cast %add3A_1543 : i32 to index
          %get3A_1606 = arith.constant 96 : index
          %get3A_1607 = tpu.vector_load %arg5[%get3A_1605, %get3A_1606] {strides = array<i32>} : memref<128x128xf32, #tpu.memory_space<vmem>>, vector<1x16xf32>,
          %get3A_1608 = vector.shape_cast %get3A_1607 : vector<1x16xf32> to vector<16xf32>
          %get3A_1609 = arith.index_cast %add3A_1543 : i32 to index
          %get3A_1610 = arith.constant 96 : index
          %get3A_1611 = tpu.vector_load %arg5[%get3A_1609, %get3A_1610] {strides = array<i32>} : memref<128x128xf32, #tpu.memory_space<vmem>>, vector<1x16xf32>,
          %get3A_1612 = vector.shape_cast %get3A_1611 : vector<1x16xf32> to vector<16xf32>
          %add3A_1613 = arith.addf %select_n3A_1487, %get3A_1612 : vector<16xf32>
          %select_n3A_1614 = arith.select %ne3A_1544, %get3A_1608, %add3A_1613 : vector<16xf32>
          %get3A_1615 = arith.index_cast %add3A_1543 : i32 to index
          %get3A_1616 = arith.constant 112 : index
          %get3A_1617 = tpu.vector_load %arg5[%get3A_1615, %get3A_1616] {strides = array<i32>} : memref<128x128xf32, #tpu.memory_space<vmem>>, vector<1x16xf32>,
          %get3A_1618 = vector.shape_cast %get3A_1617 : vector<1x16xf32> to vector<16xf32>
          %get3A_1619 = arith.index_cast %add3A_1543 : i32 to index
          %get3A_1620 = arith.constant 112 : index
          %get3A_1621 = tpu.vector_load %arg5[%get3A_1619, %get3A_1620] {strides = array<i32>} : memref<128x128xf32, #tpu.memory_space<vmem>>, vector<1x16xf32>,
          %get3A_1622 = vector.shape_cast %get3A_1621 : vector<1x16xf32> to vector<16xf32>
          %add3A_1623 = arith.addf %select_n3A_1497, %get3A_1622 : vector<16xf32>
          %select_n3A_1624 = arith.select %ne3A_1544, %get3A_1618, %add3A_1623 : vector<16xf32>
          %swap3A_1625 = arith.index_cast %squeeze3A_1539 : i32 to index
          %swap3A_1626 = arith.constant 0 : index
          %swap3A_1627 = tpu.vector_load %arg7[%swap3A_1625, %swap3A_1626] {strides = array<i32>} : memref<256x128xf32, #tpu.memory_space<vmem>>, vector<1x16xf32>,
          %swap3A_1628 = vector.shape_cast %swap3A_1627 : vector<1x16xf32> to vector<16xf32>
          %swap3A_1629 = vector.shape_cast %select_n3A_1554 : vector<16xf32> to vector<1x16xf32>
          tpu.vector_store %arg7[%swap3A_1625, %swap3A_1626], %swap3A_1629 {strides = array<i32>} : memref<256x128xf32, #tpu.memory_space<vmem>>, vector<1x16xf32>,
          %swap3A_1630 = arith.index_cast %squeeze3A_1539 : i32 to index
          %swap3A_1631 = arith.constant 16 : index
          %swap3A_1632 = tpu.vector_load %arg7[%swap3A_1630, %swap3A_1631] {strides = array<i32>} : memref<256x128xf32, #tpu.memory_space<vmem>>, vector<1x16xf32>,
          %swap3A_1633 = vector.shape_cast %swap3A_1632 : vector<1x16xf32> to vector<16xf32>
          %swap3A_1634 = vector.shape_cast %select_n3A_1564 : vector<16xf32> to vector<1x16xf32>
          tpu.vector_store %arg7[%swap3A_1630, %swap3A_1631], %swap3A_1634 {strides = array<i32>} : memref<256x128xf32, #tpu.memory_space<vmem>>, vector<1x16xf32>,
          %swap3A_1635 = arith.index_cast %squeeze3A_1539 : i32 to index
          %swap3A_1636 = arith.constant 32 : index
          %swap3A_1637 = tpu.vector_load %arg7[%swap3A_1635, %swap3A_1636] {strides = array<i32>} : memref<256x128xf32, #tpu.memory_space<vmem>>, vector<1x16xf32>,
          %swap3A_1638 = vector.shape_cast %swap3A_1637 : vector<1x16xf32> to vector<16xf32>
          %swap3A_1639 = vector.shape_cast %select_n3A_1574 : vector<16xf32> to vector<1x16xf32>
          tpu.vector_store %arg7[%swap3A_1635, %swap3A_1636], %swap3A_1639 {strides = array<i32>} : memref<256x128xf32, #tpu.memory_space<vmem>>, vector<1x16xf32>,
          %swap3A_1640 = arith.index_cast %squeeze3A_1539 : i32 to index
          %swap3A_1641 = arith.constant 48 : index
          %swap3A_1642 = tpu.vector_load %arg7[%swap3A_1640, %swap3A_1641] {strides = array<i32>} : memref<256x128xf32, #tpu.memory_space<vmem>>, vector<1x16xf32>,
          %swap3A_1643 = vector.shape_cast %swap3A_1642 : vector<1x16xf32> to vector<16xf32>
          %swap3A_1644 = vector.shape_cast %select_n3A_1584 : vector<16xf32> to vector<1x16xf32>
          tpu.vector_store %arg7[%swap3A_1640, %swap3A_1641], %swap3A_1644 {strides = array<i32>} : memref<256x128xf32, #tpu.memory_space<vmem>>, vector<1x16xf32>,
          %swap3A_1645 = arith.index_cast %squeeze3A_1539 : i32 to index
          %swap3A_1646 = arith.constant 64 : index
          %swap3A_1647 = tpu.vector_load %arg7[%swap3A_1645, %swap3A_1646] {strides = array<i32>} : memref<256x128xf32, #tpu.memory_space<vmem>>, vector<1x16xf32>,
          %swap3A_1648 = vector.shape_cast %swap3A_1647 : vector<1x16xf32> to vector<16xf32>
          %swap3A_1649 = vector.shape_cast %select_n3A_1594 : vector<16xf32> to vector<1x16xf32>
          tpu.vector_store %arg7[%swap3A_1645, %swap3A_1646], %swap3A_1649 {strides = array<i32>} : memref<256x128xf32, #tpu.memory_space<vmem>>, vector<1x16xf32>,
          %swap3A_1650 = arith.index_cast %squeeze3A_1539 : i32 to index
          %swap3A_1651 = arith.constant 80 : index
          %swap3A_1652 = tpu.vector_load %arg7[%swap3A_1650, %swap3A_1651] {strides = array<i32>} : memref<256x128xf32, #tpu.memory_space<vmem>>, vector<1x16xf32>,
          %swap3A_1653 = vector.shape_cast %swap3A_1652 : vector<1x16xf32> to vector<16xf32>
          %swap3A_1654 = vector.shape_cast %select_n3A_1604 : vector<16xf32> to vector<1x16xf32>
          tpu.vector_store %arg7[%swap3A_1650, %swap3A_1651], %swap3A_1654 {strides = array<i32>} : memref<256x128xf32, #tpu.memory_space<vmem>>, vector<1x16xf32>,
          %swap3A_1655 = arith.index_cast %squeeze3A_1539 : i32 to index
          %swap3A_1656 = arith.constant 96 : index
          %swap3A_1657 = tpu.vector_load %arg7[%swap3A_1655, %swap3A_1656] {strides = array<i32>} : memref<256x128xf32, #tpu.memory_space<vmem>>, vector<1x16xf32>,
          %swap3A_1658 = vector.shape_cast %swap3A_1657 : vector<1x16xf32> to vector<16xf32>
          %swap3A_1659 = vector.shape_cast %select_n3A_1614 : vector<16xf32> to vector<1x16xf32>
          tpu.vector_store %arg7[%swap3A_1655, %swap3A_1656], %swap3A_1659 {strides = array<i32>} : memref<256x128xf32, #tpu.memory_space<vmem>>, vector<1x16xf32>,
          %swap3A_1660 = arith.index_cast %squeeze3A_1539 : i32 to index
          %swap3A_1661 = arith.constant 112 : index
          %swap3A_1662 = tpu.vector_load %arg7[%swap3A_1660, %swap3A_1661] {strides = array<i32>} : memref<256x128xf32, #tpu.memory_space<vmem>>, vector<1x16xf32>,
          %swap3A_1663 = vector.shape_cast %swap3A_1662 : vector<1x16xf32> to vector<16xf32>
          %swap3A_1664 = vector.shape_cast %select_n3A_1624 : vector<16xf32> to vector<1x16xf32>
          tpu.vector_store %arg7[%swap3A_1660, %swap3A_1661], %swap3A_1664 {strides = array<i32>} : memref<256x128xf32, #tpu.memory_space<vmem>>, vector<1x16xf32>,
          %slice3A_1665 = vector.extract_strided_slice %get3A_143 {offsets = [12], sizes = [1], strides = [1]} : vector<16xi32> to vector<1xi32>
          %squeeze3A_1666 = vector.extract %slice3A_1665[0] : i32 from vector<1xi32>
          %mul3A_1667 = arith.constant 16 : i32
          %mul3A_1668 = arith.muli %scan3A_127, %mul3A_1667 : i32
          %add3A_1669 = arith.constant 12 : i32
          %add3A_1670 = arith.addi %mul3A_1668, %add3A_1669 : i32
          %ne3A_1671 = arith.cmpi ne, %squeeze3A_1666, %squeeze3A_1539 : i32
          %get3A_1672 = arith.index_cast %add3A_1670 : i32 to index
          %get3A_1673 = arith.constant 0 : index
          %get3A_1674 = tpu.vector_load %arg5[%get3A_1672, %get3A_1673] {strides = array<i32>} : memref<128x128xf32, #tpu.memory_space<vmem>>, vector<1x16xf32>,
          %get3A_1675 = vector.shape_cast %get3A_1674 : vector<1x16xf32> to vector<16xf32>
          %get3A_1676 = arith.index_cast %add3A_1670 : i32 to index
          %get3A_1677 = arith.constant 0 : index
          %get3A_1678 = tpu.vector_load %arg5[%get3A_1676, %get3A_1677] {strides = array<i32>} : memref<128x128xf32, #tpu.memory_space<vmem>>, vector<1x16xf32>,
          %get3A_1679 = vector.shape_cast %get3A_1678 : vector<1x16xf32> to vector<16xf32>
          %add3A_1680 = arith.addf %select_n3A_1554, %get3A_1679 : vector<16xf32>
          %select_n3A_1681 = arith.select %ne3A_1671, %get3A_1675, %add3A_1680 : vector<16xf32>
          %get3A_1682 = arith.index_cast %add3A_1670 : i32 to index
          %get3A_1683 = arith.constant 16 : index
          %get3A_1684 = tpu.vector_load %arg5[%get3A_1682, %get3A_1683] {strides = array<i32>} : memref<128x128xf32, #tpu.memory_space<vmem>>, vector<1x16xf32>,
          %get3A_1685 = vector.shape_cast %get3A_1684 : vector<1x16xf32> to vector<16xf32>
          %get3A_1686 = arith.index_cast %add3A_1670 : i32 to index
          %get3A_1687 = arith.constant 16 : index
          %get3A_1688 = tpu.vector_load %arg5[%get3A_1686, %get3A_1687] {strides = array<i32>} : memref<128x128xf32, #tpu.memory_space<vmem>>, vector<1x16xf32>,
          %get3A_1689 = vector.shape_cast %get3A_1688 : vector<1x16xf32> to vector<16xf32>
          %add3A_1690 = arith.addf %select_n3A_1564, %get3A_1689 : vector<16xf32>
          %select_n3A_1691 = arith.select %ne3A_1671, %get3A_1685, %add3A_1690 : vector<16xf32>
          %get3A_1692 = arith.index_cast %add3A_1670 : i32 to index
          %get3A_1693 = arith.constant 32 : index
          %get3A_1694 = tpu.vector_load %arg5[%get3A_1692, %get3A_1693] {strides = array<i32>} : memref<128x128xf32, #tpu.memory_space<vmem>>, vector<1x16xf32>,
          %get3A_1695 = vector.shape_cast %get3A_1694 : vector<1x16xf32> to vector<16xf32>
          %get3A_1696 = arith.index_cast %add3A_1670 : i32 to index
          %get3A_1697 = arith.constant 32 : index
          %get3A_1698 = tpu.vector_load %arg5[%get3A_1696, %get3A_1697] {strides = array<i32>} : memref<128x128xf32, #tpu.memory_space<vmem>>, vector<1x16xf32>,
          %get3A_1699 = vector.shape_cast %get3A_1698 : vector<1x16xf32> to vector<16xf32>
          %add3A_1700 = arith.addf %select_n3A_1574, %get3A_1699 : vector<16xf32>
          %select_n3A_1701 = arith.select %ne3A_1671, %get3A_1695, %add3A_1700 : vector<16xf32>
          %get3A_1702 = arith.index_cast %add3A_1670 : i32 to index
          %get3A_1703 = arith.constant 48 : index
          %get3A_1704 = tpu.vector_load %arg5[%get3A_1702, %get3A_1703] {strides = array<i32>} : memref<128x128xf32, #tpu.memory_space<vmem>>, vector<1x16xf32>,
          %get3A_1705 = vector.shape_cast %get3A_1704 : vector<1x16xf32> to vector<16xf32>
          %get3A_1706 = arith.index_cast %add3A_1670 : i32 to index
          %get3A_1707 = arith.constant 48 : index
          %get3A_1708 = tpu.vector_load %arg5[%get3A_1706, %get3A_1707] {strides = array<i32>} : memref<128x128xf32, #tpu.memory_space<vmem>>, vector<1x16xf32>,
          %get3A_1709 = vector.shape_cast %get3A_1708 : vector<1x16xf32> to vector<16xf32>
          %add3A_1710 = arith.addf %select_n3A_1584, %get3A_1709 : vector<16xf32>
          %select_n3A_1711 = arith.select %ne3A_1671, %get3A_1705, %add3A_1710 : vector<16xf32>
          %get3A_1712 = arith.index_cast %add3A_1670 : i32 to index
          %get3A_1713 = arith.constant 64 : index
          %get3A_1714 = tpu.vector_load %arg5[%get3A_1712, %get3A_1713] {strides = array<i32>} : memref<128x128xf32, #tpu.memory_space<vmem>>, vector<1x16xf32>,
          %get3A_1715 = vector.shape_cast %get3A_1714 : vector<1x16xf32> to vector<16xf32>
          %get3A_1716 = arith.index_cast %add3A_1670 : i32 to index
          %get3A_1717 = arith.constant 64 : index
          %get3A_1718 = tpu.vector_load %arg5[%get3A_1716, %get3A_1717] {strides = array<i32>} : memref<128x128xf32, #tpu.memory_space<vmem>>, vector<1x16xf32>,
          %get3A_1719 = vector.shape_cast %get3A_1718 : vector<1x16xf32> to vector<16xf32>
          %add3A_1720 = arith.addf %select_n3A_1594, %get3A_1719 : vector<16xf32>
          %select_n3A_1721 = arith.select %ne3A_1671, %get3A_1715, %add3A_1720 : vector<16xf32>
          %get3A_1722 = arith.index_cast %add3A_1670 : i32 to index
          %get3A_1723 = arith.constant 80 : index
          %get3A_1724 = tpu.vector_load %arg5[%get3A_1722, %get3A_1723] {strides = array<i32>} : memref<128x128xf32, #tpu.memory_space<vmem>>, vector<1x16xf32>,
          %get3A_1725 = vector.shape_cast %get3A_1724 : vector<1x16xf32> to vector<16xf32>
          %get3A_1726 = arith.index_cast %add3A_1670 : i32 to index
          %get3A_1727 = arith.constant 80 : index
          %get3A_1728 = tpu.vector_load %arg5[%get3A_1726, %get3A_1727] {strides = array<i32>} : memref<128x128xf32, #tpu.memory_space<vmem>>, vector<1x16xf32>,
          %get3A_1729 = vector.shape_cast %get3A_1728 : vector<1x16xf32> to vector<16xf32>
          %add3A_1730 = arith.addf %select_n3A_1604, %get3A_1729 : vector<16xf32>
          %select_n3A_1731 = arith.select %ne3A_1671, %get3A_1725, %add3A_1730 : vector<16xf32>
          %get3A_1732 = arith.index_cast %add3A_1670 : i32 to index
          %get3A_1733 = arith.constant 96 : index
          %get3A_1734 = tpu.vector_load %arg5[%get3A_1732, %get3A_1733] {strides = array<i32>} : memref<128x128xf32, #tpu.memory_space<vmem>>, vector<1x16xf32>,
          %get3A_1735 = vector.shape_cast %get3A_1734 : vector<1x16xf32> to vector<16xf32>
          %get3A_1736 = arith.index_cast %add3A_1670 : i32 to index
          %get3A_1737 = arith.constant 96 : index
          %get3A_1738 = tpu.vector_load %arg5[%get3A_1736, %get3A_1737] {strides = array<i32>} : memref<128x128xf32, #tpu.memory_space<vmem>>, vector<1x16xf32>,
          %get3A_1739 = vector.shape_cast %get3A_1738 : vector<1x16xf32> to vector<16xf32>
          %add3A_1740 = arith.addf %select_n3A_1614, %get3A_1739 : vector<16xf32>
          %select_n3A_1741 = arith.select %ne3A_1671, %get3A_1735, %add3A_1740 : vector<16xf32>
          %get3A_1742 = arith.index_cast %add3A_1670 : i32 to index
          %get3A_1743 = arith.constant 112 : index
          %get3A_1744 = tpu.vector_load %arg5[%get3A_1742, %get3A_1743] {strides = array<i32>} : memref<128x128xf32, #tpu.memory_space<vmem>>, vector<1x16xf32>,
          %get3A_1745 = vector.shape_cast %get3A_1744 : vector<1x16xf32> to vector<16xf32>
          %get3A_1746 = arith.index_cast %add3A_1670 : i32 to index
          %get3A_1747 = arith.constant 112 : index
          %get3A_1748 = tpu.vector_load %arg5[%get3A_1746, %get3A_1747] {strides = array<i32>} : memref<128x128xf32, #tpu.memory_space<vmem>>, vector<1x16xf32>,
          %get3A_1749 = vector.shape_cast %get3A_1748 : vector<1x16xf32> to vector<16xf32>
          %add3A_1750 = arith.addf %select_n3A_1624, %get3A_1749 : vector<16xf32>
          %select_n3A_1751 = arith.select %ne3A_1671, %get3A_1745, %add3A_1750 : vector<16xf32>
          %swap3A_1752 = arith.index_cast %squeeze3A_1666 : i32 to index
          %swap3A_1753 = arith.constant 0 : index
          %swap3A_1754 = tpu.vector_load %arg7[%swap3A_1752, %swap3A_1753] {strides = array<i32>} : memref<256x128xf32, #tpu.memory_space<vmem>>, vector<1x16xf32>,
          %swap3A_1755 = vector.shape_cast %swap3A_1754 : vector<1x16xf32> to vector<16xf32>
          %swap3A_1756 = vector.shape_cast %select_n3A_1681 : vector<16xf32> to vector<1x16xf32>
          tpu.vector_store %arg7[%swap3A_1752, %swap3A_1753], %swap3A_1756 {strides = array<i32>} : memref<256x128xf32, #tpu.memory_space<vmem>>, vector<1x16xf32>,
          %swap3A_1757 = arith.index_cast %squeeze3A_1666 : i32 to index
          %swap3A_1758 = arith.constant 16 : index
          %swap3A_1759 = tpu.vector_load %arg7[%swap3A_1757, %swap3A_1758] {strides = array<i32>} : memref<256x128xf32, #tpu.memory_space<vmem>>, vector<1x16xf32>,
          %swap3A_1760 = vector.shape_cast %swap3A_1759 : vector<1x16xf32> to vector<16xf32>
          %swap3A_1761 = vector.shape_cast %select_n3A_1691 : vector<16xf32> to vector<1x16xf32>
          tpu.vector_store %arg7[%swap3A_1757, %swap3A_1758], %swap3A_1761 {strides = array<i32>} : memref<256x128xf32, #tpu.memory_space<vmem>>, vector<1x16xf32>,
          %swap3A_1762 = arith.index_cast %squeeze3A_1666 : i32 to index
          %swap3A_1763 = arith.constant 32 : index
          %swap3A_1764 = tpu.vector_load %arg7[%swap3A_1762, %swap3A_1763] {strides = array<i32>} : memref<256x128xf32, #tpu.memory_space<vmem>>, vector<1x16xf32>,
          %swap3A_1765 = vector.shape_cast %swap3A_1764 : vector<1x16xf32> to vector<16xf32>
          %swap3A_1766 = vector.shape_cast %select_n3A_1701 : vector<16xf32> to vector<1x16xf32>
          tpu.vector_store %arg7[%swap3A_1762, %swap3A_1763], %swap3A_1766 {strides = array<i32>} : memref<256x128xf32, #tpu.memory_space<vmem>>, vector<1x16xf32>,
          %swap3A_1767 = arith.index_cast %squeeze3A_1666 : i32 to index
          %swap3A_1768 = arith.constant 48 : index
          %swap3A_1769 = tpu.vector_load %arg7[%swap3A_1767, %swap3A_1768] {strides = array<i32>} : memref<256x128xf32, #tpu.memory_space<vmem>>, vector<1x16xf32>,
          %swap3A_1770 = vector.shape_cast %swap3A_1769 : vector<1x16xf32> to vector<16xf32>
          %swap3A_1771 = vector.shape_cast %select_n3A_1711 : vector<16xf32> to vector<1x16xf32>
          tpu.vector_store %arg7[%swap3A_1767, %swap3A_1768], %swap3A_1771 {strides = array<i32>} : memref<256x128xf32, #tpu.memory_space<vmem>>, vector<1x16xf32>,
          %swap3A_1772 = arith.index_cast %squeeze3A_1666 : i32 to index
          %swap3A_1773 = arith.constant 64 : index
          %swap3A_1774 = tpu.vector_load %arg7[%swap3A_1772, %swap3A_1773] {strides = array<i32>} : memref<256x128xf32, #tpu.memory_space<vmem>>, vector<1x16xf32>,
          %swap3A_1775 = vector.shape_cast %swap3A_1774 : vector<1x16xf32> to vector<16xf32>
          %swap3A_1776 = vector.shape_cast %select_n3A_1721 : vector<16xf32> to vector<1x16xf32>
          tpu.vector_store %arg7[%swap3A_1772, %swap3A_1773], %swap3A_1776 {strides = array<i32>} : memref<256x128xf32, #tpu.memory_space<vmem>>, vector<1x16xf32>,
          %swap3A_1777 = arith.index_cast %squeeze3A_1666 : i32 to index
          %swap3A_1778 = arith.constant 80 : index
          %swap3A_1779 = tpu.vector_load %arg7[%swap3A_1777, %swap3A_1778] {strides = array<i32>} : memref<256x128xf32, #tpu.memory_space<vmem>>, vector<1x16xf32>,
          %swap3A_1780 = vector.shape_cast %swap3A_1779 : vector<1x16xf32> to vector<16xf32>
          %swap3A_1781 = vector.shape_cast %select_n3A_1731 : vector<16xf32> to vector<1x16xf32>
          tpu.vector_store %arg7[%swap3A_1777, %swap3A_1778], %swap3A_1781 {strides = array<i32>} : memref<256x128xf32, #tpu.memory_space<vmem>>, vector<1x16xf32>,
          %swap3A_1782 = arith.index_cast %squeeze3A_1666 : i32 to index
          %swap3A_1783 = arith.constant 96 : index
          %swap3A_1784 = tpu.vector_load %arg7[%swap3A_1782, %swap3A_1783] {strides = array<i32>} : memref<256x128xf32, #tpu.memory_space<vmem>>, vector<1x16xf32>,
          %swap3A_1785 = vector.shape_cast %swap3A_1784 : vector<1x16xf32> to vector<16xf32>
          %swap3A_1786 = vector.shape_cast %select_n3A_1741 : vector<16xf32> to vector<1x16xf32>
          tpu.vector_store %arg7[%swap3A_1782, %swap3A_1783], %swap3A_1786 {strides = array<i32>} : memref<256x128xf32, #tpu.memory_space<vmem>>, vector<1x16xf32>,
          %swap3A_1787 = arith.index_cast %squeeze3A_1666 : i32 to index
          %swap3A_1788 = arith.constant 112 : index
          %swap3A_1789 = tpu.vector_load %arg7[%swap3A_1787, %swap3A_1788] {strides = array<i32>} : memref<256x128xf32, #tpu.memory_space<vmem>>, vector<1x16xf32>,
          %swap3A_1790 = vector.shape_cast %swap3A_1789 : vector<1x16xf32> to vector<16xf32>
          %swap3A_1791 = vector.shape_cast %select_n3A_1751 : vector<16xf32> to vector<1x16xf32>
          tpu.vector_store %arg7[%swap3A_1787, %swap3A_1788], %swap3A_1791 {strides = array<i32>} : memref<256x128xf32, #tpu.memory_space<vmem>>, vector<1x16xf32>,
          %slice3A_1792 = vector.extract_strided_slice %get3A_143 {offsets = [13], sizes = [1], strides = [1]} : vector<16xi32> to vector<1xi32>
          %squeeze3A_1793 = vector.extract %slice3A_1792[0] : i32 from vector<1xi32>
          %mul3A_1794 = arith.constant 16 : i32
          %mul3A_1795 = arith.muli %scan3A_127, %mul3A_1794 : i32
          %add3A_1796 = arith.constant 13 : i32
          %add3A_1797 = arith.addi %mul3A_1795, %add3A_1796 : i32
          %ne3A_1798 = arith.cmpi ne, %squeeze3A_1793, %squeeze3A_1666 : i32
          %get3A_1799 = arith.index_cast %add3A_1797 : i32 to index
          %get3A_1800 = arith.constant 0 : index
          %get3A_1801 = tpu.vector_load %arg5[%get3A_1799, %get3A_1800] {strides = array<i32>} : memref<128x128xf32, #tpu.memory_space<vmem>>, vector<1x16xf32>,
          %get3A_1802 = vector.shape_cast %get3A_1801 : vector<1x16xf32> to vector<16xf32>
          %get3A_1803 = arith.index_cast %add3A_1797 : i32 to index
          %get3A_1804 = arith.constant 0 : index
          %get3A_1805 = tpu.vector_load %arg5[%get3A_1803, %get3A_1804] {strides = array<i32>} : memref<128x128xf32, #tpu.memory_space<vmem>>, vector<1x16xf32>,
          %get3A_1806 = vector.shape_cast %get3A_1805 : vector<1x16xf32> to vector<16xf32>
          %add3A_1807 = arith.addf %select_n3A_1681, %get3A_1806 : vector<16xf32>
          %select_n3A_1808 = arith.select %ne3A_1798, %get3A_1802, %add3A_1807 : vector<16xf32>
          %get3A_1809 = arith.index_cast %add3A_1797 : i32 to index
          %get3A_1810 = arith.constant 16 : index
          %get3A_1811 = tpu.vector_load %arg5[%get3A_1809, %get3A_1810] {strides = array<i32>} : memref<128x128xf32, #tpu.memory_space<vmem>>, vector<1x16xf32>,
          %get3A_1812 = vector.shape_cast %get3A_1811 : vector<1x16xf32> to vector<16xf32>
          %get3A_1813 = arith.index_cast %add3A_1797 : i32 to index
          %get3A_1814 = arith.constant 16 : index
          %get3A_1815 = tpu.vector_load %arg5[%get3A_1813, %get3A_1814] {strides = array<i32>} : memref<128x128xf32, #tpu.memory_space<vmem>>, vector<1x16xf32>,
          %get3A_1816 = vector.shape_cast %get3A_1815 : vector<1x16xf32> to vector<16xf32>
          %add3A_1817 = arith.addf %select_n3A_1691, %get3A_1816 : vector<16xf32>
          %select_n3A_1818 = arith.select %ne3A_1798, %get3A_1812, %add3A_1817 : vector<16xf32>
          %get3A_1819 = arith.index_cast %add3A_1797 : i32 to index
          %get3A_1820 = arith.constant 32 : index
          %get3A_1821 = tpu.vector_load %arg5[%get3A_1819, %get3A_1820] {strides = array<i32>} : memref<128x128xf32, #tpu.memory_space<vmem>>, vector<1x16xf32>,
          %get3A_1822 = vector.shape_cast %get3A_1821 : vector<1x16xf32> to vector<16xf32>
          %get3A_1823 = arith.index_cast %add3A_1797 : i32 to index
          %get3A_1824 = arith.constant 32 : index
          %get3A_1825 = tpu.vector_load %arg5[%get3A_1823, %get3A_1824] {strides = array<i32>} : memref<128x128xf32, #tpu.memory_space<vmem>>, vector<1x16xf32>,
          %get3A_1826 = vector.shape_cast %get3A_1825 : vector<1x16xf32> to vector<16xf32>
          %add3A_1827 = arith.addf %select_n3A_1701, %get3A_1826 : vector<16xf32>
          %select_n3A_1828 = arith.select %ne3A_1798, %get3A_1822, %add3A_1827 : vector<16xf32>
          %get3A_1829 = arith.index_cast %add3A_1797 : i32 to index
          %get3A_1830 = arith.constant 48 : index
          %get3A_1831 = tpu.vector_load %arg5[%get3A_1829, %get3A_1830] {strides = array<i32>} : memref<128x128xf32, #tpu.memory_space<vmem>>, vector<1x16xf32>,
          %get3A_1832 = vector.shape_cast %get3A_1831 : vector<1x16xf32> to vector<16xf32>
          %get3A_1833 = arith.index_cast %add3A_1797 : i32 to index
          %get3A_1834 = arith.constant 48 : index
          %get3A_1835 = tpu.vector_load %arg5[%get3A_1833, %get3A_1834] {strides = array<i32>} : memref<128x128xf32, #tpu.memory_space<vmem>>, vector<1x16xf32>,
          %get3A_1836 = vector.shape_cast %get3A_1835 : vector<1x16xf32> to vector<16xf32>
          %add3A_1837 = arith.addf %select_n3A_1711, %get3A_1836 : vector<16xf32>
          %select_n3A_1838 = arith.select %ne3A_1798, %get3A_1832, %add3A_1837 : vector<16xf32>
          %get3A_1839 = arith.index_cast %add3A_1797 : i32 to index
          %get3A_1840 = arith.constant 64 : index
          %get3A_1841 = tpu.vector_load %arg5[%get3A_1839, %get3A_1840] {strides = array<i32>} : memref<128x128xf32, #tpu.memory_space<vmem>>, vector<1x16xf32>,
          %get3A_1842 = vector.shape_cast %get3A_1841 : vector<1x16xf32> to vector<16xf32>
          %get3A_1843 = arith.index_cast %add3A_1797 : i32 to index
          %get3A_1844 = arith.constant 64 : index
          %get3A_1845 = tpu.vector_load %arg5[%get3A_1843, %get3A_1844] {strides = array<i32>} : memref<128x128xf32, #tpu.memory_space<vmem>>, vector<1x16xf32>,
          %get3A_1846 = vector.shape_cast %get3A_1845 : vector<1x16xf32> to vector<16xf32>
          %add3A_1847 = arith.addf %select_n3A_1721, %get3A_1846 : vector<16xf32>
          %select_n3A_1848 = arith.select %ne3A_1798, %get3A_1842, %add3A_1847 : vector<16xf32>
          %get3A_1849 = arith.index_cast %add3A_1797 : i32 to index
          %get3A_1850 = arith.constant 80 : index
          %get3A_1851 = tpu.vector_load %arg5[%get3A_1849, %get3A_1850] {strides = array<i32>} : memref<128x128xf32, #tpu.memory_space<vmem>>, vector<1x16xf32>,
          %get3A_1852 = vector.shape_cast %get3A_1851 : vector<1x16xf32> to vector<16xf32>
          %get3A_1853 = arith.index_cast %add3A_1797 : i32 to index
          %get3A_1854 = arith.constant 80 : index
          %get3A_1855 = tpu.vector_load %arg5[%get3A_1853, %get3A_1854] {strides = array<i32>} : memref<128x128xf32, #tpu.memory_space<vmem>>, vector<1x16xf32>,
          %get3A_1856 = vector.shape_cast %get3A_1855 : vector<1x16xf32> to vector<16xf32>
          %add3A_1857 = arith.addf %select_n3A_1731, %get3A_1856 : vector<16xf32>
          %select_n3A_1858 = arith.select %ne3A_1798, %get3A_1852, %add3A_1857 : vector<16xf32>
          %get3A_1859 = arith.index_cast %add3A_1797 : i32 to index
          %get3A_1860 = arith.constant 96 : index
          %get3A_1861 = tpu.vector_load %arg5[%get3A_1859, %get3A_1860] {strides = array<i32>} : memref<128x128xf32, #tpu.memory_space<vmem>>, vector<1x16xf32>,
          %get3A_1862 = vector.shape_cast %get3A_1861 : vector<1x16xf32> to vector<16xf32>
          %get3A_1863 = arith.index_cast %add3A_1797 : i32 to index
          %get3A_1864 = arith.constant 96 : index
          %get3A_1865 = tpu.vector_load %arg5[%get3A_1863, %get3A_1864] {strides = array<i32>} : memref<128x128xf32, #tpu.memory_space<vmem>>, vector<1x16xf32>,
          %get3A_1866 = vector.shape_cast %get3A_1865 : vector<1x16xf32> to vector<16xf32>
          %add3A_1867 = arith.addf %select_n3A_1741, %get3A_1866 : vector<16xf32>
          %select_n3A_1868 = arith.select %ne3A_1798, %get3A_1862, %add3A_1867 : vector<16xf32>
          %get3A_1869 = arith.index_cast %add3A_1797 : i32 to index
          %get3A_1870 = arith.constant 112 : index
          %get3A_1871 = tpu.vector_load %arg5[%get3A_1869, %get3A_1870] {strides = array<i32>} : memref<128x128xf32, #tpu.memory_space<vmem>>, vector<1x16xf32>,
          %get3A_1872 = vector.shape_cast %get3A_1871 : vector<1x16xf32> to vector<16xf32>
          %get3A_1873 = arith.index_cast %add3A_1797 : i32 to index
          %get3A_1874 = arith.constant 112 : index
          %get3A_1875 = tpu.vector_load %arg5[%get3A_1873, %get3A_1874] {strides = array<i32>} : memref<128x128xf32, #tpu.memory_space<vmem>>, vector<1x16xf32>,
          %get3A_1876 = vector.shape_cast %get3A_1875 : vector<1x16xf32> to vector<16xf32>
          %add3A_1877 = arith.addf %select_n3A_1751, %get3A_1876 : vector<16xf32>
          %select_n3A_1878 = arith.select %ne3A_1798, %get3A_1872, %add3A_1877 : vector<16xf32>
          %swap3A_1879 = arith.index_cast %squeeze3A_1793 : i32 to index
          %swap3A_1880 = arith.constant 0 : index
          %swap3A_1881 = tpu.vector_load %arg7[%swap3A_1879, %swap3A_1880] {strides = array<i32>} : memref<256x128xf32, #tpu.memory_space<vmem>>, vector<1x16xf32>,
          %swap3A_1882 = vector.shape_cast %swap3A_1881 : vector<1x16xf32> to vector<16xf32>
          %swap3A_1883 = vector.shape_cast %select_n3A_1808 : vector<16xf32> to vector<1x16xf32>
          tpu.vector_store %arg7[%swap3A_1879, %swap3A_1880], %swap3A_1883 {strides = array<i32>} : memref<256x128xf32, #tpu.memory_space<vmem>>, vector<1x16xf32>,
          %swap3A_1884 = arith.index_cast %squeeze3A_1793 : i32 to index
          %swap3A_1885 = arith.constant 16 : index
          %swap3A_1886 = tpu.vector_load %arg7[%swap3A_1884, %swap3A_1885] {strides = array<i32>} : memref<256x128xf32, #tpu.memory_space<vmem>>, vector<1x16xf32>,
          %swap3A_1887 = vector.shape_cast %swap3A_1886 : vector<1x16xf32> to vector<16xf32>
          %swap3A_1888 = vector.shape_cast %select_n3A_1818 : vector<16xf32> to vector<1x16xf32>
          tpu.vector_store %arg7[%swap3A_1884, %swap3A_1885], %swap3A_1888 {strides = array<i32>} : memref<256x128xf32, #tpu.memory_space<vmem>>, vector<1x16xf32>,
          %swap3A_1889 = arith.index_cast %squeeze3A_1793 : i32 to index
          %swap3A_1890 = arith.constant 32 : index
          %swap3A_1891 = tpu.vector_load %arg7[%swap3A_1889, %swap3A_1890] {strides = array<i32>} : memref<256x128xf32, #tpu.memory_space<vmem>>, vector<1x16xf32>,
          %swap3A_1892 = vector.shape_cast %swap3A_1891 : vector<1x16xf32> to vector<16xf32>
          %swap3A_1893 = vector.shape_cast %select_n3A_1828 : vector<16xf32> to vector<1x16xf32>
          tpu.vector_store %arg7[%swap3A_1889, %swap3A_1890], %swap3A_1893 {strides = array<i32>} : memref<256x128xf32, #tpu.memory_space<vmem>>, vector<1x16xf32>,
          %swap3A_1894 = arith.index_cast %squeeze3A_1793 : i32 to index
          %swap3A_1895 = arith.constant 48 : index
          %swap3A_1896 = tpu.vector_load %arg7[%swap3A_1894, %swap3A_1895] {strides = array<i32>} : memref<256x128xf32, #tpu.memory_space<vmem>>, vector<1x16xf32>,
          %swap3A_1897 = vector.shape_cast %swap3A_1896 : vector<1x16xf32> to vector<16xf32>
          %swap3A_1898 = vector.shape_cast %select_n3A_1838 : vector<16xf32> to vector<1x16xf32>
          tpu.vector_store %arg7[%swap3A_1894, %swap3A_1895], %swap3A_1898 {strides = array<i32>} : memref<256x128xf32, #tpu.memory_space<vmem>>, vector<1x16xf32>,
          %swap3A_1899 = arith.index_cast %squeeze3A_1793 : i32 to index
          %swap3A_1900 = arith.constant 64 : index
          %swap3A_1901 = tpu.vector_load %arg7[%swap3A_1899, %swap3A_1900] {strides = array<i32>} : memref<256x128xf32, #tpu.memory_space<vmem>>, vector<1x16xf32>,
          %swap3A_1902 = vector.shape_cast %swap3A_1901 : vector<1x16xf32> to vector<16xf32>
          %swap3A_1903 = vector.shape_cast %select_n3A_1848 : vector<16xf32> to vector<1x16xf32>
          tpu.vector_store %arg7[%swap3A_1899, %swap3A_1900], %swap3A_1903 {strides = array<i32>} : memref<256x128xf32, #tpu.memory_space<vmem>>, vector<1x16xf32>,
          %swap3A_1904 = arith.index_cast %squeeze3A_1793 : i32 to index
          %swap3A_1905 = arith.constant 80 : index
          %swap3A_1906 = tpu.vector_load %arg7[%swap3A_1904, %swap3A_1905] {strides = array<i32>} : memref<256x128xf32, #tpu.memory_space<vmem>>, vector<1x16xf32>,
          %swap3A_1907 = vector.shape_cast %swap3A_1906 : vector<1x16xf32> to vector<16xf32>
          %swap3A_1908 = vector.shape_cast %select_n3A_1858 : vector<16xf32> to vector<1x16xf32>
          tpu.vector_store %arg7[%swap3A_1904, %swap3A_1905], %swap3A_1908 {strides = array<i32>} : memref<256x128xf32, #tpu.memory_space<vmem>>, vector<1x16xf32>,
          %swap3A_1909 = arith.index_cast %squeeze3A_1793 : i32 to index
          %swap3A_1910 = arith.constant 96 : index
          %swap3A_1911 = tpu.vector_load %arg7[%swap3A_1909, %swap3A_1910] {strides = array<i32>} : memref<256x128xf32, #tpu.memory_space<vmem>>, vector<1x16xf32>,
          %swap3A_1912 = vector.shape_cast %swap3A_1911 : vector<1x16xf32> to vector<16xf32>
          %swap3A_1913 = vector.shape_cast %select_n3A_1868 : vector<16xf32> to vector<1x16xf32>
          tpu.vector_store %arg7[%swap3A_1909, %swap3A_1910], %swap3A_1913 {strides = array<i32>} : memref<256x128xf32, #tpu.memory_space<vmem>>, vector<1x16xf32>,
          %swap3A_1914 = arith.index_cast %squeeze3A_1793 : i32 to index
          %swap3A_1915 = arith.constant 112 : index
          %swap3A_1916 = tpu.vector_load %arg7[%swap3A_1914, %swap3A_1915] {strides = array<i32>} : memref<256x128xf32, #tpu.memory_space<vmem>>, vector<1x16xf32>,
          %swap3A_1917 = vector.shape_cast %swap3A_1916 : vector<1x16xf32> to vector<16xf32>
          %swap3A_1918 = vector.shape_cast %select_n3A_1878 : vector<16xf32> to vector<1x16xf32>
          tpu.vector_store %arg7[%swap3A_1914, %swap3A_1915], %swap3A_1918 {strides = array<i32>} : memref<256x128xf32, #tpu.memory_space<vmem>>, vector<1x16xf32>,
          %slice3A_1919 = vector.extract_strided_slice %get3A_143 {offsets = [14], sizes = [1], strides = [1]} : vector<16xi32> to vector<1xi32>
          %squeeze3A_1920 = vector.extract %slice3A_1919[0] : i32 from vector<1xi32>
          %mul3A_1921 = arith.constant 16 : i32
          %mul3A_1922 = arith.muli %scan3A_127, %mul3A_1921 : i32
          %add3A_1923 = arith.constant 14 : i32
          %add3A_1924 = arith.addi %mul3A_1922, %add3A_1923 : i32
          %ne3A_1925 = arith.cmpi ne, %squeeze3A_1920, %squeeze3A_1793 : i32
          %get3A_1926 = arith.index_cast %add3A_1924 : i32 to index
          %get3A_1927 = arith.constant 0 : index
          %get3A_1928 = tpu.vector_load %arg5[%get3A_1926, %get3A_1927] {strides = array<i32>} : memref<128x128xf32, #tpu.memory_space<vmem>>, vector<1x16xf32>,
          %get3A_1929 = vector.shape_cast %get3A_1928 : vector<1x16xf32> to vector<16xf32>
          %get3A_1930 = arith.index_cast %add3A_1924 : i32 to index
          %get3A_1931 = arith.constant 0 : index
          %get3A_1932 = tpu.vector_load %arg5[%get3A_1930, %get3A_1931] {strides = array<i32>} : memref<128x128xf32, #tpu.memory_space<vmem>>, vector<1x16xf32>,
          %get3A_1933 = vector.shape_cast %get3A_1932 : vector<1x16xf32> to vector<16xf32>
          %add3A_1934 = arith.addf %select_n3A_1808, %get3A_1933 : vector<16xf32>
          %select_n3A_1935 = arith.select %ne3A_1925, %get3A_1929, %add3A_1934 : vector<16xf32>
          %get3A_1936 = arith.index_cast %add3A_1924 : i32 to index
          %get3A_1937 = arith.constant 16 : index
          %get3A_1938 = tpu.vector_load %arg5[%get3A_1936, %get3A_1937] {strides = array<i32>} : memref<128x128xf32, #tpu.memory_space<vmem>>, vector<1x16xf32>,
          %get3A_1939 = vector.shape_cast %get3A_1938 : vector<1x16xf32> to vector<16xf32>
          %get3A_1940 = arith.index_cast %add3A_1924 : i32 to index
          %get3A_1941 = arith.constant 16 : index
          %get3A_1942 = tpu.vector_load %arg5[%get3A_1940, %get3A_1941] {strides = array<i32>} : memref<128x128xf32, #tpu.memory_space<vmem>>, vector<1x16xf32>,
          %get3A_1943 = vector.shape_cast %get3A_1942 : vector<1x16xf32> to vector<16xf32>
          %add3A_1944 = arith.addf %select_n3A_1818, %get3A_1943 : vector<16xf32>
          %select_n3A_1945 = arith.select %ne3A_1925, %get3A_1939, %add3A_1944 : vector<16xf32>
          %get3A_1946 = arith.index_cast %add3A_1924 : i32 to index
          %get3A_1947 = arith.constant 32 : index
          %get3A_1948 = tpu.vector_load %arg5[%get3A_1946, %get3A_1947] {strides = array<i32>} : memref<128x128xf32, #tpu.memory_space<vmem>>, vector<1x16xf32>,
          %get3A_1949 = vector.shape_cast %get3A_1948 : vector<1x16xf32> to vector<16xf32>
          %get3A_1950 = arith.index_cast %add3A_1924 : i32 to index
          %get3A_1951 = arith.constant 32 : index
          %get3A_1952 = tpu.vector_load %arg5[%get3A_1950, %get3A_1951] {strides = array<i32>} : memref<128x128xf32, #tpu.memory_space<vmem>>, vector<1x16xf32>,
          %get3A_1953 = vector.shape_cast %get3A_1952 : vector<1x16xf32> to vector<16xf32>
          %add3A_1954 = arith.addf %select_n3A_1828, %get3A_1953 : vector<16xf32>
          %select_n3A_1955 = arith.select %ne3A_1925, %get3A_1949, %add3A_1954 : vector<16xf32>
          %get3A_1956 = arith.index_cast %add3A_1924 : i32 to index
          %get3A_1957 = arith.constant 48 : index
          %get3A_1958 = tpu.vector_load %arg5[%get3A_1956, %get3A_1957] {strides = array<i32>} : memref<128x128xf32, #tpu.memory_space<vmem>>, vector<1x16xf32>,
          %get3A_1959 = vector.shape_cast %get3A_1958 : vector<1x16xf32> to vector<16xf32>
          %get3A_1960 = arith.index_cast %add3A_1924 : i32 to index
          %get3A_1961 = arith.constant 48 : index
          %get3A_1962 = tpu.vector_load %arg5[%get3A_1960, %get3A_1961] {strides = array<i32>} : memref<128x128xf32, #tpu.memory_space<vmem>>, vector<1x16xf32>,
          %get3A_1963 = vector.shape_cast %get3A_1962 : vector<1x16xf32> to vector<16xf32>
          %add3A_1964 = arith.addf %select_n3A_1838, %get3A_1963 : vector<16xf32>
          %select_n3A_1965 = arith.select %ne3A_1925, %get3A_1959, %add3A_1964 : vector<16xf32>
          %get3A_1966 = arith.index_cast %add3A_1924 : i32 to index
          %get3A_1967 = arith.constant 64 : index
          %get3A_1968 = tpu.vector_load %arg5[%get3A_1966, %get3A_1967] {strides = array<i32>} : memref<128x128xf32, #tpu.memory_space<vmem>>, vector<1x16xf32>,
          %get3A_1969 = vector.shape_cast %get3A_1968 : vector<1x16xf32> to vector<16xf32>
          %get3A_1970 = arith.index_cast %add3A_1924 : i32 to index
          %get3A_1971 = arith.constant 64 : index
          %get3A_1972 = tpu.vector_load %arg5[%get3A_1970, %get3A_1971] {strides = array<i32>} : memref<128x128xf32, #tpu.memory_space<vmem>>, vector<1x16xf32>,
          %get3A_1973 = vector.shape_cast %get3A_1972 : vector<1x16xf32> to vector<16xf32>
          %add3A_1974 = arith.addf %select_n3A_1848, %get3A_1973 : vector<16xf32>
          %select_n3A_1975 = arith.select %ne3A_1925, %get3A_1969, %add3A_1974 : vector<16xf32>
          %get3A_1976 = arith.index_cast %add3A_1924 : i32 to index
          %get3A_1977 = arith.constant 80 : index
          %get3A_1978 = tpu.vector_load %arg5[%get3A_1976, %get3A_1977] {strides = array<i32>} : memref<128x128xf32, #tpu.memory_space<vmem>>, vector<1x16xf32>,
          %get3A_1979 = vector.shape_cast %get3A_1978 : vector<1x16xf32> to vector<16xf32>
          %get3A_1980 = arith.index_cast %add3A_1924 : i32 to index
          %get3A_1981 = arith.constant 80 : index
          %get3A_1982 = tpu.vector_load %arg5[%get3A_1980, %get3A_1981] {strides = array<i32>} : memref<128x128xf32, #tpu.memory_space<vmem>>, vector<1x16xf32>,
          %get3A_1983 = vector.shape_cast %get3A_1982 : vector<1x16xf32> to vector<16xf32>
          %add3A_1984 = arith.addf %select_n3A_1858, %get3A_1983 : vector<16xf32>
          %select_n3A_1985 = arith.select %ne3A_1925, %get3A_1979, %add3A_1984 : vector<16xf32>
          %get3A_1986 = arith.index_cast %add3A_1924 : i32 to index
          %get3A_1987 = arith.constant 96 : index
          %get3A_1988 = tpu.vector_load %arg5[%get3A_1986, %get3A_1987] {strides = array<i32>} : memref<128x128xf32, #tpu.memory_space<vmem>>, vector<1x16xf32>,
          %get3A_1989 = vector.shape_cast %get3A_1988 : vector<1x16xf32> to vector<16xf32>
          %get3A_1990 = arith.index_cast %add3A_1924 : i32 to index
          %get3A_1991 = arith.constant 96 : index
          %get3A_1992 = tpu.vector_load %arg5[%get3A_1990, %get3A_1991] {strides = array<i32>} : memref<128x128xf32, #tpu.memory_space<vmem>>, vector<1x16xf32>,
          %get3A_1993 = vector.shape_cast %get3A_1992 : vector<1x16xf32> to vector<16xf32>
          %add3A_1994 = arith.addf %select_n3A_1868, %get3A_1993 : vector<16xf32>
          %select_n3A_1995 = arith.select %ne3A_1925, %get3A_1989, %add3A_1994 : vector<16xf32>
          %get3A_1996 = arith.index_cast %add3A_1924 : i32 to index
          %get3A_1997 = arith.constant 112 : index
          %get3A_1998 = tpu.vector_load %arg5[%get3A_1996, %get3A_1997] {strides = array<i32>} : memref<128x128xf32, #tpu.memory_space<vmem>>, vector<1x16xf32>,
          %get3A_1999 = vector.shape_cast %get3A_1998 : vector<1x16xf32> to vector<16xf32>
          %get3A_2000 = arith.index_cast %add3A_1924 : i32 to index
          %get3A_2001 = arith.constant 112 : index
          %get3A_2002 = tpu.vector_load %arg5[%get3A_2000, %get3A_2001] {strides = array<i32>} : memref<128x128xf32, #tpu.memory_space<vmem>>, vector<1x16xf32>,
          %get3A_2003 = vector.shape_cast %get3A_2002 : vector<1x16xf32> to vector<16xf32>
          %add3A_2004 = arith.addf %select_n3A_1878, %get3A_2003 : vector<16xf32>
          %select_n3A_2005 = arith.select %ne3A_1925, %get3A_1999, %add3A_2004 : vector<16xf32>
          %swap3A_2006 = arith.index_cast %squeeze3A_1920 : i32 to index
          %swap3A_2007 = arith.constant 0 : index
          %swap3A_2008 = tpu.vector_load %arg7[%swap3A_2006, %swap3A_2007] {strides = array<i32>} : memref<256x128xf32, #tpu.memory_space<vmem>>, vector<1x16xf32>,
          %swap3A_2009 = vector.shape_cast %swap3A_2008 : vector<1x16xf32> to vector<16xf32>
          %swap3A_2010 = vector.shape_cast %select_n3A_1935 : vector<16xf32> to vector<1x16xf32>
          tpu.vector_store %arg7[%swap3A_2006, %swap3A_2007], %swap3A_2010 {strides = array<i32>} : memref<256x128xf32, #tpu.memory_space<vmem>>, vector<1x16xf32>,
          %swap3A_2011 = arith.index_cast %squeeze3A_1920 : i32 to index
          %swap3A_2012 = arith.constant 16 : index
          %swap3A_2013 = tpu.vector_load %arg7[%swap3A_2011, %swap3A_2012] {strides = array<i32>} : memref<256x128xf32, #tpu.memory_space<vmem>>, vector<1x16xf32>,
          %swap3A_2014 = vector.shape_cast %swap3A_2013 : vector<1x16xf32> to vector<16xf32>
          %swap3A_2015 = vector.shape_cast %select_n3A_1945 : vector<16xf32> to vector<1x16xf32>
          tpu.vector_store %arg7[%swap3A_2011, %swap3A_2012], %swap3A_2015 {strides = array<i32>} : memref<256x128xf32, #tpu.memory_space<vmem>>, vector<1x16xf32>,
          %swap3A_2016 = arith.index_cast %squeeze3A_1920 : i32 to index
          %swap3A_2017 = arith.constant 32 : index
          %swap3A_2018 = tpu.vector_load %arg7[%swap3A_2016, %swap3A_2017] {strides = array<i32>} : memref<256x128xf32, #tpu.memory_space<vmem>>, vector<1x16xf32>,
          %swap3A_2019 = vector.shape_cast %swap3A_2018 : vector<1x16xf32> to vector<16xf32>
          %swap3A_2020 = vector.shape_cast %select_n3A_1955 : vector<16xf32> to vector<1x16xf32>
          tpu.vector_store %arg7[%swap3A_2016, %swap3A_2017], %swap3A_2020 {strides = array<i32>} : memref<256x128xf32, #tpu.memory_space<vmem>>, vector<1x16xf32>,
          %swap3A_2021 = arith.index_cast %squeeze3A_1920 : i32 to index
          %swap3A_2022 = arith.constant 48 : index
          %swap3A_2023 = tpu.vector_load %arg7[%swap3A_2021, %swap3A_2022] {strides = array<i32>} : memref<256x128xf32, #tpu.memory_space<vmem>>, vector<1x16xf32>,
          %swap3A_2024 = vector.shape_cast %swap3A_2023 : vector<1x16xf32> to vector<16xf32>
          %swap3A_2025 = vector.shape_cast %select_n3A_1965 : vector<16xf32> to vector<1x16xf32>
          tpu.vector_store %arg7[%swap3A_2021, %swap3A_2022], %swap3A_2025 {strides = array<i32>} : memref<256x128xf32, #tpu.memory_space<vmem>>, vector<1x16xf32>,
          %swap3A_2026 = arith.index_cast %squeeze3A_1920 : i32 to index
          %swap3A_2027 = arith.constant 64 : index
          %swap3A_2028 = tpu.vector_load %arg7[%swap3A_2026, %swap3A_2027] {strides = array<i32>} : memref<256x128xf32, #tpu.memory_space<vmem>>, vector<1x16xf32>,
          %swap3A_2029 = vector.shape_cast %swap3A_2028 : vector<1x16xf32> to vector<16xf32>
          %swap3A_2030 = vector.shape_cast %select_n3A_1975 : vector<16xf32> to vector<1x16xf32>
          tpu.vector_store %arg7[%swap3A_2026, %swap3A_2027], %swap3A_2030 {strides = array<i32>} : memref<256x128xf32, #tpu.memory_space<vmem>>, vector<1x16xf32>,
          %swap3A_2031 = arith.index_cast %squeeze3A_1920 : i32 to index
          %swap3A_2032 = arith.constant 80 : index
          %swap3A_2033 = tpu.vector_load %arg7[%swap3A_2031, %swap3A_2032] {strides = array<i32>} : memref<256x128xf32, #tpu.memory_space<vmem>>, vector<1x16xf32>,
          %swap3A_2034 = vector.shape_cast %swap3A_2033 : vector<1x16xf32> to vector<16xf32>
          %swap3A_2035 = vector.shape_cast %select_n3A_1985 : vector<16xf32> to vector<1x16xf32>
          tpu.vector_store %arg7[%swap3A_2031, %swap3A_2032], %swap3A_2035 {strides = array<i32>} : memref<256x128xf32, #tpu.memory_space<vmem>>, vector<1x16xf32>,
          %swap3A_2036 = arith.index_cast %squeeze3A_1920 : i32 to index
          %swap3A_2037 = arith.constant 96 : index
          %swap3A_2038 = tpu.vector_load %arg7[%swap3A_2036, %swap3A_2037] {strides = array<i32>} : memref<256x128xf32, #tpu.memory_space<vmem>>, vector<1x16xf32>,
          %swap3A_2039 = vector.shape_cast %swap3A_2038 : vector<1x16xf32> to vector<16xf32>
          %swap3A_2040 = vector.shape_cast %select_n3A_1995 : vector<16xf32> to vector<1x16xf32>
          tpu.vector_store %arg7[%swap3A_2036, %swap3A_2037], %swap3A_2040 {strides = array<i32>} : memref<256x128xf32, #tpu.memory_space<vmem>>, vector<1x16xf32>,
          %swap3A_2041 = arith.index_cast %squeeze3A_1920 : i32 to index
          %swap3A_2042 = arith.constant 112 : index
          %swap3A_2043 = tpu.vector_load %arg7[%swap3A_2041, %swap3A_2042] {strides = array<i32>} : memref<256x128xf32, #tpu.memory_space<vmem>>, vector<1x16xf32>,
          %swap3A_2044 = vector.shape_cast %swap3A_2043 : vector<1x16xf32> to vector<16xf32>
          %swap3A_2045 = vector.shape_cast %select_n3A_2005 : vector<16xf32> to vector<1x16xf32>
          tpu.vector_store %arg7[%swap3A_2041, %swap3A_2042], %swap3A_2045 {strides = array<i32>} : memref<256x128xf32, #tpu.memory_space<vmem>>, vector<1x16xf32>,
          %slice3A_2046 = vector.extract_strided_slice %get3A_143 {offsets = [15], sizes = [1], strides = [1]} : vector<16xi32> to vector<1xi32>
          %squeeze3A_2047 = vector.extract %slice3A_2046[0] : i32 from vector<1xi32>
          %mul3A_2048 = arith.constant 16 : i32
          %mul3A_2049 = arith.muli %scan3A_127, %mul3A_2048 : i32
          %add3A_2050 = arith.constant 15 : i32
          %add3A_2051 = arith.addi %mul3A_2049, %add3A_2050 : i32
          %ne3A_2052 = arith.cmpi ne, %squeeze3A_2047, %squeeze3A_1920 : i32
          %get3A_2053 = arith.index_cast %add3A_2051 : i32 to index
          %get3A_2054 = arith.constant 0 : index
          %get3A_2055 = tpu.vector_load %arg5[%get3A_2053, %get3A_2054] {strides = array<i32>} : memref<128x128xf32, #tpu.memory_space<vmem>>, vector<1x16xf32>,
          %get3A_2056 = vector.shape_cast %get3A_2055 : vector<1x16xf32> to vector<16xf32>
          %get3A_2057 = arith.index_cast %add3A_2051 : i32 to index
          %get3A_2058 = arith.constant 0 : index
          %get3A_2059 = tpu.vector_load %arg5[%get3A_2057, %get3A_2058] {strides = array<i32>} : memref<128x128xf32, #tpu.memory_space<vmem>>, vector<1x16xf32>,
          %get3A_2060 = vector.shape_cast %get3A_2059 : vector<1x16xf32> to vector<16xf32>
          %add3A_2061 = arith.addf %select_n3A_1935, %get3A_2060 : vector<16xf32>
          %select_n3A_2062 = arith.select %ne3A_2052, %get3A_2056, %add3A_2061 : vector<16xf32>
          %get3A_2063 = arith.index_cast %add3A_2051 : i32 to index
          %get3A_2064 = arith.constant 16 : index
          %get3A_2065 = tpu.vector_load %arg5[%get3A_2063, %get3A_2064] {strides = array<i32>} : memref<128x128xf32, #tpu.memory_space<vmem>>, vector<1x16xf32>,
          %get3A_2066 = vector.shape_cast %get3A_2065 : vector<1x16xf32> to vector<16xf32>
          %get3A_2067 = arith.index_cast %add3A_2051 : i32 to index
          %get3A_2068 = arith.constant 16 : index
          %get3A_2069 = tpu.vector_load %arg5[%get3A_2067, %get3A_2068] {strides = array<i32>} : memref<128x128xf32, #tpu.memory_space<vmem>>, vector<1x16xf32>,
          %get3A_2070 = vector.shape_cast %get3A_2069 : vector<1x16xf32> to vector<16xf32>
          %add3A_2071 = arith.addf %select_n3A_1945, %get3A_2070 : vector<16xf32>
          %select_n3A_2072 = arith.select %ne3A_2052, %get3A_2066, %add3A_2071 : vector<16xf32>
          %get3A_2073 = arith.index_cast %add3A_2051 : i32 to index
          %get3A_2074 = arith.constant 32 : index
          %get3A_2075 = tpu.vector_load %arg5[%get3A_2073, %get3A_2074] {strides = array<i32>} : memref<128x128xf32, #tpu.memory_space<vmem>>, vector<1x16xf32>,
          %get3A_2076 = vector.shape_cast %get3A_2075 : vector<1x16xf32> to vector<16xf32>
          %get3A_2077 = arith.index_cast %add3A_2051 : i32 to index
          %get3A_2078 = arith.constant 32 : index
          %get3A_2079 = tpu.vector_load %arg5[%get3A_2077, %get3A_2078] {strides = array<i32>} : memref<128x128xf32, #tpu.memory_space<vmem>>, vector<1x16xf32>,
          %get3A_2080 = vector.shape_cast %get3A_2079 : vector<1x16xf32> to vector<16xf32>
          %add3A_2081 = arith.addf %select_n3A_1955, %get3A_2080 : vector<16xf32>
          %select_n3A_2082 = arith.select %ne3A_2052, %get3A_2076, %add3A_2081 : vector<16xf32>
          %get3A_2083 = arith.index_cast %add3A_2051 : i32 to index
          %get3A_2084 = arith.constant 48 : index
          %get3A_2085 = tpu.vector_load %arg5[%get3A_2083, %get3A_2084] {strides = array<i32>} : memref<128x128xf32, #tpu.memory_space<vmem>>, vector<1x16xf32>,
          %get3A_2086 = vector.shape_cast %get3A_2085 : vector<1x16xf32> to vector<16xf32>
          %get3A_2087 = arith.index_cast %add3A_2051 : i32 to index
          %get3A_2088 = arith.constant 48 : index
          %get3A_2089 = tpu.vector_load %arg5[%get3A_2087, %get3A_2088] {strides = array<i32>} : memref<128x128xf32, #tpu.memory_space<vmem>>, vector<1x16xf32>,
          %get3A_2090 = vector.shape_cast %get3A_2089 : vector<1x16xf32> to vector<16xf32>
          %add3A_2091 = arith.addf %select_n3A_1965, %get3A_2090 : vector<16xf32>
          %select_n3A_2092 = arith.select %ne3A_2052, %get3A_2086, %add3A_2091 : vector<16xf32>
          %get3A_2093 = arith.index_cast %add3A_2051 : i32 to index
          %get3A_2094 = arith.constant 64 : index
          %get3A_2095 = tpu.vector_load %arg5[%get3A_2093, %get3A_2094] {strides = array<i32>} : memref<128x128xf32, #tpu.memory_space<vmem>>, vector<1x16xf32>,
          %get3A_2096 = vector.shape_cast %get3A_2095 : vector<1x16xf32> to vector<16xf32>
          %get3A_2097 = arith.index_cast %add3A_2051 : i32 to index
          %get3A_2098 = arith.constant 64 : index
          %get3A_2099 = tpu.vector_load %arg5[%get3A_2097, %get3A_2098] {strides = array<i32>} : memref<128x128xf32, #tpu.memory_space<vmem>>, vector<1x16xf32>,
          %get3A_2100 = vector.shape_cast %get3A_2099 : vector<1x16xf32> to vector<16xf32>
          %add3A_2101 = arith.addf %select_n3A_1975, %get3A_2100 : vector<16xf32>
          %select_n3A_2102 = arith.select %ne3A_2052, %get3A_2096, %add3A_2101 : vector<16xf32>
          %get3A_2103 = arith.index_cast %add3A_2051 : i32 to index
          %get3A_2104 = arith.constant 80 : index
          %get3A_2105 = tpu.vector_load %arg5[%get3A_2103, %get3A_2104] {strides = array<i32>} : memref<128x128xf32, #tpu.memory_space<vmem>>, vector<1x16xf32>,
          %get3A_2106 = vector.shape_cast %get3A_2105 : vector<1x16xf32> to vector<16xf32>
          %get3A_2107 = arith.index_cast %add3A_2051 : i32 to index
          %get3A_2108 = arith.constant 80 : index
          %get3A_2109 = tpu.vector_load %arg5[%get3A_2107, %get3A_2108] {strides = array<i32>} : memref<128x128xf32, #tpu.memory_space<vmem>>, vector<1x16xf32>,
          %get3A_2110 = vector.shape_cast %get3A_2109 : vector<1x16xf32> to vector<16xf32>
          %add3A_2111 = arith.addf %select_n3A_1985, %get3A_2110 : vector<16xf32>
          %select_n3A_2112 = arith.select %ne3A_2052, %get3A_2106, %add3A_2111 : vector<16xf32>
          %get3A_2113 = arith.index_cast %add3A_2051 : i32 to index
          %get3A_2114 = arith.constant 96 : index
          %get3A_2115 = tpu.vector_load %arg5[%get3A_2113, %get3A_2114] {strides = array<i32>} : memref<128x128xf32, #tpu.memory_space<vmem>>, vector<1x16xf32>,
          %get3A_2116 = vector.shape_cast %get3A_2115 : vector<1x16xf32> to vector<16xf32>
          %get3A_2117 = arith.index_cast %add3A_2051 : i32 to index
          %get3A_2118 = arith.constant 96 : index
          %get3A_2119 = tpu.vector_load %arg5[%get3A_2117, %get3A_2118] {strides = array<i32>} : memref<128x128xf32, #tpu.memory_space<vmem>>, vector<1x16xf32>,
          %get3A_2120 = vector.shape_cast %get3A_2119 : vector<1x16xf32> to vector<16xf32>
          %add3A_2121 = arith.addf %select_n3A_1995, %get3A_2120 : vector<16xf32>
          %select_n3A_2122 = arith.select %ne3A_2052, %get3A_2116, %add3A_2121 : vector<16xf32>
          %get3A_2123 = arith.index_cast %add3A_2051 : i32 to index
          %get3A_2124 = arith.constant 112 : index
          %get3A_2125 = tpu.vector_load %arg5[%get3A_2123, %get3A_2124] {strides = array<i32>} : memref<128x128xf32, #tpu.memory_space<vmem>>, vector<1x16xf32>,
          %get3A_2126 = vector.shape_cast %get3A_2125 : vector<1x16xf32> to vector<16xf32>
          %get3A_2127 = arith.index_cast %add3A_2051 : i32 to index
          %get3A_2128 = arith.constant 112 : index
          %get3A_2129 = tpu.vector_load %arg5[%get3A_2127, %get3A_2128] {strides = array<i32>} : memref<128x128xf32, #tpu.memory_space<vmem>>, vector<1x16xf32>,
          %get3A_2130 = vector.shape_cast %get3A_2129 : vector<1x16xf32> to vector<16xf32>
          %add3A_2131 = arith.addf %select_n3A_2005, %get3A_2130 : vector<16xf32>
          %select_n3A_2132 = arith.select %ne3A_2052, %get3A_2126, %add3A_2131 : vector<16xf32>
          %swap3A_2133 = arith.index_cast %squeeze3A_2047 : i32 to index
          %swap3A_2134 = arith.constant 0 : index
          %swap3A_2135 = tpu.vector_load %arg7[%swap3A_2133, %swap3A_2134] {strides = array<i32>} : memref<256x128xf32, #tpu.memory_space<vmem>>, vector<1x16xf32>,
          %swap3A_2136 = vector.shape_cast %swap3A_2135 : vector<1x16xf32> to vector<16xf32>
          %swap3A_2137 = vector.shape_cast %select_n3A_2062 : vector<16xf32> to vector<1x16xf32>
          tpu.vector_store %arg7[%swap3A_2133, %swap3A_2134], %swap3A_2137 {strides = array<i32>} : memref<256x128xf32, #tpu.memory_space<vmem>>, vector<1x16xf32>,
          %swap3A_2138 = arith.index_cast %squeeze3A_2047 : i32 to index
          %swap3A_2139 = arith.constant 16 : index
          %swap3A_2140 = tpu.vector_load %arg7[%swap3A_2138, %swap3A_2139] {strides = array<i32>} : memref<256x128xf32, #tpu.memory_space<vmem>>, vector<1x16xf32>,
          %swap3A_2141 = vector.shape_cast %swap3A_2140 : vector<1x16xf32> to vector<16xf32>
          %swap3A_2142 = vector.shape_cast %select_n3A_2072 : vector<16xf32> to vector<1x16xf32>
          tpu.vector_store %arg7[%swap3A_2138, %swap3A_2139], %swap3A_2142 {strides = array<i32>} : memref<256x128xf32, #tpu.memory_space<vmem>>, vector<1x16xf32>,
          %swap3A_2143 = arith.index_cast %squeeze3A_2047 : i32 to index
          %swap3A_2144 = arith.constant 32 : index
          %swap3A_2145 = tpu.vector_load %arg7[%swap3A_2143, %swap3A_2144] {strides = array<i32>} : memref<256x128xf32, #tpu.memory_space<vmem>>, vector<1x16xf32>,
          %swap3A_2146 = vector.shape_cast %swap3A_2145 : vector<1x16xf32> to vector<16xf32>
          %swap3A_2147 = vector.shape_cast %select_n3A_2082 : vector<16xf32> to vector<1x16xf32>
          tpu.vector_store %arg7[%swap3A_2143, %swap3A_2144], %swap3A_2147 {strides = array<i32>} : memref<256x128xf32, #tpu.memory_space<vmem>>, vector<1x16xf32>,
          %swap3A_2148 = arith.index_cast %squeeze3A_2047 : i32 to index
          %swap3A_2149 = arith.constant 48 : index
          %swap3A_2150 = tpu.vector_load %arg7[%swap3A_2148, %swap3A_2149] {strides = array<i32>} : memref<256x128xf32, #tpu.memory_space<vmem>>, vector<1x16xf32>,
          %swap3A_2151 = vector.shape_cast %swap3A_2150 : vector<1x16xf32> to vector<16xf32>
          %swap3A_2152 = vector.shape_cast %select_n3A_2092 : vector<16xf32> to vector<1x16xf32>
          tpu.vector_store %arg7[%swap3A_2148, %swap3A_2149], %swap3A_2152 {strides = array<i32>} : memref<256x128xf32, #tpu.memory_space<vmem>>, vector<1x16xf32>,
          %swap3A_2153 = arith.index_cast %squeeze3A_2047 : i32 to index
          %swap3A_2154 = arith.constant 64 : index
          %swap3A_2155 = tpu.vector_load %arg7[%swap3A_2153, %swap3A_2154] {strides = array<i32>} : memref<256x128xf32, #tpu.memory_space<vmem>>, vector<1x16xf32>,
          %swap3A_2156 = vector.shape_cast %swap3A_2155 : vector<1x16xf32> to vector<16xf32>
          %swap3A_2157 = vector.shape_cast %select_n3A_2102 : vector<16xf32> to vector<1x16xf32>
          tpu.vector_store %arg7[%swap3A_2153, %swap3A_2154], %swap3A_2157 {strides = array<i32>} : memref<256x128xf32, #tpu.memory_space<vmem>>, vector<1x16xf32>,
          %swap3A_2158 = arith.index_cast %squeeze3A_2047 : i32 to index
          %swap3A_2159 = arith.constant 80 : index
          %swap3A_2160 = tpu.vector_load %arg7[%swap3A_2158, %swap3A_2159] {strides = array<i32>} : memref<256x128xf32, #tpu.memory_space<vmem>>, vector<1x16xf32>,
          %swap3A_2161 = vector.shape_cast %swap3A_2160 : vector<1x16xf32> to vector<16xf32>
          %swap3A_2162 = vector.shape_cast %select_n3A_2112 : vector<16xf32> to vector<1x16xf32>
          tpu.vector_store %arg7[%swap3A_2158, %swap3A_2159], %swap3A_2162 {strides = array<i32>} : memref<256x128xf32, #tpu.memory_space<vmem>>, vector<1x16xf32>,
          %swap3A_2163 = arith.index_cast %squeeze3A_2047 : i32 to index
          %swap3A_2164 = arith.constant 96 : index
          %swap3A_2165 = tpu.vector_load %arg7[%swap3A_2163, %swap3A_2164] {strides = array<i32>} : memref<256x128xf32, #tpu.memory_space<vmem>>, vector<1x16xf32>,
          %swap3A_2166 = vector.shape_cast %swap3A_2165 : vector<1x16xf32> to vector<16xf32>
          %swap3A_2167 = vector.shape_cast %select_n3A_2122 : vector<16xf32> to vector<1x16xf32>
          tpu.vector_store %arg7[%swap3A_2163, %swap3A_2164], %swap3A_2167 {strides = array<i32>} : memref<256x128xf32, #tpu.memory_space<vmem>>, vector<1x16xf32>,
          %swap3A_2168 = arith.index_cast %squeeze3A_2047 : i32 to index
          %swap3A_2169 = arith.constant 112 : index
          %swap3A_2170 = tpu.vector_load %arg7[%swap3A_2168, %swap3A_2169] {strides = array<i32>} : memref<256x128xf32, #tpu.memory_space<vmem>>, vector<1x16xf32>,
          %swap3A_2171 = vector.shape_cast %swap3A_2170 : vector<1x16xf32> to vector<16xf32>
          %swap3A_2172 = vector.shape_cast %select_n3A_2132 : vector<16xf32> to vector<1x16xf32>
          tpu.vector_store %arg7[%swap3A_2168, %swap3A_2169], %swap3A_2172 {strides = array<i32>} : memref<256x128xf32, #tpu.memory_space<vmem>>, vector<1x16xf32>,
          scf.yield %squeeze3A_2047, %select_n3A_2062, %select_n3A_2072, %select_n3A_2082, %select_n3A_2092, %select_n3A_2102, %select_n3A_2112, %select_n3A_2122, %select_n3A_2132 : i32, vector<16xf32>, vector<16xf32>, vector<16xf32>, vector<16xf32>, vector<16xf32>, vector<16xf32>, vector<16xf32>, vector<16xf32>
        }
        %scan3A_95 = arith.constant 8 : i32
        %add3A_96 = arith.constant 2 : i32
        %add3A_97 = arith.addi %add3A_83, %add3A_96 : i32
        %lt3A_98 = arith.constant 4 : i32
        %lt3A_99 = arith.cmpi slt, %add3A_97, %lt3A_98 : i32
        %convert_element_type3A_100 = arith.extui %lt3A_99 : i1 to i32
        %cond3A_101 = arith.constant 0 : i32
        %cond3A_102 = arith.cmpi ne, %convert_element_type3A_100, %cond3A_101 : i32
        scf.if %cond3A_102 {
          %mul3A_127 = arith.constant 128 : i32
          %mul3A_128 = arith.muli %add3A_97, %mul3A_127 : i32
          %add3A_129 = arith.addi %mul3A_38, %mul3A_128 : i32
          %dma_start3A_130 = arith.constant 0 : i32
          %dma_start3A_131 = tpu.memref_slice %arg2[%add3A_129, %dma_start3A_130] : memref<15360x128xf32, #tpu.memory_space<hbm>> -> memref<128x128xf32, #tpu.memory_space<hbm>>
          %dma_start3A_132 = arith.constant 0 : i32
          %dma_start3A_133 = tpu.memref_slice %arg2[%add3A_129, %dma_start3A_132] : memref<15360x128xf32, #tpu.memory_space<hbm>> -> memref<128x128xf32, #tpu.memory_space<hbm>>
          tpu.enqueue_dma source(%dma_start3A_133 : memref<128x128xf32, #tpu.memory_space<hbm>>) target(%arg5 : memref<128x128xf32, #tpu.memory_space<vmem>>) target_semaphore(%arg9 : memref<!tpu.dma_semaphore, #tpu.memory_space<semaphore_mem>>)
        } else {
        }
        %mul3A_103 = arith.constant 2 : i32
        %mul3A_104 = arith.muli %scan3A_70, %mul3A_103 : i32
        %add3A_105 = arith.constant 1 : i32
        %add3A_106 = arith.addi %mul3A_104, %add3A_105 : i32
        %mul3A_107 = arith.constant 128 : i32
        %mul3A_108 = arith.muli %add3A_106, %mul3A_107 : i32
        %add3A_109 = arith.addi %mul3A_38, %mul3A_108 : i32
        %dma_wait3A_110 = arith.constant 0 : i32
        %dma_wait3A_111 = tpu.memref_slice %arg2[%add3A_109, %dma_wait3A_110] : memref<15360x128xf32, #tpu.memory_space<hbm>> -> memref<128x128xf32, #tpu.memory_space<hbm>>
        %dma_wait3A_112 = arith.constant 0 : i32
        %dma_wait3A_113 = tpu.memref_slice %arg2[%add3A_109, %dma_wait3A_112] : memref<15360x128xf32, #tpu.memory_space<hbm>> -> memref<128x128xf32, #tpu.memory_space<hbm>>
        tpu.wait_dma2 semaphore(%arg10 : memref<!tpu.dma_semaphore, #tpu.memory_space<semaphore_mem>>) src(%dma_wait3A_113 : memref<128x128xf32, #tpu.memory_space<hbm>>) dst(%arg6 : memref<128x128xf32, #tpu.memory_space<vmem>>)
        %scan3A_114 = arith.constant 0 : i32
        %scan3A_115 = arith.constant 8 : i32
        %scan3A_116 = arith.addi %scan3A_114, %scan3A_115 : i32
        %scan3A_117 = arith.constant 1 : i32
        %scan3A_118:9 = scf.for %scan3A_127 = %scan3A_114 to %scan3A_116 step %scan3A_117 iter_args(%scan3A_128 = %scan3A_94#0, %scan3A_129 = %scan3A_94#1, %scan3A_130 = %scan3A_94#2, %scan3A_131 = %scan3A_94#3, %scan3A_132 = %scan3A_94#4, %scan3A_133 = %scan3A_94#5, %scan3A_134 = %scan3A_94#6, %scan3A_135 = %scan3A_94#7, %scan3A_136 = %scan3A_94#8) -> (i32, vector<16xf32>, vector<16xf32>, vector<16xf32>, vector<16xf32>, vector<16xf32>, vector<16xf32>, vector<16xf32>, vector<16xf32>)  : i32 {
          %mul3A_137 = arith.constant 128 : i32
          %mul3A_138 = arith.muli %add3A_106, %mul3A_137 : i32
          %mul3A_139 = arith.constant 16 : i32
          %mul3A_140 = arith.muli %scan3A_127, %mul3A_139 : i32
          %add3A_141 = arith.addi %mul3A_138, %mul3A_140 : i32
          %get3A = arith.index_cast %add3A_141 : i32 to index
          %get3A_142 = tpu.vector_load %arg8[%get3A] {strides = array<i32>} : memref<512xi32, #tpu.memory_space<vmem>>, vector<16xi32>,
          %get3A_143 = vector.shape_cast %get3A_142 : vector<16xi32> to vector<16xi32>
          %slice3A = vector.extract_strided_slice %get3A_143 {offsets = [0], sizes = [1], strides = [1]} : vector<16xi32> to vector<1xi32>
          %squeeze3A = vector.extract %slice3A[0] : i32 from vector<1xi32>
          %mul3A_144 = arith.constant 16 : i32
          %mul3A_145 = arith.muli %scan3A_127, %mul3A_144 : i32
          %add3A_146 = arith.constant 0 : i32
          %add3A_147 = arith.addi %mul3A_145, %add3A_146 : i32
          %ne3A_148 = arith.cmpi ne, %squeeze3A, %scan3A_128 : i32
          %get3A_149 = arith.index_cast %add3A_147 : i32 to index
          %get3A_150 = arith.constant 0 : index
          %get3A_151 = tpu.vector_load %arg6[%get3A_149, %get3A_150] {strides = array<i32>} : memref<128x128xf32, #tpu.memory_space<vmem>>, vector<1x16xf32>,
          %get3A_152 = vector.shape_cast %get3A_151 : vector<1x16xf32> to vector<16xf32>
          %get3A_153 = arith.index_cast %add3A_147 : i32 to index
          %get3A_154 = arith.constant 0 : index
          %get3A_155 = tpu.vector_load %arg6[%get3A_153, %get3A_154] {strides = array<i32>} : memref<128x128xf32, #tpu.memory_space<vmem>>, vector<1x16xf32>,
          %get3A_156 = vector.shape_cast %get3A_155 : vector<1x16xf32> to vector<16xf32>
          %add3A_157 = arith.addf %scan3A_129, %get3A_156 : vector<16xf32>
          %select_n3A_158 = arith.select %ne3A_148, %get3A_152, %add3A_157 : vector<16xf32>
          %get3A_159 = arith.index_cast %add3A_147 : i32 to index
          %get3A_160 = arith.constant 16 : index
          %get3A_161 = tpu.vector_load %arg6[%get3A_159, %get3A_160] {strides = array<i32>} : memref<128x128xf32, #tpu.memory_space<vmem>>, vector<1x16xf32>,
          %get3A_162 = vector.shape_cast %get3A_161 : vector<1x16xf32> to vector<16xf32>
          %get3A_163 = arith.index_cast %add3A_147 : i32 to index
          %get3A_164 = arith.constant 16 : index
          %get3A_165 = tpu.vector_load %arg6[%get3A_163, %get3A_164] {strides = array<i32>} : memref<128x128xf32, #tpu.memory_space<vmem>>, vector<1x16xf32>,
          %get3A_166 = vector.shape_cast %get3A_165 : vector<1x16xf32> to vector<16xf32>
          %add3A_167 = arith.addf %scan3A_130, %get3A_166 : vector<16xf32>
          %select_n3A_168 = arith.select %ne3A_148, %get3A_162, %add3A_167 : vector<16xf32>
          %get3A_169 = arith.index_cast %add3A_147 : i32 to index
          %get3A_170 = arith.constant 32 : index
          %get3A_171 = tpu.vector_load %arg6[%get3A_169, %get3A_170] {strides = array<i32>} : memref<128x128xf32, #tpu.memory_space<vmem>>, vector<1x16xf32>,
          %get3A_172 = vector.shape_cast %get3A_171 : vector<1x16xf32> to vector<16xf32>
          %get3A_173 = arith.index_cast %add3A_147 : i32 to index
          %get3A_174 = arith.constant 32 : index
          %get3A_175 = tpu.vector_load %arg6[%get3A_173, %get3A_174] {strides = array<i32>} : memref<128x128xf32, #tpu.memory_space<vmem>>, vector<1x16xf32>,
          %get3A_176 = vector.shape_cast %get3A_175 : vector<1x16xf32> to vector<16xf32>
          %add3A_177 = arith.addf %scan3A_131, %get3A_176 : vector<16xf32>
          %select_n3A_178 = arith.select %ne3A_148, %get3A_172, %add3A_177 : vector<16xf32>
          %get3A_179 = arith.index_cast %add3A_147 : i32 to index
          %get3A_180 = arith.constant 48 : index
          %get3A_181 = tpu.vector_load %arg6[%get3A_179, %get3A_180] {strides = array<i32>} : memref<128x128xf32, #tpu.memory_space<vmem>>, vector<1x16xf32>,
          %get3A_182 = vector.shape_cast %get3A_181 : vector<1x16xf32> to vector<16xf32>
          %get3A_183 = arith.index_cast %add3A_147 : i32 to index
          %get3A_184 = arith.constant 48 : index
          %get3A_185 = tpu.vector_load %arg6[%get3A_183, %get3A_184] {strides = array<i32>} : memref<128x128xf32, #tpu.memory_space<vmem>>, vector<1x16xf32>,
          %get3A_186 = vector.shape_cast %get3A_185 : vector<1x16xf32> to vector<16xf32>
          %add3A_187 = arith.addf %scan3A_132, %get3A_186 : vector<16xf32>
          %select_n3A_188 = arith.select %ne3A_148, %get3A_182, %add3A_187 : vector<16xf32>
          %get3A_189 = arith.index_cast %add3A_147 : i32 to index
          %get3A_190 = arith.constant 64 : index
          %get3A_191 = tpu.vector_load %arg6[%get3A_189, %get3A_190] {strides = array<i32>} : memref<128x128xf32, #tpu.memory_space<vmem>>, vector<1x16xf32>,
          %get3A_192 = vector.shape_cast %get3A_191 : vector<1x16xf32> to vector<16xf32>
          %get3A_193 = arith.index_cast %add3A_147 : i32 to index
          %get3A_194 = arith.constant 64 : index
          %get3A_195 = tpu.vector_load %arg6[%get3A_193, %get3A_194] {strides = array<i32>} : memref<128x128xf32, #tpu.memory_space<vmem>>, vector<1x16xf32>,
          %get3A_196 = vector.shape_cast %get3A_195 : vector<1x16xf32> to vector<16xf32>
          %add3A_197 = arith.addf %scan3A_133, %get3A_196 : vector<16xf32>
          %select_n3A_198 = arith.select %ne3A_148, %get3A_192, %add3A_197 : vector<16xf32>
          %get3A_199 = arith.index_cast %add3A_147 : i32 to index
          %get3A_200 = arith.constant 80 : index
          %get3A_201 = tpu.vector_load %arg6[%get3A_199, %get3A_200] {strides = array<i32>} : memref<128x128xf32, #tpu.memory_space<vmem>>, vector<1x16xf32>,
          %get3A_202 = vector.shape_cast %get3A_201 : vector<1x16xf32> to vector<16xf32>
          %get3A_203 = arith.index_cast %add3A_147 : i32 to index
          %get3A_204 = arith.constant 80 : index
          %get3A_205 = tpu.vector_load %arg6[%get3A_203, %get3A_204] {strides = array<i32>} : memref<128x128xf32, #tpu.memory_space<vmem>>, vector<1x16xf32>,
          %get3A_206 = vector.shape_cast %get3A_205 : vector<1x16xf32> to vector<16xf32>
          %add3A_207 = arith.addf %scan3A_134, %get3A_206 : vector<16xf32>
          %select_n3A_208 = arith.select %ne3A_148, %get3A_202, %add3A_207 : vector<16xf32>
          %get3A_209 = arith.index_cast %add3A_147 : i32 to index
          %get3A_210 = arith.constant 96 : index
          %get3A_211 = tpu.vector_load %arg6[%get3A_209, %get3A_210] {strides = array<i32>} : memref<128x128xf32, #tpu.memory_space<vmem>>, vector<1x16xf32>,
          %get3A_212 = vector.shape_cast %get3A_211 : vector<1x16xf32> to vector<16xf32>
          %get3A_213 = arith.index_cast %add3A_147 : i32 to index
          %get3A_214 = arith.constant 96 : index
          %get3A_215 = tpu.vector_load %arg6[%get3A_213, %get3A_214] {strides = array<i32>} : memref<128x128xf32, #tpu.memory_space<vmem>>, vector<1x16xf32>,
          %get3A_216 = vector.shape_cast %get3A_215 : vector<1x16xf32> to vector<16xf32>
          %add3A_217 = arith.addf %scan3A_135, %get3A_216 : vector<16xf32>
          %select_n3A_218 = arith.select %ne3A_148, %get3A_212, %add3A_217 : vector<16xf32>
          %get3A_219 = arith.index_cast %add3A_147 : i32 to index
          %get3A_220 = arith.constant 112 : index
          %get3A_221 = tpu.vector_load %arg6[%get3A_219, %get3A_220] {strides = array<i32>} : memref<128x128xf32, #tpu.memory_space<vmem>>, vector<1x16xf32>,
          %get3A_222 = vector.shape_cast %get3A_221 : vector<1x16xf32> to vector<16xf32>
          %get3A_223 = arith.index_cast %add3A_147 : i32 to index
          %get3A_224 = arith.constant 112 : index
          %get3A_225 = tpu.vector_load %arg6[%get3A_223, %get3A_224] {strides = array<i32>} : memref<128x128xf32, #tpu.memory_space<vmem>>, vector<1x16xf32>,
          %get3A_226 = vector.shape_cast %get3A_225 : vector<1x16xf32> to vector<16xf32>
          %add3A_227 = arith.addf %scan3A_136, %get3A_226 : vector<16xf32>
          %select_n3A_228 = arith.select %ne3A_148, %get3A_222, %add3A_227 : vector<16xf32>
          %swap3A = arith.index_cast %squeeze3A : i32 to index
          %swap3A_229 = arith.constant 0 : index
          %swap3A_230 = tpu.vector_load %arg7[%swap3A, %swap3A_229] {strides = array<i32>} : memref<256x128xf32, #tpu.memory_space<vmem>>, vector<1x16xf32>,
          %swap3A_231 = vector.shape_cast %swap3A_230 : vector<1x16xf32> to vector<16xf32>
          %swap3A_232 = vector.shape_cast %select_n3A_158 : vector<16xf32> to vector<1x16xf32>
          tpu.vector_store %arg7[%swap3A, %swap3A_229], %swap3A_232 {strides = array<i32>} : memref<256x128xf32, #tpu.memory_space<vmem>>, vector<1x16xf32>,
          %swap3A_233 = arith.index_cast %squeeze3A : i32 to index
          %swap3A_234 = arith.constant 16 : index
          %swap3A_235 = tpu.vector_load %arg7[%swap3A_233, %swap3A_234] {strides = array<i32>} : memref<256x128xf32, #tpu.memory_space<vmem>>, vector<1x16xf32>,
          %swap3A_236 = vector.shape_cast %swap3A_235 : vector<1x16xf32> to vector<16xf32>
          %swap3A_237 = vector.shape_cast %select_n3A_168 : vector<16xf32> to vector<1x16xf32>
          tpu.vector_store %arg7[%swap3A_233, %swap3A_234], %swap3A_237 {strides = array<i32>} : memref<256x128xf32, #tpu.memory_space<vmem>>, vector<1x16xf32>,
          %swap3A_238 = arith.index_cast %squeeze3A : i32 to index
          %swap3A_239 = arith.constant 32 : index
          %swap3A_240 = tpu.vector_load %arg7[%swap3A_238, %swap3A_239] {strides = array<i32>} : memref<256x128xf32, #tpu.memory_space<vmem>>, vector<1x16xf32>,
          %swap3A_241 = vector.shape_cast %swap3A_240 : vector<1x16xf32> to vector<16xf32>
          %swap3A_242 = vector.shape_cast %select_n3A_178 : vector<16xf32> to vector<1x16xf32>
          tpu.vector_store %arg7[%swap3A_238, %swap3A_239], %swap3A_242 {strides = array<i32>} : memref<256x128xf32, #tpu.memory_space<vmem>>, vector<1x16xf32>,
          %swap3A_243 = arith.index_cast %squeeze3A : i32 to index
          %swap3A_244 = arith.constant 48 : index
          %swap3A_245 = tpu.vector_load %arg7[%swap3A_243, %swap3A_244] {strides = array<i32>} : memref<256x128xf32, #tpu.memory_space<vmem>>, vector<1x16xf32>,
          %swap3A_246 = vector.shape_cast %swap3A_245 : vector<1x16xf32> to vector<16xf32>
          %swap3A_247 = vector.shape_cast %select_n3A_188 : vector<16xf32> to vector<1x16xf32>
          tpu.vector_store %arg7[%swap3A_243, %swap3A_244], %swap3A_247 {strides = array<i32>} : memref<256x128xf32, #tpu.memory_space<vmem>>, vector<1x16xf32>,
          %swap3A_248 = arith.index_cast %squeeze3A : i32 to index
          %swap3A_249 = arith.constant 64 : index
          %swap3A_250 = tpu.vector_load %arg7[%swap3A_248, %swap3A_249] {strides = array<i32>} : memref<256x128xf32, #tpu.memory_space<vmem>>, vector<1x16xf32>,
          %swap3A_251 = vector.shape_cast %swap3A_250 : vector<1x16xf32> to vector<16xf32>
          %swap3A_252 = vector.shape_cast %select_n3A_198 : vector<16xf32> to vector<1x16xf32>
          tpu.vector_store %arg7[%swap3A_248, %swap3A_249], %swap3A_252 {strides = array<i32>} : memref<256x128xf32, #tpu.memory_space<vmem>>, vector<1x16xf32>,
          %swap3A_253 = arith.index_cast %squeeze3A : i32 to index
          %swap3A_254 = arith.constant 80 : index
          %swap3A_255 = tpu.vector_load %arg7[%swap3A_253, %swap3A_254] {strides = array<i32>} : memref<256x128xf32, #tpu.memory_space<vmem>>, vector<1x16xf32>,
          %swap3A_256 = vector.shape_cast %swap3A_255 : vector<1x16xf32> to vector<16xf32>
          %swap3A_257 = vector.shape_cast %select_n3A_208 : vector<16xf32> to vector<1x16xf32>
          tpu.vector_store %arg7[%swap3A_253, %swap3A_254], %swap3A_257 {strides = array<i32>} : memref<256x128xf32, #tpu.memory_space<vmem>>, vector<1x16xf32>,
          %swap3A_258 = arith.index_cast %squeeze3A : i32 to index
          %swap3A_259 = arith.constant 96 : index
          %swap3A_260 = tpu.vector_load %arg7[%swap3A_258, %swap3A_259] {strides = array<i32>} : memref<256x128xf32, #tpu.memory_space<vmem>>, vector<1x16xf32>,
          %swap3A_261 = vector.shape_cast %swap3A_260 : vector<1x16xf32> to vector<16xf32>
          %swap3A_262 = vector.shape_cast %select_n3A_218 : vector<16xf32> to vector<1x16xf32>
          tpu.vector_store %arg7[%swap3A_258, %swap3A_259], %swap3A_262 {strides = array<i32>} : memref<256x128xf32, #tpu.memory_space<vmem>>, vector<1x16xf32>,
          %swap3A_263 = arith.index_cast %squeeze3A : i32 to index
          %swap3A_264 = arith.constant 112 : index
          %swap3A_265 = tpu.vector_load %arg7[%swap3A_263, %swap3A_264] {strides = array<i32>} : memref<256x128xf32, #tpu.memory_space<vmem>>, vector<1x16xf32>,
          %swap3A_266 = vector.shape_cast %swap3A_265 : vector<1x16xf32> to vector<16xf32>
          %swap3A_267 = vector.shape_cast %select_n3A_228 : vector<16xf32> to vector<1x16xf32>
          tpu.vector_store %arg7[%swap3A_263, %swap3A_264], %swap3A_267 {strides = array<i32>} : memref<256x128xf32, #tpu.memory_space<vmem>>, vector<1x16xf32>,
          %slice3A_268 = vector.extract_strided_slice %get3A_143 {offsets = [1], sizes = [1], strides = [1]} : vector<16xi32> to vector<1xi32>
          %squeeze3A_269 = vector.extract %slice3A_268[0] : i32 from vector<1xi32>
          %mul3A_270 = arith.constant 16 : i32
          %mul3A_271 = arith.muli %scan3A_127, %mul3A_270 : i32
          %add3A_272 = arith.constant 1 : i32
          %add3A_273 = arith.addi %mul3A_271, %add3A_272 : i32
          %ne3A_274 = arith.cmpi ne, %squeeze3A_269, %squeeze3A : i32
          %get3A_275 = arith.index_cast %add3A_273 : i32 to index
          %get3A_276 = arith.constant 0 : index
          %get3A_277 = tpu.vector_load %arg6[%get3A_275, %get3A_276] {strides = array<i32>} : memref<128x128xf32, #tpu.memory_space<vmem>>, vector<1x16xf32>,
          %get3A_278 = vector.shape_cast %get3A_277 : vector<1x16xf32> to vector<16xf32>
          %get3A_279 = arith.index_cast %add3A_273 : i32 to index
          %get3A_280 = arith.constant 0 : index
          %get3A_281 = tpu.vector_load %arg6[%get3A_279, %get3A_280] {strides = array<i32>} : memref<128x128xf32, #tpu.memory_space<vmem>>, vector<1x16xf32>,
          %get3A_282 = vector.shape_cast %get3A_281 : vector<1x16xf32> to vector<16xf32>
          %add3A_283 = arith.addf %select_n3A_158, %get3A_282 : vector<16xf32>
          %select_n3A_284 = arith.select %ne3A_274, %get3A_278, %add3A_283 : vector<16xf32>
          %get3A_285 = arith.index_cast %add3A_273 : i32 to index
          %get3A_286 = arith.constant 16 : index
          %get3A_287 = tpu.vector_load %arg6[%get3A_285, %get3A_286] {strides = array<i32>} : memref<128x128xf32, #tpu.memory_space<vmem>>, vector<1x16xf32>,
          %get3A_288 = vector.shape_cast %get3A_287 : vector<1x16xf32> to vector<16xf32>
          %get3A_289 = arith.index_cast %add3A_273 : i32 to index
          %get3A_290 = arith.constant 16 : index
          %get3A_291 = tpu.vector_load %arg6[%get3A_289, %get3A_290] {strides = array<i32>} : memref<128x128xf32, #tpu.memory_space<vmem>>, vector<1x16xf32>,
          %get3A_292 = vector.shape_cast %get3A_291 : vector<1x16xf32> to vector<16xf32>
          %add3A_293 = arith.addf %select_n3A_168, %get3A_292 : vector<16xf32>
          %select_n3A_294 = arith.select %ne3A_274, %get3A_288, %add3A_293 : vector<16xf32>
          %get3A_295 = arith.index_cast %add3A_273 : i32 to index
          %get3A_296 = arith.constant 32 : index
          %get3A_297 = tpu.vector_load %arg6[%get3A_295, %get3A_296] {strides = array<i32>} : memref<128x128xf32, #tpu.memory_space<vmem>>, vector<1x16xf32>,
          %get3A_298 = vector.shape_cast %get3A_297 : vector<1x16xf32> to vector<16xf32>
          %get3A_299 = arith.index_cast %add3A_273 : i32 to index
          %get3A_300 = arith.constant 32 : index
          %get3A_301 = tpu.vector_load %arg6[%get3A_299, %get3A_300] {strides = array<i32>} : memref<128x128xf32, #tpu.memory_space<vmem>>, vector<1x16xf32>,
          %get3A_302 = vector.shape_cast %get3A_301 : vector<1x16xf32> to vector<16xf32>
          %add3A_303 = arith.addf %select_n3A_178, %get3A_302 : vector<16xf32>
          %select_n3A_304 = arith.select %ne3A_274, %get3A_298, %add3A_303 : vector<16xf32>
          %get3A_305 = arith.index_cast %add3A_273 : i32 to index
          %get3A_306 = arith.constant 48 : index
          %get3A_307 = tpu.vector_load %arg6[%get3A_305, %get3A_306] {strides = array<i32>} : memref<128x128xf32, #tpu.memory_space<vmem>>, vector<1x16xf32>,
          %get3A_308 = vector.shape_cast %get3A_307 : vector<1x16xf32> to vector<16xf32>
          %get3A_309 = arith.index_cast %add3A_273 : i32 to index
          %get3A_310 = arith.constant 48 : index
          %get3A_311 = tpu.vector_load %arg6[%get3A_309, %get3A_310] {strides = array<i32>} : memref<128x128xf32, #tpu.memory_space<vmem>>, vector<1x16xf32>,
          %get3A_312 = vector.shape_cast %get3A_311 : vector<1x16xf32> to vector<16xf32>
          %add3A_313 = arith.addf %select_n3A_188, %get3A_312 : vector<16xf32>
          %select_n3A_314 = arith.select %ne3A_274, %get3A_308, %add3A_313 : vector<16xf32>
          %get3A_315 = arith.index_cast %add3A_273 : i32 to index
          %get3A_316 = arith.constant 64 : index
          %get3A_317 = tpu.vector_load %arg6[%get3A_315, %get3A_316] {strides = array<i32>} : memref<128x128xf32, #tpu.memory_space<vmem>>, vector<1x16xf32>,
          %get3A_318 = vector.shape_cast %get3A_317 : vector<1x16xf32> to vector<16xf32>
          %get3A_319 = arith.index_cast %add3A_273 : i32 to index
          %get3A_320 = arith.constant 64 : index
          %get3A_321 = tpu.vector_load %arg6[%get3A_319, %get3A_320] {strides = array<i32>} : memref<128x128xf32, #tpu.memory_space<vmem>>, vector<1x16xf32>,
          %get3A_322 = vector.shape_cast %get3A_321 : vector<1x16xf32> to vector<16xf32>
          %add3A_323 = arith.addf %select_n3A_198, %get3A_322 : vector<16xf32>
          %select_n3A_324 = arith.select %ne3A_274, %get3A_318, %add3A_323 : vector<16xf32>
          %get3A_325 = arith.index_cast %add3A_273 : i32 to index
          %get3A_326 = arith.constant 80 : index
          %get3A_327 = tpu.vector_load %arg6[%get3A_325, %get3A_326] {strides = array<i32>} : memref<128x128xf32, #tpu.memory_space<vmem>>, vector<1x16xf32>,
          %get3A_328 = vector.shape_cast %get3A_327 : vector<1x16xf32> to vector<16xf32>
          %get3A_329 = arith.index_cast %add3A_273 : i32 to index
          %get3A_330 = arith.constant 80 : index
          %get3A_331 = tpu.vector_load %arg6[%get3A_329, %get3A_330] {strides = array<i32>} : memref<128x128xf32, #tpu.memory_space<vmem>>, vector<1x16xf32>,
          %get3A_332 = vector.shape_cast %get3A_331 : vector<1x16xf32> to vector<16xf32>
          %add3A_333 = arith.addf %select_n3A_208, %get3A_332 : vector<16xf32>
          %select_n3A_334 = arith.select %ne3A_274, %get3A_328, %add3A_333 : vector<16xf32>
          %get3A_335 = arith.index_cast %add3A_273 : i32 to index
          %get3A_336 = arith.constant 96 : index
          %get3A_337 = tpu.vector_load %arg6[%get3A_335, %get3A_336] {strides = array<i32>} : memref<128x128xf32, #tpu.memory_space<vmem>>, vector<1x16xf32>,
          %get3A_338 = vector.shape_cast %get3A_337 : vector<1x16xf32> to vector<16xf32>
          %get3A_339 = arith.index_cast %add3A_273 : i32 to index
          %get3A_340 = arith.constant 96 : index
          %get3A_341 = tpu.vector_load %arg6[%get3A_339, %get3A_340] {strides = array<i32>} : memref<128x128xf32, #tpu.memory_space<vmem>>, vector<1x16xf32>,
          %get3A_342 = vector.shape_cast %get3A_341 : vector<1x16xf32> to vector<16xf32>
          %add3A_343 = arith.addf %select_n3A_218, %get3A_342 : vector<16xf32>
          %select_n3A_344 = arith.select %ne3A_274, %get3A_338, %add3A_343 : vector<16xf32>
          %get3A_345 = arith.index_cast %add3A_273 : i32 to index
          %get3A_346 = arith.constant 112 : index
          %get3A_347 = tpu.vector_load %arg6[%get3A_345, %get3A_346] {strides = array<i32>} : memref<128x128xf32, #tpu.memory_space<vmem>>, vector<1x16xf32>,
          %get3A_348 = vector.shape_cast %get3A_347 : vector<1x16xf32> to vector<16xf32>
          %get3A_349 = arith.index_cast %add3A_273 : i32 to index
          %get3A_350 = arith.constant 112 : index
          %get3A_351 = tpu.vector_load %arg6[%get3A_349, %get3A_350] {strides = array<i32>} : memref<128x128xf32, #tpu.memory_space<vmem>>, vector<1x16xf32>,
          %get3A_352 = vector.shape_cast %get3A_351 : vector<1x16xf32> to vector<16xf32>
          %add3A_353 = arith.addf %select_n3A_228, %get3A_352 : vector<16xf32>
          %select_n3A_354 = arith.select %ne3A_274, %get3A_348, %add3A_353 : vector<16xf32>
          %swap3A_355 = arith.index_cast %squeeze3A_269 : i32 to index
          %swap3A_356 = arith.constant 0 : index
          %swap3A_357 = tpu.vector_load %arg7[%swap3A_355, %swap3A_356] {strides = array<i32>} : memref<256x128xf32, #tpu.memory_space<vmem>>, vector<1x16xf32>,
          %swap3A_358 = vector.shape_cast %swap3A_357 : vector<1x16xf32> to vector<16xf32>
          %swap3A_359 = vector.shape_cast %select_n3A_284 : vector<16xf32> to vector<1x16xf32>
          tpu.vector_store %arg7[%swap3A_355, %swap3A_356], %swap3A_359 {strides = array<i32>} : memref<256x128xf32, #tpu.memory_space<vmem>>, vector<1x16xf32>,
          %swap3A_360 = arith.index_cast %squeeze3A_269 : i32 to index
          %swap3A_361 = arith.constant 16 : index
          %swap3A_362 = tpu.vector_load %arg7[%swap3A_360, %swap3A_361] {strides = array<i32>} : memref<256x128xf32, #tpu.memory_space<vmem>>, vector<1x16xf32>,
          %swap3A_363 = vector.shape_cast %swap3A_362 : vector<1x16xf32> to vector<16xf32>
          %swap3A_364 = vector.shape_cast %select_n3A_294 : vector<16xf32> to vector<1x16xf32>
          tpu.vector_store %arg7[%swap3A_360, %swap3A_361], %swap3A_364 {strides = array<i32>} : memref<256x128xf32, #tpu.memory_space<vmem>>, vector<1x16xf32>,
          %swap3A_365 = arith.index_cast %squeeze3A_269 : i32 to index
          %swap3A_366 = arith.constant 32 : index
          %swap3A_367 = tpu.vector_load %arg7[%swap3A_365, %swap3A_366] {strides = array<i32>} : memref<256x128xf32, #tpu.memory_space<vmem>>, vector<1x16xf32>,
          %swap3A_368 = vector.shape_cast %swap3A_367 : vector<1x16xf32> to vector<16xf32>
          %swap3A_369 = vector.shape_cast %select_n3A_304 : vector<16xf32> to vector<1x16xf32>
          tpu.vector_store %arg7[%swap3A_365, %swap3A_366], %swap3A_369 {strides = array<i32>} : memref<256x128xf32, #tpu.memory_space<vmem>>, vector<1x16xf32>,
          %swap3A_370 = arith.index_cast %squeeze3A_269 : i32 to index
          %swap3A_371 = arith.constant 48 : index
          %swap3A_372 = tpu.vector_load %arg7[%swap3A_370, %swap3A_371] {strides = array<i32>} : memref<256x128xf32, #tpu.memory_space<vmem>>, vector<1x16xf32>,
          %swap3A_373 = vector.shape_cast %swap3A_372 : vector<1x16xf32> to vector<16xf32>
          %swap3A_374 = vector.shape_cast %select_n3A_314 : vector<16xf32> to vector<1x16xf32>
          tpu.vector_store %arg7[%swap3A_370, %swap3A_371], %swap3A_374 {strides = array<i32>} : memref<256x128xf32, #tpu.memory_space<vmem>>, vector<1x16xf32>,
          %swap3A_375 = arith.index_cast %squeeze3A_269 : i32 to index
          %swap3A_376 = arith.constant 64 : index
          %swap3A_377 = tpu.vector_load %arg7[%swap3A_375, %swap3A_376] {strides = array<i32>} : memref<256x128xf32, #tpu.memory_space<vmem>>, vector<1x16xf32>,
          %swap3A_378 = vector.shape_cast %swap3A_377 : vector<1x16xf32> to vector<16xf32>
          %swap3A_379 = vector.shape_cast %select_n3A_324 : vector<16xf32> to vector<1x16xf32>
          tpu.vector_store %arg7[%swap3A_375, %swap3A_376], %swap3A_379 {strides = array<i32>} : memref<256x128xf32, #tpu.memory_space<vmem>>, vector<1x16xf32>,
          %swap3A_380 = arith.index_cast %squeeze3A_269 : i32 to index
          %swap3A_381 = arith.constant 80 : index
          %swap3A_382 = tpu.vector_load %arg7[%swap3A_380, %swap3A_381] {strides = array<i32>} : memref<256x128xf32, #tpu.memory_space<vmem>>, vector<1x16xf32>,
          %swap3A_383 = vector.shape_cast %swap3A_382 : vector<1x16xf32> to vector<16xf32>
          %swap3A_384 = vector.shape_cast %select_n3A_334 : vector<16xf32> to vector<1x16xf32>
          tpu.vector_store %arg7[%swap3A_380, %swap3A_381], %swap3A_384 {strides = array<i32>} : memref<256x128xf32, #tpu.memory_space<vmem>>, vector<1x16xf32>,
          %swap3A_385 = arith.index_cast %squeeze3A_269 : i32 to index
          %swap3A_386 = arith.constant 96 : index
          %swap3A_387 = tpu.vector_load %arg7[%swap3A_385, %swap3A_386] {strides = array<i32>} : memref<256x128xf32, #tpu.memory_space<vmem>>, vector<1x16xf32>,
          %swap3A_388 = vector.shape_cast %swap3A_387 : vector<1x16xf32> to vector<16xf32>
          %swap3A_389 = vector.shape_cast %select_n3A_344 : vector<16xf32> to vector<1x16xf32>
          tpu.vector_store %arg7[%swap3A_385, %swap3A_386], %swap3A_389 {strides = array<i32>} : memref<256x128xf32, #tpu.memory_space<vmem>>, vector<1x16xf32>,
          %swap3A_390 = arith.index_cast %squeeze3A_269 : i32 to index
          %swap3A_391 = arith.constant 112 : index
          %swap3A_392 = tpu.vector_load %arg7[%swap3A_390, %swap3A_391] {strides = array<i32>} : memref<256x128xf32, #tpu.memory_space<vmem>>, vector<1x16xf32>,
          %swap3A_393 = vector.shape_cast %swap3A_392 : vector<1x16xf32> to vector<16xf32>
          %swap3A_394 = vector.shape_cast %select_n3A_354 : vector<16xf32> to vector<1x16xf32>
          tpu.vector_store %arg7[%swap3A_390, %swap3A_391], %swap3A_394 {strides = array<i32>} : memref<256x128xf32, #tpu.memory_space<vmem>>, vector<1x16xf32>,
          %slice3A_395 = vector.extract_strided_slice %get3A_143 {offsets = [2], sizes = [1], strides = [1]} : vector<16xi32> to vector<1xi32>
          %squeeze3A_396 = vector.extract %slice3A_395[0] : i32 from vector<1xi32>
          %mul3A_397 = arith.constant 16 : i32
          %mul3A_398 = arith.muli %scan3A_127, %mul3A_397 : i32
          %add3A_399 = arith.constant 2 : i32
          %add3A_400 = arith.addi %mul3A_398, %add3A_399 : i32
          %ne3A_401 = arith.cmpi ne, %squeeze3A_396, %squeeze3A_269 : i32
          %get3A_402 = arith.index_cast %add3A_400 : i32 to index
          %get3A_403 = arith.constant 0 : index
          %get3A_404 = tpu.vector_load %arg6[%get3A_402, %get3A_403] {strides = array<i32>} : memref<128x128xf32, #tpu.memory_space<vmem>>, vector<1x16xf32>,
          %get3A_405 = vector.shape_cast %get3A_404 : vector<1x16xf32> to vector<16xf32>
          %get3A_406 = arith.index_cast %add3A_400 : i32 to index
          %get3A_407 = arith.constant 0 : index
          %get3A_408 = tpu.vector_load %arg6[%get3A_406, %get3A_407] {strides = array<i32>} : memref<128x128xf32, #tpu.memory_space<vmem>>, vector<1x16xf32>,
          %get3A_409 = vector.shape_cast %get3A_408 : vector<1x16xf32> to vector<16xf32>
          %add3A_410 = arith.addf %select_n3A_284, %get3A_409 : vector<16xf32>
          %select_n3A_411 = arith.select %ne3A_401, %get3A_405, %add3A_410 : vector<16xf32>
          %get3A_412 = arith.index_cast %add3A_400 : i32 to index
          %get3A_413 = arith.constant 16 : index
          %get3A_414 = tpu.vector_load %arg6[%get3A_412, %get3A_413] {strides = array<i32>} : memref<128x128xf32, #tpu.memory_space<vmem>>, vector<1x16xf32>,
          %get3A_415 = vector.shape_cast %get3A_414 : vector<1x16xf32> to vector<16xf32>
          %get3A_416 = arith.index_cast %add3A_400 : i32 to index
          %get3A_417 = arith.constant 16 : index
          %get3A_418 = tpu.vector_load %arg6[%get3A_416, %get3A_417] {strides = array<i32>} : memref<128x128xf32, #tpu.memory_space<vmem>>, vector<1x16xf32>,
          %get3A_419 = vector.shape_cast %get3A_418 : vector<1x16xf32> to vector<16xf32>
          %add3A_420 = arith.addf %select_n3A_294, %get3A_419 : vector<16xf32>
          %select_n3A_421 = arith.select %ne3A_401, %get3A_415, %add3A_420 : vector<16xf32>
          %get3A_422 = arith.index_cast %add3A_400 : i32 to index
          %get3A_423 = arith.constant 32 : index
          %get3A_424 = tpu.vector_load %arg6[%get3A_422, %get3A_423] {strides = array<i32>} : memref<128x128xf32, #tpu.memory_space<vmem>>, vector<1x16xf32>,
          %get3A_425 = vector.shape_cast %get3A_424 : vector<1x16xf32> to vector<16xf32>
          %get3A_426 = arith.index_cast %add3A_400 : i32 to index
          %get3A_427 = arith.constant 32 : index
          %get3A_428 = tpu.vector_load %arg6[%get3A_426, %get3A_427] {strides = array<i32>} : memref<128x128xf32, #tpu.memory_space<vmem>>, vector<1x16xf32>,
          %get3A_429 = vector.shape_cast %get3A_428 : vector<1x16xf32> to vector<16xf32>
          %add3A_430 = arith.addf %select_n3A_304, %get3A_429 : vector<16xf32>
          %select_n3A_431 = arith.select %ne3A_401, %get3A_425, %add3A_430 : vector<16xf32>
          %get3A_432 = arith.index_cast %add3A_400 : i32 to index
          %get3A_433 = arith.constant 48 : index
          %get3A_434 = tpu.vector_load %arg6[%get3A_432, %get3A_433] {strides = array<i32>} : memref<128x128xf32, #tpu.memory_space<vmem>>, vector<1x16xf32>,
          %get3A_435 = vector.shape_cast %get3A_434 : vector<1x16xf32> to vector<16xf32>
          %get3A_436 = arith.index_cast %add3A_400 : i32 to index
          %get3A_437 = arith.constant 48 : index
          %get3A_438 = tpu.vector_load %arg6[%get3A_436, %get3A_437] {strides = array<i32>} : memref<128x128xf32, #tpu.memory_space<vmem>>, vector<1x16xf32>,
          %get3A_439 = vector.shape_cast %get3A_438 : vector<1x16xf32> to vector<16xf32>
          %add3A_440 = arith.addf %select_n3A_314, %get3A_439 : vector<16xf32>
          %select_n3A_441 = arith.select %ne3A_401, %get3A_435, %add3A_440 : vector<16xf32>
          %get3A_442 = arith.index_cast %add3A_400 : i32 to index
          %get3A_443 = arith.constant 64 : index
          %get3A_444 = tpu.vector_load %arg6[%get3A_442, %get3A_443] {strides = array<i32>} : memref<128x128xf32, #tpu.memory_space<vmem>>, vector<1x16xf32>,
          %get3A_445 = vector.shape_cast %get3A_444 : vector<1x16xf32> to vector<16xf32>
          %get3A_446 = arith.index_cast %add3A_400 : i32 to index
          %get3A_447 = arith.constant 64 : index
          %get3A_448 = tpu.vector_load %arg6[%get3A_446, %get3A_447] {strides = array<i32>} : memref<128x128xf32, #tpu.memory_space<vmem>>, vector<1x16xf32>,
          %get3A_449 = vector.shape_cast %get3A_448 : vector<1x16xf32> to vector<16xf32>
          %add3A_450 = arith.addf %select_n3A_324, %get3A_449 : vector<16xf32>
          %select_n3A_451 = arith.select %ne3A_401, %get3A_445, %add3A_450 : vector<16xf32>
          %get3A_452 = arith.index_cast %add3A_400 : i32 to index
          %get3A_453 = arith.constant 80 : index
          %get3A_454 = tpu.vector_load %arg6[%get3A_452, %get3A_453] {strides = array<i32>} : memref<128x128xf32, #tpu.memory_space<vmem>>, vector<1x16xf32>,
          %get3A_455 = vector.shape_cast %get3A_454 : vector<1x16xf32> to vector<16xf32>
          %get3A_456 = arith.index_cast %add3A_400 : i32 to index
          %get3A_457 = arith.constant 80 : index
          %get3A_458 = tpu.vector_load %arg6[%get3A_456, %get3A_457] {strides = array<i32>} : memref<128x128xf32, #tpu.memory_space<vmem>>, vector<1x16xf32>,
          %get3A_459 = vector.shape_cast %get3A_458 : vector<1x16xf32> to vector<16xf32>
          %add3A_460 = arith.addf %select_n3A_334, %get3A_459 : vector<16xf32>
          %select_n3A_461 = arith.select %ne3A_401, %get3A_455, %add3A_460 : vector<16xf32>
          %get3A_462 = arith.index_cast %add3A_400 : i32 to index
          %get3A_463 = arith.constant 96 : index
          %get3A_464 = tpu.vector_load %arg6[%get3A_462, %get3A_463] {strides = array<i32>} : memref<128x128xf32, #tpu.memory_space<vmem>>, vector<1x16xf32>,
          %get3A_465 = vector.shape_cast %get3A_464 : vector<1x16xf32> to vector<16xf32>
          %get3A_466 = arith.index_cast %add3A_400 : i32 to index
          %get3A_467 = arith.constant 96 : index
          %get3A_468 = tpu.vector_load %arg6[%get3A_466, %get3A_467] {strides = array<i32>} : memref<128x128xf32, #tpu.memory_space<vmem>>, vector<1x16xf32>,
          %get3A_469 = vector.shape_cast %get3A_468 : vector<1x16xf32> to vector<16xf32>
          %add3A_470 = arith.addf %select_n3A_344, %get3A_469 : vector<16xf32>
          %select_n3A_471 = arith.select %ne3A_401, %get3A_465, %add3A_470 : vector<16xf32>
          %get3A_472 = arith.index_cast %add3A_400 : i32 to index
          %get3A_473 = arith.constant 112 : index
          %get3A_474 = tpu.vector_load %arg6[%get3A_472, %get3A_473] {strides = array<i32>} : memref<128x128xf32, #tpu.memory_space<vmem>>, vector<1x16xf32>,
          %get3A_475 = vector.shape_cast %get3A_474 : vector<1x16xf32> to vector<16xf32>
          %get3A_476 = arith.index_cast %add3A_400 : i32 to index
          %get3A_477 = arith.constant 112 : index
          %get3A_478 = tpu.vector_load %arg6[%get3A_476, %get3A_477] {strides = array<i32>} : memref<128x128xf32, #tpu.memory_space<vmem>>, vector<1x16xf32>,
          %get3A_479 = vector.shape_cast %get3A_478 : vector<1x16xf32> to vector<16xf32>
          %add3A_480 = arith.addf %select_n3A_354, %get3A_479 : vector<16xf32>
          %select_n3A_481 = arith.select %ne3A_401, %get3A_475, %add3A_480 : vector<16xf32>
          %swap3A_482 = arith.index_cast %squeeze3A_396 : i32 to index
          %swap3A_483 = arith.constant 0 : index
          %swap3A_484 = tpu.vector_load %arg7[%swap3A_482, %swap3A_483] {strides = array<i32>} : memref<256x128xf32, #tpu.memory_space<vmem>>, vector<1x16xf32>,
          %swap3A_485 = vector.shape_cast %swap3A_484 : vector<1x16xf32> to vector<16xf32>
          %swap3A_486 = vector.shape_cast %select_n3A_411 : vector<16xf32> to vector<1x16xf32>
          tpu.vector_store %arg7[%swap3A_482, %swap3A_483], %swap3A_486 {strides = array<i32>} : memref<256x128xf32, #tpu.memory_space<vmem>>, vector<1x16xf32>,
          %swap3A_487 = arith.index_cast %squeeze3A_396 : i32 to index
          %swap3A_488 = arith.constant 16 : index
          %swap3A_489 = tpu.vector_load %arg7[%swap3A_487, %swap3A_488] {strides = array<i32>} : memref<256x128xf32, #tpu.memory_space<vmem>>, vector<1x16xf32>,
          %swap3A_490 = vector.shape_cast %swap3A_489 : vector<1x16xf32> to vector<16xf32>
          %swap3A_491 = vector.shape_cast %select_n3A_421 : vector<16xf32> to vector<1x16xf32>
          tpu.vector_store %arg7[%swap3A_487, %swap3A_488], %swap3A_491 {strides = array<i32>} : memref<256x128xf32, #tpu.memory_space<vmem>>, vector<1x16xf32>,
          %swap3A_492 = arith.index_cast %squeeze3A_396 : i32 to index
          %swap3A_493 = arith.constant 32 : index
          %swap3A_494 = tpu.vector_load %arg7[%swap3A_492, %swap3A_493] {strides = array<i32>} : memref<256x128xf32, #tpu.memory_space<vmem>>, vector<1x16xf32>,
          %swap3A_495 = vector.shape_cast %swap3A_494 : vector<1x16xf32> to vector<16xf32>
          %swap3A_496 = vector.shape_cast %select_n3A_431 : vector<16xf32> to vector<1x16xf32>
          tpu.vector_store %arg7[%swap3A_492, %swap3A_493], %swap3A_496 {strides = array<i32>} : memref<256x128xf32, #tpu.memory_space<vmem>>, vector<1x16xf32>,
          %swap3A_497 = arith.index_cast %squeeze3A_396 : i32 to index
          %swap3A_498 = arith.constant 48 : index
          %swap3A_499 = tpu.vector_load %arg7[%swap3A_497, %swap3A_498] {strides = array<i32>} : memref<256x128xf32, #tpu.memory_space<vmem>>, vector<1x16xf32>,
          %swap3A_500 = vector.shape_cast %swap3A_499 : vector<1x16xf32> to vector<16xf32>
          %swap3A_501 = vector.shape_cast %select_n3A_441 : vector<16xf32> to vector<1x16xf32>
          tpu.vector_store %arg7[%swap3A_497, %swap3A_498], %swap3A_501 {strides = array<i32>} : memref<256x128xf32, #tpu.memory_space<vmem>>, vector<1x16xf32>,
          %swap3A_502 = arith.index_cast %squeeze3A_396 : i32 to index
          %swap3A_503 = arith.constant 64 : index
          %swap3A_504 = tpu.vector_load %arg7[%swap3A_502, %swap3A_503] {strides = array<i32>} : memref<256x128xf32, #tpu.memory_space<vmem>>, vector<1x16xf32>,
          %swap3A_505 = vector.shape_cast %swap3A_504 : vector<1x16xf32> to vector<16xf32>
          %swap3A_506 = vector.shape_cast %select_n3A_451 : vector<16xf32> to vector<1x16xf32>
          tpu.vector_store %arg7[%swap3A_502, %swap3A_503], %swap3A_506 {strides = array<i32>} : memref<256x128xf32, #tpu.memory_space<vmem>>, vector<1x16xf32>,
          %swap3A_507 = arith.index_cast %squeeze3A_396 : i32 to index
          %swap3A_508 = arith.constant 80 : index
          %swap3A_509 = tpu.vector_load %arg7[%swap3A_507, %swap3A_508] {strides = array<i32>} : memref<256x128xf32, #tpu.memory_space<vmem>>, vector<1x16xf32>,
          %swap3A_510 = vector.shape_cast %swap3A_509 : vector<1x16xf32> to vector<16xf32>
          %swap3A_511 = vector.shape_cast %select_n3A_461 : vector<16xf32> to vector<1x16xf32>
          tpu.vector_store %arg7[%swap3A_507, %swap3A_508], %swap3A_511 {strides = array<i32>} : memref<256x128xf32, #tpu.memory_space<vmem>>, vector<1x16xf32>,
          %swap3A_512 = arith.index_cast %squeeze3A_396 : i32 to index
          %swap3A_513 = arith.constant 96 : index
          %swap3A_514 = tpu.vector_load %arg7[%swap3A_512, %swap3A_513] {strides = array<i32>} : memref<256x128xf32, #tpu.memory_space<vmem>>, vector<1x16xf32>,
          %swap3A_515 = vector.shape_cast %swap3A_514 : vector<1x16xf32> to vector<16xf32>
          %swap3A_516 = vector.shape_cast %select_n3A_471 : vector<16xf32> to vector<1x16xf32>
          tpu.vector_store %arg7[%swap3A_512, %swap3A_513], %swap3A_516 {strides = array<i32>} : memref<256x128xf32, #tpu.memory_space<vmem>>, vector<1x16xf32>,
          %swap3A_517 = arith.index_cast %squeeze3A_396 : i32 to index
          %swap3A_518 = arith.constant 112 : index
          %swap3A_519 = tpu.vector_load %arg7[%swap3A_517, %swap3A_518] {strides = array<i32>} : memref<256x128xf32, #tpu.memory_space<vmem>>, vector<1x16xf32>,
          %swap3A_520 = vector.shape_cast %swap3A_519 : vector<1x16xf32> to vector<16xf32>
          %swap3A_521 = vector.shape_cast %select_n3A_481 : vector<16xf32> to vector<1x16xf32>
          tpu.vector_store %arg7[%swap3A_517, %swap3A_518], %swap3A_521 {strides = array<i32>} : memref<256x128xf32, #tpu.memory_space<vmem>>, vector<1x16xf32>,
          %slice3A_522 = vector.extract_strided_slice %get3A_143 {offsets = [3], sizes = [1], strides = [1]} : vector<16xi32> to vector<1xi32>
          %squeeze3A_523 = vector.extract %slice3A_522[0] : i32 from vector<1xi32>
          %mul3A_524 = arith.constant 16 : i32
          %mul3A_525 = arith.muli %scan3A_127, %mul3A_524 : i32
          %add3A_526 = arith.constant 3 : i32
          %add3A_527 = arith.addi %mul3A_525, %add3A_526 : i32
          %ne3A_528 = arith.cmpi ne, %squeeze3A_523, %squeeze3A_396 : i32
          %get3A_529 = arith.index_cast %add3A_527 : i32 to index
          %get3A_530 = arith.constant 0 : index
          %get3A_531 = tpu.vector_load %arg6[%get3A_529, %get3A_530] {strides = array<i32>} : memref<128x128xf32, #tpu.memory_space<vmem>>, vector<1x16xf32>,
          %get3A_532 = vector.shape_cast %get3A_531 : vector<1x16xf32> to vector<16xf32>
          %get3A_533 = arith.index_cast %add3A_527 : i32 to index
          %get3A_534 = arith.constant 0 : index
          %get3A_535 = tpu.vector_load %arg6[%get3A_533, %get3A_534] {strides = array<i32>} : memref<128x128xf32, #tpu.memory_space<vmem>>, vector<1x16xf32>,
          %get3A_536 = vector.shape_cast %get3A_535 : vector<1x16xf32> to vector<16xf32>
          %add3A_537 = arith.addf %select_n3A_411, %get3A_536 : vector<16xf32>
          %select_n3A_538 = arith.select %ne3A_528, %get3A_532, %add3A_537 : vector<16xf32>
          %get3A_539 = arith.index_cast %add3A_527 : i32 to index
          %get3A_540 = arith.constant 16 : index
          %get3A_541 = tpu.vector_load %arg6[%get3A_539, %get3A_540] {strides = array<i32>} : memref<128x128xf32, #tpu.memory_space<vmem>>, vector<1x16xf32>,
          %get3A_542 = vector.shape_cast %get3A_541 : vector<1x16xf32> to vector<16xf32>
          %get3A_543 = arith.index_cast %add3A_527 : i32 to index
          %get3A_544 = arith.constant 16 : index
          %get3A_545 = tpu.vector_load %arg6[%get3A_543, %get3A_544] {strides = array<i32>} : memref<128x128xf32, #tpu.memory_space<vmem>>, vector<1x16xf32>,
          %get3A_546 = vector.shape_cast %get3A_545 : vector<1x16xf32> to vector<16xf32>
          %add3A_547 = arith.addf %select_n3A_421, %get3A_546 : vector<16xf32>
          %select_n3A_548 = arith.select %ne3A_528, %get3A_542, %add3A_547 : vector<16xf32>
          %get3A_549 = arith.index_cast %add3A_527 : i32 to index
          %get3A_550 = arith.constant 32 : index
          %get3A_551 = tpu.vector_load %arg6[%get3A_549, %get3A_550] {strides = array<i32>} : memref<128x128xf32, #tpu.memory_space<vmem>>, vector<1x16xf32>,
          %get3A_552 = vector.shape_cast %get3A_551 : vector<1x16xf32> to vector<16xf32>
          %get3A_553 = arith.index_cast %add3A_527 : i32 to index
          %get3A_554 = arith.constant 32 : index
          %get3A_555 = tpu.vector_load %arg6[%get3A_553, %get3A_554] {strides = array<i32>} : memref<128x128xf32, #tpu.memory_space<vmem>>, vector<1x16xf32>,
          %get3A_556 = vector.shape_cast %get3A_555 : vector<1x16xf32> to vector<16xf32>
          %add3A_557 = arith.addf %select_n3A_431, %get3A_556 : vector<16xf32>
          %select_n3A_558 = arith.select %ne3A_528, %get3A_552, %add3A_557 : vector<16xf32>
          %get3A_559 = arith.index_cast %add3A_527 : i32 to index
          %get3A_560 = arith.constant 48 : index
          %get3A_561 = tpu.vector_load %arg6[%get3A_559, %get3A_560] {strides = array<i32>} : memref<128x128xf32, #tpu.memory_space<vmem>>, vector<1x16xf32>,
          %get3A_562 = vector.shape_cast %get3A_561 : vector<1x16xf32> to vector<16xf32>
          %get3A_563 = arith.index_cast %add3A_527 : i32 to index
          %get3A_564 = arith.constant 48 : index
          %get3A_565 = tpu.vector_load %arg6[%get3A_563, %get3A_564] {strides = array<i32>} : memref<128x128xf32, #tpu.memory_space<vmem>>, vector<1x16xf32>,
          %get3A_566 = vector.shape_cast %get3A_565 : vector<1x16xf32> to vector<16xf32>
          %add3A_567 = arith.addf %select_n3A_441, %get3A_566 : vector<16xf32>
          %select_n3A_568 = arith.select %ne3A_528, %get3A_562, %add3A_567 : vector<16xf32>
          %get3A_569 = arith.index_cast %add3A_527 : i32 to index
          %get3A_570 = arith.constant 64 : index
          %get3A_571 = tpu.vector_load %arg6[%get3A_569, %get3A_570] {strides = array<i32>} : memref<128x128xf32, #tpu.memory_space<vmem>>, vector<1x16xf32>,
          %get3A_572 = vector.shape_cast %get3A_571 : vector<1x16xf32> to vector<16xf32>
          %get3A_573 = arith.index_cast %add3A_527 : i32 to index
          %get3A_574 = arith.constant 64 : index
          %get3A_575 = tpu.vector_load %arg6[%get3A_573, %get3A_574] {strides = array<i32>} : memref<128x128xf32, #tpu.memory_space<vmem>>, vector<1x16xf32>,
          %get3A_576 = vector.shape_cast %get3A_575 : vector<1x16xf32> to vector<16xf32>
          %add3A_577 = arith.addf %select_n3A_451, %get3A_576 : vector<16xf32>
          %select_n3A_578 = arith.select %ne3A_528, %get3A_572, %add3A_577 : vector<16xf32>
          %get3A_579 = arith.index_cast %add3A_527 : i32 to index
          %get3A_580 = arith.constant 80 : index
          %get3A_581 = tpu.vector_load %arg6[%get3A_579, %get3A_580] {strides = array<i32>} : memref<128x128xf32, #tpu.memory_space<vmem>>, vector<1x16xf32>,
          %get3A_582 = vector.shape_cast %get3A_581 : vector<1x16xf32> to vector<16xf32>
          %get3A_583 = arith.index_cast %add3A_527 : i32 to index
          %get3A_584 = arith.constant 80 : index
          %get3A_585 = tpu.vector_load %arg6[%get3A_583, %get3A_584] {strides = array<i32>} : memref<128x128xf32, #tpu.memory_space<vmem>>, vector<1x16xf32>,
          %get3A_586 = vector.shape_cast %get3A_585 : vector<1x16xf32> to vector<16xf32>
          %add3A_587 = arith.addf %select_n3A_461, %get3A_586 : vector<16xf32>
          %select_n3A_588 = arith.select %ne3A_528, %get3A_582, %add3A_587 : vector<16xf32>
          %get3A_589 = arith.index_cast %add3A_527 : i32 to index
          %get3A_590 = arith.constant 96 : index
          %get3A_591 = tpu.vector_load %arg6[%get3A_589, %get3A_590] {strides = array<i32>} : memref<128x128xf32, #tpu.memory_space<vmem>>, vector<1x16xf32>,
          %get3A_592 = vector.shape_cast %get3A_591 : vector<1x16xf32> to vector<16xf32>
          %get3A_593 = arith.index_cast %add3A_527 : i32 to index
          %get3A_594 = arith.constant 96 : index
          %get3A_595 = tpu.vector_load %arg6[%get3A_593, %get3A_594] {strides = array<i32>} : memref<128x128xf32, #tpu.memory_space<vmem>>, vector<1x16xf32>,
          %get3A_596 = vector.shape_cast %get3A_595 : vector<1x16xf32> to vector<16xf32>
          %add3A_597 = arith.addf %select_n3A_471, %get3A_596 : vector<16xf32>
          %select_n3A_598 = arith.select %ne3A_528, %get3A_592, %add3A_597 : vector<16xf32>
          %get3A_599 = arith.index_cast %add3A_527 : i32 to index
          %get3A_600 = arith.constant 112 : index
          %get3A_601 = tpu.vector_load %arg6[%get3A_599, %get3A_600] {strides = array<i32>} : memref<128x128xf32, #tpu.memory_space<vmem>>, vector<1x16xf32>,
          %get3A_602 = vector.shape_cast %get3A_601 : vector<1x16xf32> to vector<16xf32>
          %get3A_603 = arith.index_cast %add3A_527 : i32 to index
          %get3A_604 = arith.constant 112 : index
          %get3A_605 = tpu.vector_load %arg6[%get3A_603, %get3A_604] {strides = array<i32>} : memref<128x128xf32, #tpu.memory_space<vmem>>, vector<1x16xf32>,
          %get3A_606 = vector.shape_cast %get3A_605 : vector<1x16xf32> to vector<16xf32>
          %add3A_607 = arith.addf %select_n3A_481, %get3A_606 : vector<16xf32>
          %select_n3A_608 = arith.select %ne3A_528, %get3A_602, %add3A_607 : vector<16xf32>
          %swap3A_609 = arith.index_cast %squeeze3A_523 : i32 to index
          %swap3A_610 = arith.constant 0 : index
          %swap3A_611 = tpu.vector_load %arg7[%swap3A_609, %swap3A_610] {strides = array<i32>} : memref<256x128xf32, #tpu.memory_space<vmem>>, vector<1x16xf32>,
          %swap3A_612 = vector.shape_cast %swap3A_611 : vector<1x16xf32> to vector<16xf32>
          %swap3A_613 = vector.shape_cast %select_n3A_538 : vector<16xf32> to vector<1x16xf32>
          tpu.vector_store %arg7[%swap3A_609, %swap3A_610], %swap3A_613 {strides = array<i32>} : memref<256x128xf32, #tpu.memory_space<vmem>>, vector<1x16xf32>,
          %swap3A_614 = arith.index_cast %squeeze3A_523 : i32 to index
          %swap3A_615 = arith.constant 16 : index
          %swap3A_616 = tpu.vector_load %arg7[%swap3A_614, %swap3A_615] {strides = array<i32>} : memref<256x128xf32, #tpu.memory_space<vmem>>, vector<1x16xf32>,
          %swap3A_617 = vector.shape_cast %swap3A_616 : vector<1x16xf32> to vector<16xf32>
          %swap3A_618 = vector.shape_cast %select_n3A_548 : vector<16xf32> to vector<1x16xf32>
          tpu.vector_store %arg7[%swap3A_614, %swap3A_615], %swap3A_618 {strides = array<i32>} : memref<256x128xf32, #tpu.memory_space<vmem>>, vector<1x16xf32>,
          %swap3A_619 = arith.index_cast %squeeze3A_523 : i32 to index
          %swap3A_620 = arith.constant 32 : index
          %swap3A_621 = tpu.vector_load %arg7[%swap3A_619, %swap3A_620] {strides = array<i32>} : memref<256x128xf32, #tpu.memory_space<vmem>>, vector<1x16xf32>,
          %swap3A_622 = vector.shape_cast %swap3A_621 : vector<1x16xf32> to vector<16xf32>
          %swap3A_623 = vector.shape_cast %select_n3A_558 : vector<16xf32> to vector<1x16xf32>
          tpu.vector_store %arg7[%swap3A_619, %swap3A_620], %swap3A_623 {strides = array<i32>} : memref<256x128xf32, #tpu.memory_space<vmem>>, vector<1x16xf32>,
          %swap3A_624 = arith.index_cast %squeeze3A_523 : i32 to index
          %swap3A_625 = arith.constant 48 : index
          %swap3A_626 = tpu.vector_load %arg7[%swap3A_624, %swap3A_625] {strides = array<i32>} : memref<256x128xf32, #tpu.memory_space<vmem>>, vector<1x16xf32>,
          %swap3A_627 = vector.shape_cast %swap3A_626 : vector<1x16xf32> to vector<16xf32>
          %swap3A_628 = vector.shape_cast %select_n3A_568 : vector<16xf32> to vector<1x16xf32>
          tpu.vector_store %arg7[%swap3A_624, %swap3A_625], %swap3A_628 {strides = array<i32>} : memref<256x128xf32, #tpu.memory_space<vmem>>, vector<1x16xf32>,
          %swap3A_629 = arith.index_cast %squeeze3A_523 : i32 to index
          %swap3A_630 = arith.constant 64 : index
          %swap3A_631 = tpu.vector_load %arg7[%swap3A_629, %swap3A_630] {strides = array<i32>} : memref<256x128xf32, #tpu.memory_space<vmem>>, vector<1x16xf32>,
          %swap3A_632 = vector.shape_cast %swap3A_631 : vector<1x16xf32> to vector<16xf32>
          %swap3A_633 = vector.shape_cast %select_n3A_578 : vector<16xf32> to vector<1x16xf32>
          tpu.vector_store %arg7[%swap3A_629, %swap3A_630], %swap3A_633 {strides = array<i32>} : memref<256x128xf32, #tpu.memory_space<vmem>>, vector<1x16xf32>,
          %swap3A_634 = arith.index_cast %squeeze3A_523 : i32 to index
          %swap3A_635 = arith.constant 80 : index
          %swap3A_636 = tpu.vector_load %arg7[%swap3A_634, %swap3A_635] {strides = array<i32>} : memref<256x128xf32, #tpu.memory_space<vmem>>, vector<1x16xf32>,
          %swap3A_637 = vector.shape_cast %swap3A_636 : vector<1x16xf32> to vector<16xf32>
          %swap3A_638 = vector.shape_cast %select_n3A_588 : vector<16xf32> to vector<1x16xf32>
          tpu.vector_store %arg7[%swap3A_634, %swap3A_635], %swap3A_638 {strides = array<i32>} : memref<256x128xf32, #tpu.memory_space<vmem>>, vector<1x16xf32>,
          %swap3A_639 = arith.index_cast %squeeze3A_523 : i32 to index
          %swap3A_640 = arith.constant 96 : index
          %swap3A_641 = tpu.vector_load %arg7[%swap3A_639, %swap3A_640] {strides = array<i32>} : memref<256x128xf32, #tpu.memory_space<vmem>>, vector<1x16xf32>,
          %swap3A_642 = vector.shape_cast %swap3A_641 : vector<1x16xf32> to vector<16xf32>
          %swap3A_643 = vector.shape_cast %select_n3A_598 : vector<16xf32> to vector<1x16xf32>
          tpu.vector_store %arg7[%swap3A_639, %swap3A_640], %swap3A_643 {strides = array<i32>} : memref<256x128xf32, #tpu.memory_space<vmem>>, vector<1x16xf32>,
          %swap3A_644 = arith.index_cast %squeeze3A_523 : i32 to index
          %swap3A_645 = arith.constant 112 : index
          %swap3A_646 = tpu.vector_load %arg7[%swap3A_644, %swap3A_645] {strides = array<i32>} : memref<256x128xf32, #tpu.memory_space<vmem>>, vector<1x16xf32>,
          %swap3A_647 = vector.shape_cast %swap3A_646 : vector<1x16xf32> to vector<16xf32>
          %swap3A_648 = vector.shape_cast %select_n3A_608 : vector<16xf32> to vector<1x16xf32>
          tpu.vector_store %arg7[%swap3A_644, %swap3A_645], %swap3A_648 {strides = array<i32>} : memref<256x128xf32, #tpu.memory_space<vmem>>, vector<1x16xf32>,
          %slice3A_649 = vector.extract_strided_slice %get3A_143 {offsets = [4], sizes = [1], strides = [1]} : vector<16xi32> to vector<1xi32>
          %squeeze3A_650 = vector.extract %slice3A_649[0] : i32 from vector<1xi32>
          %mul3A_651 = arith.constant 16 : i32
          %mul3A_652 = arith.muli %scan3A_127, %mul3A_651 : i32
          %add3A_653 = arith.constant 4 : i32
          %add3A_654 = arith.addi %mul3A_652, %add3A_653 : i32
          %ne3A_655 = arith.cmpi ne, %squeeze3A_650, %squeeze3A_523 : i32
          %get3A_656 = arith.index_cast %add3A_654 : i32 to index
          %get3A_657 = arith.constant 0 : index
          %get3A_658 = tpu.vector_load %arg6[%get3A_656, %get3A_657] {strides = array<i32>} : memref<128x128xf32, #tpu.memory_space<vmem>>, vector<1x16xf32>,
          %get3A_659 = vector.shape_cast %get3A_658 : vector<1x16xf32> to vector<16xf32>
          %get3A_660 = arith.index_cast %add3A_654 : i32 to index
          %get3A_661 = arith.constant 0 : index
          %get3A_662 = tpu.vector_load %arg6[%get3A_660, %get3A_661] {strides = array<i32>} : memref<128x128xf32, #tpu.memory_space<vmem>>, vector<1x16xf32>,
          %get3A_663 = vector.shape_cast %get3A_662 : vector<1x16xf32> to vector<16xf32>
          %add3A_664 = arith.addf %select_n3A_538, %get3A_663 : vector<16xf32>
          %select_n3A_665 = arith.select %ne3A_655, %get3A_659, %add3A_664 : vector<16xf32>
          %get3A_666 = arith.index_cast %add3A_654 : i32 to index
          %get3A_667 = arith.constant 16 : index
          %get3A_668 = tpu.vector_load %arg6[%get3A_666, %get3A_667] {strides = array<i32>} : memref<128x128xf32, #tpu.memory_space<vmem>>, vector<1x16xf32>,
          %get3A_669 = vector.shape_cast %get3A_668 : vector<1x16xf32> to vector<16xf32>
          %get3A_670 = arith.index_cast %add3A_654 : i32 to index
          %get3A_671 = arith.constant 16 : index
          %get3A_672 = tpu.vector_load %arg6[%get3A_670, %get3A_671] {strides = array<i32>} : memref<128x128xf32, #tpu.memory_space<vmem>>, vector<1x16xf32>,
          %get3A_673 = vector.shape_cast %get3A_672 : vector<1x16xf32> to vector<16xf32>
          %add3A_674 = arith.addf %select_n3A_548, %get3A_673 : vector<16xf32>
          %select_n3A_675 = arith.select %ne3A_655, %get3A_669, %add3A_674 : vector<16xf32>
          %get3A_676 = arith.index_cast %add3A_654 : i32 to index
          %get3A_677 = arith.constant 32 : index
          %get3A_678 = tpu.vector_load %arg6[%get3A_676, %get3A_677] {strides = array<i32>} : memref<128x128xf32, #tpu.memory_space<vmem>>, vector<1x16xf32>,
          %get3A_679 = vector.shape_cast %get3A_678 : vector<1x16xf32> to vector<16xf32>
          %get3A_680 = arith.index_cast %add3A_654 : i32 to index
          %get3A_681 = arith.constant 32 : index
          %get3A_682 = tpu.vector_load %arg6[%get3A_680, %get3A_681] {strides = array<i32>} : memref<128x128xf32, #tpu.memory_space<vmem>>, vector<1x16xf32>,
          %get3A_683 = vector.shape_cast %get3A_682 : vector<1x16xf32> to vector<16xf32>
          %add3A_684 = arith.addf %select_n3A_558, %get3A_683 : vector<16xf32>
          %select_n3A_685 = arith.select %ne3A_655, %get3A_679, %add3A_684 : vector<16xf32>
          %get3A_686 = arith.index_cast %add3A_654 : i32 to index
          %get3A_687 = arith.constant 48 : index
          %get3A_688 = tpu.vector_load %arg6[%get3A_686, %get3A_687] {strides = array<i32>} : memref<128x128xf32, #tpu.memory_space<vmem>>, vector<1x16xf32>,
          %get3A_689 = vector.shape_cast %get3A_688 : vector<1x16xf32> to vector<16xf32>
          %get3A_690 = arith.index_cast %add3A_654 : i32 to index
          %get3A_691 = arith.constant 48 : index
          %get3A_692 = tpu.vector_load %arg6[%get3A_690, %get3A_691] {strides = array<i32>} : memref<128x128xf32, #tpu.memory_space<vmem>>, vector<1x16xf32>,
          %get3A_693 = vector.shape_cast %get3A_692 : vector<1x16xf32> to vector<16xf32>
          %add3A_694 = arith.addf %select_n3A_568, %get3A_693 : vector<16xf32>
          %select_n3A_695 = arith.select %ne3A_655, %get3A_689, %add3A_694 : vector<16xf32>
          %get3A_696 = arith.index_cast %add3A_654 : i32 to index
          %get3A_697 = arith.constant 64 : index
          %get3A_698 = tpu.vector_load %arg6[%get3A_696, %get3A_697] {strides = array<i32>} : memref<128x128xf32, #tpu.memory_space<vmem>>, vector<1x16xf32>,
          %get3A_699 = vector.shape_cast %get3A_698 : vector<1x16xf32> to vector<16xf32>
          %get3A_700 = arith.index_cast %add3A_654 : i32 to index
          %get3A_701 = arith.constant 64 : index
          %get3A_702 = tpu.vector_load %arg6[%get3A_700, %get3A_701] {strides = array<i32>} : memref<128x128xf32, #tpu.memory_space<vmem>>, vector<1x16xf32>,
          %get3A_703 = vector.shape_cast %get3A_702 : vector<1x16xf32> to vector<16xf32>
          %add3A_704 = arith.addf %select_n3A_578, %get3A_703 : vector<16xf32>
          %select_n3A_705 = arith.select %ne3A_655, %get3A_699, %add3A_704 : vector<16xf32>
          %get3A_706 = arith.index_cast %add3A_654 : i32 to index
          %get3A_707 = arith.constant 80 : index
          %get3A_708 = tpu.vector_load %arg6[%get3A_706, %get3A_707] {strides = array<i32>} : memref<128x128xf32, #tpu.memory_space<vmem>>, vector<1x16xf32>,
          %get3A_709 = vector.shape_cast %get3A_708 : vector<1x16xf32> to vector<16xf32>
          %get3A_710 = arith.index_cast %add3A_654 : i32 to index
          %get3A_711 = arith.constant 80 : index
          %get3A_712 = tpu.vector_load %arg6[%get3A_710, %get3A_711] {strides = array<i32>} : memref<128x128xf32, #tpu.memory_space<vmem>>, vector<1x16xf32>,
          %get3A_713 = vector.shape_cast %get3A_712 : vector<1x16xf32> to vector<16xf32>
          %add3A_714 = arith.addf %select_n3A_588, %get3A_713 : vector<16xf32>
          %select_n3A_715 = arith.select %ne3A_655, %get3A_709, %add3A_714 : vector<16xf32>
          %get3A_716 = arith.index_cast %add3A_654 : i32 to index
          %get3A_717 = arith.constant 96 : index
          %get3A_718 = tpu.vector_load %arg6[%get3A_716, %get3A_717] {strides = array<i32>} : memref<128x128xf32, #tpu.memory_space<vmem>>, vector<1x16xf32>,
          %get3A_719 = vector.shape_cast %get3A_718 : vector<1x16xf32> to vector<16xf32>
          %get3A_720 = arith.index_cast %add3A_654 : i32 to index
          %get3A_721 = arith.constant 96 : index
          %get3A_722 = tpu.vector_load %arg6[%get3A_720, %get3A_721] {strides = array<i32>} : memref<128x128xf32, #tpu.memory_space<vmem>>, vector<1x16xf32>,
          %get3A_723 = vector.shape_cast %get3A_722 : vector<1x16xf32> to vector<16xf32>
          %add3A_724 = arith.addf %select_n3A_598, %get3A_723 : vector<16xf32>
          %select_n3A_725 = arith.select %ne3A_655, %get3A_719, %add3A_724 : vector<16xf32>
          %get3A_726 = arith.index_cast %add3A_654 : i32 to index
          %get3A_727 = arith.constant 112 : index
          %get3A_728 = tpu.vector_load %arg6[%get3A_726, %get3A_727] {strides = array<i32>} : memref<128x128xf32, #tpu.memory_space<vmem>>, vector<1x16xf32>,
          %get3A_729 = vector.shape_cast %get3A_728 : vector<1x16xf32> to vector<16xf32>
          %get3A_730 = arith.index_cast %add3A_654 : i32 to index
          %get3A_731 = arith.constant 112 : index
          %get3A_732 = tpu.vector_load %arg6[%get3A_730, %get3A_731] {strides = array<i32>} : memref<128x128xf32, #tpu.memory_space<vmem>>, vector<1x16xf32>,
          %get3A_733 = vector.shape_cast %get3A_732 : vector<1x16xf32> to vector<16xf32>
          %add3A_734 = arith.addf %select_n3A_608, %get3A_733 : vector<16xf32>
          %select_n3A_735 = arith.select %ne3A_655, %get3A_729, %add3A_734 : vector<16xf32>
          %swap3A_736 = arith.index_cast %squeeze3A_650 : i32 to index
          %swap3A_737 = arith.constant 0 : index
          %swap3A_738 = tpu.vector_load %arg7[%swap3A_736, %swap3A_737] {strides = array<i32>} : memref<256x128xf32, #tpu.memory_space<vmem>>, vector<1x16xf32>,
          %swap3A_739 = vector.shape_cast %swap3A_738 : vector<1x16xf32> to vector<16xf32>
          %swap3A_740 = vector.shape_cast %select_n3A_665 : vector<16xf32> to vector<1x16xf32>
          tpu.vector_store %arg7[%swap3A_736, %swap3A_737], %swap3A_740 {strides = array<i32>} : memref<256x128xf32, #tpu.memory_space<vmem>>, vector<1x16xf32>,
          %swap3A_741 = arith.index_cast %squeeze3A_650 : i32 to index
          %swap3A_742 = arith.constant 16 : index
          %swap3A_743 = tpu.vector_load %arg7[%swap3A_741, %swap3A_742] {strides = array<i32>} : memref<256x128xf32, #tpu.memory_space<vmem>>, vector<1x16xf32>,
          %swap3A_744 = vector.shape_cast %swap3A_743 : vector<1x16xf32> to vector<16xf32>
          %swap3A_745 = vector.shape_cast %select_n3A_675 : vector<16xf32> to vector<1x16xf32>
          tpu.vector_store %arg7[%swap3A_741, %swap3A_742], %swap3A_745 {strides = array<i32>} : memref<256x128xf32, #tpu.memory_space<vmem>>, vector<1x16xf32>,
          %swap3A_746 = arith.index_cast %squeeze3A_650 : i32 to index
          %swap3A_747 = arith.constant 32 : index
          %swap3A_748 = tpu.vector_load %arg7[%swap3A_746, %swap3A_747] {strides = array<i32>} : memref<256x128xf32, #tpu.memory_space<vmem>>, vector<1x16xf32>,
          %swap3A_749 = vector.shape_cast %swap3A_748 : vector<1x16xf32> to vector<16xf32>
          %swap3A_750 = vector.shape_cast %select_n3A_685 : vector<16xf32> to vector<1x16xf32>
          tpu.vector_store %arg7[%swap3A_746, %swap3A_747], %swap3A_750 {strides = array<i32>} : memref<256x128xf32, #tpu.memory_space<vmem>>, vector<1x16xf32>,
          %swap3A_751 = arith.index_cast %squeeze3A_650 : i32 to index
          %swap3A_752 = arith.constant 48 : index
          %swap3A_753 = tpu.vector_load %arg7[%swap3A_751, %swap3A_752] {strides = array<i32>} : memref<256x128xf32, #tpu.memory_space<vmem>>, vector<1x16xf32>,
          %swap3A_754 = vector.shape_cast %swap3A_753 : vector<1x16xf32> to vector<16xf32>
          %swap3A_755 = vector.shape_cast %select_n3A_695 : vector<16xf32> to vector<1x16xf32>
          tpu.vector_store %arg7[%swap3A_751, %swap3A_752], %swap3A_755 {strides = array<i32>} : memref<256x128xf32, #tpu.memory_space<vmem>>, vector<1x16xf32>,
          %swap3A_756 = arith.index_cast %squeeze3A_650 : i32 to index
          %swap3A_757 = arith.constant 64 : index
          %swap3A_758 = tpu.vector_load %arg7[%swap3A_756, %swap3A_757] {strides = array<i32>} : memref<256x128xf32, #tpu.memory_space<vmem>>, vector<1x16xf32>,
          %swap3A_759 = vector.shape_cast %swap3A_758 : vector<1x16xf32> to vector<16xf32>
          %swap3A_760 = vector.shape_cast %select_n3A_705 : vector<16xf32> to vector<1x16xf32>
          tpu.vector_store %arg7[%swap3A_756, %swap3A_757], %swap3A_760 {strides = array<i32>} : memref<256x128xf32, #tpu.memory_space<vmem>>, vector<1x16xf32>,
          %swap3A_761 = arith.index_cast %squeeze3A_650 : i32 to index
          %swap3A_762 = arith.constant 80 : index
          %swap3A_763 = tpu.vector_load %arg7[%swap3A_761, %swap3A_762] {strides = array<i32>} : memref<256x128xf32, #tpu.memory_space<vmem>>, vector<1x16xf32>,
          %swap3A_764 = vector.shape_cast %swap3A_763 : vector<1x16xf32> to vector<16xf32>
          %swap3A_765 = vector.shape_cast %select_n3A_715 : vector<16xf32> to vector<1x16xf32>
          tpu.vector_store %arg7[%swap3A_761, %swap3A_762], %swap3A_765 {strides = array<i32>} : memref<256x128xf32, #tpu.memory_space<vmem>>, vector<1x16xf32>,
          %swap3A_766 = arith.index_cast %squeeze3A_650 : i32 to index
          %swap3A_767 = arith.constant 96 : index
          %swap3A_768 = tpu.vector_load %arg7[%swap3A_766, %swap3A_767] {strides = array<i32>} : memref<256x128xf32, #tpu.memory_space<vmem>>, vector<1x16xf32>,
          %swap3A_769 = vector.shape_cast %swap3A_768 : vector<1x16xf32> to vector<16xf32>
          %swap3A_770 = vector.shape_cast %select_n3A_725 : vector<16xf32> to vector<1x16xf32>
          tpu.vector_store %arg7[%swap3A_766, %swap3A_767], %swap3A_770 {strides = array<i32>} : memref<256x128xf32, #tpu.memory_space<vmem>>, vector<1x16xf32>,
          %swap3A_771 = arith.index_cast %squeeze3A_650 : i32 to index
          %swap3A_772 = arith.constant 112 : index
          %swap3A_773 = tpu.vector_load %arg7[%swap3A_771, %swap3A_772] {strides = array<i32>} : memref<256x128xf32, #tpu.memory_space<vmem>>, vector<1x16xf32>,
          %swap3A_774 = vector.shape_cast %swap3A_773 : vector<1x16xf32> to vector<16xf32>
          %swap3A_775 = vector.shape_cast %select_n3A_735 : vector<16xf32> to vector<1x16xf32>
          tpu.vector_store %arg7[%swap3A_771, %swap3A_772], %swap3A_775 {strides = array<i32>} : memref<256x128xf32, #tpu.memory_space<vmem>>, vector<1x16xf32>,
          %slice3A_776 = vector.extract_strided_slice %get3A_143 {offsets = [5], sizes = [1], strides = [1]} : vector<16xi32> to vector<1xi32>
          %squeeze3A_777 = vector.extract %slice3A_776[0] : i32 from vector<1xi32>
          %mul3A_778 = arith.constant 16 : i32
          %mul3A_779 = arith.muli %scan3A_127, %mul3A_778 : i32
          %add3A_780 = arith.constant 5 : i32
          %add3A_781 = arith.addi %mul3A_779, %add3A_780 : i32
          %ne3A_782 = arith.cmpi ne, %squeeze3A_777, %squeeze3A_650 : i32
          %get3A_783 = arith.index_cast %add3A_781 : i32 to index
          %get3A_784 = arith.constant 0 : index
          %get3A_785 = tpu.vector_load %arg6[%get3A_783, %get3A_784] {strides = array<i32>} : memref<128x128xf32, #tpu.memory_space<vmem>>, vector<1x16xf32>,
          %get3A_786 = vector.shape_cast %get3A_785 : vector<1x16xf32> to vector<16xf32>
          %get3A_787 = arith.index_cast %add3A_781 : i32 to index
          %get3A_788 = arith.constant 0 : index
          %get3A_789 = tpu.vector_load %arg6[%get3A_787, %get3A_788] {strides = array<i32>} : memref<128x128xf32, #tpu.memory_space<vmem>>, vector<1x16xf32>,
          %get3A_790 = vector.shape_cast %get3A_789 : vector<1x16xf32> to vector<16xf32>
          %add3A_791 = arith.addf %select_n3A_665, %get3A_790 : vector<16xf32>
          %select_n3A_792 = arith.select %ne3A_782, %get3A_786, %add3A_791 : vector<16xf32>
          %get3A_793 = arith.index_cast %add3A_781 : i32 to index
          %get3A_794 = arith.constant 16 : index
          %get3A_795 = tpu.vector_load %arg6[%get3A_793, %get3A_794] {strides = array<i32>} : memref<128x128xf32, #tpu.memory_space<vmem>>, vector<1x16xf32>,
          %get3A_796 = vector.shape_cast %get3A_795 : vector<1x16xf32> to vector<16xf32>
          %get3A_797 = arith.index_cast %add3A_781 : i32 to index
          %get3A_798 = arith.constant 16 : index
          %get3A_799 = tpu.vector_load %arg6[%get3A_797, %get3A_798] {strides = array<i32>} : memref<128x128xf32, #tpu.memory_space<vmem>>, vector<1x16xf32>,
          %get3A_800 = vector.shape_cast %get3A_799 : vector<1x16xf32> to vector<16xf32>
          %add3A_801 = arith.addf %select_n3A_675, %get3A_800 : vector<16xf32>
          %select_n3A_802 = arith.select %ne3A_782, %get3A_796, %add3A_801 : vector<16xf32>
          %get3A_803 = arith.index_cast %add3A_781 : i32 to index
          %get3A_804 = arith.constant 32 : index
          %get3A_805 = tpu.vector_load %arg6[%get3A_803, %get3A_804] {strides = array<i32>} : memref<128x128xf32, #tpu.memory_space<vmem>>, vector<1x16xf32>,
          %get3A_806 = vector.shape_cast %get3A_805 : vector<1x16xf32> to vector<16xf32>
          %get3A_807 = arith.index_cast %add3A_781 : i32 to index
          %get3A_808 = arith.constant 32 : index
          %get3A_809 = tpu.vector_load %arg6[%get3A_807, %get3A_808] {strides = array<i32>} : memref<128x128xf32, #tpu.memory_space<vmem>>, vector<1x16xf32>,
          %get3A_810 = vector.shape_cast %get3A_809 : vector<1x16xf32> to vector<16xf32>
          %add3A_811 = arith.addf %select_n3A_685, %get3A_810 : vector<16xf32>
          %select_n3A_812 = arith.select %ne3A_782, %get3A_806, %add3A_811 : vector<16xf32>
          %get3A_813 = arith.index_cast %add3A_781 : i32 to index
          %get3A_814 = arith.constant 48 : index
          %get3A_815 = tpu.vector_load %arg6[%get3A_813, %get3A_814] {strides = array<i32>} : memref<128x128xf32, #tpu.memory_space<vmem>>, vector<1x16xf32>,
          %get3A_816 = vector.shape_cast %get3A_815 : vector<1x16xf32> to vector<16xf32>
          %get3A_817 = arith.index_cast %add3A_781 : i32 to index
          %get3A_818 = arith.constant 48 : index
          %get3A_819 = tpu.vector_load %arg6[%get3A_817, %get3A_818] {strides = array<i32>} : memref<128x128xf32, #tpu.memory_space<vmem>>, vector<1x16xf32>,
          %get3A_820 = vector.shape_cast %get3A_819 : vector<1x16xf32> to vector<16xf32>
          %add3A_821 = arith.addf %select_n3A_695, %get3A_820 : vector<16xf32>
          %select_n3A_822 = arith.select %ne3A_782, %get3A_816, %add3A_821 : vector<16xf32>
          %get3A_823 = arith.index_cast %add3A_781 : i32 to index
          %get3A_824 = arith.constant 64 : index
          %get3A_825 = tpu.vector_load %arg6[%get3A_823, %get3A_824] {strides = array<i32>} : memref<128x128xf32, #tpu.memory_space<vmem>>, vector<1x16xf32>,
          %get3A_826 = vector.shape_cast %get3A_825 : vector<1x16xf32> to vector<16xf32>
          %get3A_827 = arith.index_cast %add3A_781 : i32 to index
          %get3A_828 = arith.constant 64 : index
          %get3A_829 = tpu.vector_load %arg6[%get3A_827, %get3A_828] {strides = array<i32>} : memref<128x128xf32, #tpu.memory_space<vmem>>, vector<1x16xf32>,
          %get3A_830 = vector.shape_cast %get3A_829 : vector<1x16xf32> to vector<16xf32>
          %add3A_831 = arith.addf %select_n3A_705, %get3A_830 : vector<16xf32>
          %select_n3A_832 = arith.select %ne3A_782, %get3A_826, %add3A_831 : vector<16xf32>
          %get3A_833 = arith.index_cast %add3A_781 : i32 to index
          %get3A_834 = arith.constant 80 : index
          %get3A_835 = tpu.vector_load %arg6[%get3A_833, %get3A_834] {strides = array<i32>} : memref<128x128xf32, #tpu.memory_space<vmem>>, vector<1x16xf32>,
          %get3A_836 = vector.shape_cast %get3A_835 : vector<1x16xf32> to vector<16xf32>
          %get3A_837 = arith.index_cast %add3A_781 : i32 to index
          %get3A_838 = arith.constant 80 : index
          %get3A_839 = tpu.vector_load %arg6[%get3A_837, %get3A_838] {strides = array<i32>} : memref<128x128xf32, #tpu.memory_space<vmem>>, vector<1x16xf32>,
          %get3A_840 = vector.shape_cast %get3A_839 : vector<1x16xf32> to vector<16xf32>
          %add3A_841 = arith.addf %select_n3A_715, %get3A_840 : vector<16xf32>
          %select_n3A_842 = arith.select %ne3A_782, %get3A_836, %add3A_841 : vector<16xf32>
          %get3A_843 = arith.index_cast %add3A_781 : i32 to index
          %get3A_844 = arith.constant 96 : index
          %get3A_845 = tpu.vector_load %arg6[%get3A_843, %get3A_844] {strides = array<i32>} : memref<128x128xf32, #tpu.memory_space<vmem>>, vector<1x16xf32>,
          %get3A_846 = vector.shape_cast %get3A_845 : vector<1x16xf32> to vector<16xf32>
          %get3A_847 = arith.index_cast %add3A_781 : i32 to index
          %get3A_848 = arith.constant 96 : index
          %get3A_849 = tpu.vector_load %arg6[%get3A_847, %get3A_848] {strides = array<i32>} : memref<128x128xf32, #tpu.memory_space<vmem>>, vector<1x16xf32>,
          %get3A_850 = vector.shape_cast %get3A_849 : vector<1x16xf32> to vector<16xf32>
          %add3A_851 = arith.addf %select_n3A_725, %get3A_850 : vector<16xf32>
          %select_n3A_852 = arith.select %ne3A_782, %get3A_846, %add3A_851 : vector<16xf32>
          %get3A_853 = arith.index_cast %add3A_781 : i32 to index
          %get3A_854 = arith.constant 112 : index
          %get3A_855 = tpu.vector_load %arg6[%get3A_853, %get3A_854] {strides = array<i32>} : memref<128x128xf32, #tpu.memory_space<vmem>>, vector<1x16xf32>,
          %get3A_856 = vector.shape_cast %get3A_855 : vector<1x16xf32> to vector<16xf32>
          %get3A_857 = arith.index_cast %add3A_781 : i32 to index
          %get3A_858 = arith.constant 112 : index
          %get3A_859 = tpu.vector_load %arg6[%get3A_857, %get3A_858] {strides = array<i32>} : memref<128x128xf32, #tpu.memory_space<vmem>>, vector<1x16xf32>,
          %get3A_860 = vector.shape_cast %get3A_859 : vector<1x16xf32> to vector<16xf32>
          %add3A_861 = arith.addf %select_n3A_735, %get3A_860 : vector<16xf32>
          %select_n3A_862 = arith.select %ne3A_782, %get3A_856, %add3A_861 : vector<16xf32>
          %swap3A_863 = arith.index_cast %squeeze3A_777 : i32 to index
          %swap3A_864 = arith.constant 0 : index
          %swap3A_865 = tpu.vector_load %arg7[%swap3A_863, %swap3A_864] {strides = array<i32>} : memref<256x128xf32, #tpu.memory_space<vmem>>, vector<1x16xf32>,
          %swap3A_866 = vector.shape_cast %swap3A_865 : vector<1x16xf32> to vector<16xf32>
          %swap3A_867 = vector.shape_cast %select_n3A_792 : vector<16xf32> to vector<1x16xf32>
          tpu.vector_store %arg7[%swap3A_863, %swap3A_864], %swap3A_867 {strides = array<i32>} : memref<256x128xf32, #tpu.memory_space<vmem>>, vector<1x16xf32>,
          %swap3A_868 = arith.index_cast %squeeze3A_777 : i32 to index
          %swap3A_869 = arith.constant 16 : index
          %swap3A_870 = tpu.vector_load %arg7[%swap3A_868, %swap3A_869] {strides = array<i32>} : memref<256x128xf32, #tpu.memory_space<vmem>>, vector<1x16xf32>,
          %swap3A_871 = vector.shape_cast %swap3A_870 : vector<1x16xf32> to vector<16xf32>
          %swap3A_872 = vector.shape_cast %select_n3A_802 : vector<16xf32> to vector<1x16xf32>
          tpu.vector_store %arg7[%swap3A_868, %swap3A_869], %swap3A_872 {strides = array<i32>} : memref<256x128xf32, #tpu.memory_space<vmem>>, vector<1x16xf32>,
          %swap3A_873 = arith.index_cast %squeeze3A_777 : i32 to index
          %swap3A_874 = arith.constant 32 : index
          %swap3A_875 = tpu.vector_load %arg7[%swap3A_873, %swap3A_874] {strides = array<i32>} : memref<256x128xf32, #tpu.memory_space<vmem>>, vector<1x16xf32>,
          %swap3A_876 = vector.shape_cast %swap3A_875 : vector<1x16xf32> to vector<16xf32>
          %swap3A_877 = vector.shape_cast %select_n3A_812 : vector<16xf32> to vector<1x16xf32>
          tpu.vector_store %arg7[%swap3A_873, %swap3A_874], %swap3A_877 {strides = array<i32>} : memref<256x128xf32, #tpu.memory_space<vmem>>, vector<1x16xf32>,
          %swap3A_878 = arith.index_cast %squeeze3A_777 : i32 to index
          %swap3A_879 = arith.constant 48 : index
          %swap3A_880 = tpu.vector_load %arg7[%swap3A_878, %swap3A_879] {strides = array<i32>} : memref<256x128xf32, #tpu.memory_space<vmem>>, vector<1x16xf32>,
          %swap3A_881 = vector.shape_cast %swap3A_880 : vector<1x16xf32> to vector<16xf32>
          %swap3A_882 = vector.shape_cast %select_n3A_822 : vector<16xf32> to vector<1x16xf32>
          tpu.vector_store %arg7[%swap3A_878, %swap3A_879], %swap3A_882 {strides = array<i32>} : memref<256x128xf32, #tpu.memory_space<vmem>>, vector<1x16xf32>,
          %swap3A_883 = arith.index_cast %squeeze3A_777 : i32 to index
          %swap3A_884 = arith.constant 64 : index
          %swap3A_885 = tpu.vector_load %arg7[%swap3A_883, %swap3A_884] {strides = array<i32>} : memref<256x128xf32, #tpu.memory_space<vmem>>, vector<1x16xf32>,
          %swap3A_886 = vector.shape_cast %swap3A_885 : vector<1x16xf32> to vector<16xf32>
          %swap3A_887 = vector.shape_cast %select_n3A_832 : vector<16xf32> to vector<1x16xf32>
          tpu.vector_store %arg7[%swap3A_883, %swap3A_884], %swap3A_887 {strides = array<i32>} : memref<256x128xf32, #tpu.memory_space<vmem>>, vector<1x16xf32>,
          %swap3A_888 = arith.index_cast %squeeze3A_777 : i32 to index
          %swap3A_889 = arith.constant 80 : index
          %swap3A_890 = tpu.vector_load %arg7[%swap3A_888, %swap3A_889] {strides = array<i32>} : memref<256x128xf32, #tpu.memory_space<vmem>>, vector<1x16xf32>,
          %swap3A_891 = vector.shape_cast %swap3A_890 : vector<1x16xf32> to vector<16xf32>
          %swap3A_892 = vector.shape_cast %select_n3A_842 : vector<16xf32> to vector<1x16xf32>
          tpu.vector_store %arg7[%swap3A_888, %swap3A_889], %swap3A_892 {strides = array<i32>} : memref<256x128xf32, #tpu.memory_space<vmem>>, vector<1x16xf32>,
          %swap3A_893 = arith.index_cast %squeeze3A_777 : i32 to index
          %swap3A_894 = arith.constant 96 : index
          %swap3A_895 = tpu.vector_load %arg7[%swap3A_893, %swap3A_894] {strides = array<i32>} : memref<256x128xf32, #tpu.memory_space<vmem>>, vector<1x16xf32>,
          %swap3A_896 = vector.shape_cast %swap3A_895 : vector<1x16xf32> to vector<16xf32>
          %swap3A_897 = vector.shape_cast %select_n3A_852 : vector<16xf32> to vector<1x16xf32>
          tpu.vector_store %arg7[%swap3A_893, %swap3A_894], %swap3A_897 {strides = array<i32>} : memref<256x128xf32, #tpu.memory_space<vmem>>, vector<1x16xf32>,
          %swap3A_898 = arith.index_cast %squeeze3A_777 : i32 to index
          %swap3A_899 = arith.constant 112 : index
          %swap3A_900 = tpu.vector_load %arg7[%swap3A_898, %swap3A_899] {strides = array<i32>} : memref<256x128xf32, #tpu.memory_space<vmem>>, vector<1x16xf32>,
          %swap3A_901 = vector.shape_cast %swap3A_900 : vector<1x16xf32> to vector<16xf32>
          %swap3A_902 = vector.shape_cast %select_n3A_862 : vector<16xf32> to vector<1x16xf32>
          tpu.vector_store %arg7[%swap3A_898, %swap3A_899], %swap3A_902 {strides = array<i32>} : memref<256x128xf32, #tpu.memory_space<vmem>>, vector<1x16xf32>,
          %slice3A_903 = vector.extract_strided_slice %get3A_143 {offsets = [6], sizes = [1], strides = [1]} : vector<16xi32> to vector<1xi32>
          %squeeze3A_904 = vector.extract %slice3A_903[0] : i32 from vector<1xi32>
          %mul3A_905 = arith.constant 16 : i32
          %mul3A_906 = arith.muli %scan3A_127, %mul3A_905 : i32
          %add3A_907 = arith.constant 6 : i32
          %add3A_908 = arith.addi %mul3A_906, %add3A_907 : i32
          %ne3A_909 = arith.cmpi ne, %squeeze3A_904, %squeeze3A_777 : i32
          %get3A_910 = arith.index_cast %add3A_908 : i32 to index
          %get3A_911 = arith.constant 0 : index
          %get3A_912 = tpu.vector_load %arg6[%get3A_910, %get3A_911] {strides = array<i32>} : memref<128x128xf32, #tpu.memory_space<vmem>>, vector<1x16xf32>,
          %get3A_913 = vector.shape_cast %get3A_912 : vector<1x16xf32> to vector<16xf32>
          %get3A_914 = arith.index_cast %add3A_908 : i32 to index
          %get3A_915 = arith.constant 0 : index
          %get3A_916 = tpu.vector_load %arg6[%get3A_914, %get3A_915] {strides = array<i32>} : memref<128x128xf32, #tpu.memory_space<vmem>>, vector<1x16xf32>,
          %get3A_917 = vector.shape_cast %get3A_916 : vector<1x16xf32> to vector<16xf32>
          %add3A_918 = arith.addf %select_n3A_792, %get3A_917 : vector<16xf32>
          %select_n3A_919 = arith.select %ne3A_909, %get3A_913, %add3A_918 : vector<16xf32>
          %get3A_920 = arith.index_cast %add3A_908 : i32 to index
          %get3A_921 = arith.constant 16 : index
          %get3A_922 = tpu.vector_load %arg6[%get3A_920, %get3A_921] {strides = array<i32>} : memref<128x128xf32, #tpu.memory_space<vmem>>, vector<1x16xf32>,
          %get3A_923 = vector.shape_cast %get3A_922 : vector<1x16xf32> to vector<16xf32>
          %get3A_924 = arith.index_cast %add3A_908 : i32 to index
          %get3A_925 = arith.constant 16 : index
          %get3A_926 = tpu.vector_load %arg6[%get3A_924, %get3A_925] {strides = array<i32>} : memref<128x128xf32, #tpu.memory_space<vmem>>, vector<1x16xf32>,
          %get3A_927 = vector.shape_cast %get3A_926 : vector<1x16xf32> to vector<16xf32>
          %add3A_928 = arith.addf %select_n3A_802, %get3A_927 : vector<16xf32>
          %select_n3A_929 = arith.select %ne3A_909, %get3A_923, %add3A_928 : vector<16xf32>
          %get3A_930 = arith.index_cast %add3A_908 : i32 to index
          %get3A_931 = arith.constant 32 : index
          %get3A_932 = tpu.vector_load %arg6[%get3A_930, %get3A_931] {strides = array<i32>} : memref<128x128xf32, #tpu.memory_space<vmem>>, vector<1x16xf32>,
          %get3A_933 = vector.shape_cast %get3A_932 : vector<1x16xf32> to vector<16xf32>
          %get3A_934 = arith.index_cast %add3A_908 : i32 to index
          %get3A_935 = arith.constant 32 : index
          %get3A_936 = tpu.vector_load %arg6[%get3A_934, %get3A_935] {strides = array<i32>} : memref<128x128xf32, #tpu.memory_space<vmem>>, vector<1x16xf32>,
          %get3A_937 = vector.shape_cast %get3A_936 : vector<1x16xf32> to vector<16xf32>
          %add3A_938 = arith.addf %select_n3A_812, %get3A_937 : vector<16xf32>
          %select_n3A_939 = arith.select %ne3A_909, %get3A_933, %add3A_938 : vector<16xf32>
          %get3A_940 = arith.index_cast %add3A_908 : i32 to index
          %get3A_941 = arith.constant 48 : index
          %get3A_942 = tpu.vector_load %arg6[%get3A_940, %get3A_941] {strides = array<i32>} : memref<128x128xf32, #tpu.memory_space<vmem>>, vector<1x16xf32>,
          %get3A_943 = vector.shape_cast %get3A_942 : vector<1x16xf32> to vector<16xf32>
          %get3A_944 = arith.index_cast %add3A_908 : i32 to index
          %get3A_945 = arith.constant 48 : index
          %get3A_946 = tpu.vector_load %arg6[%get3A_944, %get3A_945] {strides = array<i32>} : memref<128x128xf32, #tpu.memory_space<vmem>>, vector<1x16xf32>,
          %get3A_947 = vector.shape_cast %get3A_946 : vector<1x16xf32> to vector<16xf32>
          %add3A_948 = arith.addf %select_n3A_822, %get3A_947 : vector<16xf32>
          %select_n3A_949 = arith.select %ne3A_909, %get3A_943, %add3A_948 : vector<16xf32>
          %get3A_950 = arith.index_cast %add3A_908 : i32 to index
          %get3A_951 = arith.constant 64 : index
          %get3A_952 = tpu.vector_load %arg6[%get3A_950, %get3A_951] {strides = array<i32>} : memref<128x128xf32, #tpu.memory_space<vmem>>, vector<1x16xf32>,
          %get3A_953 = vector.shape_cast %get3A_952 : vector<1x16xf32> to vector<16xf32>
          %get3A_954 = arith.index_cast %add3A_908 : i32 to index
          %get3A_955 = arith.constant 64 : index
          %get3A_956 = tpu.vector_load %arg6[%get3A_954, %get3A_955] {strides = array<i32>} : memref<128x128xf32, #tpu.memory_space<vmem>>, vector<1x16xf32>,
          %get3A_957 = vector.shape_cast %get3A_956 : vector<1x16xf32> to vector<16xf32>
          %add3A_958 = arith.addf %select_n3A_832, %get3A_957 : vector<16xf32>
          %select_n3A_959 = arith.select %ne3A_909, %get3A_953, %add3A_958 : vector<16xf32>
          %get3A_960 = arith.index_cast %add3A_908 : i32 to index
          %get3A_961 = arith.constant 80 : index
          %get3A_962 = tpu.vector_load %arg6[%get3A_960, %get3A_961] {strides = array<i32>} : memref<128x128xf32, #tpu.memory_space<vmem>>, vector<1x16xf32>,
          %get3A_963 = vector.shape_cast %get3A_962 : vector<1x16xf32> to vector<16xf32>
          %get3A_964 = arith.index_cast %add3A_908 : i32 to index
          %get3A_965 = arith.constant 80 : index
          %get3A_966 = tpu.vector_load %arg6[%get3A_964, %get3A_965] {strides = array<i32>} : memref<128x128xf32, #tpu.memory_space<vmem>>, vector<1x16xf32>,
          %get3A_967 = vector.shape_cast %get3A_966 : vector<1x16xf32> to vector<16xf32>
          %add3A_968 = arith.addf %select_n3A_842, %get3A_967 : vector<16xf32>
          %select_n3A_969 = arith.select %ne3A_909, %get3A_963, %add3A_968 : vector<16xf32>
          %get3A_970 = arith.index_cast %add3A_908 : i32 to index
          %get3A_971 = arith.constant 96 : index
          %get3A_972 = tpu.vector_load %arg6[%get3A_970, %get3A_971] {strides = array<i32>} : memref<128x128xf32, #tpu.memory_space<vmem>>, vector<1x16xf32>,
          %get3A_973 = vector.shape_cast %get3A_972 : vector<1x16xf32> to vector<16xf32>
          %get3A_974 = arith.index_cast %add3A_908 : i32 to index
          %get3A_975 = arith.constant 96 : index
          %get3A_976 = tpu.vector_load %arg6[%get3A_974, %get3A_975] {strides = array<i32>} : memref<128x128xf32, #tpu.memory_space<vmem>>, vector<1x16xf32>,
          %get3A_977 = vector.shape_cast %get3A_976 : vector<1x16xf32> to vector<16xf32>
          %add3A_978 = arith.addf %select_n3A_852, %get3A_977 : vector<16xf32>
          %select_n3A_979 = arith.select %ne3A_909, %get3A_973, %add3A_978 : vector<16xf32>
          %get3A_980 = arith.index_cast %add3A_908 : i32 to index
          %get3A_981 = arith.constant 112 : index
          %get3A_982 = tpu.vector_load %arg6[%get3A_980, %get3A_981] {strides = array<i32>} : memref<128x128xf32, #tpu.memory_space<vmem>>, vector<1x16xf32>,
          %get3A_983 = vector.shape_cast %get3A_982 : vector<1x16xf32> to vector<16xf32>
          %get3A_984 = arith.index_cast %add3A_908 : i32 to index
          %get3A_985 = arith.constant 112 : index
          %get3A_986 = tpu.vector_load %arg6[%get3A_984, %get3A_985] {strides = array<i32>} : memref<128x128xf32, #tpu.memory_space<vmem>>, vector<1x16xf32>,
          %get3A_987 = vector.shape_cast %get3A_986 : vector<1x16xf32> to vector<16xf32>
          %add3A_988 = arith.addf %select_n3A_862, %get3A_987 : vector<16xf32>
          %select_n3A_989 = arith.select %ne3A_909, %get3A_983, %add3A_988 : vector<16xf32>
          %swap3A_990 = arith.index_cast %squeeze3A_904 : i32 to index
          %swap3A_991 = arith.constant 0 : index
          %swap3A_992 = tpu.vector_load %arg7[%swap3A_990, %swap3A_991] {strides = array<i32>} : memref<256x128xf32, #tpu.memory_space<vmem>>, vector<1x16xf32>,
          %swap3A_993 = vector.shape_cast %swap3A_992 : vector<1x16xf32> to vector<16xf32>
          %swap3A_994 = vector.shape_cast %select_n3A_919 : vector<16xf32> to vector<1x16xf32>
          tpu.vector_store %arg7[%swap3A_990, %swap3A_991], %swap3A_994 {strides = array<i32>} : memref<256x128xf32, #tpu.memory_space<vmem>>, vector<1x16xf32>,
          %swap3A_995 = arith.index_cast %squeeze3A_904 : i32 to index
          %swap3A_996 = arith.constant 16 : index
          %swap3A_997 = tpu.vector_load %arg7[%swap3A_995, %swap3A_996] {strides = array<i32>} : memref<256x128xf32, #tpu.memory_space<vmem>>, vector<1x16xf32>,
          %swap3A_998 = vector.shape_cast %swap3A_997 : vector<1x16xf32> to vector<16xf32>
          %swap3A_999 = vector.shape_cast %select_n3A_929 : vector<16xf32> to vector<1x16xf32>
          tpu.vector_store %arg7[%swap3A_995, %swap3A_996], %swap3A_999 {strides = array<i32>} : memref<256x128xf32, #tpu.memory_space<vmem>>, vector<1x16xf32>,
          %swap3A_1000 = arith.index_cast %squeeze3A_904 : i32 to index
          %swap3A_1001 = arith.constant 32 : index
          %swap3A_1002 = tpu.vector_load %arg7[%swap3A_1000, %swap3A_1001] {strides = array<i32>} : memref<256x128xf32, #tpu.memory_space<vmem>>, vector<1x16xf32>,
          %swap3A_1003 = vector.shape_cast %swap3A_1002 : vector<1x16xf32> to vector<16xf32>
          %swap3A_1004 = vector.shape_cast %select_n3A_939 : vector<16xf32> to vector<1x16xf32>
          tpu.vector_store %arg7[%swap3A_1000, %swap3A_1001], %swap3A_1004 {strides = array<i32>} : memref<256x128xf32, #tpu.memory_space<vmem>>, vector<1x16xf32>,
          %swap3A_1005 = arith.index_cast %squeeze3A_904 : i32 to index
          %swap3A_1006 = arith.constant 48 : index
          %swap3A_1007 = tpu.vector_load %arg7[%swap3A_1005, %swap3A_1006] {strides = array<i32>} : memref<256x128xf32, #tpu.memory_space<vmem>>, vector<1x16xf32>,
          %swap3A_1008 = vector.shape_cast %swap3A_1007 : vector<1x16xf32> to vector<16xf32>
          %swap3A_1009 = vector.shape_cast %select_n3A_949 : vector<16xf32> to vector<1x16xf32>
          tpu.vector_store %arg7[%swap3A_1005, %swap3A_1006], %swap3A_1009 {strides = array<i32>} : memref<256x128xf32, #tpu.memory_space<vmem>>, vector<1x16xf32>,
          %swap3A_1010 = arith.index_cast %squeeze3A_904 : i32 to index
          %swap3A_1011 = arith.constant 64 : index
          %swap3A_1012 = tpu.vector_load %arg7[%swap3A_1010, %swap3A_1011] {strides = array<i32>} : memref<256x128xf32, #tpu.memory_space<vmem>>, vector<1x16xf32>,
          %swap3A_1013 = vector.shape_cast %swap3A_1012 : vector<1x16xf32> to vector<16xf32>
          %swap3A_1014 = vector.shape_cast %select_n3A_959 : vector<16xf32> to vector<1x16xf32>
          tpu.vector_store %arg7[%swap3A_1010, %swap3A_1011], %swap3A_1014 {strides = array<i32>} : memref<256x128xf32, #tpu.memory_space<vmem>>, vector<1x16xf32>,
          %swap3A_1015 = arith.index_cast %squeeze3A_904 : i32 to index
          %swap3A_1016 = arith.constant 80 : index
          %swap3A_1017 = tpu.vector_load %arg7[%swap3A_1015, %swap3A_1016] {strides = array<i32>} : memref<256x128xf32, #tpu.memory_space<vmem>>, vector<1x16xf32>,
          %swap3A_1018 = vector.shape_cast %swap3A_1017 : vector<1x16xf32> to vector<16xf32>
          %swap3A_1019 = vector.shape_cast %select_n3A_969 : vector<16xf32> to vector<1x16xf32>
          tpu.vector_store %arg7[%swap3A_1015, %swap3A_1016], %swap3A_1019 {strides = array<i32>} : memref<256x128xf32, #tpu.memory_space<vmem>>, vector<1x16xf32>,
          %swap3A_1020 = arith.index_cast %squeeze3A_904 : i32 to index
          %swap3A_1021 = arith.constant 96 : index
          %swap3A_1022 = tpu.vector_load %arg7[%swap3A_1020, %swap3A_1021] {strides = array<i32>} : memref<256x128xf32, #tpu.memory_space<vmem>>, vector<1x16xf32>,
          %swap3A_1023 = vector.shape_cast %swap3A_1022 : vector<1x16xf32> to vector<16xf32>
          %swap3A_1024 = vector.shape_cast %select_n3A_979 : vector<16xf32> to vector<1x16xf32>
          tpu.vector_store %arg7[%swap3A_1020, %swap3A_1021], %swap3A_1024 {strides = array<i32>} : memref<256x128xf32, #tpu.memory_space<vmem>>, vector<1x16xf32>,
          %swap3A_1025 = arith.index_cast %squeeze3A_904 : i32 to index
          %swap3A_1026 = arith.constant 112 : index
          %swap3A_1027 = tpu.vector_load %arg7[%swap3A_1025, %swap3A_1026] {strides = array<i32>} : memref<256x128xf32, #tpu.memory_space<vmem>>, vector<1x16xf32>,
          %swap3A_1028 = vector.shape_cast %swap3A_1027 : vector<1x16xf32> to vector<16xf32>
          %swap3A_1029 = vector.shape_cast %select_n3A_989 : vector<16xf32> to vector<1x16xf32>
          tpu.vector_store %arg7[%swap3A_1025, %swap3A_1026], %swap3A_1029 {strides = array<i32>} : memref<256x128xf32, #tpu.memory_space<vmem>>, vector<1x16xf32>,
          %slice3A_1030 = vector.extract_strided_slice %get3A_143 {offsets = [7], sizes = [1], strides = [1]} : vector<16xi32> to vector<1xi32>
          %squeeze3A_1031 = vector.extract %slice3A_1030[0] : i32 from vector<1xi32>
          %mul3A_1032 = arith.constant 16 : i32
          %mul3A_1033 = arith.muli %scan3A_127, %mul3A_1032 : i32
          %add3A_1034 = arith.constant 7 : i32
          %add3A_1035 = arith.addi %mul3A_1033, %add3A_1034 : i32
          %ne3A_1036 = arith.cmpi ne, %squeeze3A_1031, %squeeze3A_904 : i32
          %get3A_1037 = arith.index_cast %add3A_1035 : i32 to index
          %get3A_1038 = arith.constant 0 : index
          %get3A_1039 = tpu.vector_load %arg6[%get3A_1037, %get3A_1038] {strides = array<i32>} : memref<128x128xf32, #tpu.memory_space<vmem>>, vector<1x16xf32>,
          %get3A_1040 = vector.shape_cast %get3A_1039 : vector<1x16xf32> to vector<16xf32>
          %get3A_1041 = arith.index_cast %add3A_1035 : i32 to index
          %get3A_1042 = arith.constant 0 : index
          %get3A_1043 = tpu.vector_load %arg6[%get3A_1041, %get3A_1042] {strides = array<i32>} : memref<128x128xf32, #tpu.memory_space<vmem>>, vector<1x16xf32>,
          %get3A_1044 = vector.shape_cast %get3A_1043 : vector<1x16xf32> to vector<16xf32>
          %add3A_1045 = arith.addf %select_n3A_919, %get3A_1044 : vector<16xf32>
          %select_n3A_1046 = arith.select %ne3A_1036, %get3A_1040, %add3A_1045 : vector<16xf32>
          %get3A_1047 = arith.index_cast %add3A_1035 : i32 to index
          %get3A_1048 = arith.constant 16 : index
          %get3A_1049 = tpu.vector_load %arg6[%get3A_1047, %get3A_1048] {strides = array<i32>} : memref<128x128xf32, #tpu.memory_space<vmem>>, vector<1x16xf32>,
          %get3A_1050 = vector.shape_cast %get3A_1049 : vector<1x16xf32> to vector<16xf32>
          %get3A_1051 = arith.index_cast %add3A_1035 : i32 to index
          %get3A_1052 = arith.constant 16 : index
          %get3A_1053 = tpu.vector_load %arg6[%get3A_1051, %get3A_1052] {strides = array<i32>} : memref<128x128xf32, #tpu.memory_space<vmem>>, vector<1x16xf32>,
          %get3A_1054 = vector.shape_cast %get3A_1053 : vector<1x16xf32> to vector<16xf32>
          %add3A_1055 = arith.addf %select_n3A_929, %get3A_1054 : vector<16xf32>
          %select_n3A_1056 = arith.select %ne3A_1036, %get3A_1050, %add3A_1055 : vector<16xf32>
          %get3A_1057 = arith.index_cast %add3A_1035 : i32 to index
          %get3A_1058 = arith.constant 32 : index
          %get3A_1059 = tpu.vector_load %arg6[%get3A_1057, %get3A_1058] {strides = array<i32>} : memref<128x128xf32, #tpu.memory_space<vmem>>, vector<1x16xf32>,
          %get3A_1060 = vector.shape_cast %get3A_1059 : vector<1x16xf32> to vector<16xf32>
          %get3A_1061 = arith.index_cast %add3A_1035 : i32 to index
          %get3A_1062 = arith.constant 32 : index
          %get3A_1063 = tpu.vector_load %arg6[%get3A_1061, %get3A_1062] {strides = array<i32>} : memref<128x128xf32, #tpu.memory_space<vmem>>, vector<1x16xf32>,
          %get3A_1064 = vector.shape_cast %get3A_1063 : vector<1x16xf32> to vector<16xf32>
          %add3A_1065 = arith.addf %select_n3A_939, %get3A_1064 : vector<16xf32>
          %select_n3A_1066 = arith.select %ne3A_1036, %get3A_1060, %add3A_1065 : vector<16xf32>
          %get3A_1067 = arith.index_cast %add3A_1035 : i32 to index
          %get3A_1068 = arith.constant 48 : index
          %get3A_1069 = tpu.vector_load %arg6[%get3A_1067, %get3A_1068] {strides = array<i32>} : memref<128x128xf32, #tpu.memory_space<vmem>>, vector<1x16xf32>,
          %get3A_1070 = vector.shape_cast %get3A_1069 : vector<1x16xf32> to vector<16xf32>
          %get3A_1071 = arith.index_cast %add3A_1035 : i32 to index
          %get3A_1072 = arith.constant 48 : index
          %get3A_1073 = tpu.vector_load %arg6[%get3A_1071, %get3A_1072] {strides = array<i32>} : memref<128x128xf32, #tpu.memory_space<vmem>>, vector<1x16xf32>,
          %get3A_1074 = vector.shape_cast %get3A_1073 : vector<1x16xf32> to vector<16xf32>
          %add3A_1075 = arith.addf %select_n3A_949, %get3A_1074 : vector<16xf32>
          %select_n3A_1076 = arith.select %ne3A_1036, %get3A_1070, %add3A_1075 : vector<16xf32>
          %get3A_1077 = arith.index_cast %add3A_1035 : i32 to index
          %get3A_1078 = arith.constant 64 : index
          %get3A_1079 = tpu.vector_load %arg6[%get3A_1077, %get3A_1078] {strides = array<i32>} : memref<128x128xf32, #tpu.memory_space<vmem>>, vector<1x16xf32>,
          %get3A_1080 = vector.shape_cast %get3A_1079 : vector<1x16xf32> to vector<16xf32>
          %get3A_1081 = arith.index_cast %add3A_1035 : i32 to index
          %get3A_1082 = arith.constant 64 : index
          %get3A_1083 = tpu.vector_load %arg6[%get3A_1081, %get3A_1082] {strides = array<i32>} : memref<128x128xf32, #tpu.memory_space<vmem>>, vector<1x16xf32>,
          %get3A_1084 = vector.shape_cast %get3A_1083 : vector<1x16xf32> to vector<16xf32>
          %add3A_1085 = arith.addf %select_n3A_959, %get3A_1084 : vector<16xf32>
          %select_n3A_1086 = arith.select %ne3A_1036, %get3A_1080, %add3A_1085 : vector<16xf32>
          %get3A_1087 = arith.index_cast %add3A_1035 : i32 to index
          %get3A_1088 = arith.constant 80 : index
          %get3A_1089 = tpu.vector_load %arg6[%get3A_1087, %get3A_1088] {strides = array<i32>} : memref<128x128xf32, #tpu.memory_space<vmem>>, vector<1x16xf32>,
          %get3A_1090 = vector.shape_cast %get3A_1089 : vector<1x16xf32> to vector<16xf32>
          %get3A_1091 = arith.index_cast %add3A_1035 : i32 to index
          %get3A_1092 = arith.constant 80 : index
          %get3A_1093 = tpu.vector_load %arg6[%get3A_1091, %get3A_1092] {strides = array<i32>} : memref<128x128xf32, #tpu.memory_space<vmem>>, vector<1x16xf32>,
          %get3A_1094 = vector.shape_cast %get3A_1093 : vector<1x16xf32> to vector<16xf32>
          %add3A_1095 = arith.addf %select_n3A_969, %get3A_1094 : vector<16xf32>
          %select_n3A_1096 = arith.select %ne3A_1036, %get3A_1090, %add3A_1095 : vector<16xf32>
          %get3A_1097 = arith.index_cast %add3A_1035 : i32 to index
          %get3A_1098 = arith.constant 96 : index
          %get3A_1099 = tpu.vector_load %arg6[%get3A_1097, %get3A_1098] {strides = array<i32>} : memref<128x128xf32, #tpu.memory_space<vmem>>, vector<1x16xf32>,
          %get3A_1100 = vector.shape_cast %get3A_1099 : vector<1x16xf32> to vector<16xf32>
          %get3A_1101 = arith.index_cast %add3A_1035 : i32 to index
          %get3A_1102 = arith.constant 96 : index
          %get3A_1103 = tpu.vector_load %arg6[%get3A_1101, %get3A_1102] {strides = array<i32>} : memref<128x128xf32, #tpu.memory_space<vmem>>, vector<1x16xf32>,
          %get3A_1104 = vector.shape_cast %get3A_1103 : vector<1x16xf32> to vector<16xf32>
          %add3A_1105 = arith.addf %select_n3A_979, %get3A_1104 : vector<16xf32>
          %select_n3A_1106 = arith.select %ne3A_1036, %get3A_1100, %add3A_1105 : vector<16xf32>
          %get3A_1107 = arith.index_cast %add3A_1035 : i32 to index
          %get3A_1108 = arith.constant 112 : index
          %get3A_1109 = tpu.vector_load %arg6[%get3A_1107, %get3A_1108] {strides = array<i32>} : memref<128x128xf32, #tpu.memory_space<vmem>>, vector<1x16xf32>,
          %get3A_1110 = vector.shape_cast %get3A_1109 : vector<1x16xf32> to vector<16xf32>
          %get3A_1111 = arith.index_cast %add3A_1035 : i32 to index
          %get3A_1112 = arith.constant 112 : index
          %get3A_1113 = tpu.vector_load %arg6[%get3A_1111, %get3A_1112] {strides = array<i32>} : memref<128x128xf32, #tpu.memory_space<vmem>>, vector<1x16xf32>,
          %get3A_1114 = vector.shape_cast %get3A_1113 : vector<1x16xf32> to vector<16xf32>
          %add3A_1115 = arith.addf %select_n3A_989, %get3A_1114 : vector<16xf32>
          %select_n3A_1116 = arith.select %ne3A_1036, %get3A_1110, %add3A_1115 : vector<16xf32>
          %swap3A_1117 = arith.index_cast %squeeze3A_1031 : i32 to index
          %swap3A_1118 = arith.constant 0 : index
          %swap3A_1119 = tpu.vector_load %arg7[%swap3A_1117, %swap3A_1118] {strides = array<i32>} : memref<256x128xf32, #tpu.memory_space<vmem>>, vector<1x16xf32>,
          %swap3A_1120 = vector.shape_cast %swap3A_1119 : vector<1x16xf32> to vector<16xf32>
          %swap3A_1121 = vector.shape_cast %select_n3A_1046 : vector<16xf32> to vector<1x16xf32>
          tpu.vector_store %arg7[%swap3A_1117, %swap3A_1118], %swap3A_1121 {strides = array<i32>} : memref<256x128xf32, #tpu.memory_space<vmem>>, vector<1x16xf32>,
          %swap3A_1122 = arith.index_cast %squeeze3A_1031 : i32 to index
          %swap3A_1123 = arith.constant 16 : index
          %swap3A_1124 = tpu.vector_load %arg7[%swap3A_1122, %swap3A_1123] {strides = array<i32>} : memref<256x128xf32, #tpu.memory_space<vmem>>, vector<1x16xf32>,
          %swap3A_1125 = vector.shape_cast %swap3A_1124 : vector<1x16xf32> to vector<16xf32>
          %swap3A_1126 = vector.shape_cast %select_n3A_1056 : vector<16xf32> to vector<1x16xf32>
          tpu.vector_store %arg7[%swap3A_1122, %swap3A_1123], %swap3A_1126 {strides = array<i32>} : memref<256x128xf32, #tpu.memory_space<vmem>>, vector<1x16xf32>,
          %swap3A_1127 = arith.index_cast %squeeze3A_1031 : i32 to index
          %swap3A_1128 = arith.constant 32 : index
          %swap3A_1129 = tpu.vector_load %arg7[%swap3A_1127, %swap3A_1128] {strides = array<i32>} : memref<256x128xf32, #tpu.memory_space<vmem>>, vector<1x16xf32>,
          %swap3A_1130 = vector.shape_cast %swap3A_1129 : vector<1x16xf32> to vector<16xf32>
          %swap3A_1131 = vector.shape_cast %select_n3A_1066 : vector<16xf32> to vector<1x16xf32>
          tpu.vector_store %arg7[%swap3A_1127, %swap3A_1128], %swap3A_1131 {strides = array<i32>} : memref<256x128xf32, #tpu.memory_space<vmem>>, vector<1x16xf32>,
          %swap3A_1132 = arith.index_cast %squeeze3A_1031 : i32 to index
          %swap3A_1133 = arith.constant 48 : index
          %swap3A_1134 = tpu.vector_load %arg7[%swap3A_1132, %swap3A_1133] {strides = array<i32>} : memref<256x128xf32, #tpu.memory_space<vmem>>, vector<1x16xf32>,
          %swap3A_1135 = vector.shape_cast %swap3A_1134 : vector<1x16xf32> to vector<16xf32>
          %swap3A_1136 = vector.shape_cast %select_n3A_1076 : vector<16xf32> to vector<1x16xf32>
          tpu.vector_store %arg7[%swap3A_1132, %swap3A_1133], %swap3A_1136 {strides = array<i32>} : memref<256x128xf32, #tpu.memory_space<vmem>>, vector<1x16xf32>,
          %swap3A_1137 = arith.index_cast %squeeze3A_1031 : i32 to index
          %swap3A_1138 = arith.constant 64 : index
          %swap3A_1139 = tpu.vector_load %arg7[%swap3A_1137, %swap3A_1138] {strides = array<i32>} : memref<256x128xf32, #tpu.memory_space<vmem>>, vector<1x16xf32>,
          %swap3A_1140 = vector.shape_cast %swap3A_1139 : vector<1x16xf32> to vector<16xf32>
          %swap3A_1141 = vector.shape_cast %select_n3A_1086 : vector<16xf32> to vector<1x16xf32>
          tpu.vector_store %arg7[%swap3A_1137, %swap3A_1138], %swap3A_1141 {strides = array<i32>} : memref<256x128xf32, #tpu.memory_space<vmem>>, vector<1x16xf32>,
          %swap3A_1142 = arith.index_cast %squeeze3A_1031 : i32 to index
          %swap3A_1143 = arith.constant 80 : index
          %swap3A_1144 = tpu.vector_load %arg7[%swap3A_1142, %swap3A_1143] {strides = array<i32>} : memref<256x128xf32, #tpu.memory_space<vmem>>, vector<1x16xf32>,
          %swap3A_1145 = vector.shape_cast %swap3A_1144 : vector<1x16xf32> to vector<16xf32>
          %swap3A_1146 = vector.shape_cast %select_n3A_1096 : vector<16xf32> to vector<1x16xf32>
          tpu.vector_store %arg7[%swap3A_1142, %swap3A_1143], %swap3A_1146 {strides = array<i32>} : memref<256x128xf32, #tpu.memory_space<vmem>>, vector<1x16xf32>,
          %swap3A_1147 = arith.index_cast %squeeze3A_1031 : i32 to index
          %swap3A_1148 = arith.constant 96 : index
          %swap3A_1149 = tpu.vector_load %arg7[%swap3A_1147, %swap3A_1148] {strides = array<i32>} : memref<256x128xf32, #tpu.memory_space<vmem>>, vector<1x16xf32>,
          %swap3A_1150 = vector.shape_cast %swap3A_1149 : vector<1x16xf32> to vector<16xf32>
          %swap3A_1151 = vector.shape_cast %select_n3A_1106 : vector<16xf32> to vector<1x16xf32>
          tpu.vector_store %arg7[%swap3A_1147, %swap3A_1148], %swap3A_1151 {strides = array<i32>} : memref<256x128xf32, #tpu.memory_space<vmem>>, vector<1x16xf32>,
          %swap3A_1152 = arith.index_cast %squeeze3A_1031 : i32 to index
          %swap3A_1153 = arith.constant 112 : index
          %swap3A_1154 = tpu.vector_load %arg7[%swap3A_1152, %swap3A_1153] {strides = array<i32>} : memref<256x128xf32, #tpu.memory_space<vmem>>, vector<1x16xf32>,
          %swap3A_1155 = vector.shape_cast %swap3A_1154 : vector<1x16xf32> to vector<16xf32>
          %swap3A_1156 = vector.shape_cast %select_n3A_1116 : vector<16xf32> to vector<1x16xf32>
          tpu.vector_store %arg7[%swap3A_1152, %swap3A_1153], %swap3A_1156 {strides = array<i32>} : memref<256x128xf32, #tpu.memory_space<vmem>>, vector<1x16xf32>,
          %slice3A_1157 = vector.extract_strided_slice %get3A_143 {offsets = [8], sizes = [1], strides = [1]} : vector<16xi32> to vector<1xi32>
          %squeeze3A_1158 = vector.extract %slice3A_1157[0] : i32 from vector<1xi32>
          %mul3A_1159 = arith.constant 16 : i32
          %mul3A_1160 = arith.muli %scan3A_127, %mul3A_1159 : i32
          %add3A_1161 = arith.constant 8 : i32
          %add3A_1162 = arith.addi %mul3A_1160, %add3A_1161 : i32
          %ne3A_1163 = arith.cmpi ne, %squeeze3A_1158, %squeeze3A_1031 : i32
          %get3A_1164 = arith.index_cast %add3A_1162 : i32 to index
          %get3A_1165 = arith.constant 0 : index
          %get3A_1166 = tpu.vector_load %arg6[%get3A_1164, %get3A_1165] {strides = array<i32>} : memref<128x128xf32, #tpu.memory_space<vmem>>, vector<1x16xf32>,
          %get3A_1167 = vector.shape_cast %get3A_1166 : vector<1x16xf32> to vector<16xf32>
          %get3A_1168 = arith.index_cast %add3A_1162 : i32 to index
          %get3A_1169 = arith.constant 0 : index
          %get3A_1170 = tpu.vector_load %arg6[%get3A_1168, %get3A_1169] {strides = array<i32>} : memref<128x128xf32, #tpu.memory_space<vmem>>, vector<1x16xf32>,
          %get3A_1171 = vector.shape_cast %get3A_1170 : vector<1x16xf32> to vector<16xf32>
          %add3A_1172 = arith.addf %select_n3A_1046, %get3A_1171 : vector<16xf32>
          %select_n3A_1173 = arith.select %ne3A_1163, %get3A_1167, %add3A_1172 : vector<16xf32>
          %get3A_1174 = arith.index_cast %add3A_1162 : i32 to index
          %get3A_1175 = arith.constant 16 : index
          %get3A_1176 = tpu.vector_load %arg6[%get3A_1174, %get3A_1175] {strides = array<i32>} : memref<128x128xf32, #tpu.memory_space<vmem>>, vector<1x16xf32>,
          %get3A_1177 = vector.shape_cast %get3A_1176 : vector<1x16xf32> to vector<16xf32>
          %get3A_1178 = arith.index_cast %add3A_1162 : i32 to index
          %get3A_1179 = arith.constant 16 : index
          %get3A_1180 = tpu.vector_load %arg6[%get3A_1178, %get3A_1179] {strides = array<i32>} : memref<128x128xf32, #tpu.memory_space<vmem>>, vector<1x16xf32>,
          %get3A_1181 = vector.shape_cast %get3A_1180 : vector<1x16xf32> to vector<16xf32>
          %add3A_1182 = arith.addf %select_n3A_1056, %get3A_1181 : vector<16xf32>
          %select_n3A_1183 = arith.select %ne3A_1163, %get3A_1177, %add3A_1182 : vector<16xf32>
          %get3A_1184 = arith.index_cast %add3A_1162 : i32 to index
          %get3A_1185 = arith.constant 32 : index
          %get3A_1186 = tpu.vector_load %arg6[%get3A_1184, %get3A_1185] {strides = array<i32>} : memref<128x128xf32, #tpu.memory_space<vmem>>, vector<1x16xf32>,
          %get3A_1187 = vector.shape_cast %get3A_1186 : vector<1x16xf32> to vector<16xf32>
          %get3A_1188 = arith.index_cast %add3A_1162 : i32 to index
          %get3A_1189 = arith.constant 32 : index
          %get3A_1190 = tpu.vector_load %arg6[%get3A_1188, %get3A_1189] {strides = array<i32>} : memref<128x128xf32, #tpu.memory_space<vmem>>, vector<1x16xf32>,
          %get3A_1191 = vector.shape_cast %get3A_1190 : vector<1x16xf32> to vector<16xf32>
          %add3A_1192 = arith.addf %select_n3A_1066, %get3A_1191 : vector<16xf32>
          %select_n3A_1193 = arith.select %ne3A_1163, %get3A_1187, %add3A_1192 : vector<16xf32>
          %get3A_1194 = arith.index_cast %add3A_1162 : i32 to index
          %get3A_1195 = arith.constant 48 : index
          %get3A_1196 = tpu.vector_load %arg6[%get3A_1194, %get3A_1195] {strides = array<i32>} : memref<128x128xf32, #tpu.memory_space<vmem>>, vector<1x16xf32>,
          %get3A_1197 = vector.shape_cast %get3A_1196 : vector<1x16xf32> to vector<16xf32>
          %get3A_1198 = arith.index_cast %add3A_1162 : i32 to index
          %get3A_1199 = arith.constant 48 : index
          %get3A_1200 = tpu.vector_load %arg6[%get3A_1198, %get3A_1199] {strides = array<i32>} : memref<128x128xf32, #tpu.memory_space<vmem>>, vector<1x16xf32>,
          %get3A_1201 = vector.shape_cast %get3A_1200 : vector<1x16xf32> to vector<16xf32>
          %add3A_1202 = arith.addf %select_n3A_1076, %get3A_1201 : vector<16xf32>
          %select_n3A_1203 = arith.select %ne3A_1163, %get3A_1197, %add3A_1202 : vector<16xf32>
          %get3A_1204 = arith.index_cast %add3A_1162 : i32 to index
          %get3A_1205 = arith.constant 64 : index
          %get3A_1206 = tpu.vector_load %arg6[%get3A_1204, %get3A_1205] {strides = array<i32>} : memref<128x128xf32, #tpu.memory_space<vmem>>, vector<1x16xf32>,
          %get3A_1207 = vector.shape_cast %get3A_1206 : vector<1x16xf32> to vector<16xf32>
          %get3A_1208 = arith.index_cast %add3A_1162 : i32 to index
          %get3A_1209 = arith.constant 64 : index
          %get3A_1210 = tpu.vector_load %arg6[%get3A_1208, %get3A_1209] {strides = array<i32>} : memref<128x128xf32, #tpu.memory_space<vmem>>, vector<1x16xf32>,
          %get3A_1211 = vector.shape_cast %get3A_1210 : vector<1x16xf32> to vector<16xf32>
          %add3A_1212 = arith.addf %select_n3A_1086, %get3A_1211 : vector<16xf32>
          %select_n3A_1213 = arith.select %ne3A_1163, %get3A_1207, %add3A_1212 : vector<16xf32>
          %get3A_1214 = arith.index_cast %add3A_1162 : i32 to index
          %get3A_1215 = arith.constant 80 : index
          %get3A_1216 = tpu.vector_load %arg6[%get3A_1214, %get3A_1215] {strides = array<i32>} : memref<128x128xf32, #tpu.memory_space<vmem>>, vector<1x16xf32>,
          %get3A_1217 = vector.shape_cast %get3A_1216 : vector<1x16xf32> to vector<16xf32>
          %get3A_1218 = arith.index_cast %add3A_1162 : i32 to index
          %get3A_1219 = arith.constant 80 : index
          %get3A_1220 = tpu.vector_load %arg6[%get3A_1218, %get3A_1219] {strides = array<i32>} : memref<128x128xf32, #tpu.memory_space<vmem>>, vector<1x16xf32>,
          %get3A_1221 = vector.shape_cast %get3A_1220 : vector<1x16xf32> to vector<16xf32>
          %add3A_1222 = arith.addf %select_n3A_1096, %get3A_1221 : vector<16xf32>
          %select_n3A_1223 = arith.select %ne3A_1163, %get3A_1217, %add3A_1222 : vector<16xf32>
          %get3A_1224 = arith.index_cast %add3A_1162 : i32 to index
          %get3A_1225 = arith.constant 96 : index
          %get3A_1226 = tpu.vector_load %arg6[%get3A_1224, %get3A_1225] {strides = array<i32>} : memref<128x128xf32, #tpu.memory_space<vmem>>, vector<1x16xf32>,
          %get3A_1227 = vector.shape_cast %get3A_1226 : vector<1x16xf32> to vector<16xf32>
          %get3A_1228 = arith.index_cast %add3A_1162 : i32 to index
          %get3A_1229 = arith.constant 96 : index
          %get3A_1230 = tpu.vector_load %arg6[%get3A_1228, %get3A_1229] {strides = array<i32>} : memref<128x128xf32, #tpu.memory_space<vmem>>, vector<1x16xf32>,
          %get3A_1231 = vector.shape_cast %get3A_1230 : vector<1x16xf32> to vector<16xf32>
          %add3A_1232 = arith.addf %select_n3A_1106, %get3A_1231 : vector<16xf32>
          %select_n3A_1233 = arith.select %ne3A_1163, %get3A_1227, %add3A_1232 : vector<16xf32>
          %get3A_1234 = arith.index_cast %add3A_1162 : i32 to index
          %get3A_1235 = arith.constant 112 : index
          %get3A_1236 = tpu.vector_load %arg6[%get3A_1234, %get3A_1235] {strides = array<i32>} : memref<128x128xf32, #tpu.memory_space<vmem>>, vector<1x16xf32>,
          %get3A_1237 = vector.shape_cast %get3A_1236 : vector<1x16xf32> to vector<16xf32>
          %get3A_1238 = arith.index_cast %add3A_1162 : i32 to index
          %get3A_1239 = arith.constant 112 : index
          %get3A_1240 = tpu.vector_load %arg6[%get3A_1238, %get3A_1239] {strides = array<i32>} : memref<128x128xf32, #tpu.memory_space<vmem>>, vector<1x16xf32>,
          %get3A_1241 = vector.shape_cast %get3A_1240 : vector<1x16xf32> to vector<16xf32>
          %add3A_1242 = arith.addf %select_n3A_1116, %get3A_1241 : vector<16xf32>
          %select_n3A_1243 = arith.select %ne3A_1163, %get3A_1237, %add3A_1242 : vector<16xf32>
          %swap3A_1244 = arith.index_cast %squeeze3A_1158 : i32 to index
          %swap3A_1245 = arith.constant 0 : index
          %swap3A_1246 = tpu.vector_load %arg7[%swap3A_1244, %swap3A_1245] {strides = array<i32>} : memref<256x128xf32, #tpu.memory_space<vmem>>, vector<1x16xf32>,
          %swap3A_1247 = vector.shape_cast %swap3A_1246 : vector<1x16xf32> to vector<16xf32>
          %swap3A_1248 = vector.shape_cast %select_n3A_1173 : vector<16xf32> to vector<1x16xf32>
          tpu.vector_store %arg7[%swap3A_1244, %swap3A_1245], %swap3A_1248 {strides = array<i32>} : memref<256x128xf32, #tpu.memory_space<vmem>>, vector<1x16xf32>,
          %swap3A_1249 = arith.index_cast %squeeze3A_1158 : i32 to index
          %swap3A_1250 = arith.constant 16 : index
          %swap3A_1251 = tpu.vector_load %arg7[%swap3A_1249, %swap3A_1250] {strides = array<i32>} : memref<256x128xf32, #tpu.memory_space<vmem>>, vector<1x16xf32>,
          %swap3A_1252 = vector.shape_cast %swap3A_1251 : vector<1x16xf32> to vector<16xf32>
          %swap3A_1253 = vector.shape_cast %select_n3A_1183 : vector<16xf32> to vector<1x16xf32>
          tpu.vector_store %arg7[%swap3A_1249, %swap3A_1250], %swap3A_1253 {strides = array<i32>} : memref<256x128xf32, #tpu.memory_space<vmem>>, vector<1x16xf32>,
          %swap3A_1254 = arith.index_cast %squeeze3A_1158 : i32 to index
          %swap3A_1255 = arith.constant 32 : index
          %swap3A_1256 = tpu.vector_load %arg7[%swap3A_1254, %swap3A_1255] {strides = array<i32>} : memref<256x128xf32, #tpu.memory_space<vmem>>, vector<1x16xf32>,
          %swap3A_1257 = vector.shape_cast %swap3A_1256 : vector<1x16xf32> to vector<16xf32>
          %swap3A_1258 = vector.shape_cast %select_n3A_1193 : vector<16xf32> to vector<1x16xf32>
          tpu.vector_store %arg7[%swap3A_1254, %swap3A_1255], %swap3A_1258 {strides = array<i32>} : memref<256x128xf32, #tpu.memory_space<vmem>>, vector<1x16xf32>,
          %swap3A_1259 = arith.index_cast %squeeze3A_1158 : i32 to index
          %swap3A_1260 = arith.constant 48 : index
          %swap3A_1261 = tpu.vector_load %arg7[%swap3A_1259, %swap3A_1260] {strides = array<i32>} : memref<256x128xf32, #tpu.memory_space<vmem>>, vector<1x16xf32>,
          %swap3A_1262 = vector.shape_cast %swap3A_1261 : vector<1x16xf32> to vector<16xf32>
          %swap3A_1263 = vector.shape_cast %select_n3A_1203 : vector<16xf32> to vector<1x16xf32>
          tpu.vector_store %arg7[%swap3A_1259, %swap3A_1260], %swap3A_1263 {strides = array<i32>} : memref<256x128xf32, #tpu.memory_space<vmem>>, vector<1x16xf32>,
          %swap3A_1264 = arith.index_cast %squeeze3A_1158 : i32 to index
          %swap3A_1265 = arith.constant 64 : index
          %swap3A_1266 = tpu.vector_load %arg7[%swap3A_1264, %swap3A_1265] {strides = array<i32>} : memref<256x128xf32, #tpu.memory_space<vmem>>, vector<1x16xf32>,
          %swap3A_1267 = vector.shape_cast %swap3A_1266 : vector<1x16xf32> to vector<16xf32>
          %swap3A_1268 = vector.shape_cast %select_n3A_1213 : vector<16xf32> to vector<1x16xf32>
          tpu.vector_store %arg7[%swap3A_1264, %swap3A_1265], %swap3A_1268 {strides = array<i32>} : memref<256x128xf32, #tpu.memory_space<vmem>>, vector<1x16xf32>,
          %swap3A_1269 = arith.index_cast %squeeze3A_1158 : i32 to index
          %swap3A_1270 = arith.constant 80 : index
          %swap3A_1271 = tpu.vector_load %arg7[%swap3A_1269, %swap3A_1270] {strides = array<i32>} : memref<256x128xf32, #tpu.memory_space<vmem>>, vector<1x16xf32>,
          %swap3A_1272 = vector.shape_cast %swap3A_1271 : vector<1x16xf32> to vector<16xf32>
          %swap3A_1273 = vector.shape_cast %select_n3A_1223 : vector<16xf32> to vector<1x16xf32>
          tpu.vector_store %arg7[%swap3A_1269, %swap3A_1270], %swap3A_1273 {strides = array<i32>} : memref<256x128xf32, #tpu.memory_space<vmem>>, vector<1x16xf32>,
          %swap3A_1274 = arith.index_cast %squeeze3A_1158 : i32 to index
          %swap3A_1275 = arith.constant 96 : index
          %swap3A_1276 = tpu.vector_load %arg7[%swap3A_1274, %swap3A_1275] {strides = array<i32>} : memref<256x128xf32, #tpu.memory_space<vmem>>, vector<1x16xf32>,
          %swap3A_1277 = vector.shape_cast %swap3A_1276 : vector<1x16xf32> to vector<16xf32>
          %swap3A_1278 = vector.shape_cast %select_n3A_1233 : vector<16xf32> to vector<1x16xf32>
          tpu.vector_store %arg7[%swap3A_1274, %swap3A_1275], %swap3A_1278 {strides = array<i32>} : memref<256x128xf32, #tpu.memory_space<vmem>>, vector<1x16xf32>,
          %swap3A_1279 = arith.index_cast %squeeze3A_1158 : i32 to index
          %swap3A_1280 = arith.constant 112 : index
          %swap3A_1281 = tpu.vector_load %arg7[%swap3A_1279, %swap3A_1280] {strides = array<i32>} : memref<256x128xf32, #tpu.memory_space<vmem>>, vector<1x16xf32>,
          %swap3A_1282 = vector.shape_cast %swap3A_1281 : vector<1x16xf32> to vector<16xf32>
          %swap3A_1283 = vector.shape_cast %select_n3A_1243 : vector<16xf32> to vector<1x16xf32>
          tpu.vector_store %arg7[%swap3A_1279, %swap3A_1280], %swap3A_1283 {strides = array<i32>} : memref<256x128xf32, #tpu.memory_space<vmem>>, vector<1x16xf32>,
          %slice3A_1284 = vector.extract_strided_slice %get3A_143 {offsets = [9], sizes = [1], strides = [1]} : vector<16xi32> to vector<1xi32>
          %squeeze3A_1285 = vector.extract %slice3A_1284[0] : i32 from vector<1xi32>
          %mul3A_1286 = arith.constant 16 : i32
          %mul3A_1287 = arith.muli %scan3A_127, %mul3A_1286 : i32
          %add3A_1288 = arith.constant 9 : i32
          %add3A_1289 = arith.addi %mul3A_1287, %add3A_1288 : i32
          %ne3A_1290 = arith.cmpi ne, %squeeze3A_1285, %squeeze3A_1158 : i32
          %get3A_1291 = arith.index_cast %add3A_1289 : i32 to index
          %get3A_1292 = arith.constant 0 : index
          %get3A_1293 = tpu.vector_load %arg6[%get3A_1291, %get3A_1292] {strides = array<i32>} : memref<128x128xf32, #tpu.memory_space<vmem>>, vector<1x16xf32>,
          %get3A_1294 = vector.shape_cast %get3A_1293 : vector<1x16xf32> to vector<16xf32>
          %get3A_1295 = arith.index_cast %add3A_1289 : i32 to index
          %get3A_1296 = arith.constant 0 : index
          %get3A_1297 = tpu.vector_load %arg6[%get3A_1295, %get3A_1296] {strides = array<i32>} : memref<128x128xf32, #tpu.memory_space<vmem>>, vector<1x16xf32>,
          %get3A_1298 = vector.shape_cast %get3A_1297 : vector<1x16xf32> to vector<16xf32>
          %add3A_1299 = arith.addf %select_n3A_1173, %get3A_1298 : vector<16xf32>
          %select_n3A_1300 = arith.select %ne3A_1290, %get3A_1294, %add3A_1299 : vector<16xf32>
          %get3A_1301 = arith.index_cast %add3A_1289 : i32 to index
          %get3A_1302 = arith.constant 16 : index
          %get3A_1303 = tpu.vector_load %arg6[%get3A_1301, %get3A_1302] {strides = array<i32>} : memref<128x128xf32, #tpu.memory_space<vmem>>, vector<1x16xf32>,
          %get3A_1304 = vector.shape_cast %get3A_1303 : vector<1x16xf32> to vector<16xf32>
          %get3A_1305 = arith.index_cast %add3A_1289 : i32 to index
          %get3A_1306 = arith.constant 16 : index
          %get3A_1307 = tpu.vector_load %arg6[%get3A_1305, %get3A_1306] {strides = array<i32>} : memref<128x128xf32, #tpu.memory_space<vmem>>, vector<1x16xf32>,
          %get3A_1308 = vector.shape_cast %get3A_1307 : vector<1x16xf32> to vector<16xf32>
          %add3A_1309 = arith.addf %select_n3A_1183, %get3A_1308 : vector<16xf32>
          %select_n3A_1310 = arith.select %ne3A_1290, %get3A_1304, %add3A_1309 : vector<16xf32>
          %get3A_1311 = arith.index_cast %add3A_1289 : i32 to index
          %get3A_1312 = arith.constant 32 : index
          %get3A_1313 = tpu.vector_load %arg6[%get3A_1311, %get3A_1312] {strides = array<i32>} : memref<128x128xf32, #tpu.memory_space<vmem>>, vector<1x16xf32>,
          %get3A_1314 = vector.shape_cast %get3A_1313 : vector<1x16xf32> to vector<16xf32>
          %get3A_1315 = arith.index_cast %add3A_1289 : i32 to index
          %get3A_1316 = arith.constant 32 : index
          %get3A_1317 = tpu.vector_load %arg6[%get3A_1315, %get3A_1316] {strides = array<i32>} : memref<128x128xf32, #tpu.memory_space<vmem>>, vector<1x16xf32>,
          %get3A_1318 = vector.shape_cast %get3A_1317 : vector<1x16xf32> to vector<16xf32>
          %add3A_1319 = arith.addf %select_n3A_1193, %get3A_1318 : vector<16xf32>
          %select_n3A_1320 = arith.select %ne3A_1290, %get3A_1314, %add3A_1319 : vector<16xf32>
          %get3A_1321 = arith.index_cast %add3A_1289 : i32 to index
          %get3A_1322 = arith.constant 48 : index
          %get3A_1323 = tpu.vector_load %arg6[%get3A_1321, %get3A_1322] {strides = array<i32>} : memref<128x128xf32, #tpu.memory_space<vmem>>, vector<1x16xf32>,
          %get3A_1324 = vector.shape_cast %get3A_1323 : vector<1x16xf32> to vector<16xf32>
          %get3A_1325 = arith.index_cast %add3A_1289 : i32 to index
          %get3A_1326 = arith.constant 48 : index
          %get3A_1327 = tpu.vector_load %arg6[%get3A_1325, %get3A_1326] {strides = array<i32>} : memref<128x128xf32, #tpu.memory_space<vmem>>, vector<1x16xf32>,
          %get3A_1328 = vector.shape_cast %get3A_1327 : vector<1x16xf32> to vector<16xf32>
          %add3A_1329 = arith.addf %select_n3A_1203, %get3A_1328 : vector<16xf32>
          %select_n3A_1330 = arith.select %ne3A_1290, %get3A_1324, %add3A_1329 : vector<16xf32>
          %get3A_1331 = arith.index_cast %add3A_1289 : i32 to index
          %get3A_1332 = arith.constant 64 : index
          %get3A_1333 = tpu.vector_load %arg6[%get3A_1331, %get3A_1332] {strides = array<i32>} : memref<128x128xf32, #tpu.memory_space<vmem>>, vector<1x16xf32>,
          %get3A_1334 = vector.shape_cast %get3A_1333 : vector<1x16xf32> to vector<16xf32>
          %get3A_1335 = arith.index_cast %add3A_1289 : i32 to index
          %get3A_1336 = arith.constant 64 : index
          %get3A_1337 = tpu.vector_load %arg6[%get3A_1335, %get3A_1336] {strides = array<i32>} : memref<128x128xf32, #tpu.memory_space<vmem>>, vector<1x16xf32>,
          %get3A_1338 = vector.shape_cast %get3A_1337 : vector<1x16xf32> to vector<16xf32>
          %add3A_1339 = arith.addf %select_n3A_1213, %get3A_1338 : vector<16xf32>
          %select_n3A_1340 = arith.select %ne3A_1290, %get3A_1334, %add3A_1339 : vector<16xf32>
          %get3A_1341 = arith.index_cast %add3A_1289 : i32 to index
          %get3A_1342 = arith.constant 80 : index
          %get3A_1343 = tpu.vector_load %arg6[%get3A_1341, %get3A_1342] {strides = array<i32>} : memref<128x128xf32, #tpu.memory_space<vmem>>, vector<1x16xf32>,
          %get3A_1344 = vector.shape_cast %get3A_1343 : vector<1x16xf32> to vector<16xf32>
          %get3A_1345 = arith.index_cast %add3A_1289 : i32 to index
          %get3A_1346 = arith.constant 80 : index
          %get3A_1347 = tpu.vector_load %arg6[%get3A_1345, %get3A_1346] {strides = array<i32>} : memref<128x128xf32, #tpu.memory_space<vmem>>, vector<1x16xf32>,
          %get3A_1348 = vector.shape_cast %get3A_1347 : vector<1x16xf32> to vector<16xf32>
          %add3A_1349 = arith.addf %select_n3A_1223, %get3A_1348 : vector<16xf32>
          %select_n3A_1350 = arith.select %ne3A_1290, %get3A_1344, %add3A_1349 : vector<16xf32>
          %get3A_1351 = arith.index_cast %add3A_1289 : i32 to index
          %get3A_1352 = arith.constant 96 : index
          %get3A_1353 = tpu.vector_load %arg6[%get3A_1351, %get3A_1352] {strides = array<i32>} : memref<128x128xf32, #tpu.memory_space<vmem>>, vector<1x16xf32>,
          %get3A_1354 = vector.shape_cast %get3A_1353 : vector<1x16xf32> to vector<16xf32>
          %get3A_1355 = arith.index_cast %add3A_1289 : i32 to index
          %get3A_1356 = arith.constant 96 : index
          %get3A_1357 = tpu.vector_load %arg6[%get3A_1355, %get3A_1356] {strides = array<i32>} : memref<128x128xf32, #tpu.memory_space<vmem>>, vector<1x16xf32>,
          %get3A_1358 = vector.shape_cast %get3A_1357 : vector<1x16xf32> to vector<16xf32>
          %add3A_1359 = arith.addf %select_n3A_1233, %get3A_1358 : vector<16xf32>
          %select_n3A_1360 = arith.select %ne3A_1290, %get3A_1354, %add3A_1359 : vector<16xf32>
          %get3A_1361 = arith.index_cast %add3A_1289 : i32 to index
          %get3A_1362 = arith.constant 112 : index
          %get3A_1363 = tpu.vector_load %arg6[%get3A_1361, %get3A_1362] {strides = array<i32>} : memref<128x128xf32, #tpu.memory_space<vmem>>, vector<1x16xf32>,
          %get3A_1364 = vector.shape_cast %get3A_1363 : vector<1x16xf32> to vector<16xf32>
          %get3A_1365 = arith.index_cast %add3A_1289 : i32 to index
          %get3A_1366 = arith.constant 112 : index
          %get3A_1367 = tpu.vector_load %arg6[%get3A_1365, %get3A_1366] {strides = array<i32>} : memref<128x128xf32, #tpu.memory_space<vmem>>, vector<1x16xf32>,
          %get3A_1368 = vector.shape_cast %get3A_1367 : vector<1x16xf32> to vector<16xf32>
          %add3A_1369 = arith.addf %select_n3A_1243, %get3A_1368 : vector<16xf32>
          %select_n3A_1370 = arith.select %ne3A_1290, %get3A_1364, %add3A_1369 : vector<16xf32>
          %swap3A_1371 = arith.index_cast %squeeze3A_1285 : i32 to index
          %swap3A_1372 = arith.constant 0 : index
          %swap3A_1373 = tpu.vector_load %arg7[%swap3A_1371, %swap3A_1372] {strides = array<i32>} : memref<256x128xf32, #tpu.memory_space<vmem>>, vector<1x16xf32>,
          %swap3A_1374 = vector.shape_cast %swap3A_1373 : vector<1x16xf32> to vector<16xf32>
          %swap3A_1375 = vector.shape_cast %select_n3A_1300 : vector<16xf32> to vector<1x16xf32>
          tpu.vector_store %arg7[%swap3A_1371, %swap3A_1372], %swap3A_1375 {strides = array<i32>} : memref<256x128xf32, #tpu.memory_space<vmem>>, vector<1x16xf32>,
          %swap3A_1376 = arith.index_cast %squeeze3A_1285 : i32 to index
          %swap3A_1377 = arith.constant 16 : index
          %swap3A_1378 = tpu.vector_load %arg7[%swap3A_1376, %swap3A_1377] {strides = array<i32>} : memref<256x128xf32, #tpu.memory_space<vmem>>, vector<1x16xf32>,
          %swap3A_1379 = vector.shape_cast %swap3A_1378 : vector<1x16xf32> to vector<16xf32>
          %swap3A_1380 = vector.shape_cast %select_n3A_1310 : vector<16xf32> to vector<1x16xf32>
          tpu.vector_store %arg7[%swap3A_1376, %swap3A_1377], %swap3A_1380 {strides = array<i32>} : memref<256x128xf32, #tpu.memory_space<vmem>>, vector<1x16xf32>,
          %swap3A_1381 = arith.index_cast %squeeze3A_1285 : i32 to index
          %swap3A_1382 = arith.constant 32 : index
          %swap3A_1383 = tpu.vector_load %arg7[%swap3A_1381, %swap3A_1382] {strides = array<i32>} : memref<256x128xf32, #tpu.memory_space<vmem>>, vector<1x16xf32>,
          %swap3A_1384 = vector.shape_cast %swap3A_1383 : vector<1x16xf32> to vector<16xf32>
          %swap3A_1385 = vector.shape_cast %select_n3A_1320 : vector<16xf32> to vector<1x16xf32>
          tpu.vector_store %arg7[%swap3A_1381, %swap3A_1382], %swap3A_1385 {strides = array<i32>} : memref<256x128xf32, #tpu.memory_space<vmem>>, vector<1x16xf32>,
          %swap3A_1386 = arith.index_cast %squeeze3A_1285 : i32 to index
          %swap3A_1387 = arith.constant 48 : index
          %swap3A_1388 = tpu.vector_load %arg7[%swap3A_1386, %swap3A_1387] {strides = array<i32>} : memref<256x128xf32, #tpu.memory_space<vmem>>, vector<1x16xf32>,
          %swap3A_1389 = vector.shape_cast %swap3A_1388 : vector<1x16xf32> to vector<16xf32>
          %swap3A_1390 = vector.shape_cast %select_n3A_1330 : vector<16xf32> to vector<1x16xf32>
          tpu.vector_store %arg7[%swap3A_1386, %swap3A_1387], %swap3A_1390 {strides = array<i32>} : memref<256x128xf32, #tpu.memory_space<vmem>>, vector<1x16xf32>,
          %swap3A_1391 = arith.index_cast %squeeze3A_1285 : i32 to index
          %swap3A_1392 = arith.constant 64 : index
          %swap3A_1393 = tpu.vector_load %arg7[%swap3A_1391, %swap3A_1392] {strides = array<i32>} : memref<256x128xf32, #tpu.memory_space<vmem>>, vector<1x16xf32>,
          %swap3A_1394 = vector.shape_cast %swap3A_1393 : vector<1x16xf32> to vector<16xf32>
          %swap3A_1395 = vector.shape_cast %select_n3A_1340 : vector<16xf32> to vector<1x16xf32>
          tpu.vector_store %arg7[%swap3A_1391, %swap3A_1392], %swap3A_1395 {strides = array<i32>} : memref<256x128xf32, #tpu.memory_space<vmem>>, vector<1x16xf32>,
          %swap3A_1396 = arith.index_cast %squeeze3A_1285 : i32 to index
          %swap3A_1397 = arith.constant 80 : index
          %swap3A_1398 = tpu.vector_load %arg7[%swap3A_1396, %swap3A_1397] {strides = array<i32>} : memref<256x128xf32, #tpu.memory_space<vmem>>, vector<1x16xf32>,
          %swap3A_1399 = vector.shape_cast %swap3A_1398 : vector<1x16xf32> to vector<16xf32>
          %swap3A_1400 = vector.shape_cast %select_n3A_1350 : vector<16xf32> to vector<1x16xf32>
          tpu.vector_store %arg7[%swap3A_1396, %swap3A_1397], %swap3A_1400 {strides = array<i32>} : memref<256x128xf32, #tpu.memory_space<vmem>>, vector<1x16xf32>,
          %swap3A_1401 = arith.index_cast %squeeze3A_1285 : i32 to index
          %swap3A_1402 = arith.constant 96 : index
          %swap3A_1403 = tpu.vector_load %arg7[%swap3A_1401, %swap3A_1402] {strides = array<i32>} : memref<256x128xf32, #tpu.memory_space<vmem>>, vector<1x16xf32>,
          %swap3A_1404 = vector.shape_cast %swap3A_1403 : vector<1x16xf32> to vector<16xf32>
          %swap3A_1405 = vector.shape_cast %select_n3A_1360 : vector<16xf32> to vector<1x16xf32>
          tpu.vector_store %arg7[%swap3A_1401, %swap3A_1402], %swap3A_1405 {strides = array<i32>} : memref<256x128xf32, #tpu.memory_space<vmem>>, vector<1x16xf32>,
          %swap3A_1406 = arith.index_cast %squeeze3A_1285 : i32 to index
          %swap3A_1407 = arith.constant 112 : index
          %swap3A_1408 = tpu.vector_load %arg7[%swap3A_1406, %swap3A_1407] {strides = array<i32>} : memref<256x128xf32, #tpu.memory_space<vmem>>, vector<1x16xf32>,
          %swap3A_1409 = vector.shape_cast %swap3A_1408 : vector<1x16xf32> to vector<16xf32>
          %swap3A_1410 = vector.shape_cast %select_n3A_1370 : vector<16xf32> to vector<1x16xf32>
          tpu.vector_store %arg7[%swap3A_1406, %swap3A_1407], %swap3A_1410 {strides = array<i32>} : memref<256x128xf32, #tpu.memory_space<vmem>>, vector<1x16xf32>,
          %slice3A_1411 = vector.extract_strided_slice %get3A_143 {offsets = [10], sizes = [1], strides = [1]} : vector<16xi32> to vector<1xi32>
          %squeeze3A_1412 = vector.extract %slice3A_1411[0] : i32 from vector<1xi32>
          %mul3A_1413 = arith.constant 16 : i32
          %mul3A_1414 = arith.muli %scan3A_127, %mul3A_1413 : i32
          %add3A_1415 = arith.constant 10 : i32
          %add3A_1416 = arith.addi %mul3A_1414, %add3A_1415 : i32
          %ne3A_1417 = arith.cmpi ne, %squeeze3A_1412, %squeeze3A_1285 : i32
          %get3A_1418 = arith.index_cast %add3A_1416 : i32 to index
          %get3A_1419 = arith.constant 0 : index
          %get3A_1420 = tpu.vector_load %arg6[%get3A_1418, %get3A_1419] {strides = array<i32>} : memref<128x128xf32, #tpu.memory_space<vmem>>, vector<1x16xf32>,
          %get3A_1421 = vector.shape_cast %get3A_1420 : vector<1x16xf32> to vector<16xf32>
          %get3A_1422 = arith.index_cast %add3A_1416 : i32 to index
          %get3A_1423 = arith.constant 0 : index
          %get3A_1424 = tpu.vector_load %arg6[%get3A_1422, %get3A_1423] {strides = array<i32>} : memref<128x128xf32, #tpu.memory_space<vmem>>, vector<1x16xf32>,
          %get3A_1425 = vector.shape_cast %get3A_1424 : vector<1x16xf32> to vector<16xf32>
          %add3A_1426 = arith.addf %select_n3A_1300, %get3A_1425 : vector<16xf32>
          %select_n3A_1427 = arith.select %ne3A_1417, %get3A_1421, %add3A_1426 : vector<16xf32>
          %get3A_1428 = arith.index_cast %add3A_1416 : i32 to index
          %get3A_1429 = arith.constant 16 : index
          %get3A_1430 = tpu.vector_load %arg6[%get3A_1428, %get3A_1429] {strides = array<i32>} : memref<128x128xf32, #tpu.memory_space<vmem>>, vector<1x16xf32>,
          %get3A_1431 = vector.shape_cast %get3A_1430 : vector<1x16xf32> to vector<16xf32>
          %get3A_1432 = arith.index_cast %add3A_1416 : i32 to index
          %get3A_1433 = arith.constant 16 : index
          %get3A_1434 = tpu.vector_load %arg6[%get3A_1432, %get3A_1433] {strides = array<i32>} : memref<128x128xf32, #tpu.memory_space<vmem>>, vector<1x16xf32>,
          %get3A_1435 = vector.shape_cast %get3A_1434 : vector<1x16xf32> to vector<16xf32>
          %add3A_1436 = arith.addf %select_n3A_1310, %get3A_1435 : vector<16xf32>
          %select_n3A_1437 = arith.select %ne3A_1417, %get3A_1431, %add3A_1436 : vector<16xf32>
          %get3A_1438 = arith.index_cast %add3A_1416 : i32 to index
          %get3A_1439 = arith.constant 32 : index
          %get3A_1440 = tpu.vector_load %arg6[%get3A_1438, %get3A_1439] {strides = array<i32>} : memref<128x128xf32, #tpu.memory_space<vmem>>, vector<1x16xf32>,
          %get3A_1441 = vector.shape_cast %get3A_1440 : vector<1x16xf32> to vector<16xf32>
          %get3A_1442 = arith.index_cast %add3A_1416 : i32 to index
          %get3A_1443 = arith.constant 32 : index
          %get3A_1444 = tpu.vector_load %arg6[%get3A_1442, %get3A_1443] {strides = array<i32>} : memref<128x128xf32, #tpu.memory_space<vmem>>, vector<1x16xf32>,
          %get3A_1445 = vector.shape_cast %get3A_1444 : vector<1x16xf32> to vector<16xf32>
          %add3A_1446 = arith.addf %select_n3A_1320, %get3A_1445 : vector<16xf32>
          %select_n3A_1447 = arith.select %ne3A_1417, %get3A_1441, %add3A_1446 : vector<16xf32>
          %get3A_1448 = arith.index_cast %add3A_1416 : i32 to index
          %get3A_1449 = arith.constant 48 : index
          %get3A_1450 = tpu.vector_load %arg6[%get3A_1448, %get3A_1449] {strides = array<i32>} : memref<128x128xf32, #tpu.memory_space<vmem>>, vector<1x16xf32>,
          %get3A_1451 = vector.shape_cast %get3A_1450 : vector<1x16xf32> to vector<16xf32>
          %get3A_1452 = arith.index_cast %add3A_1416 : i32 to index
          %get3A_1453 = arith.constant 48 : index
          %get3A_1454 = tpu.vector_load %arg6[%get3A_1452, %get3A_1453] {strides = array<i32>} : memref<128x128xf32, #tpu.memory_space<vmem>>, vector<1x16xf32>,
          %get3A_1455 = vector.shape_cast %get3A_1454 : vector<1x16xf32> to vector<16xf32>
          %add3A_1456 = arith.addf %select_n3A_1330, %get3A_1455 : vector<16xf32>
          %select_n3A_1457 = arith.select %ne3A_1417, %get3A_1451, %add3A_1456 : vector<16xf32>
          %get3A_1458 = arith.index_cast %add3A_1416 : i32 to index
          %get3A_1459 = arith.constant 64 : index
          %get3A_1460 = tpu.vector_load %arg6[%get3A_1458, %get3A_1459] {strides = array<i32>} : memref<128x128xf32, #tpu.memory_space<vmem>>, vector<1x16xf32>,
          %get3A_1461 = vector.shape_cast %get3A_1460 : vector<1x16xf32> to vector<16xf32>
          %get3A_1462 = arith.index_cast %add3A_1416 : i32 to index
          %get3A_1463 = arith.constant 64 : index
          %get3A_1464 = tpu.vector_load %arg6[%get3A_1462, %get3A_1463] {strides = array<i32>} : memref<128x128xf32, #tpu.memory_space<vmem>>, vector<1x16xf32>,
          %get3A_1465 = vector.shape_cast %get3A_1464 : vector<1x16xf32> to vector<16xf32>
          %add3A_1466 = arith.addf %select_n3A_1340, %get3A_1465 : vector<16xf32>
          %select_n3A_1467 = arith.select %ne3A_1417, %get3A_1461, %add3A_1466 : vector<16xf32>
          %get3A_1468 = arith.index_cast %add3A_1416 : i32 to index
          %get3A_1469 = arith.constant 80 : index
          %get3A_1470 = tpu.vector_load %arg6[%get3A_1468, %get3A_1469] {strides = array<i32>} : memref<128x128xf32, #tpu.memory_space<vmem>>, vector<1x16xf32>,
          %get3A_1471 = vector.shape_cast %get3A_1470 : vector<1x16xf32> to vector<16xf32>
          %get3A_1472 = arith.index_cast %add3A_1416 : i32 to index
          %get3A_1473 = arith.constant 80 : index
          %get3A_1474 = tpu.vector_load %arg6[%get3A_1472, %get3A_1473] {strides = array<i32>} : memref<128x128xf32, #tpu.memory_space<vmem>>, vector<1x16xf32>,
          %get3A_1475 = vector.shape_cast %get3A_1474 : vector<1x16xf32> to vector<16xf32>
          %add3A_1476 = arith.addf %select_n3A_1350, %get3A_1475 : vector<16xf32>
          %select_n3A_1477 = arith.select %ne3A_1417, %get3A_1471, %add3A_1476 : vector<16xf32>
          %get3A_1478 = arith.index_cast %add3A_1416 : i32 to index
          %get3A_1479 = arith.constant 96 : index
          %get3A_1480 = tpu.vector_load %arg6[%get3A_1478, %get3A_1479] {strides = array<i32>} : memref<128x128xf32, #tpu.memory_space<vmem>>, vector<1x16xf32>,
          %get3A_1481 = vector.shape_cast %get3A_1480 : vector<1x16xf32> to vector<16xf32>
          %get3A_1482 = arith.index_cast %add3A_1416 : i32 to index
          %get3A_1483 = arith.constant 96 : index
          %get3A_1484 = tpu.vector_load %arg6[%get3A_1482, %get3A_1483] {strides = array<i32>} : memref<128x128xf32, #tpu.memory_space<vmem>>, vector<1x16xf32>,
          %get3A_1485 = vector.shape_cast %get3A_1484 : vector<1x16xf32> to vector<16xf32>
          %add3A_1486 = arith.addf %select_n3A_1360, %get3A_1485 : vector<16xf32>
          %select_n3A_1487 = arith.select %ne3A_1417, %get3A_1481, %add3A_1486 : vector<16xf32>
          %get3A_1488 = arith.index_cast %add3A_1416 : i32 to index
          %get3A_1489 = arith.constant 112 : index
          %get3A_1490 = tpu.vector_load %arg6[%get3A_1488, %get3A_1489] {strides = array<i32>} : memref<128x128xf32, #tpu.memory_space<vmem>>, vector<1x16xf32>,
          %get3A_1491 = vector.shape_cast %get3A_1490 : vector<1x16xf32> to vector<16xf32>
          %get3A_1492 = arith.index_cast %add3A_1416 : i32 to index
          %get3A_1493 = arith.constant 112 : index
          %get3A_1494 = tpu.vector_load %arg6[%get3A_1492, %get3A_1493] {strides = array<i32>} : memref<128x128xf32, #tpu.memory_space<vmem>>, vector<1x16xf32>,
          %get3A_1495 = vector.shape_cast %get3A_1494 : vector<1x16xf32> to vector<16xf32>
          %add3A_1496 = arith.addf %select_n3A_1370, %get3A_1495 : vector<16xf32>
          %select_n3A_1497 = arith.select %ne3A_1417, %get3A_1491, %add3A_1496 : vector<16xf32>
          %swap3A_1498 = arith.index_cast %squeeze3A_1412 : i32 to index
          %swap3A_1499 = arith.constant 0 : index
          %swap3A_1500 = tpu.vector_load %arg7[%swap3A_1498, %swap3A_1499] {strides = array<i32>} : memref<256x128xf32, #tpu.memory_space<vmem>>, vector<1x16xf32>,
          %swap3A_1501 = vector.shape_cast %swap3A_1500 : vector<1x16xf32> to vector<16xf32>
          %swap3A_1502 = vector.shape_cast %select_n3A_1427 : vector<16xf32> to vector<1x16xf32>
          tpu.vector_store %arg7[%swap3A_1498, %swap3A_1499], %swap3A_1502 {strides = array<i32>} : memref<256x128xf32, #tpu.memory_space<vmem>>, vector<1x16xf32>,
          %swap3A_1503 = arith.index_cast %squeeze3A_1412 : i32 to index
          %swap3A_1504 = arith.constant 16 : index
          %swap3A_1505 = tpu.vector_load %arg7[%swap3A_1503, %swap3A_1504] {strides = array<i32>} : memref<256x128xf32, #tpu.memory_space<vmem>>, vector<1x16xf32>,
          %swap3A_1506 = vector.shape_cast %swap3A_1505 : vector<1x16xf32> to vector<16xf32>
          %swap3A_1507 = vector.shape_cast %select_n3A_1437 : vector<16xf32> to vector<1x16xf32>
          tpu.vector_store %arg7[%swap3A_1503, %swap3A_1504], %swap3A_1507 {strides = array<i32>} : memref<256x128xf32, #tpu.memory_space<vmem>>, vector<1x16xf32>,
          %swap3A_1508 = arith.index_cast %squeeze3A_1412 : i32 to index
          %swap3A_1509 = arith.constant 32 : index
          %swap3A_1510 = tpu.vector_load %arg7[%swap3A_1508, %swap3A_1509] {strides = array<i32>} : memref<256x128xf32, #tpu.memory_space<vmem>>, vector<1x16xf32>,
          %swap3A_1511 = vector.shape_cast %swap3A_1510 : vector<1x16xf32> to vector<16xf32>
          %swap3A_1512 = vector.shape_cast %select_n3A_1447 : vector<16xf32> to vector<1x16xf32>
          tpu.vector_store %arg7[%swap3A_1508, %swap3A_1509], %swap3A_1512 {strides = array<i32>} : memref<256x128xf32, #tpu.memory_space<vmem>>, vector<1x16xf32>,
          %swap3A_1513 = arith.index_cast %squeeze3A_1412 : i32 to index
          %swap3A_1514 = arith.constant 48 : index
          %swap3A_1515 = tpu.vector_load %arg7[%swap3A_1513, %swap3A_1514] {strides = array<i32>} : memref<256x128xf32, #tpu.memory_space<vmem>>, vector<1x16xf32>,
          %swap3A_1516 = vector.shape_cast %swap3A_1515 : vector<1x16xf32> to vector<16xf32>
          %swap3A_1517 = vector.shape_cast %select_n3A_1457 : vector<16xf32> to vector<1x16xf32>
          tpu.vector_store %arg7[%swap3A_1513, %swap3A_1514], %swap3A_1517 {strides = array<i32>} : memref<256x128xf32, #tpu.memory_space<vmem>>, vector<1x16xf32>,
          %swap3A_1518 = arith.index_cast %squeeze3A_1412 : i32 to index
          %swap3A_1519 = arith.constant 64 : index
          %swap3A_1520 = tpu.vector_load %arg7[%swap3A_1518, %swap3A_1519] {strides = array<i32>} : memref<256x128xf32, #tpu.memory_space<vmem>>, vector<1x16xf32>,
          %swap3A_1521 = vector.shape_cast %swap3A_1520 : vector<1x16xf32> to vector<16xf32>
          %swap3A_1522 = vector.shape_cast %select_n3A_1467 : vector<16xf32> to vector<1x16xf32>
          tpu.vector_store %arg7[%swap3A_1518, %swap3A_1519], %swap3A_1522 {strides = array<i32>} : memref<256x128xf32, #tpu.memory_space<vmem>>, vector<1x16xf32>,
          %swap3A_1523 = arith.index_cast %squeeze3A_1412 : i32 to index
          %swap3A_1524 = arith.constant 80 : index
          %swap3A_1525 = tpu.vector_load %arg7[%swap3A_1523, %swap3A_1524] {strides = array<i32>} : memref<256x128xf32, #tpu.memory_space<vmem>>, vector<1x16xf32>,
          %swap3A_1526 = vector.shape_cast %swap3A_1525 : vector<1x16xf32> to vector<16xf32>
          %swap3A_1527 = vector.shape_cast %select_n3A_1477 : vector<16xf32> to vector<1x16xf32>
          tpu.vector_store %arg7[%swap3A_1523, %swap3A_1524], %swap3A_1527 {strides = array<i32>} : memref<256x128xf32, #tpu.memory_space<vmem>>, vector<1x16xf32>,
          %swap3A_1528 = arith.index_cast %squeeze3A_1412 : i32 to index
          %swap3A_1529 = arith.constant 96 : index
          %swap3A_1530 = tpu.vector_load %arg7[%swap3A_1528, %swap3A_1529] {strides = array<i32>} : memref<256x128xf32, #tpu.memory_space<vmem>>, vector<1x16xf32>,
          %swap3A_1531 = vector.shape_cast %swap3A_1530 : vector<1x16xf32> to vector<16xf32>
          %swap3A_1532 = vector.shape_cast %select_n3A_1487 : vector<16xf32> to vector<1x16xf32>
          tpu.vector_store %arg7[%swap3A_1528, %swap3A_1529], %swap3A_1532 {strides = array<i32>} : memref<256x128xf32, #tpu.memory_space<vmem>>, vector<1x16xf32>,
          %swap3A_1533 = arith.index_cast %squeeze3A_1412 : i32 to index
          %swap3A_1534 = arith.constant 112 : index
          %swap3A_1535 = tpu.vector_load %arg7[%swap3A_1533, %swap3A_1534] {strides = array<i32>} : memref<256x128xf32, #tpu.memory_space<vmem>>, vector<1x16xf32>,
          %swap3A_1536 = vector.shape_cast %swap3A_1535 : vector<1x16xf32> to vector<16xf32>
          %swap3A_1537 = vector.shape_cast %select_n3A_1497 : vector<16xf32> to vector<1x16xf32>
          tpu.vector_store %arg7[%swap3A_1533, %swap3A_1534], %swap3A_1537 {strides = array<i32>} : memref<256x128xf32, #tpu.memory_space<vmem>>, vector<1x16xf32>,
          %slice3A_1538 = vector.extract_strided_slice %get3A_143 {offsets = [11], sizes = [1], strides = [1]} : vector<16xi32> to vector<1xi32>
          %squeeze3A_1539 = vector.extract %slice3A_1538[0] : i32 from vector<1xi32>
          %mul3A_1540 = arith.constant 16 : i32
          %mul3A_1541 = arith.muli %scan3A_127, %mul3A_1540 : i32
          %add3A_1542 = arith.constant 11 : i32
          %add3A_1543 = arith.addi %mul3A_1541, %add3A_1542 : i32
          %ne3A_1544 = arith.cmpi ne, %squeeze3A_1539, %squeeze3A_1412 : i32
          %get3A_1545 = arith.index_cast %add3A_1543 : i32 to index
          %get3A_1546 = arith.constant 0 : index
          %get3A_1547 = tpu.vector_load %arg6[%get3A_1545, %get3A_1546] {strides = array<i32>} : memref<128x128xf32, #tpu.memory_space<vmem>>, vector<1x16xf32>,
          %get3A_1548 = vector.shape_cast %get3A_1547 : vector<1x16xf32> to vector<16xf32>
          %get3A_1549 = arith.index_cast %add3A_1543 : i32 to index
          %get3A_1550 = arith.constant 0 : index
          %get3A_1551 = tpu.vector_load %arg6[%get3A_1549, %get3A_1550] {strides = array<i32>} : memref<128x128xf32, #tpu.memory_space<vmem>>, vector<1x16xf32>,
          %get3A_1552 = vector.shape_cast %get3A_1551 : vector<1x16xf32> to vector<16xf32>
          %add3A_1553 = arith.addf %select_n3A_1427, %get3A_1552 : vector<16xf32>
          %select_n3A_1554 = arith.select %ne3A_1544, %get3A_1548, %add3A_1553 : vector<16xf32>
          %get3A_1555 = arith.index_cast %add3A_1543 : i32 to index
          %get3A_1556 = arith.constant 16 : index
          %get3A_1557 = tpu.vector_load %arg6[%get3A_1555, %get3A_1556] {strides = array<i32>} : memref<128x128xf32, #tpu.memory_space<vmem>>, vector<1x16xf32>,
          %get3A_1558 = vector.shape_cast %get3A_1557 : vector<1x16xf32> to vector<16xf32>
          %get3A_1559 = arith.index_cast %add3A_1543 : i32 to index
          %get3A_1560 = arith.constant 16 : index
          %get3A_1561 = tpu.vector_load %arg6[%get3A_1559, %get3A_1560] {strides = array<i32>} : memref<128x128xf32, #tpu.memory_space<vmem>>, vector<1x16xf32>,
          %get3A_1562 = vector.shape_cast %get3A_1561 : vector<1x16xf32> to vector<16xf32>
          %add3A_1563 = arith.addf %select_n3A_1437, %get3A_1562 : vector<16xf32>
          %select_n3A_1564 = arith.select %ne3A_1544, %get3A_1558, %add3A_1563 : vector<16xf32>
          %get3A_1565 = arith.index_cast %add3A_1543 : i32 to index
          %get3A_1566 = arith.constant 32 : index
          %get3A_1567 = tpu.vector_load %arg6[%get3A_1565, %get3A_1566] {strides = array<i32>} : memref<128x128xf32, #tpu.memory_space<vmem>>, vector<1x16xf32>,
          %get3A_1568 = vector.shape_cast %get3A_1567 : vector<1x16xf32> to vector<16xf32>
          %get3A_1569 = arith.index_cast %add3A_1543 : i32 to index
          %get3A_1570 = arith.constant 32 : index
          %get3A_1571 = tpu.vector_load %arg6[%get3A_1569, %get3A_1570] {strides = array<i32>} : memref<128x128xf32, #tpu.memory_space<vmem>>, vector<1x16xf32>,
          %get3A_1572 = vector.shape_cast %get3A_1571 : vector<1x16xf32> to vector<16xf32>
          %add3A_1573 = arith.addf %select_n3A_1447, %get3A_1572 : vector<16xf32>
          %select_n3A_1574 = arith.select %ne3A_1544, %get3A_1568, %add3A_1573 : vector<16xf32>
          %get3A_1575 = arith.index_cast %add3A_1543 : i32 to index
          %get3A_1576 = arith.constant 48 : index
          %get3A_1577 = tpu.vector_load %arg6[%get3A_1575, %get3A_1576] {strides = array<i32>} : memref<128x128xf32, #tpu.memory_space<vmem>>, vector<1x16xf32>,
          %get3A_1578 = vector.shape_cast %get3A_1577 : vector<1x16xf32> to vector<16xf32>
          %get3A_1579 = arith.index_cast %add3A_1543 : i32 to index
          %get3A_1580 = arith.constant 48 : index
          %get3A_1581 = tpu.vector_load %arg6[%get3A_1579, %get3A_1580] {strides = array<i32>} : memref<128x128xf32, #tpu.memory_space<vmem>>, vector<1x16xf32>,
          %get3A_1582 = vector.shape_cast %get3A_1581 : vector<1x16xf32> to vector<16xf32>
          %add3A_1583 = arith.addf %select_n3A_1457, %get3A_1582 : vector<16xf32>
          %select_n3A_1584 = arith.select %ne3A_1544, %get3A_1578, %add3A_1583 : vector<16xf32>
          %get3A_1585 = arith.index_cast %add3A_1543 : i32 to index
          %get3A_1586 = arith.constant 64 : index
          %get3A_1587 = tpu.vector_load %arg6[%get3A_1585, %get3A_1586] {strides = array<i32>} : memref<128x128xf32, #tpu.memory_space<vmem>>, vector<1x16xf32>,
          %get3A_1588 = vector.shape_cast %get3A_1587 : vector<1x16xf32> to vector<16xf32>
          %get3A_1589 = arith.index_cast %add3A_1543 : i32 to index
          %get3A_1590 = arith.constant 64 : index
          %get3A_1591 = tpu.vector_load %arg6[%get3A_1589, %get3A_1590] {strides = array<i32>} : memref<128x128xf32, #tpu.memory_space<vmem>>, vector<1x16xf32>,
          %get3A_1592 = vector.shape_cast %get3A_1591 : vector<1x16xf32> to vector<16xf32>
          %add3A_1593 = arith.addf %select_n3A_1467, %get3A_1592 : vector<16xf32>
          %select_n3A_1594 = arith.select %ne3A_1544, %get3A_1588, %add3A_1593 : vector<16xf32>
          %get3A_1595 = arith.index_cast %add3A_1543 : i32 to index
          %get3A_1596 = arith.constant 80 : index
          %get3A_1597 = tpu.vector_load %arg6[%get3A_1595, %get3A_1596] {strides = array<i32>} : memref<128x128xf32, #tpu.memory_space<vmem>>, vector<1x16xf32>,
          %get3A_1598 = vector.shape_cast %get3A_1597 : vector<1x16xf32> to vector<16xf32>
          %get3A_1599 = arith.index_cast %add3A_1543 : i32 to index
          %get3A_1600 = arith.constant 80 : index
          %get3A_1601 = tpu.vector_load %arg6[%get3A_1599, %get3A_1600] {strides = array<i32>} : memref<128x128xf32, #tpu.memory_space<vmem>>, vector<1x16xf32>,
          %get3A_1602 = vector.shape_cast %get3A_1601 : vector<1x16xf32> to vector<16xf32>
          %add3A_1603 = arith.addf %select_n3A_1477, %get3A_1602 : vector<16xf32>
          %select_n3A_1604 = arith.select %ne3A_1544, %get3A_1598, %add3A_1603 : vector<16xf32>
          %get3A_1605 = arith.index_cast %add3A_1543 : i32 to index
          %get3A_1606 = arith.constant 96 : index
          %get3A_1607 = tpu.vector_load %arg6[%get3A_1605, %get3A_1606] {strides = array<i32>} : memref<128x128xf32, #tpu.memory_space<vmem>>, vector<1x16xf32>,
          %get3A_1608 = vector.shape_cast %get3A_1607 : vector<1x16xf32> to vector<16xf32>
          %get3A_1609 = arith.index_cast %add3A_1543 : i32 to index
          %get3A_1610 = arith.constant 96 : index
          %get3A_1611 = tpu.vector_load %arg6[%get3A_1609, %get3A_1610] {strides = array<i32>} : memref<128x128xf32, #tpu.memory_space<vmem>>, vector<1x16xf32>,
          %get3A_1612 = vector.shape_cast %get3A_1611 : vector<1x16xf32> to vector<16xf32>
          %add3A_1613 = arith.addf %select_n3A_1487, %get3A_1612 : vector<16xf32>
          %select_n3A_1614 = arith.select %ne3A_1544, %get3A_1608, %add3A_1613 : vector<16xf32>
          %get3A_1615 = arith.index_cast %add3A_1543 : i32 to index
          %get3A_1616 = arith.constant 112 : index
          %get3A_1617 = tpu.vector_load %arg6[%get3A_1615, %get3A_1616] {strides = array<i32>} : memref<128x128xf32, #tpu.memory_space<vmem>>, vector<1x16xf32>,
          %get3A_1618 = vector.shape_cast %get3A_1617 : vector<1x16xf32> to vector<16xf32>
          %get3A_1619 = arith.index_cast %add3A_1543 : i32 to index
          %get3A_1620 = arith.constant 112 : index
          %get3A_1621 = tpu.vector_load %arg6[%get3A_1619, %get3A_1620] {strides = array<i32>} : memref<128x128xf32, #tpu.memory_space<vmem>>, vector<1x16xf32>,
          %get3A_1622 = vector.shape_cast %get3A_1621 : vector<1x16xf32> to vector<16xf32>
          %add3A_1623 = arith.addf %select_n3A_1497, %get3A_1622 : vector<16xf32>
          %select_n3A_1624 = arith.select %ne3A_1544, %get3A_1618, %add3A_1623 : vector<16xf32>
          %swap3A_1625 = arith.index_cast %squeeze3A_1539 : i32 to index
          %swap3A_1626 = arith.constant 0 : index
          %swap3A_1627 = tpu.vector_load %arg7[%swap3A_1625, %swap3A_1626] {strides = array<i32>} : memref<256x128xf32, #tpu.memory_space<vmem>>, vector<1x16xf32>,
          %swap3A_1628 = vector.shape_cast %swap3A_1627 : vector<1x16xf32> to vector<16xf32>
          %swap3A_1629 = vector.shape_cast %select_n3A_1554 : vector<16xf32> to vector<1x16xf32>
          tpu.vector_store %arg7[%swap3A_1625, %swap3A_1626], %swap3A_1629 {strides = array<i32>} : memref<256x128xf32, #tpu.memory_space<vmem>>, vector<1x16xf32>,
          %swap3A_1630 = arith.index_cast %squeeze3A_1539 : i32 to index
          %swap3A_1631 = arith.constant 16 : index
          %swap3A_1632 = tpu.vector_load %arg7[%swap3A_1630, %swap3A_1631] {strides = array<i32>} : memref<256x128xf32, #tpu.memory_space<vmem>>, vector<1x16xf32>,
          %swap3A_1633 = vector.shape_cast %swap3A_1632 : vector<1x16xf32> to vector<16xf32>
          %swap3A_1634 = vector.shape_cast %select_n3A_1564 : vector<16xf32> to vector<1x16xf32>
          tpu.vector_store %arg7[%swap3A_1630, %swap3A_1631], %swap3A_1634 {strides = array<i32>} : memref<256x128xf32, #tpu.memory_space<vmem>>, vector<1x16xf32>,
          %swap3A_1635 = arith.index_cast %squeeze3A_1539 : i32 to index
          %swap3A_1636 = arith.constant 32 : index
          %swap3A_1637 = tpu.vector_load %arg7[%swap3A_1635, %swap3A_1636] {strides = array<i32>} : memref<256x128xf32, #tpu.memory_space<vmem>>, vector<1x16xf32>,
          %swap3A_1638 = vector.shape_cast %swap3A_1637 : vector<1x16xf32> to vector<16xf32>
          %swap3A_1639 = vector.shape_cast %select_n3A_1574 : vector<16xf32> to vector<1x16xf32>
          tpu.vector_store %arg7[%swap3A_1635, %swap3A_1636], %swap3A_1639 {strides = array<i32>} : memref<256x128xf32, #tpu.memory_space<vmem>>, vector<1x16xf32>,
          %swap3A_1640 = arith.index_cast %squeeze3A_1539 : i32 to index
          %swap3A_1641 = arith.constant 48 : index
          %swap3A_1642 = tpu.vector_load %arg7[%swap3A_1640, %swap3A_1641] {strides = array<i32>} : memref<256x128xf32, #tpu.memory_space<vmem>>, vector<1x16xf32>,
          %swap3A_1643 = vector.shape_cast %swap3A_1642 : vector<1x16xf32> to vector<16xf32>
          %swap3A_1644 = vector.shape_cast %select_n3A_1584 : vector<16xf32> to vector<1x16xf32>
          tpu.vector_store %arg7[%swap3A_1640, %swap3A_1641], %swap3A_1644 {strides = array<i32>} : memref<256x128xf32, #tpu.memory_space<vmem>>, vector<1x16xf32>,
          %swap3A_1645 = arith.index_cast %squeeze3A_1539 : i32 to index
          %swap3A_1646 = arith.constant 64 : index
          %swap3A_1647 = tpu.vector_load %arg7[%swap3A_1645, %swap3A_1646] {strides = array<i32>} : memref<256x128xf32, #tpu.memory_space<vmem>>, vector<1x16xf32>,
          %swap3A_1648 = vector.shape_cast %swap3A_1647 : vector<1x16xf32> to vector<16xf32>
          %swap3A_1649 = vector.shape_cast %select_n3A_1594 : vector<16xf32> to vector<1x16xf32>
          tpu.vector_store %arg7[%swap3A_1645, %swap3A_1646], %swap3A_1649 {strides = array<i32>} : memref<256x128xf32, #tpu.memory_space<vmem>>, vector<1x16xf32>,
          %swap3A_1650 = arith.index_cast %squeeze3A_1539 : i32 to index
          %swap3A_1651 = arith.constant 80 : index
          %swap3A_1652 = tpu.vector_load %arg7[%swap3A_1650, %swap3A_1651] {strides = array<i32>} : memref<256x128xf32, #tpu.memory_space<vmem>>, vector<1x16xf32>,
          %swap3A_1653 = vector.shape_cast %swap3A_1652 : vector<1x16xf32> to vector<16xf32>
          %swap3A_1654 = vector.shape_cast %select_n3A_1604 : vector<16xf32> to vector<1x16xf32>
          tpu.vector_store %arg7[%swap3A_1650, %swap3A_1651], %swap3A_1654 {strides = array<i32>} : memref<256x128xf32, #tpu.memory_space<vmem>>, vector<1x16xf32>,
          %swap3A_1655 = arith.index_cast %squeeze3A_1539 : i32 to index
          %swap3A_1656 = arith.constant 96 : index
          %swap3A_1657 = tpu.vector_load %arg7[%swap3A_1655, %swap3A_1656] {strides = array<i32>} : memref<256x128xf32, #tpu.memory_space<vmem>>, vector<1x16xf32>,
          %swap3A_1658 = vector.shape_cast %swap3A_1657 : vector<1x16xf32> to vector<16xf32>
          %swap3A_1659 = vector.shape_cast %select_n3A_1614 : vector<16xf32> to vector<1x16xf32>
          tpu.vector_store %arg7[%swap3A_1655, %swap3A_1656], %swap3A_1659 {strides = array<i32>} : memref<256x128xf32, #tpu.memory_space<vmem>>, vector<1x16xf32>,
          %swap3A_1660 = arith.index_cast %squeeze3A_1539 : i32 to index
          %swap3A_1661 = arith.constant 112 : index
          %swap3A_1662 = tpu.vector_load %arg7[%swap3A_1660, %swap3A_1661] {strides = array<i32>} : memref<256x128xf32, #tpu.memory_space<vmem>>, vector<1x16xf32>,
          %swap3A_1663 = vector.shape_cast %swap3A_1662 : vector<1x16xf32> to vector<16xf32>
          %swap3A_1664 = vector.shape_cast %select_n3A_1624 : vector<16xf32> to vector<1x16xf32>
          tpu.vector_store %arg7[%swap3A_1660, %swap3A_1661], %swap3A_1664 {strides = array<i32>} : memref<256x128xf32, #tpu.memory_space<vmem>>, vector<1x16xf32>,
          %slice3A_1665 = vector.extract_strided_slice %get3A_143 {offsets = [12], sizes = [1], strides = [1]} : vector<16xi32> to vector<1xi32>
          %squeeze3A_1666 = vector.extract %slice3A_1665[0] : i32 from vector<1xi32>
          %mul3A_1667 = arith.constant 16 : i32
          %mul3A_1668 = arith.muli %scan3A_127, %mul3A_1667 : i32
          %add3A_1669 = arith.constant 12 : i32
          %add3A_1670 = arith.addi %mul3A_1668, %add3A_1669 : i32
          %ne3A_1671 = arith.cmpi ne, %squeeze3A_1666, %squeeze3A_1539 : i32
          %get3A_1672 = arith.index_cast %add3A_1670 : i32 to index
          %get3A_1673 = arith.constant 0 : index
          %get3A_1674 = tpu.vector_load %arg6[%get3A_1672, %get3A_1673] {strides = array<i32>} : memref<128x128xf32, #tpu.memory_space<vmem>>, vector<1x16xf32>,
          %get3A_1675 = vector.shape_cast %get3A_1674 : vector<1x16xf32> to vector<16xf32>
          %get3A_1676 = arith.index_cast %add3A_1670 : i32 to index
          %get3A_1677 = arith.constant 0 : index
          %get3A_1678 = tpu.vector_load %arg6[%get3A_1676, %get3A_1677] {strides = array<i32>} : memref<128x128xf32, #tpu.memory_space<vmem>>, vector<1x16xf32>,
          %get3A_1679 = vector.shape_cast %get3A_1678 : vector<1x16xf32> to vector<16xf32>
          %add3A_1680 = arith.addf %select_n3A_1554, %get3A_1679 : vector<16xf32>
          %select_n3A_1681 = arith.select %ne3A_1671, %get3A_1675, %add3A_1680 : vector<16xf32>
          %get3A_1682 = arith.index_cast %add3A_1670 : i32 to index
          %get3A_1683 = arith.constant 16 : index
          %get3A_1684 = tpu.vector_load %arg6[%get3A_1682, %get3A_1683] {strides = array<i32>} : memref<128x128xf32, #tpu.memory_space<vmem>>, vector<1x16xf32>,
          %get3A_1685 = vector.shape_cast %get3A_1684 : vector<1x16xf32> to vector<16xf32>
          %get3A_1686 = arith.index_cast %add3A_1670 : i32 to index
          %get3A_1687 = arith.constant 16 : index
          %get3A_1688 = tpu.vector_load %arg6[%get3A_1686, %get3A_1687] {strides = array<i32>} : memref<128x128xf32, #tpu.memory_space<vmem>>, vector<1x16xf32>,
          %get3A_1689 = vector.shape_cast %get3A_1688 : vector<1x16xf32> to vector<16xf32>
          %add3A_1690 = arith.addf %select_n3A_1564, %get3A_1689 : vector<16xf32>
          %select_n3A_1691 = arith.select %ne3A_1671, %get3A_1685, %add3A_1690 : vector<16xf32>
          %get3A_1692 = arith.index_cast %add3A_1670 : i32 to index
          %get3A_1693 = arith.constant 32 : index
          %get3A_1694 = tpu.vector_load %arg6[%get3A_1692, %get3A_1693] {strides = array<i32>} : memref<128x128xf32, #tpu.memory_space<vmem>>, vector<1x16xf32>,
          %get3A_1695 = vector.shape_cast %get3A_1694 : vector<1x16xf32> to vector<16xf32>
          %get3A_1696 = arith.index_cast %add3A_1670 : i32 to index
          %get3A_1697 = arith.constant 32 : index
          %get3A_1698 = tpu.vector_load %arg6[%get3A_1696, %get3A_1697] {strides = array<i32>} : memref<128x128xf32, #tpu.memory_space<vmem>>, vector<1x16xf32>,
          %get3A_1699 = vector.shape_cast %get3A_1698 : vector<1x16xf32> to vector<16xf32>
          %add3A_1700 = arith.addf %select_n3A_1574, %get3A_1699 : vector<16xf32>
          %select_n3A_1701 = arith.select %ne3A_1671, %get3A_1695, %add3A_1700 : vector<16xf32>
          %get3A_1702 = arith.index_cast %add3A_1670 : i32 to index
          %get3A_1703 = arith.constant 48 : index
          %get3A_1704 = tpu.vector_load %arg6[%get3A_1702, %get3A_1703] {strides = array<i32>} : memref<128x128xf32, #tpu.memory_space<vmem>>, vector<1x16xf32>,
          %get3A_1705 = vector.shape_cast %get3A_1704 : vector<1x16xf32> to vector<16xf32>
          %get3A_1706 = arith.index_cast %add3A_1670 : i32 to index
          %get3A_1707 = arith.constant 48 : index
          %get3A_1708 = tpu.vector_load %arg6[%get3A_1706, %get3A_1707] {strides = array<i32>} : memref<128x128xf32, #tpu.memory_space<vmem>>, vector<1x16xf32>,
          %get3A_1709 = vector.shape_cast %get3A_1708 : vector<1x16xf32> to vector<16xf32>
          %add3A_1710 = arith.addf %select_n3A_1584, %get3A_1709 : vector<16xf32>
          %select_n3A_1711 = arith.select %ne3A_1671, %get3A_1705, %add3A_1710 : vector<16xf32>
          %get3A_1712 = arith.index_cast %add3A_1670 : i32 to index
          %get3A_1713 = arith.constant 64 : index
          %get3A_1714 = tpu.vector_load %arg6[%get3A_1712, %get3A_1713] {strides = array<i32>} : memref<128x128xf32, #tpu.memory_space<vmem>>, vector<1x16xf32>,
          %get3A_1715 = vector.shape_cast %get3A_1714 : vector<1x16xf32> to vector<16xf32>
          %get3A_1716 = arith.index_cast %add3A_1670 : i32 to index
          %get3A_1717 = arith.constant 64 : index
          %get3A_1718 = tpu.vector_load %arg6[%get3A_1716, %get3A_1717] {strides = array<i32>} : memref<128x128xf32, #tpu.memory_space<vmem>>, vector<1x16xf32>,
          %get3A_1719 = vector.shape_cast %get3A_1718 : vector<1x16xf32> to vector<16xf32>
          %add3A_1720 = arith.addf %select_n3A_1594, %get3A_1719 : vector<16xf32>
          %select_n3A_1721 = arith.select %ne3A_1671, %get3A_1715, %add3A_1720 : vector<16xf32>
          %get3A_1722 = arith.index_cast %add3A_1670 : i32 to index
          %get3A_1723 = arith.constant 80 : index
          %get3A_1724 = tpu.vector_load %arg6[%get3A_1722, %get3A_1723] {strides = array<i32>} : memref<128x128xf32, #tpu.memory_space<vmem>>, vector<1x16xf32>,
          %get3A_1725 = vector.shape_cast %get3A_1724 : vector<1x16xf32> to vector<16xf32>
          %get3A_1726 = arith.index_cast %add3A_1670 : i32 to index
          %get3A_1727 = arith.constant 80 : index
          %get3A_1728 = tpu.vector_load %arg6[%get3A_1726, %get3A_1727] {strides = array<i32>} : memref<128x128xf32, #tpu.memory_space<vmem>>, vector<1x16xf32>,
          %get3A_1729 = vector.shape_cast %get3A_1728 : vector<1x16xf32> to vector<16xf32>
          %add3A_1730 = arith.addf %select_n3A_1604, %get3A_1729 : vector<16xf32>
          %select_n3A_1731 = arith.select %ne3A_1671, %get3A_1725, %add3A_1730 : vector<16xf32>
          %get3A_1732 = arith.index_cast %add3A_1670 : i32 to index
          %get3A_1733 = arith.constant 96 : index
          %get3A_1734 = tpu.vector_load %arg6[%get3A_1732, %get3A_1733] {strides = array<i32>} : memref<128x128xf32, #tpu.memory_space<vmem>>, vector<1x16xf32>,
          %get3A_1735 = vector.shape_cast %get3A_1734 : vector<1x16xf32> to vector<16xf32>
          %get3A_1736 = arith.index_cast %add3A_1670 : i32 to index
          %get3A_1737 = arith.constant 96 : index
          %get3A_1738 = tpu.vector_load %arg6[%get3A_1736, %get3A_1737] {strides = array<i32>} : memref<128x128xf32, #tpu.memory_space<vmem>>, vector<1x16xf32>,
          %get3A_1739 = vector.shape_cast %get3A_1738 : vector<1x16xf32> to vector<16xf32>
          %add3A_1740 = arith.addf %select_n3A_1614, %get3A_1739 : vector<16xf32>
          %select_n3A_1741 = arith.select %ne3A_1671, %get3A_1735, %add3A_1740 : vector<16xf32>
          %get3A_1742 = arith.index_cast %add3A_1670 : i32 to index
          %get3A_1743 = arith.constant 112 : index
          %get3A_1744 = tpu.vector_load %arg6[%get3A_1742, %get3A_1743] {strides = array<i32>} : memref<128x128xf32, #tpu.memory_space<vmem>>, vector<1x16xf32>,
          %get3A_1745 = vector.shape_cast %get3A_1744 : vector<1x16xf32> to vector<16xf32>
          %get3A_1746 = arith.index_cast %add3A_1670 : i32 to index
          %get3A_1747 = arith.constant 112 : index
          %get3A_1748 = tpu.vector_load %arg6[%get3A_1746, %get3A_1747] {strides = array<i32>} : memref<128x128xf32, #tpu.memory_space<vmem>>, vector<1x16xf32>,
          %get3A_1749 = vector.shape_cast %get3A_1748 : vector<1x16xf32> to vector<16xf32>
          %add3A_1750 = arith.addf %select_n3A_1624, %get3A_1749 : vector<16xf32>
          %select_n3A_1751 = arith.select %ne3A_1671, %get3A_1745, %add3A_1750 : vector<16xf32>
          %swap3A_1752 = arith.index_cast %squeeze3A_1666 : i32 to index
          %swap3A_1753 = arith.constant 0 : index
          %swap3A_1754 = tpu.vector_load %arg7[%swap3A_1752, %swap3A_1753] {strides = array<i32>} : memref<256x128xf32, #tpu.memory_space<vmem>>, vector<1x16xf32>,
          %swap3A_1755 = vector.shape_cast %swap3A_1754 : vector<1x16xf32> to vector<16xf32>
          %swap3A_1756 = vector.shape_cast %select_n3A_1681 : vector<16xf32> to vector<1x16xf32>
          tpu.vector_store %arg7[%swap3A_1752, %swap3A_1753], %swap3A_1756 {strides = array<i32>} : memref<256x128xf32, #tpu.memory_space<vmem>>, vector<1x16xf32>,
          %swap3A_1757 = arith.index_cast %squeeze3A_1666 : i32 to index
          %swap3A_1758 = arith.constant 16 : index
          %swap3A_1759 = tpu.vector_load %arg7[%swap3A_1757, %swap3A_1758] {strides = array<i32>} : memref<256x128xf32, #tpu.memory_space<vmem>>, vector<1x16xf32>,
          %swap3A_1760 = vector.shape_cast %swap3A_1759 : vector<1x16xf32> to vector<16xf32>
          %swap3A_1761 = vector.shape_cast %select_n3A_1691 : vector<16xf32> to vector<1x16xf32>
          tpu.vector_store %arg7[%swap3A_1757, %swap3A_1758], %swap3A_1761 {strides = array<i32>} : memref<256x128xf32, #tpu.memory_space<vmem>>, vector<1x16xf32>,
          %swap3A_1762 = arith.index_cast %squeeze3A_1666 : i32 to index
          %swap3A_1763 = arith.constant 32 : index
          %swap3A_1764 = tpu.vector_load %arg7[%swap3A_1762, %swap3A_1763] {strides = array<i32>} : memref<256x128xf32, #tpu.memory_space<vmem>>, vector<1x16xf32>,
          %swap3A_1765 = vector.shape_cast %swap3A_1764 : vector<1x16xf32> to vector<16xf32>
          %swap3A_1766 = vector.shape_cast %select_n3A_1701 : vector<16xf32> to vector<1x16xf32>
          tpu.vector_store %arg7[%swap3A_1762, %swap3A_1763], %swap3A_1766 {strides = array<i32>} : memref<256x128xf32, #tpu.memory_space<vmem>>, vector<1x16xf32>,
          %swap3A_1767 = arith.index_cast %squeeze3A_1666 : i32 to index
          %swap3A_1768 = arith.constant 48 : index
          %swap3A_1769 = tpu.vector_load %arg7[%swap3A_1767, %swap3A_1768] {strides = array<i32>} : memref<256x128xf32, #tpu.memory_space<vmem>>, vector<1x16xf32>,
          %swap3A_1770 = vector.shape_cast %swap3A_1769 : vector<1x16xf32> to vector<16xf32>
          %swap3A_1771 = vector.shape_cast %select_n3A_1711 : vector<16xf32> to vector<1x16xf32>
          tpu.vector_store %arg7[%swap3A_1767, %swap3A_1768], %swap3A_1771 {strides = array<i32>} : memref<256x128xf32, #tpu.memory_space<vmem>>, vector<1x16xf32>,
          %swap3A_1772 = arith.index_cast %squeeze3A_1666 : i32 to index
          %swap3A_1773 = arith.constant 64 : index
          %swap3A_1774 = tpu.vector_load %arg7[%swap3A_1772, %swap3A_1773] {strides = array<i32>} : memref<256x128xf32, #tpu.memory_space<vmem>>, vector<1x16xf32>,
          %swap3A_1775 = vector.shape_cast %swap3A_1774 : vector<1x16xf32> to vector<16xf32>
          %swap3A_1776 = vector.shape_cast %select_n3A_1721 : vector<16xf32> to vector<1x16xf32>
          tpu.vector_store %arg7[%swap3A_1772, %swap3A_1773], %swap3A_1776 {strides = array<i32>} : memref<256x128xf32, #tpu.memory_space<vmem>>, vector<1x16xf32>,
          %swap3A_1777 = arith.index_cast %squeeze3A_1666 : i32 to index
          %swap3A_1778 = arith.constant 80 : index
          %swap3A_1779 = tpu.vector_load %arg7[%swap3A_1777, %swap3A_1778] {strides = array<i32>} : memref<256x128xf32, #tpu.memory_space<vmem>>, vector<1x16xf32>,
          %swap3A_1780 = vector.shape_cast %swap3A_1779 : vector<1x16xf32> to vector<16xf32>
          %swap3A_1781 = vector.shape_cast %select_n3A_1731 : vector<16xf32> to vector<1x16xf32>
          tpu.vector_store %arg7[%swap3A_1777, %swap3A_1778], %swap3A_1781 {strides = array<i32>} : memref<256x128xf32, #tpu.memory_space<vmem>>, vector<1x16xf32>,
          %swap3A_1782 = arith.index_cast %squeeze3A_1666 : i32 to index
          %swap3A_1783 = arith.constant 96 : index
          %swap3A_1784 = tpu.vector_load %arg7[%swap3A_1782, %swap3A_1783] {strides = array<i32>} : memref<256x128xf32, #tpu.memory_space<vmem>>, vector<1x16xf32>,
          %swap3A_1785 = vector.shape_cast %swap3A_1784 : vector<1x16xf32> to vector<16xf32>
          %swap3A_1786 = vector.shape_cast %select_n3A_1741 : vector<16xf32> to vector<1x16xf32>
          tpu.vector_store %arg7[%swap3A_1782, %swap3A_1783], %swap3A_1786 {strides = array<i32>} : memref<256x128xf32, #tpu.memory_space<vmem>>, vector<1x16xf32>,
          %swap3A_1787 = arith.index_cast %squeeze3A_1666 : i32 to index
          %swap3A_1788 = arith.constant 112 : index
          %swap3A_1789 = tpu.vector_load %arg7[%swap3A_1787, %swap3A_1788] {strides = array<i32>} : memref<256x128xf32, #tpu.memory_space<vmem>>, vector<1x16xf32>,
          %swap3A_1790 = vector.shape_cast %swap3A_1789 : vector<1x16xf32> to vector<16xf32>
          %swap3A_1791 = vector.shape_cast %select_n3A_1751 : vector<16xf32> to vector<1x16xf32>
          tpu.vector_store %arg7[%swap3A_1787, %swap3A_1788], %swap3A_1791 {strides = array<i32>} : memref<256x128xf32, #tpu.memory_space<vmem>>, vector<1x16xf32>,
          %slice3A_1792 = vector.extract_strided_slice %get3A_143 {offsets = [13], sizes = [1], strides = [1]} : vector<16xi32> to vector<1xi32>
          %squeeze3A_1793 = vector.extract %slice3A_1792[0] : i32 from vector<1xi32>
          %mul3A_1794 = arith.constant 16 : i32
          %mul3A_1795 = arith.muli %scan3A_127, %mul3A_1794 : i32
          %add3A_1796 = arith.constant 13 : i32
          %add3A_1797 = arith.addi %mul3A_1795, %add3A_1796 : i32
          %ne3A_1798 = arith.cmpi ne, %squeeze3A_1793, %squeeze3A_1666 : i32
          %get3A_1799 = arith.index_cast %add3A_1797 : i32 to index
          %get3A_1800 = arith.constant 0 : index
          %get3A_1801 = tpu.vector_load %arg6[%get3A_1799, %get3A_1800] {strides = array<i32>} : memref<128x128xf32, #tpu.memory_space<vmem>>, vector<1x16xf32>,
          %get3A_1802 = vector.shape_cast %get3A_1801 : vector<1x16xf32> to vector<16xf32>
          %get3A_1803 = arith.index_cast %add3A_1797 : i32 to index
          %get3A_1804 = arith.constant 0 : index
          %get3A_1805 = tpu.vector_load %arg6[%get3A_1803, %get3A_1804] {strides = array<i32>} : memref<128x128xf32, #tpu.memory_space<vmem>>, vector<1x16xf32>,
          %get3A_1806 = vector.shape_cast %get3A_1805 : vector<1x16xf32> to vector<16xf32>
          %add3A_1807 = arith.addf %select_n3A_1681, %get3A_1806 : vector<16xf32>
          %select_n3A_1808 = arith.select %ne3A_1798, %get3A_1802, %add3A_1807 : vector<16xf32>
          %get3A_1809 = arith.index_cast %add3A_1797 : i32 to index
          %get3A_1810 = arith.constant 16 : index
          %get3A_1811 = tpu.vector_load %arg6[%get3A_1809, %get3A_1810] {strides = array<i32>} : memref<128x128xf32, #tpu.memory_space<vmem>>, vector<1x16xf32>,
          %get3A_1812 = vector.shape_cast %get3A_1811 : vector<1x16xf32> to vector<16xf32>
          %get3A_1813 = arith.index_cast %add3A_1797 : i32 to index
          %get3A_1814 = arith.constant 16 : index
          %get3A_1815 = tpu.vector_load %arg6[%get3A_1813, %get3A_1814] {strides = array<i32>} : memref<128x128xf32, #tpu.memory_space<vmem>>, vector<1x16xf32>,
          %get3A_1816 = vector.shape_cast %get3A_1815 : vector<1x16xf32> to vector<16xf32>
          %add3A_1817 = arith.addf %select_n3A_1691, %get3A_1816 : vector<16xf32>
          %select_n3A_1818 = arith.select %ne3A_1798, %get3A_1812, %add3A_1817 : vector<16xf32>
          %get3A_1819 = arith.index_cast %add3A_1797 : i32 to index
          %get3A_1820 = arith.constant 32 : index
          %get3A_1821 = tpu.vector_load %arg6[%get3A_1819, %get3A_1820] {strides = array<i32>} : memref<128x128xf32, #tpu.memory_space<vmem>>, vector<1x16xf32>,
          %get3A_1822 = vector.shape_cast %get3A_1821 : vector<1x16xf32> to vector<16xf32>
          %get3A_1823 = arith.index_cast %add3A_1797 : i32 to index
          %get3A_1824 = arith.constant 32 : index
          %get3A_1825 = tpu.vector_load %arg6[%get3A_1823, %get3A_1824] {strides = array<i32>} : memref<128x128xf32, #tpu.memory_space<vmem>>, vector<1x16xf32>,
          %get3A_1826 = vector.shape_cast %get3A_1825 : vector<1x16xf32> to vector<16xf32>
          %add3A_1827 = arith.addf %select_n3A_1701, %get3A_1826 : vector<16xf32>
          %select_n3A_1828 = arith.select %ne3A_1798, %get3A_1822, %add3A_1827 : vector<16xf32>
          %get3A_1829 = arith.index_cast %add3A_1797 : i32 to index
          %get3A_1830 = arith.constant 48 : index
          %get3A_1831 = tpu.vector_load %arg6[%get3A_1829, %get3A_1830] {strides = array<i32>} : memref<128x128xf32, #tpu.memory_space<vmem>>, vector<1x16xf32>,
          %get3A_1832 = vector.shape_cast %get3A_1831 : vector<1x16xf32> to vector<16xf32>
          %get3A_1833 = arith.index_cast %add3A_1797 : i32 to index
          %get3A_1834 = arith.constant 48 : index
          %get3A_1835 = tpu.vector_load %arg6[%get3A_1833, %get3A_1834] {strides = array<i32>} : memref<128x128xf32, #tpu.memory_space<vmem>>, vector<1x16xf32>,
          %get3A_1836 = vector.shape_cast %get3A_1835 : vector<1x16xf32> to vector<16xf32>
          %add3A_1837 = arith.addf %select_n3A_1711, %get3A_1836 : vector<16xf32>
          %select_n3A_1838 = arith.select %ne3A_1798, %get3A_1832, %add3A_1837 : vector<16xf32>
          %get3A_1839 = arith.index_cast %add3A_1797 : i32 to index
          %get3A_1840 = arith.constant 64 : index
          %get3A_1841 = tpu.vector_load %arg6[%get3A_1839, %get3A_1840] {strides = array<i32>} : memref<128x128xf32, #tpu.memory_space<vmem>>, vector<1x16xf32>,
          %get3A_1842 = vector.shape_cast %get3A_1841 : vector<1x16xf32> to vector<16xf32>
          %get3A_1843 = arith.index_cast %add3A_1797 : i32 to index
          %get3A_1844 = arith.constant 64 : index
          %get3A_1845 = tpu.vector_load %arg6[%get3A_1843, %get3A_1844] {strides = array<i32>} : memref<128x128xf32, #tpu.memory_space<vmem>>, vector<1x16xf32>,
          %get3A_1846 = vector.shape_cast %get3A_1845 : vector<1x16xf32> to vector<16xf32>
          %add3A_1847 = arith.addf %select_n3A_1721, %get3A_1846 : vector<16xf32>
          %select_n3A_1848 = arith.select %ne3A_1798, %get3A_1842, %add3A_1847 : vector<16xf32>
          %get3A_1849 = arith.index_cast %add3A_1797 : i32 to index
          %get3A_1850 = arith.constant 80 : index
          %get3A_1851 = tpu.vector_load %arg6[%get3A_1849, %get3A_1850] {strides = array<i32>} : memref<128x128xf32, #tpu.memory_space<vmem>>, vector<1x16xf32>,
          %get3A_1852 = vector.shape_cast %get3A_1851 : vector<1x16xf32> to vector<16xf32>
          %get3A_1853 = arith.index_cast %add3A_1797 : i32 to index
          %get3A_1854 = arith.constant 80 : index
          %get3A_1855 = tpu.vector_load %arg6[%get3A_1853, %get3A_1854] {strides = array<i32>} : memref<128x128xf32, #tpu.memory_space<vmem>>, vector<1x16xf32>,
          %get3A_1856 = vector.shape_cast %get3A_1855 : vector<1x16xf32> to vector<16xf32>
          %add3A_1857 = arith.addf %select_n3A_1731, %get3A_1856 : vector<16xf32>
          %select_n3A_1858 = arith.select %ne3A_1798, %get3A_1852, %add3A_1857 : vector<16xf32>
          %get3A_1859 = arith.index_cast %add3A_1797 : i32 to index
          %get3A_1860 = arith.constant 96 : index
          %get3A_1861 = tpu.vector_load %arg6[%get3A_1859, %get3A_1860] {strides = array<i32>} : memref<128x128xf32, #tpu.memory_space<vmem>>, vector<1x16xf32>,
          %get3A_1862 = vector.shape_cast %get3A_1861 : vector<1x16xf32> to vector<16xf32>
          %get3A_1863 = arith.index_cast %add3A_1797 : i32 to index
          %get3A_1864 = arith.constant 96 : index
          %get3A_1865 = tpu.vector_load %arg6[%get3A_1863, %get3A_1864] {strides = array<i32>} : memref<128x128xf32, #tpu.memory_space<vmem>>, vector<1x16xf32>,
          %get3A_1866 = vector.shape_cast %get3A_1865 : vector<1x16xf32> to vector<16xf32>
          %add3A_1867 = arith.addf %select_n3A_1741, %get3A_1866 : vector<16xf32>
          %select_n3A_1868 = arith.select %ne3A_1798, %get3A_1862, %add3A_1867 : vector<16xf32>
          %get3A_1869 = arith.index_cast %add3A_1797 : i32 to index
          %get3A_1870 = arith.constant 112 : index
          %get3A_1871 = tpu.vector_load %arg6[%get3A_1869, %get3A_1870] {strides = array<i32>} : memref<128x128xf32, #tpu.memory_space<vmem>>, vector<1x16xf32>,
          %get3A_1872 = vector.shape_cast %get3A_1871 : vector<1x16xf32> to vector<16xf32>
          %get3A_1873 = arith.index_cast %add3A_1797 : i32 to index
          %get3A_1874 = arith.constant 112 : index
          %get3A_1875 = tpu.vector_load %arg6[%get3A_1873, %get3A_1874] {strides = array<i32>} : memref<128x128xf32, #tpu.memory_space<vmem>>, vector<1x16xf32>,
          %get3A_1876 = vector.shape_cast %get3A_1875 : vector<1x16xf32> to vector<16xf32>
          %add3A_1877 = arith.addf %select_n3A_1751, %get3A_1876 : vector<16xf32>
          %select_n3A_1878 = arith.select %ne3A_1798, %get3A_1872, %add3A_1877 : vector<16xf32>
          %swap3A_1879 = arith.index_cast %squeeze3A_1793 : i32 to index
          %swap3A_1880 = arith.constant 0 : index
          %swap3A_1881 = tpu.vector_load %arg7[%swap3A_1879, %swap3A_1880] {strides = array<i32>} : memref<256x128xf32, #tpu.memory_space<vmem>>, vector<1x16xf32>,
          %swap3A_1882 = vector.shape_cast %swap3A_1881 : vector<1x16xf32> to vector<16xf32>
          %swap3A_1883 = vector.shape_cast %select_n3A_1808 : vector<16xf32> to vector<1x16xf32>
          tpu.vector_store %arg7[%swap3A_1879, %swap3A_1880], %swap3A_1883 {strides = array<i32>} : memref<256x128xf32, #tpu.memory_space<vmem>>, vector<1x16xf32>,
          %swap3A_1884 = arith.index_cast %squeeze3A_1793 : i32 to index
          %swap3A_1885 = arith.constant 16 : index
          %swap3A_1886 = tpu.vector_load %arg7[%swap3A_1884, %swap3A_1885] {strides = array<i32>} : memref<256x128xf32, #tpu.memory_space<vmem>>, vector<1x16xf32>,
          %swap3A_1887 = vector.shape_cast %swap3A_1886 : vector<1x16xf32> to vector<16xf32>
          %swap3A_1888 = vector.shape_cast %select_n3A_1818 : vector<16xf32> to vector<1x16xf32>
          tpu.vector_store %arg7[%swap3A_1884, %swap3A_1885], %swap3A_1888 {strides = array<i32>} : memref<256x128xf32, #tpu.memory_space<vmem>>, vector<1x16xf32>,
          %swap3A_1889 = arith.index_cast %squeeze3A_1793 : i32 to index
          %swap3A_1890 = arith.constant 32 : index
          %swap3A_1891 = tpu.vector_load %arg7[%swap3A_1889, %swap3A_1890] {strides = array<i32>} : memref<256x128xf32, #tpu.memory_space<vmem>>, vector<1x16xf32>,
          %swap3A_1892 = vector.shape_cast %swap3A_1891 : vector<1x16xf32> to vector<16xf32>
          %swap3A_1893 = vector.shape_cast %select_n3A_1828 : vector<16xf32> to vector<1x16xf32>
          tpu.vector_store %arg7[%swap3A_1889, %swap3A_1890], %swap3A_1893 {strides = array<i32>} : memref<256x128xf32, #tpu.memory_space<vmem>>, vector<1x16xf32>,
          %swap3A_1894 = arith.index_cast %squeeze3A_1793 : i32 to index
          %swap3A_1895 = arith.constant 48 : index
          %swap3A_1896 = tpu.vector_load %arg7[%swap3A_1894, %swap3A_1895] {strides = array<i32>} : memref<256x128xf32, #tpu.memory_space<vmem>>, vector<1x16xf32>,
          %swap3A_1897 = vector.shape_cast %swap3A_1896 : vector<1x16xf32> to vector<16xf32>
          %swap3A_1898 = vector.shape_cast %select_n3A_1838 : vector<16xf32> to vector<1x16xf32>
          tpu.vector_store %arg7[%swap3A_1894, %swap3A_1895], %swap3A_1898 {strides = array<i32>} : memref<256x128xf32, #tpu.memory_space<vmem>>, vector<1x16xf32>,
          %swap3A_1899 = arith.index_cast %squeeze3A_1793 : i32 to index
          %swap3A_1900 = arith.constant 64 : index
          %swap3A_1901 = tpu.vector_load %arg7[%swap3A_1899, %swap3A_1900] {strides = array<i32>} : memref<256x128xf32, #tpu.memory_space<vmem>>, vector<1x16xf32>,
          %swap3A_1902 = vector.shape_cast %swap3A_1901 : vector<1x16xf32> to vector<16xf32>
          %swap3A_1903 = vector.shape_cast %select_n3A_1848 : vector<16xf32> to vector<1x16xf32>
          tpu.vector_store %arg7[%swap3A_1899, %swap3A_1900], %swap3A_1903 {strides = array<i32>} : memref<256x128xf32, #tpu.memory_space<vmem>>, vector<1x16xf32>,
          %swap3A_1904 = arith.index_cast %squeeze3A_1793 : i32 to index
          %swap3A_1905 = arith.constant 80 : index
          %swap3A_1906 = tpu.vector_load %arg7[%swap3A_1904, %swap3A_1905] {strides = array<i32>} : memref<256x128xf32, #tpu.memory_space<vmem>>, vector<1x16xf32>,
          %swap3A_1907 = vector.shape_cast %swap3A_1906 : vector<1x16xf32> to vector<16xf32>
          %swap3A_1908 = vector.shape_cast %select_n3A_1858 : vector<16xf32> to vector<1x16xf32>
          tpu.vector_store %arg7[%swap3A_1904, %swap3A_1905], %swap3A_1908 {strides = array<i32>} : memref<256x128xf32, #tpu.memory_space<vmem>>, vector<1x16xf32>,
          %swap3A_1909 = arith.index_cast %squeeze3A_1793 : i32 to index
          %swap3A_1910 = arith.constant 96 : index
          %swap3A_1911 = tpu.vector_load %arg7[%swap3A_1909, %swap3A_1910] {strides = array<i32>} : memref<256x128xf32, #tpu.memory_space<vmem>>, vector<1x16xf32>,
          %swap3A_1912 = vector.shape_cast %swap3A_1911 : vector<1x16xf32> to vector<16xf32>
          %swap3A_1913 = vector.shape_cast %select_n3A_1868 : vector<16xf32> to vector<1x16xf32>
          tpu.vector_store %arg7[%swap3A_1909, %swap3A_1910], %swap3A_1913 {strides = array<i32>} : memref<256x128xf32, #tpu.memory_space<vmem>>, vector<1x16xf32>,
          %swap3A_1914 = arith.index_cast %squeeze3A_1793 : i32 to index
          %swap3A_1915 = arith.constant 112 : index
          %swap3A_1916 = tpu.vector_load %arg7[%swap3A_1914, %swap3A_1915] {strides = array<i32>} : memref<256x128xf32, #tpu.memory_space<vmem>>, vector<1x16xf32>,
          %swap3A_1917 = vector.shape_cast %swap3A_1916 : vector<1x16xf32> to vector<16xf32>
          %swap3A_1918 = vector.shape_cast %select_n3A_1878 : vector<16xf32> to vector<1x16xf32>
          tpu.vector_store %arg7[%swap3A_1914, %swap3A_1915], %swap3A_1918 {strides = array<i32>} : memref<256x128xf32, #tpu.memory_space<vmem>>, vector<1x16xf32>,
          %slice3A_1919 = vector.extract_strided_slice %get3A_143 {offsets = [14], sizes = [1], strides = [1]} : vector<16xi32> to vector<1xi32>
          %squeeze3A_1920 = vector.extract %slice3A_1919[0] : i32 from vector<1xi32>
          %mul3A_1921 = arith.constant 16 : i32
          %mul3A_1922 = arith.muli %scan3A_127, %mul3A_1921 : i32
          %add3A_1923 = arith.constant 14 : i32
          %add3A_1924 = arith.addi %mul3A_1922, %add3A_1923 : i32
          %ne3A_1925 = arith.cmpi ne, %squeeze3A_1920, %squeeze3A_1793 : i32
          %get3A_1926 = arith.index_cast %add3A_1924 : i32 to index
          %get3A_1927 = arith.constant 0 : index
          %get3A_1928 = tpu.vector_load %arg6[%get3A_1926, %get3A_1927] {strides = array<i32>} : memref<128x128xf32, #tpu.memory_space<vmem>>, vector<1x16xf32>,
          %get3A_1929 = vector.shape_cast %get3A_1928 : vector<1x16xf32> to vector<16xf32>
          %get3A_1930 = arith.index_cast %add3A_1924 : i32 to index
          %get3A_1931 = arith.constant 0 : index
          %get3A_1932 = tpu.vector_load %arg6[%get3A_1930, %get3A_1931] {strides = array<i32>} : memref<128x128xf32, #tpu.memory_space<vmem>>, vector<1x16xf32>,
          %get3A_1933 = vector.shape_cast %get3A_1932 : vector<1x16xf32> to vector<16xf32>
          %add3A_1934 = arith.addf %select_n3A_1808, %get3A_1933 : vector<16xf32>
          %select_n3A_1935 = arith.select %ne3A_1925, %get3A_1929, %add3A_1934 : vector<16xf32>
          %get3A_1936 = arith.index_cast %add3A_1924 : i32 to index
          %get3A_1937 = arith.constant 16 : index
          %get3A_1938 = tpu.vector_load %arg6[%get3A_1936, %get3A_1937] {strides = array<i32>} : memref<128x128xf32, #tpu.memory_space<vmem>>, vector<1x16xf32>,
          %get3A_1939 = vector.shape_cast %get3A_1938 : vector<1x16xf32> to vector<16xf32>
          %get3A_1940 = arith.index_cast %add3A_1924 : i32 to index
          %get3A_1941 = arith.constant 16 : index
          %get3A_1942 = tpu.vector_load %arg6[%get3A_1940, %get3A_1941] {strides = array<i32>} : memref<128x128xf32, #tpu.memory_space<vmem>>, vector<1x16xf32>,
          %get3A_1943 = vector.shape_cast %get3A_1942 : vector<1x16xf32> to vector<16xf32>
          %add3A_1944 = arith.addf %select_n3A_1818, %get3A_1943 : vector<16xf32>
          %select_n3A_1945 = arith.select %ne3A_1925, %get3A_1939, %add3A_1944 : vector<16xf32>
          %get3A_1946 = arith.index_cast %add3A_1924 : i32 to index
          %get3A_1947 = arith.constant 32 : index
          %get3A_1948 = tpu.vector_load %arg6[%get3A_1946, %get3A_1947] {strides = array<i32>} : memref<128x128xf32, #tpu.memory_space<vmem>>, vector<1x16xf32>,
          %get3A_1949 = vector.shape_cast %get3A_1948 : vector<1x16xf32> to vector<16xf32>
          %get3A_1950 = arith.index_cast %add3A_1924 : i32 to index
          %get3A_1951 = arith.constant 32 : index
          %get3A_1952 = tpu.vector_load %arg6[%get3A_1950, %get3A_1951] {strides = array<i32>} : memref<128x128xf32, #tpu.memory_space<vmem>>, vector<1x16xf32>,
          %get3A_1953 = vector.shape_cast %get3A_1952 : vector<1x16xf32> to vector<16xf32>
          %add3A_1954 = arith.addf %select_n3A_1828, %get3A_1953 : vector<16xf32>
          %select_n3A_1955 = arith.select %ne3A_1925, %get3A_1949, %add3A_1954 : vector<16xf32>
          %get3A_1956 = arith.index_cast %add3A_1924 : i32 to index
          %get3A_1957 = arith.constant 48 : index
          %get3A_1958 = tpu.vector_load %arg6[%get3A_1956, %get3A_1957] {strides = array<i32>} : memref<128x128xf32, #tpu.memory_space<vmem>>, vector<1x16xf32>,
          %get3A_1959 = vector.shape_cast %get3A_1958 : vector<1x16xf32> to vector<16xf32>
          %get3A_1960 = arith.index_cast %add3A_1924 : i32 to index
          %get3A_1961 = arith.constant 48 : index
          %get3A_1962 = tpu.vector_load %arg6[%get3A_1960, %get3A_1961] {strides = array<i32>} : memref<128x128xf32, #tpu.memory_space<vmem>>, vector<1x16xf32>,
          %get3A_1963 = vector.shape_cast %get3A_1962 : vector<1x16xf32> to vector<16xf32>
          %add3A_1964 = arith.addf %select_n3A_1838, %get3A_1963 : vector<16xf32>
          %select_n3A_1965 = arith.select %ne3A_1925, %get3A_1959, %add3A_1964 : vector<16xf32>
          %get3A_1966 = arith.index_cast %add3A_1924 : i32 to index
          %get3A_1967 = arith.constant 64 : index
          %get3A_1968 = tpu.vector_load %arg6[%get3A_1966, %get3A_1967] {strides = array<i32>} : memref<128x128xf32, #tpu.memory_space<vmem>>, vector<1x16xf32>,
          %get3A_1969 = vector.shape_cast %get3A_1968 : vector<1x16xf32> to vector<16xf32>
          %get3A_1970 = arith.index_cast %add3A_1924 : i32 to index
          %get3A_1971 = arith.constant 64 : index
          %get3A_1972 = tpu.vector_load %arg6[%get3A_1970, %get3A_1971] {strides = array<i32>} : memref<128x128xf32, #tpu.memory_space<vmem>>, vector<1x16xf32>,
          %get3A_1973 = vector.shape_cast %get3A_1972 : vector<1x16xf32> to vector<16xf32>
          %add3A_1974 = arith.addf %select_n3A_1848, %get3A_1973 : vector<16xf32>
          %select_n3A_1975 = arith.select %ne3A_1925, %get3A_1969, %add3A_1974 : vector<16xf32>
          %get3A_1976 = arith.index_cast %add3A_1924 : i32 to index
          %get3A_1977 = arith.constant 80 : index
          %get3A_1978 = tpu.vector_load %arg6[%get3A_1976, %get3A_1977] {strides = array<i32>} : memref<128x128xf32, #tpu.memory_space<vmem>>, vector<1x16xf32>,
          %get3A_1979 = vector.shape_cast %get3A_1978 : vector<1x16xf32> to vector<16xf32>
          %get3A_1980 = arith.index_cast %add3A_1924 : i32 to index
          %get3A_1981 = arith.constant 80 : index
          %get3A_1982 = tpu.vector_load %arg6[%get3A_1980, %get3A_1981] {strides = array<i32>} : memref<128x128xf32, #tpu.memory_space<vmem>>, vector<1x16xf32>,
          %get3A_1983 = vector.shape_cast %get3A_1982 : vector<1x16xf32> to vector<16xf32>
          %add3A_1984 = arith.addf %select_n3A_1858, %get3A_1983 : vector<16xf32>
          %select_n3A_1985 = arith.select %ne3A_1925, %get3A_1979, %add3A_1984 : vector<16xf32>
          %get3A_1986 = arith.index_cast %add3A_1924 : i32 to index
          %get3A_1987 = arith.constant 96 : index
          %get3A_1988 = tpu.vector_load %arg6[%get3A_1986, %get3A_1987] {strides = array<i32>} : memref<128x128xf32, #tpu.memory_space<vmem>>, vector<1x16xf32>,
          %get3A_1989 = vector.shape_cast %get3A_1988 : vector<1x16xf32> to vector<16xf32>
          %get3A_1990 = arith.index_cast %add3A_1924 : i32 to index
          %get3A_1991 = arith.constant 96 : index
          %get3A_1992 = tpu.vector_load %arg6[%get3A_1990, %get3A_1991] {strides = array<i32>} : memref<128x128xf32, #tpu.memory_space<vmem>>, vector<1x16xf32>,
          %get3A_1993 = vector.shape_cast %get3A_1992 : vector<1x16xf32> to vector<16xf32>
          %add3A_1994 = arith.addf %select_n3A_1868, %get3A_1993 : vector<16xf32>
          %select_n3A_1995 = arith.select %ne3A_1925, %get3A_1989, %add3A_1994 : vector<16xf32>
          %get3A_1996 = arith.index_cast %add3A_1924 : i32 to index
          %get3A_1997 = arith.constant 112 : index
          %get3A_1998 = tpu.vector_load %arg6[%get3A_1996, %get3A_1997] {strides = array<i32>} : memref<128x128xf32, #tpu.memory_space<vmem>>, vector<1x16xf32>,
          %get3A_1999 = vector.shape_cast %get3A_1998 : vector<1x16xf32> to vector<16xf32>
          %get3A_2000 = arith.index_cast %add3A_1924 : i32 to index
          %get3A_2001 = arith.constant 112 : index
          %get3A_2002 = tpu.vector_load %arg6[%get3A_2000, %get3A_2001] {strides = array<i32>} : memref<128x128xf32, #tpu.memory_space<vmem>>, vector<1x16xf32>,
          %get3A_2003 = vector.shape_cast %get3A_2002 : vector<1x16xf32> to vector<16xf32>
          %add3A_2004 = arith.addf %select_n3A_1878, %get3A_2003 : vector<16xf32>
          %select_n3A_2005 = arith.select %ne3A_1925, %get3A_1999, %add3A_2004 : vector<16xf32>
          %swap3A_2006 = arith.index_cast %squeeze3A_1920 : i32 to index
          %swap3A_2007 = arith.constant 0 : index
          %swap3A_2008 = tpu.vector_load %arg7[%swap3A_2006, %swap3A_2007] {strides = array<i32>} : memref<256x128xf32, #tpu.memory_space<vmem>>, vector<1x16xf32>,
          %swap3A_2009 = vector.shape_cast %swap3A_2008 : vector<1x16xf32> to vector<16xf32>
          %swap3A_2010 = vector.shape_cast %select_n3A_1935 : vector<16xf32> to vector<1x16xf32>
          tpu.vector_store %arg7[%swap3A_2006, %swap3A_2007], %swap3A_2010 {strides = array<i32>} : memref<256x128xf32, #tpu.memory_space<vmem>>, vector<1x16xf32>,
          %swap3A_2011 = arith.index_cast %squeeze3A_1920 : i32 to index
          %swap3A_2012 = arith.constant 16 : index
          %swap3A_2013 = tpu.vector_load %arg7[%swap3A_2011, %swap3A_2012] {strides = array<i32>} : memref<256x128xf32, #tpu.memory_space<vmem>>, vector<1x16xf32>,
          %swap3A_2014 = vector.shape_cast %swap3A_2013 : vector<1x16xf32> to vector<16xf32>
          %swap3A_2015 = vector.shape_cast %select_n3A_1945 : vector<16xf32> to vector<1x16xf32>
          tpu.vector_store %arg7[%swap3A_2011, %swap3A_2012], %swap3A_2015 {strides = array<i32>} : memref<256x128xf32, #tpu.memory_space<vmem>>, vector<1x16xf32>,
          %swap3A_2016 = arith.index_cast %squeeze3A_1920 : i32 to index
          %swap3A_2017 = arith.constant 32 : index
          %swap3A_2018 = tpu.vector_load %arg7[%swap3A_2016, %swap3A_2017] {strides = array<i32>} : memref<256x128xf32, #tpu.memory_space<vmem>>, vector<1x16xf32>,
          %swap3A_2019 = vector.shape_cast %swap3A_2018 : vector<1x16xf32> to vector<16xf32>
          %swap3A_2020 = vector.shape_cast %select_n3A_1955 : vector<16xf32> to vector<1x16xf32>
          tpu.vector_store %arg7[%swap3A_2016, %swap3A_2017], %swap3A_2020 {strides = array<i32>} : memref<256x128xf32, #tpu.memory_space<vmem>>, vector<1x16xf32>,
          %swap3A_2021 = arith.index_cast %squeeze3A_1920 : i32 to index
          %swap3A_2022 = arith.constant 48 : index
          %swap3A_2023 = tpu.vector_load %arg7[%swap3A_2021, %swap3A_2022] {strides = array<i32>} : memref<256x128xf32, #tpu.memory_space<vmem>>, vector<1x16xf32>,
          %swap3A_2024 = vector.shape_cast %swap3A_2023 : vector<1x16xf32> to vector<16xf32>
          %swap3A_2025 = vector.shape_cast %select_n3A_1965 : vector<16xf32> to vector<1x16xf32>
          tpu.vector_store %arg7[%swap3A_2021, %swap3A_2022], %swap3A_2025 {strides = array<i32>} : memref<256x128xf32, #tpu.memory_space<vmem>>, vector<1x16xf32>,
          %swap3A_2026 = arith.index_cast %squeeze3A_1920 : i32 to index
          %swap3A_2027 = arith.constant 64 : index
          %swap3A_2028 = tpu.vector_load %arg7[%swap3A_2026, %swap3A_2027] {strides = array<i32>} : memref<256x128xf32, #tpu.memory_space<vmem>>, vector<1x16xf32>,
          %swap3A_2029 = vector.shape_cast %swap3A_2028 : vector<1x16xf32> to vector<16xf32>
          %swap3A_2030 = vector.shape_cast %select_n3A_1975 : vector<16xf32> to vector<1x16xf32>
          tpu.vector_store %arg7[%swap3A_2026, %swap3A_2027], %swap3A_2030 {strides = array<i32>} : memref<256x128xf32, #tpu.memory_space<vmem>>, vector<1x16xf32>,
          %swap3A_2031 = arith.index_cast %squeeze3A_1920 : i32 to index
          %swap3A_2032 = arith.constant 80 : index
          %swap3A_2033 = tpu.vector_load %arg7[%swap3A_2031, %swap3A_2032] {strides = array<i32>} : memref<256x128xf32, #tpu.memory_space<vmem>>, vector<1x16xf32>,
          %swap3A_2034 = vector.shape_cast %swap3A_2033 : vector<1x16xf32> to vector<16xf32>
          %swap3A_2035 = vector.shape_cast %select_n3A_1985 : vector<16xf32> to vector<1x16xf32>
          tpu.vector_store %arg7[%swap3A_2031, %swap3A_2032], %swap3A_2035 {strides = array<i32>} : memref<256x128xf32, #tpu.memory_space<vmem>>, vector<1x16xf32>,
          %swap3A_2036 = arith.index_cast %squeeze3A_1920 : i32 to index
          %swap3A_2037 = arith.constant 96 : index
          %swap3A_2038 = tpu.vector_load %arg7[%swap3A_2036, %swap3A_2037] {strides = array<i32>} : memref<256x128xf32, #tpu.memory_space<vmem>>, vector<1x16xf32>,
          %swap3A_2039 = vector.shape_cast %swap3A_2038 : vector<1x16xf32> to vector<16xf32>
          %swap3A_2040 = vector.shape_cast %select_n3A_1995 : vector<16xf32> to vector<1x16xf32>
          tpu.vector_store %arg7[%swap3A_2036, %swap3A_2037], %swap3A_2040 {strides = array<i32>} : memref<256x128xf32, #tpu.memory_space<vmem>>, vector<1x16xf32>,
          %swap3A_2041 = arith.index_cast %squeeze3A_1920 : i32 to index
          %swap3A_2042 = arith.constant 112 : index
          %swap3A_2043 = tpu.vector_load %arg7[%swap3A_2041, %swap3A_2042] {strides = array<i32>} : memref<256x128xf32, #tpu.memory_space<vmem>>, vector<1x16xf32>,
          %swap3A_2044 = vector.shape_cast %swap3A_2043 : vector<1x16xf32> to vector<16xf32>
          %swap3A_2045 = vector.shape_cast %select_n3A_2005 : vector<16xf32> to vector<1x16xf32>
          tpu.vector_store %arg7[%swap3A_2041, %swap3A_2042], %swap3A_2045 {strides = array<i32>} : memref<256x128xf32, #tpu.memory_space<vmem>>, vector<1x16xf32>,
          %slice3A_2046 = vector.extract_strided_slice %get3A_143 {offsets = [15], sizes = [1], strides = [1]} : vector<16xi32> to vector<1xi32>
          %squeeze3A_2047 = vector.extract %slice3A_2046[0] : i32 from vector<1xi32>
          %mul3A_2048 = arith.constant 16 : i32
          %mul3A_2049 = arith.muli %scan3A_127, %mul3A_2048 : i32
          %add3A_2050 = arith.constant 15 : i32
          %add3A_2051 = arith.addi %mul3A_2049, %add3A_2050 : i32
          %ne3A_2052 = arith.cmpi ne, %squeeze3A_2047, %squeeze3A_1920 : i32
          %get3A_2053 = arith.index_cast %add3A_2051 : i32 to index
          %get3A_2054 = arith.constant 0 : index
          %get3A_2055 = tpu.vector_load %arg6[%get3A_2053, %get3A_2054] {strides = array<i32>} : memref<128x128xf32, #tpu.memory_space<vmem>>, vector<1x16xf32>,
          %get3A_2056 = vector.shape_cast %get3A_2055 : vector<1x16xf32> to vector<16xf32>
          %get3A_2057 = arith.index_cast %add3A_2051 : i32 to index
          %get3A_2058 = arith.constant 0 : index
          %get3A_2059 = tpu.vector_load %arg6[%get3A_2057, %get3A_2058] {strides = array<i32>} : memref<128x128xf32, #tpu.memory_space<vmem>>, vector<1x16xf32>,
          %get3A_2060 = vector.shape_cast %get3A_2059 : vector<1x16xf32> to vector<16xf32>
          %add3A_2061 = arith.addf %select_n3A_1935, %get3A_2060 : vector<16xf32>
          %select_n3A_2062 = arith.select %ne3A_2052, %get3A_2056, %add3A_2061 : vector<16xf32>
          %get3A_2063 = arith.index_cast %add3A_2051 : i32 to index
          %get3A_2064 = arith.constant 16 : index
          %get3A_2065 = tpu.vector_load %arg6[%get3A_2063, %get3A_2064] {strides = array<i32>} : memref<128x128xf32, #tpu.memory_space<vmem>>, vector<1x16xf32>,
          %get3A_2066 = vector.shape_cast %get3A_2065 : vector<1x16xf32> to vector<16xf32>
          %get3A_2067 = arith.index_cast %add3A_2051 : i32 to index
          %get3A_2068 = arith.constant 16 : index
          %get3A_2069 = tpu.vector_load %arg6[%get3A_2067, %get3A_2068] {strides = array<i32>} : memref<128x128xf32, #tpu.memory_space<vmem>>, vector<1x16xf32>,
          %get3A_2070 = vector.shape_cast %get3A_2069 : vector<1x16xf32> to vector<16xf32>
          %add3A_2071 = arith.addf %select_n3A_1945, %get3A_2070 : vector<16xf32>
          %select_n3A_2072 = arith.select %ne3A_2052, %get3A_2066, %add3A_2071 : vector<16xf32>
          %get3A_2073 = arith.index_cast %add3A_2051 : i32 to index
          %get3A_2074 = arith.constant 32 : index
          %get3A_2075 = tpu.vector_load %arg6[%get3A_2073, %get3A_2074] {strides = array<i32>} : memref<128x128xf32, #tpu.memory_space<vmem>>, vector<1x16xf32>,
          %get3A_2076 = vector.shape_cast %get3A_2075 : vector<1x16xf32> to vector<16xf32>
          %get3A_2077 = arith.index_cast %add3A_2051 : i32 to index
          %get3A_2078 = arith.constant 32 : index
          %get3A_2079 = tpu.vector_load %arg6[%get3A_2077, %get3A_2078] {strides = array<i32>} : memref<128x128xf32, #tpu.memory_space<vmem>>, vector<1x16xf32>,
          %get3A_2080 = vector.shape_cast %get3A_2079 : vector<1x16xf32> to vector<16xf32>
          %add3A_2081 = arith.addf %select_n3A_1955, %get3A_2080 : vector<16xf32>
          %select_n3A_2082 = arith.select %ne3A_2052, %get3A_2076, %add3A_2081 : vector<16xf32>
          %get3A_2083 = arith.index_cast %add3A_2051 : i32 to index
          %get3A_2084 = arith.constant 48 : index
          %get3A_2085 = tpu.vector_load %arg6[%get3A_2083, %get3A_2084] {strides = array<i32>} : memref<128x128xf32, #tpu.memory_space<vmem>>, vector<1x16xf32>,
          %get3A_2086 = vector.shape_cast %get3A_2085 : vector<1x16xf32> to vector<16xf32>
          %get3A_2087 = arith.index_cast %add3A_2051 : i32 to index
          %get3A_2088 = arith.constant 48 : index
          %get3A_2089 = tpu.vector_load %arg6[%get3A_2087, %get3A_2088] {strides = array<i32>} : memref<128x128xf32, #tpu.memory_space<vmem>>, vector<1x16xf32>,
          %get3A_2090 = vector.shape_cast %get3A_2089 : vector<1x16xf32> to vector<16xf32>
          %add3A_2091 = arith.addf %select_n3A_1965, %get3A_2090 : vector<16xf32>
          %select_n3A_2092 = arith.select %ne3A_2052, %get3A_2086, %add3A_2091 : vector<16xf32>
          %get3A_2093 = arith.index_cast %add3A_2051 : i32 to index
          %get3A_2094 = arith.constant 64 : index
          %get3A_2095 = tpu.vector_load %arg6[%get3A_2093, %get3A_2094] {strides = array<i32>} : memref<128x128xf32, #tpu.memory_space<vmem>>, vector<1x16xf32>,
          %get3A_2096 = vector.shape_cast %get3A_2095 : vector<1x16xf32> to vector<16xf32>
          %get3A_2097 = arith.index_cast %add3A_2051 : i32 to index
          %get3A_2098 = arith.constant 64 : index
          %get3A_2099 = tpu.vector_load %arg6[%get3A_2097, %get3A_2098] {strides = array<i32>} : memref<128x128xf32, #tpu.memory_space<vmem>>, vector<1x16xf32>,
          %get3A_2100 = vector.shape_cast %get3A_2099 : vector<1x16xf32> to vector<16xf32>
          %add3A_2101 = arith.addf %select_n3A_1975, %get3A_2100 : vector<16xf32>
          %select_n3A_2102 = arith.select %ne3A_2052, %get3A_2096, %add3A_2101 : vector<16xf32>
          %get3A_2103 = arith.index_cast %add3A_2051 : i32 to index
          %get3A_2104 = arith.constant 80 : index
          %get3A_2105 = tpu.vector_load %arg6[%get3A_2103, %get3A_2104] {strides = array<i32>} : memref<128x128xf32, #tpu.memory_space<vmem>>, vector<1x16xf32>,
          %get3A_2106 = vector.shape_cast %get3A_2105 : vector<1x16xf32> to vector<16xf32>
          %get3A_2107 = arith.index_cast %add3A_2051 : i32 to index
          %get3A_2108 = arith.constant 80 : index
          %get3A_2109 = tpu.vector_load %arg6[%get3A_2107, %get3A_2108] {strides = array<i32>} : memref<128x128xf32, #tpu.memory_space<vmem>>, vector<1x16xf32>,
          %get3A_2110 = vector.shape_cast %get3A_2109 : vector<1x16xf32> to vector<16xf32>
          %add3A_2111 = arith.addf %select_n3A_1985, %get3A_2110 : vector<16xf32>
          %select_n3A_2112 = arith.select %ne3A_2052, %get3A_2106, %add3A_2111 : vector<16xf32>
          %get3A_2113 = arith.index_cast %add3A_2051 : i32 to index
          %get3A_2114 = arith.constant 96 : index
          %get3A_2115 = tpu.vector_load %arg6[%get3A_2113, %get3A_2114] {strides = array<i32>} : memref<128x128xf32, #tpu.memory_space<vmem>>, vector<1x16xf32>,
          %get3A_2116 = vector.shape_cast %get3A_2115 : vector<1x16xf32> to vector<16xf32>
          %get3A_2117 = arith.index_cast %add3A_2051 : i32 to index
          %get3A_2118 = arith.constant 96 : index
          %get3A_2119 = tpu.vector_load %arg6[%get3A_2117, %get3A_2118] {strides = array<i32>} : memref<128x128xf32, #tpu.memory_space<vmem>>, vector<1x16xf32>,
          %get3A_2120 = vector.shape_cast %get3A_2119 : vector<1x16xf32> to vector<16xf32>
          %add3A_2121 = arith.addf %select_n3A_1995, %get3A_2120 : vector<16xf32>
          %select_n3A_2122 = arith.select %ne3A_2052, %get3A_2116, %add3A_2121 : vector<16xf32>
          %get3A_2123 = arith.index_cast %add3A_2051 : i32 to index
          %get3A_2124 = arith.constant 112 : index
          %get3A_2125 = tpu.vector_load %arg6[%get3A_2123, %get3A_2124] {strides = array<i32>} : memref<128x128xf32, #tpu.memory_space<vmem>>, vector<1x16xf32>,
          %get3A_2126 = vector.shape_cast %get3A_2125 : vector<1x16xf32> to vector<16xf32>
          %get3A_2127 = arith.index_cast %add3A_2051 : i32 to index
          %get3A_2128 = arith.constant 112 : index
          %get3A_2129 = tpu.vector_load %arg6[%get3A_2127, %get3A_2128] {strides = array<i32>} : memref<128x128xf32, #tpu.memory_space<vmem>>, vector<1x16xf32>,
          %get3A_2130 = vector.shape_cast %get3A_2129 : vector<1x16xf32> to vector<16xf32>
          %add3A_2131 = arith.addf %select_n3A_2005, %get3A_2130 : vector<16xf32>
          %select_n3A_2132 = arith.select %ne3A_2052, %get3A_2126, %add3A_2131 : vector<16xf32>
          %swap3A_2133 = arith.index_cast %squeeze3A_2047 : i32 to index
          %swap3A_2134 = arith.constant 0 : index
          %swap3A_2135 = tpu.vector_load %arg7[%swap3A_2133, %swap3A_2134] {strides = array<i32>} : memref<256x128xf32, #tpu.memory_space<vmem>>, vector<1x16xf32>,
          %swap3A_2136 = vector.shape_cast %swap3A_2135 : vector<1x16xf32> to vector<16xf32>
          %swap3A_2137 = vector.shape_cast %select_n3A_2062 : vector<16xf32> to vector<1x16xf32>
          tpu.vector_store %arg7[%swap3A_2133, %swap3A_2134], %swap3A_2137 {strides = array<i32>} : memref<256x128xf32, #tpu.memory_space<vmem>>, vector<1x16xf32>,
          %swap3A_2138 = arith.index_cast %squeeze3A_2047 : i32 to index
          %swap3A_2139 = arith.constant 16 : index
          %swap3A_2140 = tpu.vector_load %arg7[%swap3A_2138, %swap3A_2139] {strides = array<i32>} : memref<256x128xf32, #tpu.memory_space<vmem>>, vector<1x16xf32>,
          %swap3A_2141 = vector.shape_cast %swap3A_2140 : vector<1x16xf32> to vector<16xf32>
          %swap3A_2142 = vector.shape_cast %select_n3A_2072 : vector<16xf32> to vector<1x16xf32>
          tpu.vector_store %arg7[%swap3A_2138, %swap3A_2139], %swap3A_2142 {strides = array<i32>} : memref<256x128xf32, #tpu.memory_space<vmem>>, vector<1x16xf32>,
          %swap3A_2143 = arith.index_cast %squeeze3A_2047 : i32 to index
          %swap3A_2144 = arith.constant 32 : index
          %swap3A_2145 = tpu.vector_load %arg7[%swap3A_2143, %swap3A_2144] {strides = array<i32>} : memref<256x128xf32, #tpu.memory_space<vmem>>, vector<1x16xf32>,
          %swap3A_2146 = vector.shape_cast %swap3A_2145 : vector<1x16xf32> to vector<16xf32>
          %swap3A_2147 = vector.shape_cast %select_n3A_2082 : vector<16xf32> to vector<1x16xf32>
          tpu.vector_store %arg7[%swap3A_2143, %swap3A_2144], %swap3A_2147 {strides = array<i32>} : memref<256x128xf32, #tpu.memory_space<vmem>>, vector<1x16xf32>,
          %swap3A_2148 = arith.index_cast %squeeze3A_2047 : i32 to index
          %swap3A_2149 = arith.constant 48 : index
          %swap3A_2150 = tpu.vector_load %arg7[%swap3A_2148, %swap3A_2149] {strides = array<i32>} : memref<256x128xf32, #tpu.memory_space<vmem>>, vector<1x16xf32>,
          %swap3A_2151 = vector.shape_cast %swap3A_2150 : vector<1x16xf32> to vector<16xf32>
          %swap3A_2152 = vector.shape_cast %select_n3A_2092 : vector<16xf32> to vector<1x16xf32>
          tpu.vector_store %arg7[%swap3A_2148, %swap3A_2149], %swap3A_2152 {strides = array<i32>} : memref<256x128xf32, #tpu.memory_space<vmem>>, vector<1x16xf32>,
          %swap3A_2153 = arith.index_cast %squeeze3A_2047 : i32 to index
          %swap3A_2154 = arith.constant 64 : index
          %swap3A_2155 = tpu.vector_load %arg7[%swap3A_2153, %swap3A_2154] {strides = array<i32>} : memref<256x128xf32, #tpu.memory_space<vmem>>, vector<1x16xf32>,
          %swap3A_2156 = vector.shape_cast %swap3A_2155 : vector<1x16xf32> to vector<16xf32>
          %swap3A_2157 = vector.shape_cast %select_n3A_2102 : vector<16xf32> to vector<1x16xf32>
          tpu.vector_store %arg7[%swap3A_2153, %swap3A_2154], %swap3A_2157 {strides = array<i32>} : memref<256x128xf32, #tpu.memory_space<vmem>>, vector<1x16xf32>,
          %swap3A_2158 = arith.index_cast %squeeze3A_2047 : i32 to index
          %swap3A_2159 = arith.constant 80 : index
          %swap3A_2160 = tpu.vector_load %arg7[%swap3A_2158, %swap3A_2159] {strides = array<i32>} : memref<256x128xf32, #tpu.memory_space<vmem>>, vector<1x16xf32>,
          %swap3A_2161 = vector.shape_cast %swap3A_2160 : vector<1x16xf32> to vector<16xf32>
          %swap3A_2162 = vector.shape_cast %select_n3A_2112 : vector<16xf32> to vector<1x16xf32>
          tpu.vector_store %arg7[%swap3A_2158, %swap3A_2159], %swap3A_2162 {strides = array<i32>} : memref<256x128xf32, #tpu.memory_space<vmem>>, vector<1x16xf32>,
          %swap3A_2163 = arith.index_cast %squeeze3A_2047 : i32 to index
          %swap3A_2164 = arith.constant 96 : index
          %swap3A_2165 = tpu.vector_load %arg7[%swap3A_2163, %swap3A_2164] {strides = array<i32>} : memref<256x128xf32, #tpu.memory_space<vmem>>, vector<1x16xf32>,
          %swap3A_2166 = vector.shape_cast %swap3A_2165 : vector<1x16xf32> to vector<16xf32>
          %swap3A_2167 = vector.shape_cast %select_n3A_2122 : vector<16xf32> to vector<1x16xf32>
          tpu.vector_store %arg7[%swap3A_2163, %swap3A_2164], %swap3A_2167 {strides = array<i32>} : memref<256x128xf32, #tpu.memory_space<vmem>>, vector<1x16xf32>,
          %swap3A_2168 = arith.index_cast %squeeze3A_2047 : i32 to index
          %swap3A_2169 = arith.constant 112 : index
          %swap3A_2170 = tpu.vector_load %arg7[%swap3A_2168, %swap3A_2169] {strides = array<i32>} : memref<256x128xf32, #tpu.memory_space<vmem>>, vector<1x16xf32>,
          %swap3A_2171 = vector.shape_cast %swap3A_2170 : vector<1x16xf32> to vector<16xf32>
          %swap3A_2172 = vector.shape_cast %select_n3A_2132 : vector<16xf32> to vector<1x16xf32>
          tpu.vector_store %arg7[%swap3A_2168, %swap3A_2169], %swap3A_2172 {strides = array<i32>} : memref<256x128xf32, #tpu.memory_space<vmem>>, vector<1x16xf32>,
          scf.yield %squeeze3A_2047, %select_n3A_2062, %select_n3A_2072, %select_n3A_2082, %select_n3A_2092, %select_n3A_2102, %select_n3A_2112, %select_n3A_2122, %select_n3A_2132 : i32, vector<16xf32>, vector<16xf32>, vector<16xf32>, vector<16xf32>, vector<16xf32>, vector<16xf32>, vector<16xf32>, vector<16xf32>
        }
        %scan3A_119 = arith.constant 8 : i32
        %add3A_120 = arith.constant 2 : i32
        %add3A_121 = arith.addi %add3A_106, %add3A_120 : i32
        %lt3A_122 = arith.constant 4 : i32
        %lt3A_123 = arith.cmpi slt, %add3A_121, %lt3A_122 : i32
        %convert_element_type3A_124 = arith.extui %lt3A_123 : i1 to i32
        %cond3A_125 = arith.constant 0 : i32
        %cond3A_126 = arith.cmpi ne, %convert_element_type3A_124, %cond3A_125 : i32
        scf.if %cond3A_126 {
          %mul3A_127 = arith.constant 128 : i32
          %mul3A_128 = arith.muli %add3A_121, %mul3A_127 : i32
          %add3A_129 = arith.addi %mul3A_38, %mul3A_128 : i32
          %dma_start3A_130 = arith.constant 0 : i32
          %dma_start3A_131 = tpu.memref_slice %arg2[%add3A_129, %dma_start3A_130] : memref<15360x128xf32, #tpu.memory_space<hbm>> -> memref<128x128xf32, #tpu.memory_space<hbm>>
          %dma_start3A_132 = arith.constant 0 : i32
          %dma_start3A_133 = tpu.memref_slice %arg2[%add3A_129, %dma_start3A_132] : memref<15360x128xf32, #tpu.memory_space<hbm>> -> memref<128x128xf32, #tpu.memory_space<hbm>>
          tpu.enqueue_dma source(%dma_start3A_133 : memref<128x128xf32, #tpu.memory_space<hbm>>) target(%arg6 : memref<128x128xf32, #tpu.memory_space<vmem>>) target_semaphore(%arg10 : memref<!tpu.dma_semaphore, #tpu.memory_space<semaphore_mem>>)
        } else {
        }
        scf.yield %scan3A_118#0, %scan3A_118#1, %scan3A_118#2, %scan3A_118#3, %scan3A_118#4, %scan3A_118#5, %scan3A_118#6, %scan3A_118#7, %scan3A_118#8 : i32, vector<16xf32>, vector<16xf32>, vector<16xf32>, vector<16xf32>, vector<16xf32>, vector<16xf32>, vector<16xf32>, vector<16xf32>
      }
      %scan3A_65 = arith.constant 2 : i32
      %mul3A_66 = arith.constant 256 : i32
      %mul3A_67 = arith.muli %select_n3A, %mul3A_66 : i32
      %mul3A_68 = arith.constant 128 : i32
      %mul3A_69 = arith.muli %select_n3A_30, %mul3A_68 : i32
      "tpu.region"() ({
        %run_scoped3A = tpu.sem_alloc : memref<!tpu.dma_semaphore, #tpu.memory_space<semaphore_mem>>
        %dma_start3A_70 = tpu.memref_slice %arg4[%mul3A_67, %mul3A_69] : memref<1024x768xf32, #tpu.memory_space<hbm>> -> memref<256x128xf32, #tpu.memory_space<hbm>>
        %dma_start3A_71 = tpu.memref_slice %arg4[%mul3A_67, %mul3A_69] : memref<1024x768xf32, #tpu.memory_space<hbm>> -> memref<256x128xf32, #tpu.memory_space<hbm>>
        tpu.enqueue_dma source(%arg7 : memref<256x128xf32, #tpu.memory_space<vmem>>) target(%dma_start3A_71 : memref<256x128xf32, #tpu.memory_space<hbm>>) target_semaphore(%run_scoped3A : memref<!tpu.dma_semaphore, #tpu.memory_space<semaphore_mem>>)
        %dma_wait3A = tpu.memref_slice %arg4[%mul3A_67, %mul3A_69] : memref<1024x768xf32, #tpu.memory_space<hbm>> -> memref<256x128xf32, #tpu.memory_space<hbm>>
        %dma_wait3A_72 = tpu.memref_slice %arg4[%mul3A_67, %mul3A_69] : memref<1024x768xf32, #tpu.memory_space<hbm>> -> memref<256x128xf32, #tpu.memory_space<hbm>>
        tpu.wait_dma2 semaphore(%run_scoped3A : memref<!tpu.dma_semaphore, #tpu.memory_space<semaphore_mem>>) src(%arg7 : memref<256x128xf32, #tpu.memory_space<vmem>>) dst(%dma_wait3A_72 : memref<256x128xf32, #tpu.memory_space<hbm>>)
        tpu.yield
      }) : () -> ()
    } else {
    }
    return
  }
}

module attributes {stable_mosaic.version = 14 : i64} {
  func.func @_combined_body(%arg0: i32, %arg1: i32, %arg2: memref<1x13xf32, #tpu.memory_space<vmem>>, %arg3: memref<1x1x256xi32, #tpu.memory_space<vmem>>, %arg4: memref<1x13x256x768xf32, #tpu.memory_space<vmem>>, %arg5: memref<1x256x768xf32, #tpu.memory_space<vmem>>, %arg6: memref<6x1x256x128xf32, #tpu.memory_space<vmem>>) attributes {dimension_semantics = [#tpu.dimension_semantics<parallel>, #tpu.dimension_semantics<arbitrary>], iteration_bounds = array<i64: 16, 2>, scalar_prefetch = 0 : i64, scratch_operands = 0 : i64, tpu.core_type = #tpu.core_type<tc>, window_params = [{pipeline_mode = #tpu.pipeline_mode<synchronous>, transform_indices = @transform_0, window_bounds = array<i64: 1, 13>}, {transform_indices = @transform_1, window_bounds = array<i64: 1, 1, 256>}, {transform_indices = @transform_2, window_bounds = array<i64: 1, 13, 256, 768>}, {transform_indices = @transform_3, window_bounds = array<i64: 1, 256, 768>}, {transform_indices = @transform_4, window_bounds = array<i64: 6, 1, 256, 128>}]} {
    %get3A = arith.constant 0 : index
    %get3A_0 = arith.constant 0 : index
    %get3A_1 = vector.load %arg2[%get3A, %get3A_0] : memref<1x13xf32, #tpu.memory_space<vmem>>, vector<1x13xf32>
    %get3A_2 = vector.shape_cast %get3A_1 : vector<1x13xf32> to vector<13xf32>
    %reduce_max3A = vector.shape_cast %get3A_2 : vector<13xf32> to vector<1x13xf32>
    %reduce_max3A_3 = arith.constant dense<0xFF800000> : vector<1xf32>
    %reduce_max3A_4 = vector.multi_reduction <maximumf>, %reduce_max3A, %reduce_max3A_3 [1] : vector<1x13xf32> to vector<1xf32>
    %reduce_max3A_5 = vector.shape_cast %reduce_max3A_4 : vector<1xf32> to vector<1x1xf32>
    %reduce_max3A_6 = vector.extract %reduce_max3A_5[0, 0] : f32 from vector<1x1xf32>
    %sub3A = vector.broadcast %reduce_max3A_6 : f32 to vector<13xf32>
    %sub3A_7 = arith.subf %get3A_2, %sub3A : vector<13xf32>
    %exp3A = math.exp %sub3A_7 : vector<13xf32>
    %reduce_sum3A = vector.shape_cast %exp3A : vector<13xf32> to vector<1x13xf32>
    %reduce_sum3A_8 = arith.constant dense<0.000000e+00> : vector<1xf32>
    %reduce_sum3A_9 = vector.multi_reduction <add>, %reduce_sum3A, %reduce_sum3A_8 [1] : vector<1x13xf32> to vector<1xf32>
    %reduce_sum3A_10 = vector.shape_cast %reduce_sum3A_9 : vector<1xf32> to vector<1x1xf32>
    %reduce_sum3A_11 = vector.extract %reduce_sum3A_10[0, 0] : f32 from vector<1x1xf32>
    %div3A = vector.broadcast %reduce_sum3A_11 : f32 to vector<13xf32>
    %div3A_12 = arith.divf %exp3A, %div3A : vector<13xf32>
    %get3A_13 = arith.constant 0 : index
    %get3A_14 = arith.constant 0 : index
    %get3A_15 = arith.constant 0 : index
    %get3A_16 = arith.constant 0 : index
    %get3A_17 = vector.load %arg4[%get3A_13, %get3A_14, %get3A_15, %get3A_16] : memref<1x13x256x768xf32, #tpu.memory_space<vmem>>, vector<1x1x256x768xf32>
    %get3A_18 = vector.shape_cast %get3A_17 : vector<1x1x256x768xf32> to vector<256x768xf32>
    %slice3A = vector.extract_strided_slice %div3A_12 {offsets = [0], sizes = [1], strides = [1]} : vector<13xf32> to vector<1xf32>
    %squeeze3A = vector.extract %slice3A[0] : f32 from vector<1xf32>
    %mul3A = vector.broadcast %squeeze3A : f32 to vector<256x768xf32>
    %mul3A_19 = arith.mulf %get3A_18, %mul3A : vector<256x768xf32>
    %get3A_20 = arith.constant 0 : index
    %get3A_21 = arith.constant 1 : index
    %get3A_22 = arith.constant 0 : index
    %get3A_23 = arith.constant 0 : index
    %get3A_24 = vector.load %arg4[%get3A_20, %get3A_21, %get3A_22, %get3A_23] : memref<1x13x256x768xf32, #tpu.memory_space<vmem>>, vector<1x1x256x768xf32>
    %get3A_25 = vector.shape_cast %get3A_24 : vector<1x1x256x768xf32> to vector<256x768xf32>
    %slice3A_26 = vector.extract_strided_slice %div3A_12 {offsets = [1], sizes = [1], strides = [1]} : vector<13xf32> to vector<1xf32>
    %squeeze3A_27 = vector.extract %slice3A_26[0] : f32 from vector<1xf32>
    %mul3A_28 = vector.broadcast %squeeze3A_27 : f32 to vector<256x768xf32>
    %mul3A_29 = arith.mulf %get3A_25, %mul3A_28 : vector<256x768xf32>
    %add3A = arith.addf %mul3A_19, %mul3A_29 : vector<256x768xf32>
    %get3A_30 = arith.constant 0 : index
    %get3A_31 = arith.constant 2 : index
    %get3A_32 = arith.constant 0 : index
    %get3A_33 = arith.constant 0 : index
    %get3A_34 = vector.load %arg4[%get3A_30, %get3A_31, %get3A_32, %get3A_33] : memref<1x13x256x768xf32, #tpu.memory_space<vmem>>, vector<1x1x256x768xf32>
    %get3A_35 = vector.shape_cast %get3A_34 : vector<1x1x256x768xf32> to vector<256x768xf32>
    %slice3A_36 = vector.extract_strided_slice %div3A_12 {offsets = [2], sizes = [1], strides = [1]} : vector<13xf32> to vector<1xf32>
    %squeeze3A_37 = vector.extract %slice3A_36[0] : f32 from vector<1xf32>
    %mul3A_38 = vector.broadcast %squeeze3A_37 : f32 to vector<256x768xf32>
    %mul3A_39 = arith.mulf %get3A_35, %mul3A_38 : vector<256x768xf32>
    %add3A_40 = arith.addf %add3A, %mul3A_39 : vector<256x768xf32>
    %get3A_41 = arith.constant 0 : index
    %get3A_42 = arith.constant 3 : index
    %get3A_43 = arith.constant 0 : index
    %get3A_44 = arith.constant 0 : index
    %get3A_45 = vector.load %arg4[%get3A_41, %get3A_42, %get3A_43, %get3A_44] : memref<1x13x256x768xf32, #tpu.memory_space<vmem>>, vector<1x1x256x768xf32>
    %get3A_46 = vector.shape_cast %get3A_45 : vector<1x1x256x768xf32> to vector<256x768xf32>
    %slice3A_47 = vector.extract_strided_slice %div3A_12 {offsets = [3], sizes = [1], strides = [1]} : vector<13xf32> to vector<1xf32>
    %squeeze3A_48 = vector.extract %slice3A_47[0] : f32 from vector<1xf32>
    %mul3A_49 = vector.broadcast %squeeze3A_48 : f32 to vector<256x768xf32>
    %mul3A_50 = arith.mulf %get3A_46, %mul3A_49 : vector<256x768xf32>
    %add3A_51 = arith.addf %add3A_40, %mul3A_50 : vector<256x768xf32>
    %get3A_52 = arith.constant 0 : index
    %get3A_53 = arith.constant 4 : index
    %get3A_54 = arith.constant 0 : index
    %get3A_55 = arith.constant 0 : index
    %get3A_56 = vector.load %arg4[%get3A_52, %get3A_53, %get3A_54, %get3A_55] : memref<1x13x256x768xf32, #tpu.memory_space<vmem>>, vector<1x1x256x768xf32>
    %get3A_57 = vector.shape_cast %get3A_56 : vector<1x1x256x768xf32> to vector<256x768xf32>
    %slice3A_58 = vector.extract_strided_slice %div3A_12 {offsets = [4], sizes = [1], strides = [1]} : vector<13xf32> to vector<1xf32>
    %squeeze3A_59 = vector.extract %slice3A_58[0] : f32 from vector<1xf32>
    %mul3A_60 = vector.broadcast %squeeze3A_59 : f32 to vector<256x768xf32>
    %mul3A_61 = arith.mulf %get3A_57, %mul3A_60 : vector<256x768xf32>
    %add3A_62 = arith.addf %add3A_51, %mul3A_61 : vector<256x768xf32>
    %get3A_63 = arith.constant 0 : index
    %get3A_64 = arith.constant 5 : index
    %get3A_65 = arith.constant 0 : index
    %get3A_66 = arith.constant 0 : index
    %get3A_67 = vector.load %arg4[%get3A_63, %get3A_64, %get3A_65, %get3A_66] : memref<1x13x256x768xf32, #tpu.memory_space<vmem>>, vector<1x1x256x768xf32>
    %get3A_68 = vector.shape_cast %get3A_67 : vector<1x1x256x768xf32> to vector<256x768xf32>
    %slice3A_69 = vector.extract_strided_slice %div3A_12 {offsets = [5], sizes = [1], strides = [1]} : vector<13xf32> to vector<1xf32>
    %squeeze3A_70 = vector.extract %slice3A_69[0] : f32 from vector<1xf32>
    %mul3A_71 = vector.broadcast %squeeze3A_70 : f32 to vector<256x768xf32>
    %mul3A_72 = arith.mulf %get3A_68, %mul3A_71 : vector<256x768xf32>
    %add3A_73 = arith.addf %add3A_62, %mul3A_72 : vector<256x768xf32>
    %get3A_74 = arith.constant 0 : index
    %get3A_75 = arith.constant 6 : index
    %get3A_76 = arith.constant 0 : index
    %get3A_77 = arith.constant 0 : index
    %get3A_78 = vector.load %arg4[%get3A_74, %get3A_75, %get3A_76, %get3A_77] : memref<1x13x256x768xf32, #tpu.memory_space<vmem>>, vector<1x1x256x768xf32>
    %get3A_79 = vector.shape_cast %get3A_78 : vector<1x1x256x768xf32> to vector<256x768xf32>
    %slice3A_80 = vector.extract_strided_slice %div3A_12 {offsets = [6], sizes = [1], strides = [1]} : vector<13xf32> to vector<1xf32>
    %squeeze3A_81 = vector.extract %slice3A_80[0] : f32 from vector<1xf32>
    %mul3A_82 = vector.broadcast %squeeze3A_81 : f32 to vector<256x768xf32>
    %mul3A_83 = arith.mulf %get3A_79, %mul3A_82 : vector<256x768xf32>
    %add3A_84 = arith.addf %add3A_73, %mul3A_83 : vector<256x768xf32>
    %get3A_85 = arith.constant 0 : index
    %get3A_86 = arith.constant 7 : index
    %get3A_87 = arith.constant 0 : index
    %get3A_88 = arith.constant 0 : index
    %get3A_89 = vector.load %arg4[%get3A_85, %get3A_86, %get3A_87, %get3A_88] : memref<1x13x256x768xf32, #tpu.memory_space<vmem>>, vector<1x1x256x768xf32>
    %get3A_90 = vector.shape_cast %get3A_89 : vector<1x1x256x768xf32> to vector<256x768xf32>
    %slice3A_91 = vector.extract_strided_slice %div3A_12 {offsets = [7], sizes = [1], strides = [1]} : vector<13xf32> to vector<1xf32>
    %squeeze3A_92 = vector.extract %slice3A_91[0] : f32 from vector<1xf32>
    %mul3A_93 = vector.broadcast %squeeze3A_92 : f32 to vector<256x768xf32>
    %mul3A_94 = arith.mulf %get3A_90, %mul3A_93 : vector<256x768xf32>
    %add3A_95 = arith.addf %add3A_84, %mul3A_94 : vector<256x768xf32>
    %get3A_96 = arith.constant 0 : index
    %get3A_97 = arith.constant 8 : index
    %get3A_98 = arith.constant 0 : index
    %get3A_99 = arith.constant 0 : index
    %get3A_100 = vector.load %arg4[%get3A_96, %get3A_97, %get3A_98, %get3A_99] : memref<1x13x256x768xf32, #tpu.memory_space<vmem>>, vector<1x1x256x768xf32>
    %get3A_101 = vector.shape_cast %get3A_100 : vector<1x1x256x768xf32> to vector<256x768xf32>
    %slice3A_102 = vector.extract_strided_slice %div3A_12 {offsets = [8], sizes = [1], strides = [1]} : vector<13xf32> to vector<1xf32>
    %squeeze3A_103 = vector.extract %slice3A_102[0] : f32 from vector<1xf32>
    %mul3A_104 = vector.broadcast %squeeze3A_103 : f32 to vector<256x768xf32>
    %mul3A_105 = arith.mulf %get3A_101, %mul3A_104 : vector<256x768xf32>
    %add3A_106 = arith.addf %add3A_95, %mul3A_105 : vector<256x768xf32>
    %get3A_107 = arith.constant 0 : index
    %get3A_108 = arith.constant 9 : index
    %get3A_109 = arith.constant 0 : index
    %get3A_110 = arith.constant 0 : index
    %get3A_111 = vector.load %arg4[%get3A_107, %get3A_108, %get3A_109, %get3A_110] : memref<1x13x256x768xf32, #tpu.memory_space<vmem>>, vector<1x1x256x768xf32>
    %get3A_112 = vector.shape_cast %get3A_111 : vector<1x1x256x768xf32> to vector<256x768xf32>
    %slice3A_113 = vector.extract_strided_slice %div3A_12 {offsets = [9], sizes = [1], strides = [1]} : vector<13xf32> to vector<1xf32>
    %squeeze3A_114 = vector.extract %slice3A_113[0] : f32 from vector<1xf32>
    %mul3A_115 = vector.broadcast %squeeze3A_114 : f32 to vector<256x768xf32>
    %mul3A_116 = arith.mulf %get3A_112, %mul3A_115 : vector<256x768xf32>
    %add3A_117 = arith.addf %add3A_106, %mul3A_116 : vector<256x768xf32>
    %get3A_118 = arith.constant 0 : index
    %get3A_119 = arith.constant 10 : index
    %get3A_120 = arith.constant 0 : index
    %get3A_121 = arith.constant 0 : index
    %get3A_122 = vector.load %arg4[%get3A_118, %get3A_119, %get3A_120, %get3A_121] : memref<1x13x256x768xf32, #tpu.memory_space<vmem>>, vector<1x1x256x768xf32>
    %get3A_123 = vector.shape_cast %get3A_122 : vector<1x1x256x768xf32> to vector<256x768xf32>
    %slice3A_124 = vector.extract_strided_slice %div3A_12 {offsets = [10], sizes = [1], strides = [1]} : vector<13xf32> to vector<1xf32>
    %squeeze3A_125 = vector.extract %slice3A_124[0] : f32 from vector<1xf32>
    %mul3A_126 = vector.broadcast %squeeze3A_125 : f32 to vector<256x768xf32>
    %mul3A_127 = arith.mulf %get3A_123, %mul3A_126 : vector<256x768xf32>
    %add3A_128 = arith.addf %add3A_117, %mul3A_127 : vector<256x768xf32>
    %get3A_129 = arith.constant 0 : index
    %get3A_130 = arith.constant 11 : index
    %get3A_131 = arith.constant 0 : index
    %get3A_132 = arith.constant 0 : index
    %get3A_133 = vector.load %arg4[%get3A_129, %get3A_130, %get3A_131, %get3A_132] : memref<1x13x256x768xf32, #tpu.memory_space<vmem>>, vector<1x1x256x768xf32>
    %get3A_134 = vector.shape_cast %get3A_133 : vector<1x1x256x768xf32> to vector<256x768xf32>
    %slice3A_135 = vector.extract_strided_slice %div3A_12 {offsets = [11], sizes = [1], strides = [1]} : vector<13xf32> to vector<1xf32>
    %squeeze3A_136 = vector.extract %slice3A_135[0] : f32 from vector<1xf32>
    %mul3A_137 = vector.broadcast %squeeze3A_136 : f32 to vector<256x768xf32>
    %mul3A_138 = arith.mulf %get3A_134, %mul3A_137 : vector<256x768xf32>
    %add3A_139 = arith.addf %add3A_128, %mul3A_138 : vector<256x768xf32>
    %get3A_140 = arith.constant 0 : index
    %get3A_141 = arith.constant 12 : index
    %get3A_142 = arith.constant 0 : index
    %get3A_143 = arith.constant 0 : index
    %get3A_144 = vector.load %arg4[%get3A_140, %get3A_141, %get3A_142, %get3A_143] : memref<1x13x256x768xf32, #tpu.memory_space<vmem>>, vector<1x1x256x768xf32>
    %get3A_145 = vector.shape_cast %get3A_144 : vector<1x1x256x768xf32> to vector<256x768xf32>
    %slice3A_146 = vector.extract_strided_slice %div3A_12 {offsets = [12], sizes = [1], strides = [1]} : vector<13xf32> to vector<1xf32>
    %squeeze3A_147 = vector.extract %slice3A_146[0] : f32 from vector<1xf32>
    %mul3A_148 = vector.broadcast %squeeze3A_147 : f32 to vector<256x768xf32>
    %mul3A_149 = arith.mulf %get3A_145, %mul3A_148 : vector<256x768xf32>
    %add3A_150 = arith.addf %add3A_139, %mul3A_149 : vector<256x768xf32>
    %lt3A = arith.constant 4 : i32
    %lt3A_151 = arith.cmpi slt, %arg0, %lt3A : i32
    %convert_element_type3A = arith.extui %lt3A_151 : i1 to i32
    %cond3A = arith.constant 0 : i32
    %cond3A_152 = arith.cmpi ne, %convert_element_type3A, %cond3A : i32
    scf.if %cond3A_152 {
      %slice3A_157 = vector.extract_strided_slice %add3A_150 {offsets = [0, 0], sizes = [256, 128], strides = [1, 1]} : vector<256x768xf32> to vector<256x128xf32>
      %swap3A = arith.constant 0 : index
      %swap3A_158 = arith.constant 0 : index
      %swap3A_159 = arith.constant 0 : index
      %swap3A_160 = arith.constant 0 : index
      %swap3A_161 = vector.load %arg6[%swap3A, %swap3A_158, %swap3A_159, %swap3A_160] : memref<6x1x256x128xf32, #tpu.memory_space<vmem>>, vector<1x1x256x128xf32>
      %swap3A_162 = vector.shape_cast %swap3A_161 : vector<1x1x256x128xf32> to vector<256x128xf32>
      %swap3A_163 = vector.shape_cast %slice3A_157 : vector<256x128xf32> to vector<1x1x256x128xf32>
      tpu.vector_store %arg6[%swap3A, %swap3A_158, %swap3A_159, %swap3A_160], %swap3A_163 {strides = array<i32>} : memref<6x1x256x128xf32, #tpu.memory_space<vmem>>, vector<1x1x256x128xf32>,
      %slice3A_164 = vector.extract_strided_slice %add3A_150 {offsets = [0, 128], sizes = [256, 128], strides = [1, 1]} : vector<256x768xf32> to vector<256x128xf32>
      %swap3A_165 = arith.constant 1 : index
      %swap3A_166 = arith.constant 0 : index
      %swap3A_167 = arith.constant 0 : index
      %swap3A_168 = arith.constant 0 : index
      %swap3A_169 = vector.load %arg6[%swap3A_165, %swap3A_166, %swap3A_167, %swap3A_168] : memref<6x1x256x128xf32, #tpu.memory_space<vmem>>, vector<1x1x256x128xf32>
      %swap3A_170 = vector.shape_cast %swap3A_169 : vector<1x1x256x128xf32> to vector<256x128xf32>
      %swap3A_171 = vector.shape_cast %slice3A_164 : vector<256x128xf32> to vector<1x1x256x128xf32>
      tpu.vector_store %arg6[%swap3A_165, %swap3A_166, %swap3A_167, %swap3A_168], %swap3A_171 {strides = array<i32>} : memref<6x1x256x128xf32, #tpu.memory_space<vmem>>, vector<1x1x256x128xf32>,
      %slice3A_172 = vector.extract_strided_slice %add3A_150 {offsets = [0, 256], sizes = [256, 128], strides = [1, 1]} : vector<256x768xf32> to vector<256x128xf32>
      %swap3A_173 = arith.constant 2 : index
      %swap3A_174 = arith.constant 0 : index
      %swap3A_175 = arith.constant 0 : index
      %swap3A_176 = arith.constant 0 : index
      %swap3A_177 = vector.load %arg6[%swap3A_173, %swap3A_174, %swap3A_175, %swap3A_176] : memref<6x1x256x128xf32, #tpu.memory_space<vmem>>, vector<1x1x256x128xf32>
      %swap3A_178 = vector.shape_cast %swap3A_177 : vector<1x1x256x128xf32> to vector<256x128xf32>
      %swap3A_179 = vector.shape_cast %slice3A_172 : vector<256x128xf32> to vector<1x1x256x128xf32>
      tpu.vector_store %arg6[%swap3A_173, %swap3A_174, %swap3A_175, %swap3A_176], %swap3A_179 {strides = array<i32>} : memref<6x1x256x128xf32, #tpu.memory_space<vmem>>, vector<1x1x256x128xf32>,
      %slice3A_180 = vector.extract_strided_slice %add3A_150 {offsets = [0, 384], sizes = [256, 128], strides = [1, 1]} : vector<256x768xf32> to vector<256x128xf32>
      %swap3A_181 = arith.constant 3 : index
      %swap3A_182 = arith.constant 0 : index
      %swap3A_183 = arith.constant 0 : index
      %swap3A_184 = arith.constant 0 : index
      %swap3A_185 = vector.load %arg6[%swap3A_181, %swap3A_182, %swap3A_183, %swap3A_184] : memref<6x1x256x128xf32, #tpu.memory_space<vmem>>, vector<1x1x256x128xf32>
      %swap3A_186 = vector.shape_cast %swap3A_185 : vector<1x1x256x128xf32> to vector<256x128xf32>
      %swap3A_187 = vector.shape_cast %slice3A_180 : vector<256x128xf32> to vector<1x1x256x128xf32>
      tpu.vector_store %arg6[%swap3A_181, %swap3A_182, %swap3A_183, %swap3A_184], %swap3A_187 {strides = array<i32>} : memref<6x1x256x128xf32, #tpu.memory_space<vmem>>, vector<1x1x256x128xf32>,
      %slice3A_188 = vector.extract_strided_slice %add3A_150 {offsets = [0, 512], sizes = [256, 128], strides = [1, 1]} : vector<256x768xf32> to vector<256x128xf32>
      %swap3A_189 = arith.constant 4 : index
      %swap3A_190 = arith.constant 0 : index
      %swap3A_191 = arith.constant 0 : index
      %swap3A_192 = arith.constant 0 : index
      %swap3A_193 = vector.load %arg6[%swap3A_189, %swap3A_190, %swap3A_191, %swap3A_192] : memref<6x1x256x128xf32, #tpu.memory_space<vmem>>, vector<1x1x256x128xf32>
      %swap3A_194 = vector.shape_cast %swap3A_193 : vector<1x1x256x128xf32> to vector<256x128xf32>
      %swap3A_195 = vector.shape_cast %slice3A_188 : vector<256x128xf32> to vector<1x1x256x128xf32>
      tpu.vector_store %arg6[%swap3A_189, %swap3A_190, %swap3A_191, %swap3A_192], %swap3A_195 {strides = array<i32>} : memref<6x1x256x128xf32, #tpu.memory_space<vmem>>, vector<1x1x256x128xf32>,
      %slice3A_196 = vector.extract_strided_slice %add3A_150 {offsets = [0, 640], sizes = [256, 128], strides = [1, 1]} : vector<256x768xf32> to vector<256x128xf32>
      %swap3A_197 = arith.constant 5 : index
      %swap3A_198 = arith.constant 0 : index
      %swap3A_199 = arith.constant 0 : index
      %swap3A_200 = arith.constant 0 : index
      %swap3A_201 = vector.load %arg6[%swap3A_197, %swap3A_198, %swap3A_199, %swap3A_200] : memref<6x1x256x128xf32, #tpu.memory_space<vmem>>, vector<1x1x256x128xf32>
      %swap3A_202 = vector.shape_cast %swap3A_201 : vector<1x1x256x128xf32> to vector<256x128xf32>
      %swap3A_203 = vector.shape_cast %slice3A_196 : vector<256x128xf32> to vector<1x1x256x128xf32>
      tpu.vector_store %arg6[%swap3A_197, %swap3A_198, %swap3A_199, %swap3A_200], %swap3A_203 {strides = array<i32>} : memref<6x1x256x128xf32, #tpu.memory_space<vmem>>, vector<1x1x256x128xf32>,
    } else {
    }
    %ge3A = arith.constant 4 : i32
    %ge3A_153 = arith.cmpi sge, %arg0, %ge3A : i32
    %convert_element_type3A_154 = arith.extui %ge3A_153 : i1 to i32
    %cond3A_155 = arith.constant 0 : i32
    %cond3A_156 = arith.cmpi ne, %convert_element_type3A_154, %cond3A_155 : i32
    scf.if %cond3A_156 {
      %get3A_157 = arith.constant 0 : index
      %get3A_158 = arith.constant 0 : index
      %get3A_159 = arith.constant 0 : index
      %get3A_160 = vector.load %arg3[%get3A_157, %get3A_158, %get3A_159] : memref<1x1x256xi32, #tpu.memory_space<vmem>>, vector<1x1x256xi32>
      %get3A_161 = vector.shape_cast %get3A_160 : vector<1x1x256xi32> to vector<256xi32>
      %broadcast_in_dim3A = vector.shape_cast %get3A_161 : vector<256xi32> to vector<256x1xi32>
      %iota3A = tpu.iota {dimensions = array<i32: 1>} : vector<256x256xi32>
      %eq3A = vector.broadcast %broadcast_in_dim3A : vector<256x1xi32> to vector<256x256xi32>
      %eq3A_162 = arith.cmpi eq, %eq3A, %iota3A : vector<256x256xi32>
      %convert_element_type3A_163 = arith.extui %eq3A_162 : vector<256x256xi1> to vector<256x256xi32>
      %convert_element_type3A_164 = arith.sitofp %convert_element_type3A_163 : vector<256x256xi32> to vector<256x256xf32>
      %dot_general3A = arith.constant dense<0.000000e+00> : vector<256x768xf32>
      %dot_general3A_165 = tpu.matmul %convert_element_type3A_164, %add3A_150, %dot_general3A {dimension_numbers = #tpu.dot_dimension_numbers<[0], [0], [1], [1], [0, 1, 1, 1], [], []>, precision = #tpu.contract_precision<fp32>, transpose_lhs_hint = false} : vector<256x256xf32>, vector<256x768xf32>, vector<256x768xf32> -> vector<256x768xf32>
      %eq3A_166 = arith.constant 0 : i32
      %eq3A_167 = arith.cmpi eq, %arg1, %eq3A_166 : i32
      %convert_element_type3A_168 = arith.extui %eq3A_167 : i1 to i32
      %cond3A_169 = arith.constant 0 : i32
      %cond3A_170 = arith.cmpi ne, %convert_element_type3A_168, %cond3A_169 : i32
      scf.if %cond3A_170 {
        %broadcast_in_dim3A_182 = arith.constant 0.000000e+00 : f32
        %broadcast_in_dim3A_183 = vector.broadcast %broadcast_in_dim3A_182 : f32 to vector<256x768xf32>
        %swap3A_184 = arith.constant 0 : index
        %swap3A_185 = arith.constant 0 : index
        %swap3A_186 = arith.constant 0 : index
        %swap3A_187 = vector.load %arg5[%swap3A_184, %swap3A_185, %swap3A_186] : memref<1x256x768xf32, #tpu.memory_space<vmem>>, vector<1x256x768xf32>
        %swap3A_188 = vector.shape_cast %swap3A_187 : vector<1x256x768xf32> to vector<256x768xf32>
        %swap3A_189 = vector.shape_cast %broadcast_in_dim3A_183 : vector<256x768xf32> to vector<1x256x768xf32>
        tpu.vector_store %arg5[%swap3A_184, %swap3A_185, %swap3A_186], %swap3A_189 {strides = array<i32>} : memref<1x256x768xf32, #tpu.memory_space<vmem>>, vector<1x256x768xf32>,
      } else {
      }
      %get3A_171 = arith.constant 0 : index
      %get3A_172 = arith.constant 0 : index
      %get3A_173 = arith.constant 0 : index
      %get3A_174 = vector.load %arg5[%get3A_171, %get3A_172, %get3A_173] : memref<1x256x768xf32, #tpu.memory_space<vmem>>, vector<1x256x768xf32>
      %get3A_175 = vector.shape_cast %get3A_174 : vector<1x256x768xf32> to vector<256x768xf32>
      %add3A_176 = arith.addf %get3A_175, %dot_general3A_165 : vector<256x768xf32>
      %swap3A = arith.constant 0 : index
      %swap3A_177 = arith.constant 0 : index
      %swap3A_178 = arith.constant 0 : index
      %swap3A_179 = vector.load %arg5[%swap3A, %swap3A_177, %swap3A_178] : memref<1x256x768xf32, #tpu.memory_space<vmem>>, vector<1x256x768xf32>
      %swap3A_180 = vector.shape_cast %swap3A_179 : vector<1x256x768xf32> to vector<256x768xf32>
      %swap3A_181 = vector.shape_cast %add3A_176 : vector<256x768xf32> to vector<1x256x768xf32>
      tpu.vector_store %arg5[%swap3A, %swap3A_177, %swap3A_178], %swap3A_181 {strides = array<i32>} : memref<1x256x768xf32, #tpu.memory_space<vmem>>, vector<1x256x768xf32>,
    } else {
    }
    return
  }
  func.func @transform_0(%arg0: i32, %arg1: i32) -> (i32, i32) {
    %c0_i32 = arith.constant 0 : i32
    %c0_i32_0 = arith.constant 0 : i32
    %c0_i32_1 = arith.constant 0 : i32
    return %c0_i32, %c0_i32_0 : i32, i32
  }
  func.func @transform_1(%arg0: i32, %arg1: i32) -> (i32, i32, i32) {
    %c0_i32 = arith.constant 0 : i32
    %c0_i32_0 = arith.constant 0 : i32
    return %arg0, %c0_i32, %arg1 : i32, i32, i32
  }
  func.func @transform_2(%arg0: i32, %arg1: i32) -> (i32, i32, i32, i32) {
    %c0_i32 = arith.constant 0 : i32
    %c0_i32_0 = arith.constant 0 : i32
    %c0_i32_1 = arith.constant 0 : i32
    return %arg0, %c0_i32, %arg1, %c0_i32_0 : i32, i32, i32, i32
  }
  func.func @transform_3(%arg0: i32, %arg1: i32) -> (i32, i32, i32) {
    %lt3A = arith.constant 4 : i32
    %lt3A_0 = arith.cmpi slt, %arg0, %lt3A : i32
    %jit3A = arith.constant 0 : i32
    %select_n3A = arith.select %lt3A_0, %jit3A, %arg0 : i32
    %c0_i32 = arith.constant 0 : i32
    %c0_i32_1 = arith.constant 0 : i32
    %c0_i32_2 = arith.constant 0 : i32
    return %select_n3A, %c0_i32, %c0_i32_1 : i32, i32, i32
  }
  func.func @transform_4(%arg0: i32, %arg1: i32) -> (i32, i32, i32, i32) {
    %min3A = arith.constant 4 : i32
    %min3A_0 = arith.minsi %arg0, %min3A : i32
    %c0_i32 = arith.constant 0 : i32
    %c0_i32_1 = arith.constant 0 : i32
    %c0_i32_2 = arith.constant 0 : i32
    return %c0_i32, %min3A_0, %arg1, %c0_i32_1 : i32, i32, i32, i32
  }
}

</mosaic_0001>

<sc_bundles>
// kernel: kernel.4.cloned.1.call-start
scs
__scs_entry_jumppad:
0x0: {  	(pc) =	sbr.rel $0x88, $3  }
0x1: {  	(tag) =	ssettag $0x0;
	lr =	simm.s32 $0x1  }
0x2: {  	[smem:$0x3F9E] =	sst lr;
	_ =	strace $0xD0000000  }
0x3: {  	_ = 	snop  }
0x4: {  	_ = 	snop  }
0x5: {  	_ = 	snop  }
0x6: {  	_ = 	snop  }
0x7: {  	_ = 	snop  }
__scs_overlays_trampoline_lowered:
0x8: {  	[smem:$0x3FAD] =	sst s0  }
0x9: {  	[smem:$0x3FAE] =	sst s1  }
0xa: {  	[smem:$0x3FAF] =	sst s2  }
0xb: {  	[smem:$0x3FB0] =	sst s3  }
0xc: {  	[smem:$0x3FB1] =	sst s4  }
0xd: {  	[smem:$0x3FB2] =	sst s5  }
0xe: {  	[smem:$0x3FB3] =	sst s6  }
0xf: {  	[smem:$0x3FB4] =	sst s7  }
0x10: {  	[smem:$0x3FB5] =	sst s8  }
0x11: {  	[smem:$0x3FB6] =	sst s9;
	s0 =	simm.s32 @!p0 $0x0  }
0x12: {  	s1 =	sld [smem:$0x3F9C];
	s0 =	simm.s32 @p0 $0x1  }
0x13: {  	[smem:$0x3FB7] =	sst s0;
	s0 =	simm.s32 @!p1 $0x0  }
0x14: {  	s2 =	sld [smem:$0x3F9B];
	s0 =	simm.s32 @p1 $0x1  }
0x15: {  	[smem:$0x3FB8] =	sst s0;
	s0 =	simm.s32 @!p2 $0x0  }
0x16: {  	s3 =	sld [smem:$0x3FDB];
	s0 =	simm.s32 @p2 $0x1  }
0x17: {  	s4 =	simm.s32 $0x1BF5;
	[smem:$0x3FBA] =	sst s0  }
0x18: {  	s0 =	sld [smem:$0x3F9D];
	_ =	swait.ge [sflag:s4], $0x0  }
0x19: {  	s7 =	sld [smem:$0x3F9E]  }
0x1a: {  	s8 =	sadd.s32 $0xFFFFE003, lr  }
0x1b: {  	s9 =	sadd.s32 $0xFFFFFEF7, lr;
	s5 =	simm.s32 $0xFFFFFFFF;
	p2 =	slt.u32 s8, $0xFFFFF086  }
0x1c: {  	p1 =	slt.u32 s9, $0xF7A;
	s5 =	simm.s32 @!p2 $0x0  }
0x1d: {  	s5 =	simm.s32 @p1 $0x1;
	p0 =	seq.s32 s7, s2  }
0x1e: {  	s7 =	smul.u32 @!p0 $0xF7A, s2;
	p2 =	seq.s32 @!p0 s5, $0x0  }
0x1f: {  	s9 =	smul.u32 $0xF7A, s1;
	s8 =	simm.s32 @!p0 $0x1BF5;
	p2 =	por !p2, p0  }
0x20: {  	[sflag:s8] =	ssyncset.s32 @!p0 $0xFFFFF086;
	s6 =	sadd.s32 @!p0 s3, s7;
	s7 =	simm.s32 @!p0 $0x108  }
0x21: {  	s3 =	sadd.s32 s3, s9;
	s6 =	sadd.s32 @!p0 $0x88, s6;
	s7 =	simm.s32 @p2 $0x1082  }
0x22: {  	[simem:s7], [sflag:s8] =	dma.local @!p0 [hbm:s6], $0xF7A  }
0x23: {  	s9 =	sor.u32 $0xD0000000, s2;
	s6 =	simm.s32 $0x108;
	_ =	swait.ge @!p0 [sflag:s8], $0x0  }
0x24: {  	s3 =	sadd.s32 $0x88, s3;
	s6 =	simm.s32 @!p1 $0x1082;
	[sflag:s4] =	ssyncset.s32 $0xFFFFF086  }
0x25: {  	[simem:s6], [sflag:s4] =	dma.local [hbm:s3], $0xF7A  }
0x26: {  	[smem:$0x3F9E] =	sst s1;
	(tag) =	ssettag s2;
	_ =	strace s9  }
0x27: {  	s1 =	sld [smem:$0x3FAE]  }
0x28: {  	s2 =	sld [smem:$0x3FAF]  }
0x29: {  	s4 =	sld [smem:$0x3FB1]  }
0x2a: {  	p0 =	seq.s32 s5, $0x0;
	s5 =	sld [smem:$0x3FB2]  }
0x2b: {  	s6 =	sld [smem:$0x3FB3]  }
0x2c: {  	s7 =	sld [smem:$0x3FB4]  }
0x2d: {  	s3 =	simm.s32 $0x108;
	s8 =	sld [smem:$0x3FB5]  }
0x2e: {  	s3 =	simm.s32 @!p0 $0x1082;
	s9 =	sld [smem:$0x3FB6]  }
0x2f: {  	lr =	sadd.s32 s0, s3;
	s0 =	sld [smem:$0x3FAD]  }
0x30: {  	s3 =	sld [smem:$0x3FB0]  }
0x31: {  	[smem:$0x3FB9] =	sst s10  }
0x32: {  	s10 =	sld [smem:$0x3FB7];
	_ =	sdelay $0x3  }
0x33: {  	p0 =	seq.s32 s10, $0x1;
	s10 =	sld [smem:$0x3FB9];
	_ =	sdelay $0x3  }
0x34: {  	[smem:$0x3FB9] =	sst s10  }
0x35: {  	s10 =	sld [smem:$0x3FB8];
	_ =	sdelay $0x3  }
0x36: {  	p1 =	seq.s32 s10, $0x1;
	s10 =	sld [smem:$0x3FB9];
	_ =	sdelay $0x3  }
0x37: {  	[smem:$0x3FB9] =	sst s10  }
0x38: {  	s10 =	sld [smem:$0x3FBA]  }
0x39: {  	_ = 	snop;
	(pc) =	sbr.ind lr, $3  }
0x3a: {  	_ = 	snop  }
0x3b: {  	_ = 	snop  }
0x3c: {  	p2 =	seq.s32 s10, $0x1;
	s10 =	sld [smem:$0x3FB9]  }
0x3d: {  	_ =	shalt  }
0x3e: {  	_ =	shalt  }
0x3f: {  	_ =	shalt  }
0x40: {  	_ =	shalt  }
0x41: {  	_ =	shalt  }
0x42: {  	_ =	shalt  }
0x43: {  	_ =	shalt  }
0x44: {  	_ =	shalt  }
0x45: {  	_ =	shalt  }
0x46: {  	_ =	shalt  }
0x47: {  	_ =	shalt  }
0x48: {  	_ =	shalt  }
0x49: {  	_ =	shalt  }
0x4a: {  	_ =	shalt  }
0x4b: {  	_ =	shalt  }
0x4c: {  	_ =	shalt  }
0x4d: {  	_ =	shalt  }
0x4e: {  	_ =	shalt  }
0x4f: {  	_ =	shalt  }
0x50: {  	_ =	shalt  }
0x51: {  	_ =	shalt  }
0x52: {  	_ =	shalt  }
0x53: {  	_ =	shalt  }
0x54: {  	_ =	shalt  }
0x55: {  	_ =	shalt  }
0x56: {  	_ =	shalt  }
0x57: {  	_ =	shalt  }
0x58: {  	_ =	shalt  }
0x59: {  	_ =	shalt  }
0x5a: {  	_ =	shalt  }
0x5b: {  	_ =	shalt  }
0x5c: {  	_ =	shalt  }
0x5d: {  	_ =	shalt  }
0x5e: {  	_ =	shalt  }
0x5f: {  	_ =	shalt  }
0x60: {  	_ =	shalt  }
0x61: {  	_ =	shalt  }
0x62: {  	_ =	shalt  }
0x63: {  	_ =	shalt  }
0x64: {  	_ =	shalt  }
0x65: {  	_ =	shalt  }
0x66: {  	_ =	shalt  }
0x67: {  	_ =	shalt  }
0x68: {  	_ =	shalt  }
0x69: {  	_ =	shalt  }
0x6a: {  	_ =	shalt  }
0x6b: {  	_ =	shalt  }
0x6c: {  	_ =	shalt  }
0x6d: {  	_ =	shalt  }
0x6e: {  	_ =	shalt  }
0x6f: {  	_ =	shalt  }
0x70: {  	_ =	shalt  }
0x71: {  	_ =	shalt  }
0x72: {  	_ =	shalt  }
0x73: {  	_ =	shalt  }
0x74: {  	_ =	shalt  }
0x75: {  	_ =	shalt  }
0x76: {  	_ =	shalt  }
0x77: {  	_ =	shalt  }
0x78: {  	_ =	shalt  }
0x79: {  	_ =	shalt  }
0x7a: {  	_ =	shalt  }
0x7b: {  	_ =	shalt  }
0x7c: {  	_ =	shalt  }
0x7d: {  	_ =	shalt  }
0x7e: {  	_ =	shalt  }
0x7f: {  	_ =	shalt  }
0x80: {  	_ =	shalt  }
0x81: {  	_ =	shalt  }
0x82: {  	_ =	shalt  }
0x83: {  	_ =	shalt  }
0x84: {  	_ =	shalt  }
0x85: {  	_ =	shalt  }
0x86: {  	_ =	shalt  }
0x87: {  	_ =	shalt  }
.Lfunc_end0:
.L_simem_size_0:
called_computation_lowered:
.L_overlay_start_0:
0x88: {  	s2 =	sld [smem:$0x3FD9]  }
0x89: {  	s3 =	sld [smem:$0x3FFE];
	_ =	sdelay $0x1  }
0x8a: {  	s1 =	srdreg.scid  }
0x8b: {  	s0 =	sand.u32 $0x1, s1  }
0x8c: {  	s16 =	sshll.u32 s0, $0xA;
	s2 =	sadd.s32 s3, s2  }
0x8d: {  	s2 =	sadd.s32 s2, s16  }
0x8e: {  	[smem:$0x3FC5] =	sst s2  }
0x8f: {  	_ = 	snop  }
0x90: {  	(tm) =	ssettm $0x1  }
0x91: {  	s17 =	sld [smem:$0x3FFB];
	_ =	sdelay $0x3  }
0x92: {  	_ =	strace s17  }
0x93: {  	s2 =	sld [smem:$0x3FFC];
	_ =	sdelay $0x3  }
0x94: {  	_ =	strace s2  }
0x95: {  	s2 =	sld [smem:$0x3FFD];
	_ =	sdelay $0x3  }
0x96: {  	_ =	strace s2  }
0x97: {  	_ =	strace $0x8FFFFFFF  }
0x98: {  	s18 =	sld [smem:$0x3FDB];
	_ =	sdelay $0x1  }
0x99: {  	s19 =	simm.s32 $_scs_section_size  }
0x9a: {  	s4 =	simm.s32 $_size__tile_overlayer_lowered;
	s5 =	simm.s32 $_tile_overlayer_lowered  }
0x9b: {  	s22 =	simm.s32 $0x1BFF;
	s21 =	sshll.u32 s5, $0x1;
	s2 =	sadd.s32 s19, s18  }
0x9c: {  	s6 =	simm.s32 $0x0;
	s20 =	sshll.u32 s4, $0x1;
	s4 =	sadd.s32 s21, s2  }
0x9d: {  	[timem:s6], [sflag:s22] =	dma.local [hbm:s4], s20  }
0x9e: {  	_ =	swait.ge [sflag:s22], s20  }
0x9f: {  	s3 =	ssub.s32 $0x0, s20;
	[sflag:s22] =	ssyncset.done $0x0  }
0xa0: {  	[sflag:s22] =	ssyncadd.s32 s3;
	_ =	sdelay $0x1  }
0xa1: {  	s23 =	simm.s32 $0x1B8B  }
0xa2: {  	_ =	swait.ge [sflag:s23], $0x1  }
0xa3: {  	[sflag:s23] =	ssyncset.done $0x0  }
0xa4: {  	s25 =	simm.s32 $0x1B8E;
	s24 =	sld [smem:$0x3FFE];
	[sflag:s23] =	ssyncadd.s32 $0xFFFFFFFF  }
0xa5: {  	s26 =	simm.s32 $execute0_lowered;
	[smem:$0x3FD2] =	sst s25  }
0xa6: {  	s4 =	sshll.u32 s26, $0x1;
	_ =	strace $0x80000046;
	[dreg:$0x1] =	wrdreg $0xFFFFFFFF  }
0xa7: {  	s28 =	simm.s32 $_size_execute0_lowered;
	s2 =	sadd.s32 s2, s4;
	[dreg:$0x0] =	wrdreg $0x0  }
0xa8: {  	s4 =	sshll.u32 s28, $0x1;
	[dreg:$0x2] =	wrdreg s2  }
0xa9: {  	[dreg:$0x3] =	wrdreg s4  }
0xaa: {  	[dreg:$0x4] =	wrdreg $0xC0  }
0xab: {  	_ =	task [dreg:s6], $0x5FFFF  }
0xac: {  	[dreg:$0x1] =	wrdreg $0xFFFFFFFF  }
0xad: {  	[dreg:$0x0] =	wrdreg $0x60  }
0xae: {  	[dreg:$0x2] =	wrdreg s24  }
0xaf: {  	[dreg:$0x3] =	wrdreg $0x9  }
0xb0: {  	_ =	task.clear_ibuf [dreg:s6], $0x4FFFF;
	_ =	strace $0x90000046  }
0xb1: {  	s29 =	simm.s32 $0x9;
	_ =	strace $0x80000048  }
0xb2: {  	_ =	swait.ge [sflag:s29], $0x1  }
0xb3: {  	[sflag:s29] =	ssyncadd.s32 $0xFFFFFFFF  }
0xb4: {  	_ =	strace $0x90000048  }
0xb5: {  	_ =	sfence  }
0xb6: {  	s30 =	sld [smem:$0x0];
	_ =	sdelay $0x2  }
0xb7: {  	s31 =	sshll.u32 s1, $0xD;
	s1 =	sshrl.u32 s1, $0x2  }
0xb8: {  	s3 =	sand.u32 $0x4000, s31;
	s1 =	sadd.s32 s1, s30  }
0xb9: {  	s0 =	sor.u32 s3, s0;
	s1 =	sshll.u32 s1, $0x11  }
0xba: {  	s0 =	sor.u32 s1, s0  }
0xbb: {  	s0 =	sadd.s32 $0x8F2B, s0  }
0xbc: {  	[sflag:s0] =	ssyncadd.remote.s32 $0x1  }
0xbd: {  	_ =	sfence.sel $0xFFFF  }
0xbe: {  	[dreg:$0x0] =	wrdreg $0xFFFFFFFF;
	(pc) =	sbr.abs _section_cstart, $3  }
0xbf: {  	[dreg:$0x1] =	wrdreg $0xFFFFFFFF  }
0xc0: {  	_ =	task.clear_ibuf [dreg:s6], $0x2FFFF;
	_ =	strace $0x9FFFFFFF  }
0xc1: {  	(tm) =	ssettm $0x7FFFFFFF  }
tec
execute0_lowered:
.L_overlay_start_1:
0x0: {  	(tag) =	ssettag $0x1  }
0x1: {  	s1 =	stileid.u32  }
0x2: {  	p0 =	sgt.u32 s1, $0xB  }
.Ltmp0:
0x3: {  	_ = 	snop;
	(pc) =	sbr.rel @p0 .LBB2_11-.Ltmp0, $4  }
0x4: {  	_ = 	snop  }
0x5: {  	s7 =	rddreg [dreg:$0x0];
	s2 =	simm.s32 $0x0  }
0x6: {  	[smem:$0x7FF] =	sst s2  }
0x7: {  	s0 =	rddreg [dreg:$0x1];
	_ =	strace $0x80000047  }
0x8: {  	s3 =	srdreg.scid  }
0x9: {  	s26 =	sshll.u32 s1, $0x1;
	s8 =	sand.u32 $0x1, s3  }
0xa: {  	s3 =	sor.u32 s8, s26  }
0xb: {  	s4 =	smul.u32 $0x2B, s3;
	_ =	sdelay $0x1  }
0xc: {  	s5 =	smul.u32 $0x56, s1;
	s4 =	sshrl.u32 s4, $0x8  }
0xd: {  	s10 =	sadd.s32 $0xA00, s7;
	s14 =	simm.s32 $0x1;
	s4 =	smul.u32 $0x6, s4  }
0xe: {  	s15 =	simm.s32 $0x2;
	s16 =	simm.s32 $0x400;
	s17 =	simm.s32 $0x1800  }
0xf: {  	s9 =	sshrl.u32 s5, $0x8;
	s12 =	ssub.s32 $0x2, s8;
	s3 =	ssub.s32 s3, s4  }
0x10: {  	s5 =	smul.u32 $0x30000, s9;
	s13 =	sshrl.u32 s12, $0x1;
	s3 =	sand.u32 $0xFF, s3  }
0x11: {  	s18 =	simm.s32 $0x8000;
	s31 =	ssub.s32 s12, s13;
	s28 =	smul.u32 $0x5, s3  }
0x12: {  	s12 =	simm.s32 $0x3;
	s13 =	simm.s32 $0x4000;
	s6 =	sshll.u32 s3, $0xA  }
0x13: {  	s29 =	sor.u32 s5, s6;
	s5 =	sadd.s32 $0x1400, s7;
	s4 =	sadd.s32 s9, s28  }
0x14: {  	s9 =	sshll.u32 s9, $0x6;
	s3 =	sshll.u32 s4, $0xD;
	s4 =	sshrl.u32 s29, $0x3  }
0x15: {  	s9 =	sadd.s32 s10, s9;
	s10 =	smax.u32 s31, $0x1;
	s30 =	sadd.s32 s3, s7  }
0x16: {  	s11 =	sadd.s32 s4, s7;
	s7 =	sadd.s32 $0x2400, s7;
	s4 =	sadd.s32 $0xC00, s30  }
0x17: {  	v0 =	vimm.f32 $0.0e+00;
	s6 =	sadd.s32 $0x1C00, s30;
	s8 =	sadd.s32 $0x3CC00, s11;
	s11 =	simm.s32 $0x10000  }
.LBB2_2:
0x18: {  	s19 =	simm.s32 $0x0  }
0x19: {  	[tilespmem:s11], [sflag:$0x3] =	stream.linear.gather [hbm4b:s9+s19], $0x200, $0x38;
	[tilespmem:$0x10200] =	vst v63  }
0x1a: {  	_ =	swait.ge [sflag:s12], $0x200  }
0x1b: {  	[sflag:s12] =	ssyncset.done $0x0  }
0x1c: {  	s20 =	simm.s32 $0x200;
	s19 =	simm.s32 $0x0;
	[sflag:s12] =	ssyncadd.s32 $0xFFFFFE00  }
.LBB2_3:
0x1d: {  	p0 =	sne.s32 s20, $0x1FE00;
	[tilespmem:s19+$0x8070] =	vst v0  }
0x1e: {  	[tilespmem:s19+$0x8000] =	vst v0  }
0x1f: {  	[tilespmem:s19+$0x8010] =	vst v0  }
.Ltmp1:
0x20: {  	[tilespmem:s19+$0x8020] =	vst v0;
	(pc) =	sbr.rel @p0 .LBB2_3-.Ltmp1, $4  }
0x21: {  	[tilespmem:s19+$0x8030] =	vst v0  }
0x22: {  	[tilespmem:s19+$0x8040] =	vst v0  }
0x23: {  	[tilespmem:s19+$0x8050] =	vst v0  }
0x24: {  	[tilespmem:s19+$0x8060] =	vst v0;
	s19 =	sshra.s32 s20, $0x2;
	s20 =	sadd.s32 $0x200, s20  }
0x25: {  	[tilespmem:s19+$0x8070] =	vst v0  }
0x26: {  	[tilespmem:s19+$0x8000] =	vst v0  }
0x27: {  	[tilespmem:s19+$0x8010] =	vst v0  }
0x28: {  	[tilespmem:s19+$0x8020] =	vst v0  }
0x29: {  	[tilespmem:s19+$0x8030] =	vst v0  }
0x2a: {  	[tilespmem:s19+$0x8040] =	vst v0  }
0x2b: {  	[tilespmem:s19+$0x8050] =	vst v0  }
0x2c: {  	[tilespmem:s19+$0x8060] =	vst v0;
	s19 =	simm.s32 $0x0;
	v3 =	vimm.f32 $0.0e+00;
	v4 =	vimm.f32 $0.0e+00;
	p1 =	por $0x1, $0x1  }
0x2d: {  	v5 =	vimm.f32 $0.0e+00;
	v6 =	vimm.f32 $0.0e+00;
	v7 =	vimm.f32 $0.0e+00;
	s23 =	simm.s32 $0xFFFFFFFF;
	s21 =	smov.u32 s5;
	s20 =	simm.s32 $0x0  }
0x2e: {  	v8 =	vimm.f32 $0.0e+00;
	v10 =	vimm.f32 $0.0e+00;
	v9 =	vimm.f32 $0.0e+00;
	[tilespmem:s19], [sflag:$0x1] =	stream.linear.gather [hbm4b:s4+s19], $0x4000, $0x38;
	[tilespmem:$0x10200] =	vst v63  }
.LBB2_5:
0x2f: {  	s20 =	sshra.s32 s20, $0x2  }
0x30: {  	s21 =	sadd.s32 s3, s21;
	s22 =	sadd.s32 $0x10000, s20  }
0x31: {  	[tilespmem:s13], [sflag:$0x2] =	stream.linear.gather [hbm4b:s21+s19], $0x4000, $0x38;
	v1 =	vmov s22;
	[tilespmem:$0x10200] =	vst v63  }
0x32: {  	_ =	swait.ge [sflag:s14], $0x4000  }
0x33: {  	p0 =	por p1, p1;
	[sflag:s14] =	ssyncset.done $0x0  }
0x34: {  	s21 =	simm.s32 $0x400;
	s22 =	simm.s32 $0x0;
	[sflag:s14] =	ssyncadd.s32 $0xFFFFC000  }
.LBB2_6:
0x35: {  	s24 =	sshra.s32 s22, $0x2  }
0x36: {  	v2 =	vld.idx.msk [tilespmem:v1+s24+$0x0 ss:$0x1], $0xffff;
	_ =	sdelay $0x4  }
0x37: {  	(v2sf) =	vpush v2, $0x0;
	_ =	sdelay $0x9  }
0x38: {  	v11 =	vld [tilespmem:s21+$0xFFFFFC00]  }
0x39: {  	v12 =	vld [tilespmem:s21+$0xFFFFFC10]  }
0x3a: {  	v13 =	vld [tilespmem:s21+$0xFFFFFC20]  }
0x3b: {  	v14 =	vld [tilespmem:s21+$0xFFFFFC30]  }
0x3c: {  	v15 =	vld [tilespmem:s21+$0xFFFFFC40]  }
0x3d: {  	v16 =	vld [tilespmem:s21+$0xFFFFFC50];
	v9 =	vadd.f32 v11, v9;
	s31 =	spop (v2sf)  }
0x3e: {  	v17 =	vld [tilespmem:s21+$0xFFFFFC60];
	v10 =	vadd.f32 v12, v10;
	(v2sf) =	vpush v2, $0x1;
	p1 =	seq.s32 s31, s23;
	s25 =	sshll.u32 s31, $0x9  }
0x3f: {  	v8 =	vadd.f32 v13, v8;
	v9 =	vpsel p1, v9, v11;
	v11 =	vld [tilespmem:s21+$0xFFFFFC70];
	s23 =	sshra.s32 s25, $0x2  }
0x40: {  	v7 =	vadd.f32 v14, v7;
	v10 =	vpsel p1, v10, v12;
	[tilespmem:s23+$0x8000] =	vst v9  }
0x41: {  	v6 =	vadd.f32 v15, v6;
	v8 =	vpsel p1, v8, v13;
	[tilespmem:s23+$0x8010] =	vst v10  }
0x42: {  	v5 =	vadd.f32 v16, v5;
	v7 =	vpsel p1, v7, v14;
	[tilespmem:s23+$0x8020] =	vst v8  }
0x43: {  	v4 =	vadd.f32 v17, v4;
	v6 =	vpsel p1, v6, v15;
	[tilespmem:s23+$0x8030] =	vst v7  }
0x44: {  	v5 =	vpsel p1, v5, v16;
	[tilespmem:s23+$0x8040] =	vst v6;
	v3 =	vadd.f32 v11, v3  }
0x45: {  	v4 =	vpsel p1, v4, v17;
	[tilespmem:s23+$0x8050] =	vst v5  }
0x46: {  	[tilespmem:s23+$0x8060] =	vst v4;
	v3 =	vpsel p1, v3, v11  }
0x47: {  	[tilespmem:s23+$0x8070] =	vst v3  }
0x48: {  	v11 =	vld [tilespmem:s21+$0xFFFFFC80]  }
0x49: {  	v63 =	vld [tilespmem:s21+$0xFFFFFC90]  }
0x4a: {  	v20 =	vld [tilespmem:s21+$0xFFFFFCA0]  }
0x4b: {  	v21 =	vld [tilespmem:s21+$0xFFFFFCB0]  }
0x4c: {  	v22 =	vld [tilespmem:s21+$0xFFFFFCC0]  }
0x4d: {  	v23 =	vld [tilespmem:s21+$0xFFFFFCD0];
	s26 =	spop (v2sf);
	v9 =	vadd.f32 v11, v9  }
0x4e: {  	v24 =	vld [tilespmem:s21+$0xFFFFFCE0];
	(v2sf) =	vpush v2, $0x2;
	p2 =	seq.s32 s26, s31;
	v10 =	vadd.f32 v63, v10;
	s28 =	sshll.u32 s26, $0x9  }
0x4f: {  	v8 =	vadd.f32 v20, v8;
	s24 =	sshra.s32 s28, $0x2;
	v9 =	vpsel p2, v9, v11;
	v11 =	vld [tilespmem:s21+$0xFFFFFCF0]  }
0x50: {  	v7 =	vadd.f32 v21, v7;
	v10 =	vpsel p2, v10, v63;
	[tilespmem:s24+$0x8000] =	vst v9  }
0x51: {  	v6 =	vadd.f32 v22, v6;
	v8 =	vpsel p2, v8, v20;
	[tilespmem:s24+$0x8010] =	vst v10  }
0x52: {  	v5 =	vadd.f32 v23, v5;
	v7 =	vpsel p2, v7, v21;
	[tilespmem:s24+$0x8020] =	vst v8  }
0x53: {  	v4 =	vadd.f32 v24, v4;
	v6 =	vpsel p2, v6, v22;
	[tilespmem:s24+$0x8030] =	vst v7  }
0x54: {  	v5 =	vpsel p2, v5, v23;
	[tilespmem:s24+$0x8040] =	vst v6;
	v3 =	vadd.f32 v11, v3  }
0x55: {  	v4 =	vpsel p2, v4, v24;
	[tilespmem:s24+$0x8050] =	vst v5  }
0x56: {  	[tilespmem:s24+$0x8060] =	vst v4;
	v3 =	vpsel p2, v3, v11  }
0x57: {  	[tilespmem:s24+$0x8070] =	vst v3  }
0x58: {  	v11 =	vld [tilespmem:s21+$0xFFFFFD00]  }
0x59: {  	v25 =	vld [tilespmem:s21+$0xFFFFFD10]  }
0x5a: {  	v26 =	vld [tilespmem:s21+$0xFFFFFD20]  }
0x5b: {  	v27 =	vld [tilespmem:s21+$0xFFFFFD30]  }
0x5c: {  	v28 =	vld [tilespmem:s21+$0xFFFFFD40]  }
0x5d: {  	v29 =	vld [tilespmem:s21+$0xFFFFFD50];
	s29 =	spop (v2sf);
	v9 =	vadd.f32 v11, v9  }
0x5e: {  	v30 =	vld [tilespmem:s21+$0xFFFFFD60];
	(v2sf) =	vpush v2, $0x3;
	p3 =	seq.s32 s29, s26;
	s30 =	sshll.u32 s29, $0x9;
	v10 =	vadd.f32 v25, v10  }
0x5f: {  	v8 =	vadd.f32 v26, v8;
	s23 =	sshra.s32 s30, $0x2;
	v9 =	vpsel p3, v9, v11;
	v11 =	vld [tilespmem:s21+$0xFFFFFD70]  }
0x60: {  	v7 =	vadd.f32 v27, v7;
	v10 =	vpsel p3, v10, v25;
	[tilespmem:s23+$0x8000] =	vst v9  }
0x61: {  	v6 =	vadd.f32 v28, v6;
	v8 =	vpsel p3, v8, v26;
	[tilespmem:s23+$0x8010] =	vst v10  }
0x62: {  	v5 =	vadd.f32 v29, v5;
	v7 =	vpsel p3, v7, v27;
	[tilespmem:s23+$0x8020] =	vst v8  }
0x63: {  	v4 =	vadd.f32 v30, v4;
	v6 =	vpsel p3, v6, v28;
	[tilespmem:s23+$0x8030] =	vst v7  }
0x64: {  	v5 =	vpsel p3, v5, v29;
	[tilespmem:s23+$0x8040] =	vst v6;
	v3 =	vadd.f32 v11, v3  }
0x65: {  	v4 =	vpsel p3, v4, v30;
	[tilespmem:s23+$0x8050] =	vst v5  }
0x66: {  	[tilespmem:s23+$0x8060] =	vst v4;
	v3 =	vpsel p3, v3, v11  }
0x67: {  	[tilespmem:s23+$0x8070] =	vst v3  }
0x68: {  	v11 =	vld [tilespmem:s21+$0xFFFFFD80]  }
0x69: {  	v31 =	vld [tilespmem:s21+$0xFFFFFD90]  }
0x6a: {  	v32 =	vld [tilespmem:s21+$0xFFFFFDA0]  }
0x6b: {  	v33 =	vld [tilespmem:s21+$0xFFFFFDB0]  }
0x6c: {  	v34 =	vld [tilespmem:s21+$0xFFFFFDC0]  }
0x6d: {  	v35 =	vld [tilespmem:s21+$0xFFFFFDD0];
	s31 =	spop (v2sf);
	v9 =	vadd.f32 v11, v9  }
0x6e: {  	v36 =	vld [tilespmem:s21+$0xFFFFFDE0];
	(v2sf) =	vpush v2, $0x4;
	p4 =	seq.s32 s31, s29;
	s25 =	sshll.u32 s31, $0x9;
	v10 =	vadd.f32 v31, v10  }
0x6f: {  	s24 =	sshra.s32 s25, $0x2;
	v8 =	vadd.f32 v32, v8;
	v9 =	vpsel p4, v9, v11;
	v11 =	vld [tilespmem:s21+$0xFFFFFDF0]  }
0x70: {  	v7 =	vadd.f32 v33, v7;
	v10 =	vpsel p4, v10, v31;
	[tilespmem:s24+$0x8000] =	vst v9  }
0x71: {  	v6 =	vadd.f32 v34, v6;
	v8 =	vpsel p4, v8, v32;
	[tilespmem:s24+$0x8010] =	vst v10  }
0x72: {  	v5 =	vadd.f32 v35, v5;
	v7 =	vpsel p4, v7, v33;
	[tilespmem:s24+$0x8020] =	vst v8  }
0x73: {  	v4 =	vadd.f32 v36, v4;
	v6 =	vpsel p4, v6, v34;
	[tilespmem:s24+$0x8030] =	vst v7  }
0x74: {  	v5 =	vpsel p4, v5, v35;
	[tilespmem:s24+$0x8040] =	vst v6;
	v3 =	vadd.f32 v11, v3  }
0x75: {  	v4 =	vpsel p4, v4, v36;
	[tilespmem:s24+$0x8050] =	vst v5  }
0x76: {  	[tilespmem:s24+$0x8060] =	vst v4;
	v3 =	vpsel p4, v3, v11  }
0x77: {  	[tilespmem:s24+$0x8070] =	vst v3  }
0x78: {  	v11 =	vld [tilespmem:s21+$0xFFFFFE00]  }
0x79: {  	v37 =	vld [tilespmem:s21+$0xFFFFFE10]  }
0x7a: {  	v38 =	vld [tilespmem:s21+$0xFFFFFE20]  }
0x7b: {  	v39 =	vld [tilespmem:s21+$0xFFFFFE30]  }
0x7c: {  	v40 =	vld [tilespmem:s21+$0xFFFFFE40]  }
0x7d: {  	v41 =	vld [tilespmem:s21+$0xFFFFFE50];
	s26 =	spop (v2sf);
	v9 =	vadd.f32 v11, v9  }
0x7e: {  	v42 =	vld [tilespmem:s21+$0xFFFFFE60];
	(v2sf) =	vpush v2, $0x5;
	p5 =	seq.s32 s26, s31;
	s28 =	sshll.u32 s26, $0x9;
	v10 =	vadd.f32 v37, v10  }
0x7f: {  	s23 =	sshra.s32 s28, $0x2;
	v8 =	vadd.f32 v38, v8;
	v9 =	vpsel p5, v9, v11;
	v11 =	vld [tilespmem:s21+$0xFFFFFE70]  }
0x80: {  	v7 =	vadd.f32 v39, v7;
	v10 =	vpsel p5, v10, v37;
	[tilespmem:s23+$0x8000] =	vst v9  }
0x81: {  	v6 =	vadd.f32 v40, v6;
	v8 =	vpsel p5, v8, v38;
	[tilespmem:s23+$0x8010] =	vst v10  }
0x82: {  	v5 =	vadd.f32 v41, v5;
	v7 =	vpsel p5, v7, v39;
	[tilespmem:s23+$0x8020] =	vst v8  }
0x83: {  	v4 =	vadd.f32 v42, v4;
	v6 =	vpsel p5, v6, v40;
	[tilespmem:s23+$0x8030] =	vst v7  }
0x84: {  	v5 =	vpsel p5, v5, v41;
	[tilespmem:s23+$0x8040] =	vst v6;
	v3 =	vadd.f32 v11, v3  }
0x85: {  	v4 =	vpsel p5, v4, v42;
	[tilespmem:s23+$0x8050] =	vst v5  }
0x86: {  	[tilespmem:s23+$0x8060] =	vst v4;
	v3 =	vpsel p5, v3, v11  }
0x87: {  	[tilespmem:s23+$0x8070] =	vst v3  }
0x88: {  	v11 =	vld [tilespmem:s21+$0xFFFFFE80]  }
0x89: {  	v43 =	vld [tilespmem:s21+$0xFFFFFE90]  }
0x8a: {  	v44 =	vld [tilespmem:s21+$0xFFFFFEA0]  }
0x8b: {  	v45 =	vld [tilespmem:s21+$0xFFFFFEB0]  }
0x8c: {  	v46 =	vld [tilespmem:s21+$0xFFFFFEC0]  }
0x8d: {  	s29 =	spop (v2sf);
	v47 =	vld [tilespmem:s21+$0xFFFFFED0];
	v9 =	vadd.f32 v11, v9  }
0x8e: {  	v48 =	vld [tilespmem:s21+$0xFFFFFEE0];
	(v2sf) =	vpush v2, $0x6;
	p6 =	seq.s32 s29, s26;
	s30 =	sshll.u32 s29, $0x9;
	v10 =	vadd.f32 v43, v10  }
0x8f: {  	s24 =	sshra.s32 s30, $0x2;
	v8 =	vadd.f32 v44, v8;
	v9 =	vpsel p6, v9, v11;
	v11 =	vld [tilespmem:s21+$0xFFFFFEF0]  }
0x90: {  	v7 =	vadd.f32 v45, v7;
	v10 =	vpsel p6, v10, v43;
	[tilespmem:s24+$0x8000] =	vst v9  }
0x91: {  	v6 =	vadd.f32 v46, v6;
	v8 =	vpsel p6, v8, v44;
	[tilespmem:s24+$0x8010] =	vst v10  }
0x92: {  	v5 =	vadd.f32 v47, v5;
	v7 =	vpsel p6, v7, v45;
	[tilespmem:s24+$0x8020] =	vst v8  }
0x93: {  	v4 =	vadd.f32 v48, v4;
	v6 =	vpsel p6, v6, v46;
	[tilespmem:s24+$0x8030] =	vst v7  }
0x94: {  	v5 =	vpsel p6, v5, v47;
	[tilespmem:s24+$0x8040] =	vst v6;
	v3 =	vadd.f32 v11, v3  }
0x95: {  	v4 =	vpsel p6, v4, v48;
	[tilespmem:s24+$0x8050] =	vst v5  }
0x96: {  	[tilespmem:s24+$0x8060] =	vst v4;
	v3 =	vpsel p6, v3, v11  }
0x97: {  	[tilespmem:s24+$0x8070] =	vst v3  }
0x98: {  	v11 =	vld [tilespmem:s21+$0xFFFFFF00]  }
0x99: {  	v49 =	vld [tilespmem:s21+$0xFFFFFF10]  }
0x9a: {  	v50 =	vld [tilespmem:s21+$0xFFFFFF20]  }
0x9b: {  	v51 =	vld [tilespmem:s21+$0xFFFFFF30]  }
0x9c: {  	v52 =	vld [tilespmem:s21+$0xFFFFFF40]  }
0x9d: {  	s31 =	spop (v2sf);
	v53 =	vld [tilespmem:s21+$0xFFFFFF50];
	v9 =	vadd.f32 v11, v9  }
0x9e: {  	(v2sf) =	vpush v2, $0x7;
	p2 =	seq.s32 s31, s29;
	v54 =	vld [tilespmem:s21+$0xFFFFFF60];
	s25 =	sshll.u32 s31, $0x9;
	v10 =	vadd.f32 v49, v10  }
0x9f: {  	s23 =	sshra.s32 s25, $0x2;
	v8 =	vadd.f32 v50, v8;
	v9 =	vpsel p2, v9, v11;
	v11 =	vld [tilespmem:s21+$0xFFFFFF70]  }
0xa0: {  	v7 =	vadd.f32 v51, v7;
	v10 =	vpsel p2, v10, v49;
	[tilespmem:s23+$0x8000] =	vst v9  }
0xa1: {  	v6 =	vadd.f32 v52, v6;
	v8 =	vpsel p2, v8, v50;
	[tilespmem:s23+$0x8010] =	vst v10  }
0xa2: {  	v5 =	vadd.f32 v53, v5;
	v7 =	vpsel p2, v7, v51;
	[tilespmem:s23+$0x8020] =	vst v8  }
0xa3: {  	v4 =	vadd.f32 v54, v4;
	v6 =	vpsel p2, v6, v52;
	[tilespmem:s23+$0x8030] =	vst v7  }
0xa4: {  	v5 =	vpsel p2, v5, v53;
	[tilespmem:s23+$0x8040] =	vst v6;
	v3 =	vadd.f32 v11, v3  }
0xa5: {  	v4 =	vpsel p2, v4, v54;
	[tilespmem:s23+$0x8050] =	vst v5  }
0xa6: {  	[tilespmem:s23+$0x8060] =	vst v4;
	v3 =	vpsel p2, v3, v11  }
0xa7: {  	[tilespmem:s23+$0x8070] =	vst v3  }
0xa8: {  	v11 =	vld [tilespmem:s21+$0xFFFFFF80]  }
0xa9: {  	v55 =	vld [tilespmem:s21+$0xFFFFFF90]  }
0xaa: {  	v56 =	vld [tilespmem:s21+$0xFFFFFFA0]  }
0xab: {  	v57 =	vld [tilespmem:s21+$0xFFFFFFB0]  }
0xac: {  	v58 =	vld [tilespmem:s21+$0xFFFFFFC0]  }
0xad: {  	s26 =	spop (v2sf);
	v59 =	vld [tilespmem:s21+$0xFFFFFFD0];
	v9 =	vadd.f32 v11, v9  }
0xae: {  	(v2sf) =	vpush v2, $0x8;
	p3 =	seq.s32 s26, s31;
	s28 =	sshll.u32 s26, $0x9;
	v60 =	vld [tilespmem:s21+$0xFFFFFFE0];
	v10 =	vadd.f32 v55, v10  }
0xaf: {  	s24 =	sshra.s32 s28, $0x2;
	v8 =	vadd.f32 v56, v8;
	v9 =	vpsel p3, v9, v11;
	v11 =	vld [tilespmem:s21+$0xFFFFFFF0]  }
0xb0: {  	v7 =	vadd.f32 v57, v7;
	v10 =	vpsel p3, v10, v55;
	[tilespmem:s24+$0x8000] =	vst v9  }
0xb1: {  	v6 =	vadd.f32 v58, v6;
	v8 =	vpsel p3, v8, v56;
	[tilespmem:s24+$0x8010] =	vst v10  }
0xb2: {  	v5 =	vadd.f32 v59, v5;
	v7 =	vpsel p3, v7, v57;
	[tilespmem:s24+$0x8020] =	vst v8  }
0xb3: {  	v4 =	vadd.f32 v60, v4;
	v6 =	vpsel p3, v6, v58;
	[tilespmem:s24+$0x8030] =	vst v7  }
0xb4: {  	v5 =	vpsel p3, v5, v59;
	[tilespmem:s24+$0x8040] =	vst v6;
	v3 =	vadd.f32 v11, v3  }
0xb5: {  	v4 =	vpsel p3, v4, v60;
	[tilespmem:s24+$0x8050] =	vst v5  }
0xb6: {  	[tilespmem:s24+$0x8060] =	vst v4;
	v3 =	vpsel p3, v3, v11  }
0xb7: {  	[tilespmem:s24+$0x8070] =	vst v3  }
0xb8: {  	v11 =	vld [tilespmem:s21+$0x0]  }
0xb9: {  	v61 =	vld [tilespmem:s21+$0x10]  }
0xba: {  	v62 =	vld [tilespmem:s21+$0x20]  }
0xbb: {  	v63 =	vld [tilespmem:s21+$0x30]  }
0xbc: {  	v20 =	vld [tilespmem:s21+$0x40]  }
0xbd: {  	s29 =	spop (v2sf);
	v21 =	vld [tilespmem:s21+$0x50];
	v9 =	vadd.f32 v11, v9  }
0xbe: {  	(v2sf) =	vpush v2, $0x9;
	p4 =	seq.s32 s29, s26;
	s30 =	sshll.u32 s29, $0x9;
	v22 =	vld [tilespmem:s21+$0x60];
	v10 =	vadd.f32 v61, v10  }
0xbf: {  	s23 =	sshra.s32 s30, $0x2;
	v8 =	vadd.f32 v62, v8;
	v9 =	vpsel p4, v9, v11;
	v11 =	vld [tilespmem:s21+$0x70]  }
0xc0: {  	v7 =	vadd.f32 v63, v7;
	v10 =	vpsel p4, v10, v61;
	[tilespmem:s23+$0x8000] =	vst v9  }
0xc1: {  	v6 =	vadd.f32 v20, v6;
	v8 =	vpsel p4, v8, v62;
	[tilespmem:s23+$0x8010] =	vst v10  }
0xc2: {  	v5 =	vadd.f32 v21, v5;
	v7 =	vpsel p4, v7, v63;
	[tilespmem:s23+$0x8020] =	vst v8  }
0xc3: {  	v4 =	vadd.f32 v22, v4;
	v6 =	vpsel p4, v6, v20;
	[tilespmem:s23+$0x8030] =	vst v7  }
0xc4: {  	v5 =	vpsel p4, v5, v21;
	[tilespmem:s23+$0x8040] =	vst v6;
	v3 =	vadd.f32 v11, v3  }
0xc5: {  	v4 =	vpsel p4, v4, v22;
	[tilespmem:s23+$0x8050] =	vst v5  }
0xc6: {  	[tilespmem:s23+$0x8060] =	vst v4;
	v3 =	vpsel p4, v3, v11  }
0xc7: {  	[tilespmem:s23+$0x8070] =	vst v3  }
0xc8: {  	v11 =	vld [tilespmem:s21+$0x80]  }
0xc9: {  	v23 =	vld [tilespmem:s21+$0x90]  }
0xca: {  	v24 =	vld [tilespmem:s21+$0xA0]  }
0xcb: {  	v25 =	vld [tilespmem:s21+$0xB0]  }
0xcc: {  	v26 =	vld [tilespmem:s21+$0xC0]  }
0xcd: {  	s31 =	spop (v2sf);
	v27 =	vld [tilespmem:s21+$0xD0];
	v9 =	vadd.f32 v11, v9  }
0xce: {  	(v2sf) =	vpush v2, $0xA;
	p5 =	seq.s32 s31, s29;
	s25 =	sshll.u32 s31, $0x9;
	v28 =	vld [tilespmem:s21+$0xE0];
	v10 =	vadd.f32 v23, v10  }
0xcf: {  	s24 =	sshra.s32 s25, $0x2;
	v8 =	vadd.f32 v24, v8;
	v9 =	vpsel p5, v9, v11;
	v11 =	vld [tilespmem:s21+$0xF0]  }
0xd0: {  	v7 =	vadd.f32 v25, v7;
	v10 =	vpsel p5, v10, v23;
	[tilespmem:s24+$0x8000] =	vst v9  }
0xd1: {  	v6 =	vadd.f32 v26, v6;
	v8 =	vpsel p5, v8, v24;
	[tilespmem:s24+$0x8010] =	vst v10  }
0xd2: {  	v5 =	vadd.f32 v27, v5;
	v7 =	vpsel p5, v7, v25;
	[tilespmem:s24+$0x8020] =	vst v8  }
0xd3: {  	v4 =	vadd.f32 v28, v4;
	v6 =	vpsel p5, v6, v26;
	[tilespmem:s24+$0x8030] =	vst v7  }
0xd4: {  	v5 =	vpsel p5, v5, v27;
	[tilespmem:s24+$0x8040] =	vst v6;
	v3 =	vadd.f32 v11, v3  }
0xd5: {  	v4 =	vpsel p5, v4, v28;
	[tilespmem:s24+$0x8050] =	vst v5  }
0xd6: {  	[tilespmem:s24+$0x8060] =	vst v4;
	v3 =	vpsel p5, v3, v11  }
0xd7: {  	[tilespmem:s24+$0x8070] =	vst v3  }
0xd8: {  	v11 =	vld [tilespmem:s21+$0x100]  }
0xd9: {  	v29 =	vld [tilespmem:s21+$0x110]  }
0xda: {  	v30 =	vld [tilespmem:s21+$0x120]  }
0xdb: {  	v31 =	vld [tilespmem:s21+$0x130]  }
0xdc: {  	v32 =	vld [tilespmem:s21+$0x140]  }
0xdd: {  	s26 =	spop (v2sf);
	v33 =	vld [tilespmem:s21+$0x150];
	v9 =	vadd.f32 v11, v9  }
0xde: {  	(v2sf) =	vpush v2, $0xB;
	p6 =	seq.s32 s26, s31;
	s28 =	sshll.u32 s26, $0x9;
	v34 =	vld [tilespmem:s21+$0x160];
	v10 =	vadd.f32 v29, v10  }
0xdf: {  	s23 =	sshra.s32 s28, $0x2;
	v8 =	vadd.f32 v30, v8;
	v9 =	vpsel p6, v9, v11;
	v11 =	vld [tilespmem:s21+$0x170]  }
0xe0: {  	v7 =	vadd.f32 v31, v7;
	v10 =	vpsel p6, v10, v29;
	[tilespmem:s23+$0x8000] =	vst v9  }
0xe1: {  	v6 =	vadd.f32 v32, v6;
	v8 =	vpsel p6, v8, v30;
	[tilespmem:s23+$0x8010] =	vst v10  }
0xe2: {  	v5 =	vadd.f32 v33, v5;
	v7 =	vpsel p6, v7, v31;
	[tilespmem:s23+$0x8020] =	vst v8  }
0xe3: {  	v4 =	vadd.f32 v34, v4;
	v6 =	vpsel p6, v6, v32;
	[tilespmem:s23+$0x8030] =	vst v7  }
0xe4: {  	v5 =	vpsel p6, v5, v33;
	[tilespmem:s23+$0x8040] =	vst v6;
	v3 =	vadd.f32 v11, v3  }
0xe5: {  	v4 =	vpsel p6, v4, v34;
	[tilespmem:s23+$0x8050] =	vst v5  }
0xe6: {  	[tilespmem:s23+$0x8060] =	vst v4;
	v3 =	vpsel p6, v3, v11  }
0xe7: {  	[tilespmem:s23+$0x8070] =	vst v3  }
0xe8: {  	v11 =	vld [tilespmem:s21+$0x180]  }
0xe9: {  	v35 =	vld [tilespmem:s21+$0x190]  }
0xea: {  	v36 =	vld [tilespmem:s21+$0x1A0]  }
0xeb: {  	v37 =	vld [tilespmem:s21+$0x1B0]  }
0xec: {  	v38 =	vld [tilespmem:s21+$0x1C0]  }
0xed: {  	s29 =	spop (v2sf);
	v39 =	vld [tilespmem:s21+$0x1D0];
	v9 =	vadd.f32 v11, v9  }
0xee: {  	(v2sf) =	vpush v2, $0xC;
	p2 =	seq.s32 s29, s26;
	s30 =	sshll.u32 s29, $0x9;
	v40 =	vld [tilespmem:s21+$0x1E0];
	v10 =	vadd.f32 v35, v10  }
0xef: {  	s24 =	sshra.s32 s30, $0x2;
	v8 =	vadd.f32 v36, v8;
	v9 =	vpsel p2, v9, v11;
	v11 =	vld [tilespmem:s21+$0x1F0]  }
0xf0: {  	v7 =	vadd.f32 v37, v7;
	v10 =	vpsel p2, v10, v35;
	[tilespmem:s24+$0x8000] =	vst v9  }
0xf1: {  	v6 =	vadd.f32 v38, v6;
	v8 =	vpsel p2, v8, v36;
	[tilespmem:s24+$0x8010] =	vst v10  }
0xf2: {  	v5 =	vadd.f32 v39, v5;
	v7 =	vpsel p2, v7, v37;
	[tilespmem:s24+$0x8020] =	vst v8  }
0xf3: {  	v4 =	vadd.f32 v40, v4;
	v6 =	vpsel p2, v6, v38;
	[tilespmem:s24+$0x8030] =	vst v7  }
0xf4: {  	v5 =	vpsel p2, v5, v39;
	[tilespmem:s24+$0x8040] =	vst v6;
	v3 =	vadd.f32 v11, v3  }
0xf5: {  	v4 =	vpsel p2, v4, v40;
	[tilespmem:s24+$0x8050] =	vst v5  }
0xf6: {  	[tilespmem:s24+$0x8060] =	vst v4;
	v3 =	vpsel p2, v3, v11  }
0xf7: {  	[tilespmem:s24+$0x8070] =	vst v3  }
0xf8: {  	v11 =	vld [tilespmem:s21+$0x200]  }
0xf9: {  	v41 =	vld [tilespmem:s21+$0x210]  }
0xfa: {  	v42 =	vld [tilespmem:s21+$0x220]  }
0xfb: {  	v43 =	vld [tilespmem:s21+$0x230]  }
0xfc: {  	v44 =	vld [tilespmem:s21+$0x240]  }
0xfd: {  	s31 =	spop (v2sf);
	v45 =	vld [tilespmem:s21+$0x250];
	v9 =	vadd.f32 v11, v9  }
0xfe: {  	(v2sf) =	vpush v2, $0xD;
	p3 =	seq.s32 s31, s29;
	s25 =	sshll.u32 s31, $0x9;
	v46 =	vld [tilespmem:s21+$0x260];
	v10 =	vadd.f32 v41, v10  }
0xff: {  	s23 =	sshra.s32 s25, $0x2;
	v8 =	vadd.f32 v42, v8;
	v9 =	vpsel p3, v9, v11;
	v11 =	vld [tilespmem:s21+$0x270]  }
0x100: {  	v7 =	vadd.f32 v43, v7;
	v10 =	vpsel p3, v10, v41;
	[tilespmem:s23+$0x8000] =	vst v9  }
0x101: {  	v6 =	vadd.f32 v44, v6;
	v8 =	vpsel p3, v8, v42;
	[tilespmem:s23+$0x8010] =	vst v10  }
0x102: {  	v5 =	vadd.f32 v45, v5;
	v7 =	vpsel p3, v7, v43;
	[tilespmem:s23+$0x8020] =	vst v8  }
0x103: {  	v4 =	vadd.f32 v46, v4;
	v6 =	vpsel p3, v6, v44;
	[tilespmem:s23+$0x8030] =	vst v7  }
0x104: {  	v5 =	vpsel p3, v5, v45;
	[tilespmem:s23+$0x8040] =	vst v6;
	v3 =	vadd.f32 v11, v3  }
0x105: {  	v4 =	vpsel p3, v4, v46;
	[tilespmem:s23+$0x8050] =	vst v5  }
0x106: {  	[tilespmem:s23+$0x8060] =	vst v4;
	v3 =	vpsel p3, v3, v11  }
0x107: {  	[tilespmem:s23+$0x8070] =	vst v3  }
0x108: {  	v11 =	vld [tilespmem:s21+$0x280]  }
0x109: {  	v47 =	vld [tilespmem:s21+$0x290]  }
0x10a: {  	v48 =	vld [tilespmem:s21+$0x2A0]  }
0x10b: {  	v49 =	vld [tilespmem:s21+$0x2B0]  }
0x10c: {  	v50 =	vld [tilespmem:s21+$0x2C0]  }
0x10d: {  	s26 =	spop (v2sf);
	v51 =	vld [tilespmem:s21+$0x2D0];
	v9 =	vadd.f32 v11, v9  }
0x10e: {  	(v2sf) =	vpush v2, $0xE;
	p4 =	seq.s32 s26, s31;
	s28 =	sshll.u32 s26, $0x9;
	v52 =	vld [tilespmem:s21+$0x2E0];
	v10 =	vadd.f32 v47, v10  }
0x10f: {  	s24 =	sshra.s32 s28, $0x2;
	v8 =	vadd.f32 v48, v8;
	v9 =	vpsel p4, v9, v11;
	v11 =	vld [tilespmem:s21+$0x2F0]  }
0x110: {  	v7 =	vadd.f32 v49, v7;
	v10 =	vpsel p4, v10, v47;
	[tilespmem:s24+$0x8000] =	vst v9  }
0x111: {  	v6 =	vadd.f32 v50, v6;
	v8 =	vpsel p4, v8, v48;
	[tilespmem:s24+$0x8010] =	vst v10  }
0x112: {  	v5 =	vadd.f32 v51, v5;
	v7 =	vpsel p4, v7, v49;
	[tilespmem:s24+$0x8020] =	vst v8  }
0x113: {  	v4 =	vadd.f32 v52, v4;
	v6 =	vpsel p4, v6, v50;
	[tilespmem:s24+$0x8030] =	vst v7  }
0x114: {  	v5 =	vpsel p4, v5, v51;
	[tilespmem:s24+$0x8040] =	vst v6;
	v3 =	vadd.f32 v11, v3  }
0x115: {  	v4 =	vpsel p4, v4, v52;
	[tilespmem:s24+$0x8050] =	vst v5  }
0x116: {  	[tilespmem:s24+$0x8060] =	vst v4;
	v3 =	vpsel p4, v3, v11  }
0x117: {  	[tilespmem:s24+$0x8070] =	vst v3  }
0x118: {  	v11 =	vld [tilespmem:s21+$0x300]  }
0x119: {  	v53 =	vld [tilespmem:s21+$0x310]  }
0x11a: {  	v54 =	vld [tilespmem:s21+$0x320]  }
0x11b: {  	v55 =	vld [tilespmem:s21+$0x330]  }
0x11c: {  	v56 =	vld [tilespmem:s21+$0x340]  }
0x11d: {  	s29 =	spop (v2sf);
	v57 =	vld [tilespmem:s21+$0x350];
	v9 =	vadd.f32 v11, v9  }
0x11e: {  	(v2sf) =	vpush v2, $0xF;
	p5 =	seq.s32 s29, s26;
	s30 =	sshll.u32 s29, $0x9;
	v2 =	vld [tilespmem:s21+$0x360];
	v10 =	vadd.f32 v53, v10  }
0x11f: {  	s23 =	sshra.s32 s30, $0x2;
	v8 =	vadd.f32 v54, v8;
	v9 =	vpsel p5, v9, v11;
	v11 =	vld [tilespmem:s21+$0x370]  }
0x120: {  	v7 =	vadd.f32 v55, v7;
	v10 =	vpsel p5, v10, v53;
	[tilespmem:s23+$0x8000] =	vst v9  }
0x121: {  	v6 =	vadd.f32 v56, v6;
	v8 =	vpsel p5, v8, v54;
	[tilespmem:s23+$0x8010] =	vst v10  }
0x122: {  	v5 =	vadd.f32 v57, v5;
	v7 =	vpsel p5, v7, v55;
	[tilespmem:s23+$0x8020] =	vst v8  }
0x123: {  	v4 =	vadd.f32 v2, v4;
	v6 =	vpsel p5, v6, v56;
	[tilespmem:s23+$0x8030] =	vst v7  }
0x124: {  	v5 =	vpsel p5, v5, v57;
	[tilespmem:s23+$0x8040] =	vst v6;
	v3 =	vadd.f32 v11, v3  }
0x125: {  	v2 =	vpsel p5, v4, v2;
	[tilespmem:s23+$0x8050] =	vst v5  }
0x126: {  	[tilespmem:s23+$0x8060] =	vst v2;
	v3 =	vpsel p5, v3, v11  }
0x127: {  	[tilespmem:s23+$0x8070] =	vst v3  }
0x128: {  	v4 =	vld [tilespmem:s21+$0x380]  }
0x129: {  	v11 =	vld [tilespmem:s21+$0x390]  }
0x12a: {  	v58 =	vld [tilespmem:s21+$0x3A0]  }
0x12b: {  	v59 =	vld [tilespmem:s21+$0x3B0]  }
0x12c: {  	v61 =	vld [tilespmem:s21+$0x3D0]  }
0x12d: {  	v63 =	vld [tilespmem:s21+$0x3F0]  }
0x12e: {  	s23 =	spop (v2sf);
	v9 =	vadd.f32 v4, v9  }
0x12f: {  	v60 =	vld [tilespmem:s21+$0x3C0];
	p6 =	seq.s32 s23, s29;
	s31 =	sshll.u32 s23, $0x9;
	v10 =	vadd.f32 v11, v10  }
0x130: {  	v62 =	vld [tilespmem:s21+$0x3E0];
	s24 =	sshra.s32 s31, $0x2;
	v7 =	vadd.f32 v59, v7;
	v9 =	vpsel p6, v9, v4  }
0x131: {  	v5 =	vadd.f32 v61, v5;
	v10 =	vpsel p6, v10, v11;
	[tilespmem:s24+$0x8000] =	vst v9  }
0x132: {  	v3 =	vadd.f32 v63, v3;
	v4 =	vadd.f32 v58, v8;
	v7 =	vpsel p6, v7, v59;
	[tilespmem:s24+$0x8010] =	vst v10  }
0x133: {  	p1 =	sne.s32 s22, $0x1C0;
	v5 =	vpsel p6, v5, v61;
	[tilespmem:s24+$0x8030] =	vst v7  }
.Ltmp2:
0x134: {  	v3 =	vpsel p6, v3, v63;
	[tilespmem:s24+$0x8050] =	vst v5;
	v8 =	vpsel p6, v4, v58;
	v4 =	vadd.f32 v60, v6;
	(pc) =	sbr.rel @p1 .LBB2_6-.Ltmp2, $4  }
0x135: {  	v2 =	vadd.f32 v62, v2;
	[tilespmem:s24+$0x8070] =	vst v3  }
0x136: {  	[tilespmem:s24+$0x8020] =	vst v8;
	v6 =	vpsel p6, v4, v60  }
0x137: {  	v4 =	vpsel p6, v2, v62;
	[tilespmem:s24+$0x8040] =	vst v6  }
0x138: {  	s22 =	sadd.s32 $0x40, s22;
	s21 =	sadd.s32 $0x800, s21;
	[tilespmem:s24+$0x8060] =	vst v4  }
0x139: {  	s21 =	simm.s32 @p0 $0x0;
	s22 =	sadd.s32 $0x10080, s20  }
0x13a: {  	[tilespmem:s21], [sflag:$0x1] =	stream.linear.gather @p0 [hbm4b:s6+s21], $0x4000, $0x38;
	v1 =	vmov s22;
	[tilespmem:$0x10200] =	vst v63  }
0x13b: {  	_ =	swait.ge [sflag:s15], $0x4000  }
0x13c: {  	[sflag:s15] =	ssyncset.done $0x0  }
0x13d: {  	s20 =	simm.s32 $0x0;
	s21 =	simm.s32 $0x4400;
	[sflag:s15] =	ssyncadd.s32 $0xFFFFC000  }
.LBB2_8:
0x13e: {  	s22 =	sshra.s32 s20, $0x2  }
0x13f: {  	v2 =	vld.idx.msk [tilespmem:v1+s22+$0x0 ss:$0x1], $0xffff;
	_ =	sdelay $0x4  }
0x140: {  	(v2sf) =	vpush v2, $0x0;
	_ =	sdelay $0x9  }
0x141: {  	v11 =	vld [tilespmem:s21+$0xFFFFFC00]  }
0x142: {  	v12 =	vld [tilespmem:s21+$0xFFFFFC10]  }
0x143: {  	v13 =	vld [tilespmem:s21+$0xFFFFFC20]  }
0x144: {  	v14 =	vld [tilespmem:s21+$0xFFFFFC30]  }
0x145: {  	v15 =	vld [tilespmem:s21+$0xFFFFFC40]  }
0x146: {  	v16 =	vld [tilespmem:s21+$0xFFFFFC50];
	v9 =	vadd.f32 v11, v9;
	s29 =	spop (v2sf)  }
0x147: {  	v17 =	vld [tilespmem:s21+$0xFFFFFC60];
	v10 =	vadd.f32 v12, v10;
	(v2sf) =	vpush v2, $0x1;
	p1 =	seq.s32 s29, s23;
	s30 =	sshll.u32 s29, $0x9  }
0x148: {  	v8 =	vadd.f32 v13, v8;
	v9 =	vpsel p1, v9, v11;
	v11 =	vld [tilespmem:s21+$0xFFFFFC70];
	s23 =	sshra.s32 s30, $0x2  }
0x149: {  	v7 =	vadd.f32 v14, v7;
	v10 =	vpsel p1, v10, v12;
	[tilespmem:s23+$0x8000] =	vst v9  }
0x14a: {  	v6 =	vadd.f32 v15, v6;
	v8 =	vpsel p1, v8, v13;
	[tilespmem:s23+$0x8010] =	vst v10  }
0x14b: {  	v5 =	vadd.f32 v16, v5;
	v7 =	vpsel p1, v7, v14;
	[tilespmem:s23+$0x8020] =	vst v8  }
0x14c: {  	v4 =	vadd.f32 v17, v4;
	v6 =	vpsel p1, v6, v15;
	[tilespmem:s23+$0x8030] =	vst v7  }
0x14d: {  	v5 =	vpsel p1, v5, v16;
	[tilespmem:s23+$0x8040] =	vst v6;
	v3 =	vadd.f32 v11, v3  }
0x14e: {  	v4 =	vpsel p1, v4, v17;
	[tilespmem:s23+$0x8050] =	vst v5  }
0x14f: {  	[tilespmem:s23+$0x8060] =	vst v4;
	v3 =	vpsel p1, v3, v11  }
0x150: {  	[tilespmem:s23+$0x8070] =	vst v3  }
0x151: {  	v11 =	vld [tilespmem:s21+$0xFFFFFC80]  }
0x152: {  	v63 =	vld [tilespmem:s21+$0xFFFFFC90]  }
0x153: {  	v20 =	vld [tilespmem:s21+$0xFFFFFCA0]  }
0x154: {  	v21 =	vld [tilespmem:s21+$0xFFFFFCB0]  }
0x155: {  	v22 =	vld [tilespmem:s21+$0xFFFFFCC0]  }
0x156: {  	v23 =	vld [tilespmem:s21+$0xFFFFFCD0];
	s31 =	spop (v2sf);
	v9 =	vadd.f32 v11, v9  }
0x157: {  	v24 =	vld [tilespmem:s21+$0xFFFFFCE0];
	(v2sf) =	vpush v2, $0x2;
	p2 =	seq.s32 s31, s29;
	v10 =	vadd.f32 v63, v10;
	s24 =	sshll.u32 s31, $0x9  }
0x158: {  	v8 =	vadd.f32 v20, v8;
	s22 =	sshra.s32 s24, $0x2;
	v9 =	vpsel p2, v9, v11;
	v11 =	vld [tilespmem:s21+$0xFFFFFCF0]  }
0x159: {  	v7 =	vadd.f32 v21, v7;
	v10 =	vpsel p2, v10, v63;
	[tilespmem:s22+$0x8000] =	vst v9  }
0x15a: {  	v6 =	vadd.f32 v22, v6;
	v8 =	vpsel p2, v8, v20;
	[tilespmem:s22+$0x8010] =	vst v10  }
0x15b: {  	v5 =	vadd.f32 v23, v5;
	v7 =	vpsel p2, v7, v21;
	[tilespmem:s22+$0x8020] =	vst v8  }
0x15c: {  	v4 =	vadd.f32 v24, v4;
	v6 =	vpsel p2, v6, v22;
	[tilespmem:s22+$0x8030] =	vst v7  }
0x15d: {  	v5 =	vpsel p2, v5, v23;
	[tilespmem:s22+$0x8040] =	vst v6;
	v3 =	vadd.f32 v11, v3  }
0x15e: {  	v4 =	vpsel p2, v4, v24;
	[tilespmem:s22+$0x8050] =	vst v5  }
0x15f: {  	[tilespmem:s22+$0x8060] =	vst v4;
	v3 =	vpsel p2, v3, v11  }
0x160: {  	[tilespmem:s22+$0x8070] =	vst v3  }
0x161: {  	v11 =	vld [tilespmem:s21+$0xFFFFFD00]  }
0x162: {  	v25 =	vld [tilespmem:s21+$0xFFFFFD10]  }
0x163: {  	v26 =	vld [tilespmem:s21+$0xFFFFFD20]  }
0x164: {  	v27 =	vld [tilespmem:s21+$0xFFFFFD30]  }
0x165: {  	v28 =	vld [tilespmem:s21+$0xFFFFFD40]  }
0x166: {  	v29 =	vld [tilespmem:s21+$0xFFFFFD50];
	s25 =	spop (v2sf);
	v9 =	vadd.f32 v11, v9  }
0x167: {  	v30 =	vld [tilespmem:s21+$0xFFFFFD60];
	(v2sf) =	vpush v2, $0x3;
	p3 =	seq.s32 s25, s31;
	s26 =	sshll.u32 s25, $0x9;
	v10 =	vadd.f32 v25, v10  }
0x168: {  	v8 =	vadd.f32 v26, v8;
	s23 =	sshra.s32 s26, $0x2;
	v9 =	vpsel p3, v9, v11;
	v11 =	vld [tilespmem:s21+$0xFFFFFD70]  }
0x169: {  	v7 =	vadd.f32 v27, v7;
	v10 =	vpsel p3, v10, v25;
	[tilespmem:s23+$0x8000] =	vst v9  }
0x16a: {  	v6 =	vadd.f32 v28, v6;
	v8 =	vpsel p3, v8, v26;
	[tilespmem:s23+$0x8010] =	vst v10  }
0x16b: {  	v5 =	vadd.f32 v29, v5;
	v7 =	vpsel p3, v7, v27;
	[tilespmem:s23+$0x8020] =	vst v8  }
0x16c: {  	v4 =	vadd.f32 v30, v4;
	v6 =	vpsel p3, v6, v28;
	[tilespmem:s23+$0x8030] =	vst v7  }
0x16d: {  	v5 =	vpsel p3, v5, v29;
	[tilespmem:s23+$0x8040] =	vst v6;
	v3 =	vadd.f32 v11, v3  }
0x16e: {  	v4 =	vpsel p3, v4, v30;
	[tilespmem:s23+$0x8050] =	vst v5  }
0x16f: {  	[tilespmem:s23+$0x8060] =	vst v4;
	v3 =	vpsel p3, v3, v11  }
0x170: {  	[tilespmem:s23+$0x8070] =	vst v3  }
0x171: {  	v11 =	vld [tilespmem:s21+$0xFFFFFD80]  }
0x172: {  	v31 =	vld [tilespmem:s21+$0xFFFFFD90]  }
0x173: {  	v32 =	vld [tilespmem:s21+$0xFFFFFDA0]  }
0x174: {  	v33 =	vld [tilespmem:s21+$0xFFFFFDB0]  }
0x175: {  	v34 =	vld [tilespmem:s21+$0xFFFFFDC0]  }
0x176: {  	v35 =	vld [tilespmem:s21+$0xFFFFFDD0];
	s28 =	spop (v2sf);
	v9 =	vadd.f32 v11, v9  }
0x177: {  	v36 =	vld [tilespmem:s21+$0xFFFFFDE0];
	(v2sf) =	vpush v2, $0x4;
	p4 =	seq.s32 s28, s25;
	s29 =	sshll.u32 s28, $0x9;
	v10 =	vadd.f32 v31, v10  }
0x178: {  	s22 =	sshra.s32 s29, $0x2;
	v8 =	vadd.f32 v32, v8;
	v9 =	vpsel p4, v9, v11;
	v11 =	vld [tilespmem:s21+$0xFFFFFDF0]  }
0x179: {  	v7 =	vadd.f32 v33, v7;
	v10 =	vpsel p4, v10, v31;
	[tilespmem:s22+$0x8000] =	vst v9  }
0x17a: {  	v6 =	vadd.f32 v34, v6;
	v8 =	vpsel p4, v8, v32;
	[tilespmem:s22+$0x8010] =	vst v10  }
0x17b: {  	v5 =	vadd.f32 v35, v5;
	v7 =	vpsel p4, v7, v33;
	[tilespmem:s22+$0x8020] =	vst v8  }
0x17c: {  	v4 =	vadd.f32 v36, v4;
	v6 =	vpsel p4, v6, v34;
	[tilespmem:s22+$0x8030] =	vst v7  }
0x17d: {  	v5 =	vpsel p4, v5, v35;
	[tilespmem:s22+$0x8040] =	vst v6;
	v3 =	vadd.f32 v11, v3  }
0x17e: {  	v4 =	vpsel p4, v4, v36;
	[tilespmem:s22+$0x8050] =	vst v5  }
0x17f: {  	[tilespmem:s22+$0x8060] =	vst v4;
	v3 =	vpsel p4, v3, v11  }
0x180: {  	[tilespmem:s22+$0x8070] =	vst v3  }
0x181: {  	v11 =	vld [tilespmem:s21+$0xFFFFFE00]  }
0x182: {  	v37 =	vld [tilespmem:s21+$0xFFFFFE10]  }
0x183: {  	v38 =	vld [tilespmem:s21+$0xFFFFFE20]  }
0x184: {  	v39 =	vld [tilespmem:s21+$0xFFFFFE30]  }
0x185: {  	v40 =	vld [tilespmem:s21+$0xFFFFFE40]  }
0x186: {  	v41 =	vld [tilespmem:s21+$0xFFFFFE50];
	s30 =	spop (v2sf);
	v9 =	vadd.f32 v11, v9  }
0x187: {  	v42 =	vld [tilespmem:s21+$0xFFFFFE60];
	(v2sf) =	vpush v2, $0x5;
	p5 =	seq.s32 s30, s28;
	s31 =	sshll.u32 s30, $0x9;
	v10 =	vadd.f32 v37, v10  }
0x188: {  	s23 =	sshra.s32 s31, $0x2;
	v8 =	vadd.f32 v38, v8;
	v9 =	vpsel p5, v9, v11;
	v11 =	vld [tilespmem:s21+$0xFFFFFE70]  }
0x189: {  	v7 =	vadd.f32 v39, v7;
	v10 =	vpsel p5, v10, v37;
	[tilespmem:s23+$0x8000] =	vst v9  }
0x18a: {  	v6 =	vadd.f32 v40, v6;
	v8 =	vpsel p5, v8, v38;
	[tilespmem:s23+$0x8010] =	vst v10  }
0x18b: {  	v5 =	vadd.f32 v41, v5;
	v7 =	vpsel p5, v7, v39;
	[tilespmem:s23+$0x8020] =	vst v8  }
0x18c: {  	v4 =	vadd.f32 v42, v4;
	v6 =	vpsel p5, v6, v40;
	[tilespmem:s23+$0x8030] =	vst v7  }
0x18d: {  	v5 =	vpsel p5, v5, v41;
	[tilespmem:s23+$0x8040] =	vst v6;
	v3 =	vadd.f32 v11, v3  }
0x18e: {  	v4 =	vpsel p5, v4, v42;
	[tilespmem:s23+$0x8050] =	vst v5  }
0x18f: {  	[tilespmem:s23+$0x8060] =	vst v4;
	v3 =	vpsel p5, v3, v11  }
0x190: {  	[tilespmem:s23+$0x8070] =	vst v3  }
0x191: {  	v11 =	vld [tilespmem:s21+$0xFFFFFE80]  }
0x192: {  	v43 =	vld [tilespmem:s21+$0xFFFFFE90]  }
0x193: {  	v44 =	vld [tilespmem:s21+$0xFFFFFEA0]  }
0x194: {  	v45 =	vld [tilespmem:s21+$0xFFFFFEB0]  }
0x195: {  	v46 =	vld [tilespmem:s21+$0xFFFFFEC0]  }
0x196: {  	s24 =	spop (v2sf);
	v47 =	vld [tilespmem:s21+$0xFFFFFED0];
	v9 =	vadd.f32 v11, v9  }
0x197: {  	v48 =	vld [tilespmem:s21+$0xFFFFFEE0];
	(v2sf) =	vpush v2, $0x6;
	p6 =	seq.s32 s24, s30;
	s25 =	sshll.u32 s24, $0x9;
	v10 =	vadd.f32 v43, v10  }
0x198: {  	s22 =	sshra.s32 s25, $0x2;
	v8 =	vadd.f32 v44, v8;
	v9 =	vpsel p6, v9, v11;
	v11 =	vld [tilespmem:s21+$0xFFFFFEF0]  }
0x199: {  	v7 =	vadd.f32 v45, v7;
	v10 =	vpsel p6, v10, v43;
	[tilespmem:s22+$0x8000] =	vst v9  }
0x19a: {  	v6 =	vadd.f32 v46, v6;
	v8 =	vpsel p6, v8, v44;
	[tilespmem:s22+$0x8010] =	vst v10  }
0x19b: {  	v5 =	vadd.f32 v47, v5;
	v7 =	vpsel p6, v7, v45;
	[tilespmem:s22+$0x8020] =	vst v8  }
0x19c: {  	v4 =	vadd.f32 v48, v4;
	v6 =	vpsel p6, v6, v46;
	[tilespmem:s22+$0x8030] =	vst v7  }
0x19d: {  	v5 =	vpsel p6, v5, v47;
	[tilespmem:s22+$0x8040] =	vst v6;
	v3 =	vadd.f32 v11, v3  }
0x19e: {  	v4 =	vpsel p6, v4, v48;
	[tilespmem:s22+$0x8050] =	vst v5  }
0x19f: {  	[tilespmem:s22+$0x8060] =	vst v4;
	v3 =	vpsel p6, v3, v11  }
0x1a0: {  	[tilespmem:s22+$0x8070] =	vst v3  }
0x1a1: {  	v11 =	vld [tilespmem:s21+$0xFFFFFF00]  }
0x1a2: {  	v49 =	vld [tilespmem:s21+$0xFFFFFF10]  }
0x1a3: {  	v50 =	vld [tilespmem:s21+$0xFFFFFF20]  }
0x1a4: {  	v51 =	vld [tilespmem:s21+$0xFFFFFF30]  }
0x1a5: {  	v52 =	vld [tilespmem:s21+$0xFFFFFF40]  }
0x1a6: {  	s26 =	spop (v2sf);
	v53 =	vld [tilespmem:s21+$0xFFFFFF50];
	v9 =	vadd.f32 v11, v9  }
0x1a7: {  	(v2sf) =	vpush v2, $0x7;
	p2 =	seq.s32 s26, s24;
	v54 =	vld [tilespmem:s21+$0xFFFFFF60];
	s28 =	sshll.u32 s26, $0x9;
	v10 =	vadd.f32 v49, v10  }
0x1a8: {  	s23 =	sshra.s32 s28, $0x2;
	v8 =	vadd.f32 v50, v8;
	v9 =	vpsel p2, v9, v11;
	v11 =	vld [tilespmem:s21+$0xFFFFFF70]  }
0x1a9: {  	v7 =	vadd.f32 v51, v7;
	v10 =	vpsel p2, v10, v49;
	[tilespmem:s23+$0x8000] =	vst v9  }
0x1aa: {  	v6 =	vadd.f32 v52, v6;
	v8 =	vpsel p2, v8, v50;
	[tilespmem:s23+$0x8010] =	vst v10  }
0x1ab: {  	v5 =	vadd.f32 v53, v5;
	v7 =	vpsel p2, v7, v51;
	[tilespmem:s23+$0x8020] =	vst v8  }
0x1ac: {  	v4 =	vadd.f32 v54, v4;
	v6 =	vpsel p2, v6, v52;
	[tilespmem:s23+$0x8030] =	vst v7  }
0x1ad: {  	v5 =	vpsel p2, v5, v53;
	[tilespmem:s23+$0x8040] =	vst v6;
	v3 =	vadd.f32 v11, v3  }
0x1ae: {  	v4 =	vpsel p2, v4, v54;
	[tilespmem:s23+$0x8050] =	vst v5  }
0x1af: {  	[tilespmem:s23+$0x8060] =	vst v4;
	v3 =	vpsel p2, v3, v11  }
0x1b0: {  	[tilespmem:s23+$0x8070] =	vst v3  }
0x1b1: {  	v11 =	vld [tilespmem:s21+$0xFFFFFF80]  }
0x1b2: {  	v55 =	vld [tilespmem:s21+$0xFFFFFF90]  }
0x1b3: {  	v56 =	vld [tilespmem:s21+$0xFFFFFFA0]  }
0x1b4: {  	v57 =	vld [tilespmem:s21+$0xFFFFFFB0]  }
0x1b5: {  	v58 =	vld [tilespmem:s21+$0xFFFFFFC0]  }
0x1b6: {  	s29 =	spop (v2sf);
	v59 =	vld [tilespmem:s21+$0xFFFFFFD0];
	v9 =	vadd.f32 v11, v9  }
0x1b7: {  	(v2sf) =	vpush v2, $0x8;
	p3 =	seq.s32 s29, s26;
	s30 =	sshll.u32 s29, $0x9;
	v60 =	vld [tilespmem:s21+$0xFFFFFFE0];
	v10 =	vadd.f32 v55, v10  }
0x1b8: {  	s22 =	sshra.s32 s30, $0x2;
	v8 =	vadd.f32 v56, v8;
	v9 =	vpsel p3, v9, v11;
	v11 =	vld [tilespmem:s21+$0xFFFFFFF0]  }
0x1b9: {  	v7 =	vadd.f32 v57, v7;
	v10 =	vpsel p3, v10, v55;
	[tilespmem:s22+$0x8000] =	vst v9  }
0x1ba: {  	v6 =	vadd.f32 v58, v6;
	v8 =	vpsel p3, v8, v56;
	[tilespmem:s22+$0x8010] =	vst v10  }
0x1bb: {  	v5 =	vadd.f32 v59, v5;
	v7 =	vpsel p3, v7, v57;
	[tilespmem:s22+$0x8020] =	vst v8  }
0x1bc: {  	v4 =	vadd.f32 v60, v4;
	v6 =	vpsel p3, v6, v58;
	[tilespmem:s22+$0x8030] =	vst v7  }
0x1bd: {  	v5 =	vpsel p3, v5, v59;
	[tilespmem:s22+$0x8040] =	vst v6;
	v3 =	vadd.f32 v11, v3  }
0x1be: {  	v4 =	vpsel p3, v4, v60;
	[tilespmem:s22+$0x8050] =	vst v5  }
0x1bf: {  	[tilespmem:s22+$0x8060] =	vst v4;
	v3 =	vpsel p3, v3, v11  }
0x1c0: {  	[tilespmem:s22+$0x8070] =	vst v3  }
0x1c1: {  	v11 =	vld [tilespmem:s21+$0x0]  }
0x1c2: {  	v61 =	vld [tilespmem:s21+$0x10]  }
0x1c3: {  	v62 =	vld [tilespmem:s21+$0x20]  }
0x1c4: {  	v63 =	vld [tilespmem:s21+$0x30]  }
0x1c5: {  	v20 =	vld [tilespmem:s21+$0x40]  }
0x1c6: {  	s31 =	spop (v2sf);
	v21 =	vld [tilespmem:s21+$0x50];
	v9 =	vadd.f32 v11, v9  }
0x1c7: {  	(v2sf) =	vpush v2, $0x9;
	p4 =	seq.s32 s31, s29;
	s24 =	sshll.u32 s31, $0x9;
	v22 =	vld [tilespmem:s21+$0x60];
	v10 =	vadd.f32 v61, v10  }
0x1c8: {  	s23 =	sshra.s32 s24, $0x2;
	v8 =	vadd.f32 v62, v8;
	v9 =	vpsel p4, v9, v11;
	v11 =	vld [tilespmem:s21+$0x70]  }
0x1c9: {  	v7 =	vadd.f32 v63, v7;
	v10 =	vpsel p4, v10, v61;
	[tilespmem:s23+$0x8000] =	vst v9  }
0x1ca: {  	v6 =	vadd.f32 v20, v6;
	v8 =	vpsel p4, v8, v62;
	[tilespmem:s23+$0x8010] =	vst v10  }
0x1cb: {  	v5 =	vadd.f32 v21, v5;
	v7 =	vpsel p4, v7, v63;
	[tilespmem:s23+$0x8020] =	vst v8  }
0x1cc: {  	v4 =	vadd.f32 v22, v4;
	v6 =	vpsel p4, v6, v20;
	[tilespmem:s23+$0x8030] =	vst v7  }
0x1cd: {  	v5 =	vpsel p4, v5, v21;
	[tilespmem:s23+$0x8040] =	vst v6;
	v3 =	vadd.f32 v11, v3  }
0x1ce: {  	v4 =	vpsel p4, v4, v22;
	[tilespmem:s23+$0x8050] =	vst v5  }
0x1cf: {  	[tilespmem:s23+$0x8060] =	vst v4;
	v3 =	vpsel p4, v3, v11  }
0x1d0: {  	[tilespmem:s23+$0x8070] =	vst v3  }
0x1d1: {  	v11 =	vld [tilespmem:s21+$0x80]  }
0x1d2: {  	v23 =	vld [tilespmem:s21+$0x90]  }
0x1d3: {  	v24 =	vld [tilespmem:s21+$0xA0]  }
0x1d4: {  	v25 =	vld [tilespmem:s21+$0xB0]  }
0x1d5: {  	v26 =	vld [tilespmem:s21+$0xC0]  }
0x1d6: {  	s25 =	spop (v2sf);
	v27 =	vld [tilespmem:s21+$0xD0];
	v9 =	vadd.f32 v11, v9  }
0x1d7: {  	(v2sf) =	vpush v2, $0xA;
	p5 =	seq.s32 s25, s31;
	s26 =	sshll.u32 s25, $0x9;
	v28 =	vld [tilespmem:s21+$0xE0];
	v10 =	vadd.f32 v23, v10  }
0x1d8: {  	s22 =	sshra.s32 s26, $0x2;
	v8 =	vadd.f32 v24, v8;
	v9 =	vpsel p5, v9, v11;
	v11 =	vld [tilespmem:s21+$0xF0]  }
0x1d9: {  	v7 =	vadd.f32 v25, v7;
	v10 =	vpsel p5, v10, v23;
	[tilespmem:s22+$0x8000] =	vst v9  }
0x1da: {  	v6 =	vadd.f32 v26, v6;
	v8 =	vpsel p5, v8, v24;
	[tilespmem:s22+$0x8010] =	vst v10  }
0x1db: {  	v5 =	vadd.f32 v27, v5;
	v7 =	vpsel p5, v7, v25;
	[tilespmem:s22+$0x8020] =	vst v8  }
0x1dc: {  	v4 =	vadd.f32 v28, v4;
	v6 =	vpsel p5, v6, v26;
	[tilespmem:s22+$0x8030] =	vst v7  }
0x1dd: {  	v5 =	vpsel p5, v5, v27;
	[tilespmem:s22+$0x8040] =	vst v6;
	v3 =	vadd.f32 v11, v3  }
0x1de: {  	v4 =	vpsel p5, v4, v28;
	[tilespmem:s22+$0x8050] =	vst v5  }
0x1df: {  	[tilespmem:s22+$0x8060] =	vst v4;
	v3 =	vpsel p5, v3, v11  }
0x1e0: {  	[tilespmem:s22+$0x8070] =	vst v3  }
0x1e1: {  	v11 =	vld [tilespmem:s21+$0x100]  }
0x1e2: {  	v29 =	vld [tilespmem:s21+$0x110]  }
0x1e3: {  	v30 =	vld [tilespmem:s21+$0x120]  }
0x1e4: {  	v31 =	vld [tilespmem:s21+$0x130]  }
0x1e5: {  	v32 =	vld [tilespmem:s21+$0x140]  }
0x1e6: {  	s28 =	spop (v2sf);
	v33 =	vld [tilespmem:s21+$0x150];
	v9 =	vadd.f32 v11, v9  }
0x1e7: {  	(v2sf) =	vpush v2, $0xB;
	p6 =	seq.s32 s28, s25;
	s29 =	sshll.u32 s28, $0x9;
	v34 =	vld [tilespmem:s21+$0x160];
	v10 =	vadd.f32 v29, v10  }
0x1e8: {  	s23 =	sshra.s32 s29, $0x2;
	v8 =	vadd.f32 v30, v8;
	v9 =	vpsel p6, v9, v11;
	v11 =	vld [tilespmem:s21+$0x170]  }
0x1e9: {  	v7 =	vadd.f32 v31, v7;
	v10 =	vpsel p6, v10, v29;
	[tilespmem:s23+$0x8000] =	vst v9  }
0x1ea: {  	v6 =	vadd.f32 v32, v6;
	v8 =	vpsel p6, v8, v30;
	[tilespmem:s23+$0x8010] =	vst v10  }
0x1eb: {  	v5 =	vadd.f32 v33, v5;
	v7 =	vpsel p6, v7, v31;
	[tilespmem:s23+$0x8020] =	vst v8  }
0x1ec: {  	v4 =	vadd.f32 v34, v4;
	v6 =	vpsel p6, v6, v32;
	[tilespmem:s23+$0x8030] =	vst v7  }
0x1ed: {  	v5 =	vpsel p6, v5, v33;
	[tilespmem:s23+$0x8040] =	vst v6;
	v3 =	vadd.f32 v11, v3  }
0x1ee: {  	v4 =	vpsel p6, v4, v34;
	[tilespmem:s23+$0x8050] =	vst v5  }
0x1ef: {  	[tilespmem:s23+$0x8060] =	vst v4;
	v3 =	vpsel p6, v3, v11  }
0x1f0: {  	[tilespmem:s23+$0x8070] =	vst v3  }
0x1f1: {  	v11 =	vld [tilespmem:s21+$0x180]  }
0x1f2: {  	v35 =	vld [tilespmem:s21+$0x190]  }
0x1f3: {  	v36 =	vld [tilespmem:s21+$0x1A0]  }
0x1f4: {  	v37 =	vld [tilespmem:s21+$0x1B0]  }
0x1f5: {  	v38 =	vld [tilespmem:s21+$0x1C0]  }
0x1f6: {  	s30 =	spop (v2sf);
	v39 =	vld [tilespmem:s21+$0x1D0];
	v9 =	vadd.f32 v11, v9  }
0x1f7: {  	(v2sf) =	vpush v2, $0xC;
	p2 =	seq.s32 s30, s28;
	s31 =	sshll.u32 s30, $0x9;
	v40 =	vld [tilespmem:s21+$0x1E0];
	v10 =	vadd.f32 v35, v10  }
0x1f8: {  	s22 =	sshra.s32 s31, $0x2;
	v8 =	vadd.f32 v36, v8;
	v9 =	vpsel p2, v9, v11;
	v11 =	vld [tilespmem:s21+$0x1F0]  }
0x1f9: {  	v7 =	vadd.f32 v37, v7;
	v10 =	vpsel p2, v10, v35;
	[tilespmem:s22+$0x8000] =	vst v9  }
0x1fa: {  	v6 =	vadd.f32 v38, v6;
	v8 =	vpsel p2, v8, v36;
	[tilespmem:s22+$0x8010] =	vst v10  }
0x1fb: {  	v5 =	vadd.f32 v39, v5;
	v7 =	vpsel p2, v7, v37;
	[tilespmem:s22+$0x8020] =	vst v8  }
0x1fc: {  	v4 =	vadd.f32 v40, v4;
	v6 =	vpsel p2, v6, v38;
	[tilespmem:s22+$0x8030] =	vst v7  }
0x1fd: {  	v5 =	vpsel p2, v5, v39;
	[tilespmem:s22+$0x8040] =	vst v6;
	v3 =	vadd.f32 v11, v3  }
0x1fe: {  	v4 =	vpsel p2, v4, v40;
	[tilespmem:s22+$0x8050] =	vst v5  }
0x1ff: {  	[tilespmem:s22+$0x8060] =	vst v4;
	v3 =	vpsel p2, v3, v11  }
0x200: {  	[tilespmem:s22+$0x8070] =	vst v3  }
0x201: {  	v11 =	vld [tilespmem:s21+$0x200]  }
0x202: {  	v41 =	vld [tilespmem:s21+$0x210]  }
0x203: {  	v42 =	vld [tilespmem:s21+$0x220]  }
0x204: {  	v43 =	vld [tilespmem:s21+$0x230]  }
0x205: {  	v44 =	vld [tilespmem:s21+$0x240]  }
0x206: {  	s24 =	spop (v2sf);
	v45 =	vld [tilespmem:s21+$0x250];
	v9 =	vadd.f32 v11, v9  }
0x207: {  	(v2sf) =	vpush v2, $0xD;
	p3 =	seq.s32 s24, s30;
	s25 =	sshll.u32 s24, $0x9;
	v46 =	vld [tilespmem:s21+$0x260];
	v10 =	vadd.f32 v41, v10  }
0x208: {  	s23 =	sshra.s32 s25, $0x2;
	v8 =	vadd.f32 v42, v8;
	v9 =	vpsel p3, v9, v11;
	v11 =	vld [tilespmem:s21+$0x270]  }
0x209: {  	v7 =	vadd.f32 v43, v7;
	v10 =	vpsel p3, v10, v41;
	[tilespmem:s23+$0x8000] =	vst v9  }
0x20a: {  	v6 =	vadd.f32 v44, v6;
	v8 =	vpsel p3, v8, v42;
	[tilespmem:s23+$0x8010] =	vst v10  }
0x20b: {  	v5 =	vadd.f32 v45, v5;
	v7 =	vpsel p3, v7, v43;
	[tilespmem:s23+$0x8020] =	vst v8  }
0x20c: {  	v4 =	vadd.f32 v46, v4;
	v6 =	vpsel p3, v6, v44;
	[tilespmem:s23+$0x8030] =	vst v7  }
0x20d: {  	v5 =	vpsel p3, v5, v45;
	[tilespmem:s23+$0x8040] =	vst v6;
	v3 =	vadd.f32 v11, v3  }
0x20e: {  	v4 =	vpsel p3, v4, v46;
	[tilespmem:s23+$0x8050] =	vst v5  }
0x20f: {  	[tilespmem:s23+$0x8060] =	vst v4;
	v3 =	vpsel p3, v3, v11  }
0x210: {  	[tilespmem:s23+$0x8070] =	vst v3  }
0x211: {  	v11 =	vld [tilespmem:s21+$0x280]  }
0x212: {  	v47 =	vld [tilespmem:s21+$0x290]  }
0x213: {  	v48 =	vld [tilespmem:s21+$0x2A0]  }
0x214: {  	v49 =	vld [tilespmem:s21+$0x2B0]  }
0x215: {  	v50 =	vld [tilespmem:s21+$0x2C0]  }
0x216: {  	s26 =	spop (v2sf);
	v51 =	vld [tilespmem:s21+$0x2D0];
	v9 =	vadd.f32 v11, v9  }
0x217: {  	(v2sf) =	vpush v2, $0xE;
	p4 =	seq.s32 s26, s24;
	s28 =	sshll.u32 s26, $0x9;
	v52 =	vld [tilespmem:s21+$0x2E0];
	v10 =	vadd.f32 v47, v10  }
0x218: {  	s22 =	sshra.s32 s28, $0x2;
	v8 =	vadd.f32 v48, v8;
	v9 =	vpsel p4, v9, v11;
	v11 =	vld [tilespmem:s21+$0x2F0]  }
0x219: {  	v7 =	vadd.f32 v49, v7;
	v10 =	vpsel p4, v10, v47;
	[tilespmem:s22+$0x8000] =	vst v9  }
0x21a: {  	v6 =	vadd.f32 v50, v6;
	v8 =	vpsel p4, v8, v48;
	[tilespmem:s22+$0x8010] =	vst v10  }
0x21b: {  	v5 =	vadd.f32 v51, v5;
	v7 =	vpsel p4, v7, v49;
	[tilespmem:s22+$0x8020] =	vst v8  }
0x21c: {  	v4 =	vadd.f32 v52, v4;
	v6 =	vpsel p4, v6, v50;
	[tilespmem:s22+$0x8030] =	vst v7  }
0x21d: {  	v5 =	vpsel p4, v5, v51;
	[tilespmem:s22+$0x8040] =	vst v6;
	v3 =	vadd.f32 v11, v3  }
0x21e: {  	v4 =	vpsel p4, v4, v52;
	[tilespmem:s22+$0x8050] =	vst v5  }
0x21f: {  	[tilespmem:s22+$0x8060] =	vst v4;
	v3 =	vpsel p4, v3, v11  }
0x220: {  	[tilespmem:s22+$0x8070] =	vst v3  }
0x221: {  	v11 =	vld [tilespmem:s21+$0x300]  }
0x222: {  	v53 =	vld [tilespmem:s21+$0x310]  }
0x223: {  	v54 =	vld [tilespmem:s21+$0x320]  }
0x224: {  	v55 =	vld [tilespmem:s21+$0x330]  }
0x225: {  	v56 =	vld [tilespmem:s21+$0x340]  }
0x226: {  	s29 =	spop (v2sf);
	v57 =	vld [tilespmem:s21+$0x350];
	v9 =	vadd.f32 v11, v9  }
0x227: {  	(v2sf) =	vpush v2, $0xF;
	p5 =	seq.s32 s29, s26;
	s30 =	sshll.u32 s29, $0x9;
	v2 =	vld [tilespmem:s21+$0x360];
	v10 =	vadd.f32 v53, v10  }
0x228: {  	s23 =	sshra.s32 s30, $0x2;
	v8 =	vadd.f32 v54, v8;
	v9 =	vpsel p5, v9, v11;
	v11 =	vld [tilespmem:s21+$0x370]  }
0x229: {  	v7 =	vadd.f32 v55, v7;
	v10 =	vpsel p5, v10, v53;
	[tilespmem:s23+$0x8000] =	vst v9  }
0x22a: {  	v6 =	vadd.f32 v56, v6;
	v8 =	vpsel p5, v8, v54;
	[tilespmem:s23+$0x8010] =	vst v10  }
0x22b: {  	v5 =	vadd.f32 v57, v5;
	v7 =	vpsel p5, v7, v55;
	[tilespmem:s23+$0x8020] =	vst v8  }
0x22c: {  	v4 =	vadd.f32 v2, v4;
	v6 =	vpsel p5, v6, v56;
	[tilespmem:s23+$0x8030] =	vst v7  }
0x22d: {  	v5 =	vpsel p5, v5, v57;
	[tilespmem:s23+$0x8040] =	vst v6;
	v3 =	vadd.f32 v11, v3  }
0x22e: {  	v2 =	vpsel p5, v4, v2;
	[tilespmem:s23+$0x8050] =	vst v5  }
0x22f: {  	[tilespmem:s23+$0x8060] =	vst v2;
	v3 =	vpsel p5, v3, v11  }
0x230: {  	[tilespmem:s23+$0x8070] =	vst v3  }
0x231: {  	v4 =	vld [tilespmem:s21+$0x380]  }
0x232: {  	v11 =	vld [tilespmem:s21+$0x390]  }
0x233: {  	v58 =	vld [tilespmem:s21+$0x3A0]  }
0x234: {  	v59 =	vld [tilespmem:s21+$0x3B0]  }
0x235: {  	v61 =	vld [tilespmem:s21+$0x3D0]  }
0x236: {  	v63 =	vld [tilespmem:s21+$0x3F0]  }
0x237: {  	s23 =	spop (v2sf);
	v9 =	vadd.f32 v4, v9  }
0x238: {  	v60 =	vld [tilespmem:s21+$0x3C0];
	p6 =	seq.s32 s23, s29;
	s31 =	sshll.u32 s23, $0x9;
	v10 =	vadd.f32 v11, v10  }
0x239: {  	v62 =	vld [tilespmem:s21+$0x3E0];
	s22 =	sshra.s32 s31, $0x2;
	v7 =	vadd.f32 v59, v7;
	v9 =	vpsel p6, v9, v4  }
0x23a: {  	v5 =	vadd.f32 v61, v5;
	v10 =	vpsel p6, v10, v11;
	[tilespmem:s22+$0x8000] =	vst v9  }
0x23b: {  	v3 =	vadd.f32 v63, v3;
	v4 =	vadd.f32 v58, v8;
	v7 =	vpsel p6, v7, v59;
	[tilespmem:s22+$0x8010] =	vst v10  }
0x23c: {  	p1 =	sne.s32 s20, $0x1C0;
	v5 =	vpsel p6, v5, v61;
	[tilespmem:s22+$0x8030] =	vst v7  }
.Ltmp3:
0x23d: {  	v3 =	vpsel p6, v3, v63;
	[tilespmem:s22+$0x8050] =	vst v5;
	v8 =	vpsel p6, v4, v58;
	v4 =	vadd.f32 v60, v6;
	(pc) =	sbr.rel @p1 .LBB2_8-.Ltmp3, $4  }
0x23e: {  	v2 =	vadd.f32 v62, v2;
	[tilespmem:s22+$0x8070] =	vst v3  }
0x23f: {  	[tilespmem:s22+$0x8020] =	vst v8;
	v6 =	vpsel p6, v4, v60  }
0x240: {  	v4 =	vpsel p6, v2, v62;
	[tilespmem:s22+$0x8040] =	vst v6  }
0x241: {  	s20 =	sadd.s32 $0x40, s20;
	s21 =	sadd.s32 $0x800, s21;
	[tilespmem:s22+$0x8060] =	vst v4  }
.Ltmp4:
0x242: {  	(pc) =	sbr.rel @p0 .LBB2_5-.Ltmp4, $2  }
0x243: {  	_ =	sdelay $0x2  }
0x244: {  	s20 =	simm.s32 $0x400;
	p1 =	por $0x0, $0x0;
	s21 =	smov.u32 s7  }
0x245: {  	s2 =	sadd.s32 $0x1, s2  }
0x246: {  	p0 =	sne.s32 s2, s10  }
.Ltmp5:
0x247: {  	_ = 	snop;
	(pc) =	sbr.rel @p0 .LBB2_2-.Ltmp5, $4  }
0x248: {  	[hbm4b:s8+s16] =	stream.strided.scatter [tilespmem:s18], [sflag:$0x3], $0x8000, s17, s16, $0x38;
	[tilespmem:$0x10200] =	vst v63  }
0x249: {  	_ =	swait.ge [sflag:s12], $0x8000  }
0x24a: {  	[sflag:s12] =	ssyncset.done $0x0  }
0x24b: {  	[sflag:s12] =	ssyncadd.s32 $0xFFFF8000  }
.LBB2_11:
0x24c: {  	_ =	sfence.sel $0x180000  }
0x24d: {  	[bflag:$0x0] =	sbarrier.arrive $0xFFFF  }
0x24e: {  	p0 =	sne.s32 s1, $0x0;
	_ =	strace $0x90000047  }
0x24f: {  	s0 =	sadd.s32 @!p0 $0x100000, s0;
	[bflag:$0x2] =	sbarrier.arrive $0xFFFF  }
0x250: {  	[sflag:s0] =	ssyncadd.tile.s32 @!p0 $0x1;
	_ =	shalt  }
.Lfunc_end2:
_tile_overlayer_lowered:
.L_overlay_start_2:
0x251: {  	(tag) =	ssettag $0x2  }
0x252: {  	s0 =	rddreg [dreg:$0x0];
	s2 =	stileid.u32  }
0x253: {  	s1 =	rddreg [dreg:$0x1];
	p0 =	sne.s32 s2, $0x0  }
0x254: {  	s3 =	rddreg [dreg:$0x2];
	[bflag:$0x3] =	sbarrier.arrive $0xFFFF;
	s2 =	simm.s32 @!p0 $0x1C03  }
0x255: {  	[timem:s3], [sflag:s2] =	dma.local @!p0 [hbm:s0], s1  }
0x256: {  	s0 =	simm.s32 @!p0 $0x3  }
0x257: {  	_ =	swait.ge @!p0 [sflag:s0], s1  }
0x258: {  	s1 =	ssub.s32 @!p0 $0x0, s1;
	[sflag:s0] =	ssyncset.done @!p0 $0x0  }
0x259: {  	[sflag:s0] =	ssyncadd.s32 @!p0 s1  }
0x25a: {  	[bflag:$0x3] =	sbarrier.arrive $0xFFFF  }
0x25b: {  	_ =	shalt  }

</sc_bundles>
